<compile_context>
chip_gen: v7x
topology: tpu7x:2x2x1
jax: 0.10.2.dev20260603
libtpu: 0.0.44.dev20260713+nightly
codegen_flags: <defaults>
</compile_context>

<pallas_src>
import dataclasses
import functools

import jax
import jax.numpy as jnp
from jax import lax
from jax.experimental import pallas as pl
from jax.experimental.pallas import tpu as pltpu
from jax.experimental.pallas import tpu_sc as plsc

N_NODES = 10000
IN_F = 256
OUT_F = 256
HALF = 128

CHUNK = 128
N_TILES = 16
N_CORES = 2
N_WORKERS = N_CORES * N_TILES

TRASH = N_NODES
HIST_BINS = 10240
ACC_ROWS = 10240
NBUF = 2
IDXG = 16
ROW_BLK = 1024
N_PAD = 10240


def _sc_compiler_params():
    cp = pltpu.CompilerParams()
    if "needs_layout_passes" in pltpu.CompilerParams.__dataclass_fields__:
        cp = dataclasses.replace(cp, needs_layout_passes=False)
    return cp


def _sc_histogram(src_h):
    e_pad = src_h.shape[0]
    per_w = e_pad // N_WORKERS
    mesh = plsc.VectorSubcoreMesh(core_axis_name="c", subcore_axis_name="s")

    @functools.partial(
        pl.kernel,
        out_type=jax.ShapeDtypeStruct((N_WORKERS, HIST_BINS), jnp.float32),
        mesh=mesh,
        compiler_params=_sc_compiler_params(),
        scratch_types=[
            pltpu.VMEM((per_w,), jnp.int32),
            pltpu.VMEM((HIST_BINS,), jnp.float32),
            pltpu.SemaphoreType.DMA,
        ],
    )
    def hist_kernel(src_hbm, out_hbm, idx_v, hist_v, sem):
        c = lax.axis_index("c")
        s = lax.axis_index("s")
        wid = c * N_TILES + s

        zeros = jnp.zeros((16,), jnp.float32)

        @pl.loop(0, HIST_BINS, step=16)
        def _(i):
            hist_v[pl.ds(i, 16)] = zeros

        pltpu.async_copy(src_hbm.at[pl.ds(wid * per_w, per_w)], idx_v, sem).wait()

        ones = jnp.ones((16,), jnp.float32)

        @pl.loop(0, per_w, step=16)
        def _(i):
            idx = idx_v[pl.ds(i, 16)]
            plsc.addupdate_scatter(hist_v, [idx], ones)

        pltpu.async_copy(hist_v, out_hbm.at[wid], sem).wait()

    return hist_kernel(src_h)


def _tc_matmul(x_p, W, degp):

    def body(x_ref, w_ref, deg_ref, h0_ref, h1_ref):
        deg = jnp.sum(deg_ref[...], axis=0) + 1.0
        norm = lax.rsqrt(deg)
        h = jnp.dot(
            x_ref[...],
            w_ref[...],
            preferred_element_type=jnp.float32,
            precision=lax.Precision.HIGHEST,
        )
        h = h * norm[:, None]
        h0_ref[...] = h[:, :HALF]
        h1_ref[...] = h[:, HALF:]

    return pl.pallas_call(
        body,
        grid=(N_PAD // ROW_BLK,),
        in_specs=[
            pl.BlockSpec((ROW_BLK, IN_F), lambda i: (i, 0)),
            pl.BlockSpec((IN_F, OUT_F), lambda i: (0, 0)),
            pl.BlockSpec((N_WORKERS, ROW_BLK), lambda i: (0, i)),
        ],
        out_specs=[
            pl.BlockSpec((ROW_BLK, HALF), lambda i: (i, 0)),
            pl.BlockSpec((ROW_BLK, HALF), lambda i: (i, 0)),
        ],
        out_shape=[jax.ShapeDtypeStruct((N_PAD, HALF), jnp.float32)] * 2,
    )(x_p, W, degp)


def _sc_scatter(h0, h1, src2, dst2, b2):
    n_rows = src2.shape[0]
    n_chunks = n_rows // N_TILES
    rows_per_tile = ACC_ROWS // N_TILES
    mesh = plsc.VectorSubcoreMesh(core_axis_name="c", subcore_axis_name="s")

    @functools.partial(
        pl.kernel,
        out_type=[jax.ShapeDtypeStruct((ACC_ROWS, HALF), jnp.float32)] * 2,
        mesh=mesh,
        scratch_types=[
            pltpu.VMEM_SHARED((ACC_ROWS, HALF), jnp.float32),
            pltpu.VMEM((n_chunks, CHUNK), jnp.int32),
            pltpu.VMEM((2, IDXG, CHUNK), jnp.int32),
        ]
        + [pltpu.VMEM((CHUNK, HALF), jnp.float32) for _ in range(NBUF)]
        + [pltpu.VMEM((HALF,), jnp.float32)]
        + [pltpu.SemaphoreType.DMA for _ in range(2 * NBUF + 4)],
    )
    def scat_kernel(h0_hbm, h1_hbm, src_hbm, dst_hbm, b_hbm,
                    o0_hbm, o1_hbm, acc, src_v, dst_v, *rest):
        rows_bufs = rest[:NBUF]
        b_v = rest[NBUF]
        gsems = rest[NBUF + 1:2 * NBUF + 1]
        ssems = rest[2 * NBUF + 1:3 * NBUF + 1]
        isems = rest[3 * NBUF + 1:3 * NBUF + 4]
        sem = rest[3 * NBUF + 4]
        c = lax.axis_index("c")
        s = lax.axis_index("s")

        pltpu.async_copy(b_hbm.at[c], b_v, sem).wait()
        rows_v = rows_bufs[0]

        @pl.loop(0, CHUNK)
        def _(r):
            for l in range(HALF // 16):
                rows_v[r, pl.ds(l * 16, 16)] = b_v[pl.ds(l * 16, 16)]

        @pl.loop(0, rows_per_tile, step=CHUNK)
        def _(i):
            pltpu.async_copy(
                rows_v, acc.at[pl.ds(s * rows_per_tile + i, CHUNK)], sem
            ).wait()

        plsc.subcore_barrier()

        tbase = s * n_chunks
        n_groups = n_chunks // IDXG

        def load_dst(g, p):
            pltpu.async_copy(
                dst_hbm.at[pl.ds(tbase + g * IDXG, IDXG)], dst_v.at[p], isems[p]
            )

        def wait_dst(g, p):
            pltpu.make_async_copy(
                dst_hbm.at[pl.ds(tbase + g * IDXG, IDXG)], dst_v.at[p], isems[p]
            ).wait()

        def edge_loop(h_hbm):
            pltpu.async_copy(
                src_hbm.at[pl.ds(tbase, n_chunks)], src_v, isems[2]
            ).wait()
            load_dst(0, 0)
            load_dst(1, 1)
            for b in range(NBUF):
                pltpu.async_copy(h_hbm.at[src_v.at[b]], rows_bufs[b], gsems[b])
            wait_dst(0, 0)

            for g in range(n_groups):
                p = g % 2
                base = g * IDXG

                @pl.loop(0, IDXG, step=NBUF)
                def _(k0):
                    for b in range(NBUF):
                        k = k0 + b
                        pltpu.make_async_copy(
                            h_hbm.at[src_v.at[base + k]], rows_bufs[b], gsems[b]
                        ).wait()
                        pltpu.async_copy(
                            rows_bufs[b], acc.at[dst_v.at[p, k]], ssems[b], add=True
                        )

                        @pl.when(base + k + NBUF < n_chunks)
                        def _():
                            pltpu.make_async_copy(
                                rows_bufs[b], acc.at[dst_v.at[p, k]], ssems[b]
                            ).wait()
                            pltpu.async_copy(
                                h_hbm.at[src_v.at[base + k + NBUF]],
                                rows_bufs[b],
                                gsems[b],
                            )

                if g + 2 < n_groups:
                    load_dst(g + 2, p)
                if g + 1 < n_groups:
                    wait_dst(g + 1, 1 - p)

            for b in range(NBUF):
                k = n_chunks - NBUF + b
                pltpu.make_async_copy(
                    rows_bufs[b], acc.at[dst_v.at[(n_groups - 1) % 2, IDXG - NBUF + b]],
                    ssems[b],
                ).wait()

        @pl.when(c == 0)
        def _():
            edge_loop(h0_hbm)

        @pl.when(c == 1)
        def _():
            edge_loop(h1_hbm)

        plsc.subcore_barrier()

        @pl.when(c == 0)
        def _():
            pltpu.sync_copy(
                acc.at[pl.ds(s * rows_per_tile, rows_per_tile)],
                o0_hbm.at[pl.ds(s * rows_per_tile, rows_per_tile)],
            )

        @pl.when(c == 1)
        def _():
            pltpu.sync_copy(
                acc.at[pl.ds(s * rows_per_tile, rows_per_tile)],
                o1_hbm.at[pl.ds(s * rows_per_tile, rows_per_tile)],
            )

    return scat_kernel(h0, h1, src2, dst2, b2)


def kernel(x, edge_index, W, b):
    src = edge_index[0].astype(jnp.int32)
    dst = edge_index[1].astype(jnp.int32)
    e = src.shape[0]
    quantum = N_TILES * CHUNK * IDXG
    e_pad = -(-e // quantum) * quantum
    pad = e_pad - e

    src_h = jnp.concatenate([src, jnp.full((pad,), TRASH, jnp.int32)])
    src_g = jnp.concatenate([src, jnp.zeros((pad,), jnp.int32)])
    dst_p = jnp.concatenate([dst, jnp.full((pad,), TRASH, jnp.int32)])

    degp = _sc_histogram(src_h)
    x_p = jnp.pad(x, ((0, N_PAD - x.shape[0]), (0, 0)))
    h0, h1 = _tc_matmul(x_p, W, degp)

    n_chunks = e_pad // (N_TILES * CHUNK)
    src2 = src_g.reshape(N_TILES * n_chunks, CHUNK)
    dst2 = dst_p.reshape(N_TILES * n_chunks, CHUNK)
    b2 = b.reshape(N_CORES, HALF)

    o0, o1 = _sc_scatter(h0, h1, src2, dst2, b2)
    return jnp.concatenate([o0[:N_NODES], o1[:N_NODES]], axis=1)

# --- scband reference (transcript-rebuilt; emitter-appended) ---
"""Pipeline reference for scband-dgl-gcnconv-32160715112811 (READ-ONLY COPY).

The authoritative reference and input builder live on the scoring server;
editing this copy changes nothing except your own understanding.
"""

import jax, jax.numpy as jnp
import numpy as np

N_NODES = 10000
N_EDGES = 160000
IN_FEATS = 256
OUT_FEATS = 256


def _xavier_uniform(key, shape, dtype=jnp.float32):
    fan_in, fan_out = shape[0], shape[1]
    limit = float(np.sqrt(6.0 / (fan_in + fan_out)))
    return jax.random.uniform(key, shape, dtype=dtype, minval=-limit, maxval=limit)


def setup_inputs(seed: int = 0) -> dict:
    key = jax.random.key(seed)
    k_x, k_e, k_w = jax.random.split(key, 3)
    x = jax.random.normal(k_x, (N_NODES, IN_FEATS), dtype=jnp.float32)
    edge_index = jax.random.randint(k_e, (2, N_EDGES), 0, N_NODES, dtype=jnp.int64)
    W = _xavier_uniform(k_w, (IN_FEATS, OUT_FEATS))
    b = jnp.zeros((OUT_FEATS,), dtype=jnp.float32)
    return {"x": x, "edge_index": edge_index, "W": W, "b": b}


def reference(x, edge_index, W, b):
    src = edge_index[0]
    dst = edge_index[1]
    n = x.shape[0]
    # combine: x @ W
    h = jnp.matmul(x, W)
    # out_degrees + 1, then symmetric-ish src-side normalization deg^{-0.5}
    out_deg = jnp.zeros((n,), dtype=jnp.float32).at[src].add(1.0) + 1.0
    norm = jnp.power(out_deg, -0.5)
    h = h * norm[:, None]
    # message passing: copy_u('x','m') then sum at dst (scatter-add)
    msgs = jnp.take(h, src, axis=0)
    out = jnp.zeros((n, h.shape[1]), dtype=h.dtype).at[dst].add(msgs)
    return out + b

if __name__ == "__main__":
    import jax
    _d = setup_inputs()
    print(jax.jit(kernel)(*tuple(_d.values())))

</pallas_src>

<mosaic_0001>
#map = affine_map<(d0, d1) -> (0)>
#map1 = affine_map<(d0, d1) -> (0, 0)>
module attributes {stable_mosaic.version = 14 : i64} {
  func.func @hist_kernel(%arg0: i32, %arg1: i32, %arg2: memref<163840xi32, #tpu.memory_space<hbm>>, %arg3: memref<32x10240xf32, #tpu.memory_space<hbm>>, %arg4: memref<5120xi32, #tpu.memory_space<vmem>>, %arg5: memref<10240xf32, #tpu.memory_space<vmem>>, %arg6: memref<!tpu.dma_semaphore, #tpu.memory_space<semaphore_mem>>) attributes {dimension_semantics = [#tpu.dimension_semantics<core_parallel>, #tpu.dimension_semantics<subcore_parallel>], iteration_bounds = array<i64: 2, 16>, scalar_prefetch = 0 : i64, scratch_operands = 3 : i64, tpu.core_type = #tpu.core_type<sc_vector_subcore>, window_params = [{transform_indices = #map}, {transform_indices = #map1}]} {
    %mul3A = arith.constant 16 : i32
    %mul3A_0 = arith.muli %arg0, %mul3A : i32
    %add3A = arith.addi %mul3A_0, %arg1 : i32
    %broadcast_in_dim3A = arith.constant 0.000000e+00 : f32
    %broadcast_in_dim3A_1 = vector.broadcast %broadcast_in_dim3A : f32 to vector<16xf32>
    %scan3A = arith.constant 0 : i32
    %scan3A_2 = arith.constant 640 : i32
    %scan3A_3 = arith.addi %scan3A, %scan3A_2 : i32
    %scan3A_4 = arith.constant 1 : i32
    scf.for %scan3A_29 = %scan3A to %scan3A_3 step %scan3A_4  : i32 {
      %mul3A_30 = arith.constant 16 : i32
      %mul3A_31 = arith.muli %scan3A_29, %mul3A_30 : i32
      %add3A_32 = arith.constant 0 : i32
      %add3A_33 = arith.addi %add3A_32, %mul3A_31 : i32
      %swap3A = arith.index_cast %add3A_33 : i32 to index
      %swap3A_34 = tpu.vector_load %arg5[%swap3A] {strides = array<i32>} : memref<10240xf32, #tpu.memory_space<vmem>>, vector<16xf32>,
      tpu.vector_store %arg5[%swap3A], %broadcast_in_dim3A_1 {strides = array<i32>} : memref<10240xf32, #tpu.memory_space<vmem>>, vector<16xf32>,
    }
    %scan3A_5 = arith.constant 640 : i32
    %mul3A_6 = arith.constant 5120 : i32
    %mul3A_7 = arith.muli %add3A, %mul3A_6 : i32
    %dma_start3A = tpu.memref_slice %arg2[%mul3A_7] : memref<163840xi32, #tpu.memory_space<hbm>> -> memref<5120xi32, #tpu.memory_space<hbm>>
    %dma_start3A_8 = tpu.memref_slice %arg2[%mul3A_7] : memref<163840xi32, #tpu.memory_space<hbm>> -> memref<5120xi32, #tpu.memory_space<hbm>>
    tpu.enqueue_dma source(%dma_start3A_8 : memref<5120xi32, #tpu.memory_space<hbm>>) target(%arg4 : memref<5120xi32, #tpu.memory_space<vmem>>) target_semaphore(%arg6 : memref<!tpu.dma_semaphore, #tpu.memory_space<semaphore_mem>>)
    %dma_wait3A = tpu.memref_slice %arg2[%mul3A_7] : memref<163840xi32, #tpu.memory_space<hbm>> -> memref<5120xi32, #tpu.memory_space<hbm>>
    %dma_wait3A_9 = tpu.memref_slice %arg2[%mul3A_7] : memref<163840xi32, #tpu.memory_space<hbm>> -> memref<5120xi32, #tpu.memory_space<hbm>>
    tpu.wait_dma2 semaphore(%arg6 : memref<!tpu.dma_semaphore, #tpu.memory_space<semaphore_mem>>) src(%dma_wait3A_9 : memref<5120xi32, #tpu.memory_space<hbm>>) dst(%arg4 : memref<5120xi32, #tpu.memory_space<vmem>>)
    %broadcast_in_dim3A_10 = arith.constant 1.000000e+00 : f32
    %broadcast_in_dim3A_11 = vector.broadcast %broadcast_in_dim3A_10 : f32 to vector<16xf32>
    %scan3A_12 = arith.constant 0 : i32
    %scan3A_13 = arith.constant 320 : i32
    %scan3A_14 = arith.addi %scan3A_12, %scan3A_13 : i32
    %scan3A_15 = arith.constant 1 : i32
    scf.for %scan3A_29 = %scan3A_12 to %scan3A_14 step %scan3A_15  : i32 {
      %mul3A_30 = arith.constant 16 : i32
      %mul3A_31 = arith.muli %scan3A_29, %mul3A_30 : i32
      %add3A_32 = arith.constant 0 : i32
      %add3A_33 = arith.addi %add3A_32, %mul3A_31 : i32
      %get3A = arith.index_cast %add3A_33 : i32 to index
      %get3A_34 = tpu.vector_load %arg4[%get3A] {strides = array<i32>} : memref<5120xi32, #tpu.memory_space<vmem>>, vector<16xi32>,
      tpu.vector_store_idx %arg5[%get3A_34], %broadcast_in_dim3A_11 {add = true} : memref<10240xf32, #tpu.memory_space<vmem>>[vector<16xi32>], vector<16xf32>,
    }
    %scan3A_16 = arith.constant 320 : i32
    %dma_start3A_17 = arith.constant 0 : i32
    %dma_start3A_18 = tpu.memref_slice %arg3[%add3A, %dma_start3A_17] : memref<32x10240xf32, #tpu.memory_space<hbm>> -> memref<1x10240xf32, #tpu.memory_space<hbm>>
    %dma_start3A_19 = tpu.memref_squeeze %dma_start3A_18 : memref<1x10240xf32, #tpu.memory_space<hbm>> -> memref<10240xf32, #tpu.memory_space<hbm>>
    %dma_start3A_20 = arith.constant 0 : i32
    %dma_start3A_21 = tpu.memref_slice %arg3[%add3A, %dma_start3A_20] : memref<32x10240xf32, #tpu.memory_space<hbm>> -> memref<1x10240xf32, #tpu.memory_space<hbm>>
    %dma_start3A_22 = tpu.memref_squeeze %dma_start3A_21 : memref<1x10240xf32, #tpu.memory_space<hbm>> -> memref<10240xf32, #tpu.memory_space<hbm>>
    tpu.enqueue_dma source(%arg5 : memref<10240xf32, #tpu.memory_space<vmem>>) target(%dma_start3A_22 : memref<10240xf32, #tpu.memory_space<hbm>>) target_semaphore(%arg6 : memref<!tpu.dma_semaphore, #tpu.memory_space<semaphore_mem>>)
    %dma_wait3A_23 = arith.constant 0 : i32
    %dma_wait3A_24 = tpu.memref_slice %arg3[%add3A, %dma_wait3A_23] : memref<32x10240xf32, #tpu.memory_space<hbm>> -> memref<1x10240xf32, #tpu.memory_space<hbm>>
    %dma_wait3A_25 = tpu.memref_squeeze %dma_wait3A_24 : memref<1x10240xf32, #tpu.memory_space<hbm>> -> memref<10240xf32, #tpu.memory_space<hbm>>
    %dma_wait3A_26 = arith.constant 0 : i32
    %dma_wait3A_27 = tpu.memref_slice %arg3[%add3A, %dma_wait3A_26] : memref<32x10240xf32, #tpu.memory_space<hbm>> -> memref<1x10240xf32, #tpu.memory_space<hbm>>
    %dma_wait3A_28 = tpu.memref_squeeze %dma_wait3A_27 : memref<1x10240xf32, #tpu.memory_space<hbm>> -> memref<10240xf32, #tpu.memory_space<hbm>>
    tpu.wait_dma2 semaphore(%arg6 : memref<!tpu.dma_semaphore, #tpu.memory_space<semaphore_mem>>) src(%arg5 : memref<10240xf32, #tpu.memory_space<vmem>>) dst(%dma_wait3A_28 : memref<10240xf32, #tpu.memory_space<hbm>>)
    return
  }
}

#map = affine_map<(d0, d1) -> (0, 0)>
module attributes {stable_mosaic.version = 14 : i64} {
  func.func @scat_kernel(%arg0: i32, %arg1: i32, %arg2: memref<10240x128xf32, #tpu.memory_space<hbm>>, %arg3: memref<10240x128xf32, #tpu.memory_space<hbm>>, %arg4: memref<1280x128xi32, #tpu.memory_space<hbm>>, %arg5: memref<1280x128xi32, #tpu.memory_space<hbm>>, %arg6: memref<2x128xf32, #tpu.memory_space<hbm>>, %arg7: memref<10240x128xf32, #tpu.memory_space<hbm>>, %arg8: memref<10240x128xf32, #tpu.memory_space<hbm>>, %arg9: memref<10240x128xf32, #tpu.memory_space<vmem_shared>>, %arg10: memref<80x128xi32, #tpu.memory_space<vmem>>, %arg11: memref<2x16x128xi32, #tpu.memory_space<vmem>>, %arg12: memref<128x128xf32, #tpu.memory_space<vmem>>, %arg13: memref<128x128xf32, #tpu.memory_space<vmem>>, %arg14: memref<128xf32, #tpu.memory_space<vmem>>, %arg15: memref<!tpu.dma_semaphore, #tpu.memory_space<semaphore_mem>>, %arg16: memref<!tpu.dma_semaphore, #tpu.memory_space<semaphore_mem>>, %arg17: memref<!tpu.dma_semaphore, #tpu.memory_space<semaphore_mem>>, %arg18: memref<!tpu.dma_semaphore, #tpu.memory_space<semaphore_mem>>, %arg19: memref<!tpu.dma_semaphore, #tpu.memory_space<semaphore_mem>>, %arg20: memref<!tpu.dma_semaphore, #tpu.memory_space<semaphore_mem>>, %arg21: memref<!tpu.dma_semaphore, #tpu.memory_space<semaphore_mem>>, %arg22: memref<!tpu.dma_semaphore, #tpu.memory_space<semaphore_mem>>) attributes {dimension_semantics = [#tpu.dimension_semantics<core_parallel>, #tpu.dimension_semantics<subcore_parallel>], iteration_bounds = array<i64: 2, 16>, scalar_prefetch = 0 : i64, scratch_operands = 14 : i64, tpu.core_type = #tpu.core_type<sc_vector_subcore>, window_params = [{transform_indices = #map}, {transform_indices = #map}, {transform_indices = #map}, {transform_indices = #map}, {transform_indices = #map}, {transform_indices = #map}, {transform_indices = #map}]} {
    %dma_start3A = arith.constant 0 : i32
    %dma_start3A_0 = tpu.memref_slice %arg6[%arg0, %dma_start3A] : memref<2x128xf32, #tpu.memory_space<hbm>> -> memref<1x128xf32, #tpu.memory_space<hbm>>
    %dma_start3A_1 = tpu.memref_squeeze %dma_start3A_0 : memref<1x128xf32, #tpu.memory_space<hbm>> -> memref<128xf32, #tpu.memory_space<hbm>>
    %dma_start3A_2 = arith.constant 0 : i32
    %dma_start3A_3 = tpu.memref_slice %arg6[%arg0, %dma_start3A_2] : memref<2x128xf32, #tpu.memory_space<hbm>> -> memref<1x128xf32, #tpu.memory_space<hbm>>
    %dma_start3A_4 = tpu.memref_squeeze %dma_start3A_3 : memref<1x128xf32, #tpu.memory_space<hbm>> -> memref<128xf32, #tpu.memory_space<hbm>>
    tpu.enqueue_dma source(%dma_start3A_4 : memref<128xf32, #tpu.memory_space<hbm>>) target(%arg14 : memref<128xf32, #tpu.memory_space<vmem>>) target_semaphore(%arg22 : memref<!tpu.dma_semaphore, #tpu.memory_space<semaphore_mem>>)
    %dma_wait3A = arith.constant 0 : i32
    %dma_wait3A_5 = tpu.memref_slice %arg6[%arg0, %dma_wait3A] : memref<2x128xf32, #tpu.memory_space<hbm>> -> memref<1x128xf32, #tpu.memory_space<hbm>>
    %dma_wait3A_6 = tpu.memref_squeeze %dma_wait3A_5 : memref<1x128xf32, #tpu.memory_space<hbm>> -> memref<128xf32, #tpu.memory_space<hbm>>
    %dma_wait3A_7 = arith.constant 0 : i32
    %dma_wait3A_8 = tpu.memref_slice %arg6[%arg0, %dma_wait3A_7] : memref<2x128xf32, #tpu.memory_space<hbm>> -> memref<1x128xf32, #tpu.memory_space<hbm>>
    %dma_wait3A_9 = tpu.memref_squeeze %dma_wait3A_8 : memref<1x128xf32, #tpu.memory_space<hbm>> -> memref<128xf32, #tpu.memory_space<hbm>>
    tpu.wait_dma2 semaphore(%arg22 : memref<!tpu.dma_semaphore, #tpu.memory_space<semaphore_mem>>) src(%dma_wait3A_9 : memref<128xf32, #tpu.memory_space<hbm>>) dst(%arg14 : memref<128xf32, #tpu.memory_space<vmem>>)
    %scan3A = arith.constant 0 : i32
    %scan3A_10 = arith.constant 128 : i32
    %scan3A_11 = arith.addi %scan3A, %scan3A_10 : i32
    %scan3A_12 = arith.constant 1 : i32
    scf.for %scan3A_38 = %scan3A to %scan3A_11 step %scan3A_12  : i32 {
      %mul3A_39 = arith.constant 1 : i32
      %mul3A_40 = arith.muli %scan3A_38, %mul3A_39 : i32
      %add3A = arith.constant 0 : i32
      %add3A_41 = arith.addi %add3A, %mul3A_40 : i32
      %get3A = arith.constant 0 : index
      %get3A_42 = tpu.vector_load %arg14[%get3A] {strides = array<i32>} : memref<128xf32, #tpu.memory_space<vmem>>, vector<16xf32>,
      %get3A_43 = vector.shape_cast %get3A_42 : vector<16xf32> to vector<16xf32>
      %swap3A = arith.index_cast %add3A_41 : i32 to index
      %swap3A_44 = arith.constant 0 : index
      %swap3A_45 = tpu.vector_load %arg12[%swap3A, %swap3A_44] {strides = array<i32>} : memref<128x128xf32, #tpu.memory_space<vmem>>, vector<1x16xf32>,
      %swap3A_46 = vector.shape_cast %swap3A_45 : vector<1x16xf32> to vector<16xf32>
      %swap3A_47 = vector.shape_cast %get3A_43 : vector<16xf32> to vector<1x16xf32>
      tpu.vector_store %arg12[%swap3A, %swap3A_44], %swap3A_47 {strides = array<i32>} : memref<128x128xf32, #tpu.memory_space<vmem>>, vector<1x16xf32>,
      %get3A_48 = arith.constant 16 : index
      %get3A_49 = tpu.vector_load %arg14[%get3A_48] {strides = array<i32>} : memref<128xf32, #tpu.memory_space<vmem>>, vector<16xf32>,
      %get3A_50 = vector.shape_cast %get3A_49 : vector<16xf32> to vector<16xf32>
      %swap3A_51 = arith.index_cast %add3A_41 : i32 to index
      %swap3A_52 = arith.constant 16 : index
      %swap3A_53 = tpu.vector_load %arg12[%swap3A_51, %swap3A_52] {strides = array<i32>} : memref<128x128xf32, #tpu.memory_space<vmem>>, vector<1x16xf32>,
      %swap3A_54 = vector.shape_cast %swap3A_53 : vector<1x16xf32> to vector<16xf32>
      %swap3A_55 = vector.shape_cast %get3A_50 : vector<16xf32> to vector<1x16xf32>
      tpu.vector_store %arg12[%swap3A_51, %swap3A_52], %swap3A_55 {strides = array<i32>} : memref<128x128xf32, #tpu.memory_space<vmem>>, vector<1x16xf32>,
      %get3A_56 = arith.constant 32 : index
      %get3A_57 = tpu.vector_load %arg14[%get3A_56] {strides = array<i32>} : memref<128xf32, #tpu.memory_space<vmem>>, vector<16xf32>,
      %get3A_58 = vector.shape_cast %get3A_57 : vector<16xf32> to vector<16xf32>
      %swap3A_59 = arith.index_cast %add3A_41 : i32 to index
      %swap3A_60 = arith.constant 32 : index
      %swap3A_61 = tpu.vector_load %arg12[%swap3A_59, %swap3A_60] {strides = array<i32>} : memref<128x128xf32, #tpu.memory_space<vmem>>, vector<1x16xf32>,
      %swap3A_62 = vector.shape_cast %swap3A_61 : vector<1x16xf32> to vector<16xf32>
      %swap3A_63 = vector.shape_cast %get3A_58 : vector<16xf32> to vector<1x16xf32>
      tpu.vector_store %arg12[%swap3A_59, %swap3A_60], %swap3A_63 {strides = array<i32>} : memref<128x128xf32, #tpu.memory_space<vmem>>, vector<1x16xf32>,
      %get3A_64 = arith.constant 48 : index
      %get3A_65 = tpu.vector_load %arg14[%get3A_64] {strides = array<i32>} : memref<128xf32, #tpu.memory_space<vmem>>, vector<16xf32>,
      %get3A_66 = vector.shape_cast %get3A_65 : vector<16xf32> to vector<16xf32>
      %swap3A_67 = arith.index_cast %add3A_41 : i32 to index
      %swap3A_68 = arith.constant 48 : index
      %swap3A_69 = tpu.vector_load %arg12[%swap3A_67, %swap3A_68] {strides = array<i32>} : memref<128x128xf32, #tpu.memory_space<vmem>>, vector<1x16xf32>,
      %swap3A_70 = vector.shape_cast %swap3A_69 : vector<1x16xf32> to vector<16xf32>
      %swap3A_71 = vector.shape_cast %get3A_66 : vector<16xf32> to vector<1x16xf32>
      tpu.vector_store %arg12[%swap3A_67, %swap3A_68], %swap3A_71 {strides = array<i32>} : memref<128x128xf32, #tpu.memory_space<vmem>>, vector<1x16xf32>,
      %get3A_72 = arith.constant 64 : index
      %get3A_73 = tpu.vector_load %arg14[%get3A_72] {strides = array<i32>} : memref<128xf32, #tpu.memory_space<vmem>>, vector<16xf32>,
      %get3A_74 = vector.shape_cast %get3A_73 : vector<16xf32> to vector<16xf32>
      %swap3A_75 = arith.index_cast %add3A_41 : i32 to index
      %swap3A_76 = arith.constant 64 : index
      %swap3A_77 = tpu.vector_load %arg12[%swap3A_75, %swap3A_76] {strides = array<i32>} : memref<128x128xf32, #tpu.memory_space<vmem>>, vector<1x16xf32>,
      %swap3A_78 = vector.shape_cast %swap3A_77 : vector<1x16xf32> to vector<16xf32>
      %swap3A_79 = vector.shape_cast %get3A_74 : vector<16xf32> to vector<1x16xf32>
      tpu.vector_store %arg12[%swap3A_75, %swap3A_76], %swap3A_79 {strides = array<i32>} : memref<128x128xf32, #tpu.memory_space<vmem>>, vector<1x16xf32>,
      %get3A_80 = arith.constant 80 : index
      %get3A_81 = tpu.vector_load %arg14[%get3A_80] {strides = array<i32>} : memref<128xf32, #tpu.memory_space<vmem>>, vector<16xf32>,
      %get3A_82 = vector.shape_cast %get3A_81 : vector<16xf32> to vector<16xf32>
      %swap3A_83 = arith.index_cast %add3A_41 : i32 to index
      %swap3A_84 = arith.constant 80 : index
      %swap3A_85 = tpu.vector_load %arg12[%swap3A_83, %swap3A_84] {strides = array<i32>} : memref<128x128xf32, #tpu.memory_space<vmem>>, vector<1x16xf32>,
      %swap3A_86 = vector.shape_cast %swap3A_85 : vector<1x16xf32> to vector<16xf32>
      %swap3A_87 = vector.shape_cast %get3A_82 : vector<16xf32> to vector<1x16xf32>
      tpu.vector_store %arg12[%swap3A_83, %swap3A_84], %swap3A_87 {strides = array<i32>} : memref<128x128xf32, #tpu.memory_space<vmem>>, vector<1x16xf32>,
      %get3A_88 = arith.constant 96 : index
      %get3A_89 = tpu.vector_load %arg14[%get3A_88] {strides = array<i32>} : memref<128xf32, #tpu.memory_space<vmem>>, vector<16xf32>,
      %get3A_90 = vector.shape_cast %get3A_89 : vector<16xf32> to vector<16xf32>
      %swap3A_91 = arith.index_cast %add3A_41 : i32 to index
      %swap3A_92 = arith.constant 96 : index
      %swap3A_93 = tpu.vector_load %arg12[%swap3A_91, %swap3A_92] {strides = array<i32>} : memref<128x128xf32, #tpu.memory_space<vmem>>, vector<1x16xf32>,
      %swap3A_94 = vector.shape_cast %swap3A_93 : vector<1x16xf32> to vector<16xf32>
      %swap3A_95 = vector.shape_cast %get3A_90 : vector<16xf32> to vector<1x16xf32>
      tpu.vector_store %arg12[%swap3A_91, %swap3A_92], %swap3A_95 {strides = array<i32>} : memref<128x128xf32, #tpu.memory_space<vmem>>, vector<1x16xf32>,
      %get3A_96 = arith.constant 112 : index
      %get3A_97 = tpu.vector_load %arg14[%get3A_96] {strides = array<i32>} : memref<128xf32, #tpu.memory_space<vmem>>, vector<16xf32>,
      %get3A_98 = vector.shape_cast %get3A_97 : vector<16xf32> to vector<16xf32>
      %swap3A_99 = arith.index_cast %add3A_41 : i32 to index
      %swap3A_100 = arith.constant 112 : index
      %swap3A_101 = tpu.vector_load %arg12[%swap3A_99, %swap3A_100] {strides = array<i32>} : memref<128x128xf32, #tpu.memory_space<vmem>>, vector<1x16xf32>,
      %swap3A_102 = vector.shape_cast %swap3A_101 : vector<1x16xf32> to vector<16xf32>
      %swap3A_103 = vector.shape_cast %get3A_98 : vector<16xf32> to vector<1x16xf32>
      tpu.vector_store %arg12[%swap3A_99, %swap3A_100], %swap3A_103 {strides = array<i32>} : memref<128x128xf32, #tpu.memory_space<vmem>>, vector<1x16xf32>,
    }
    %scan3A_13 = arith.constant 128 : i32
    %scan3A_14 = arith.constant 0 : i32
    %scan3A_15 = arith.constant 5 : i32
    %scan3A_16 = arith.addi %scan3A_14, %scan3A_15 : i32
    %scan3A_17 = arith.constant 1 : i32
    scf.for %scan3A_38 = %scan3A_14 to %scan3A_16 step %scan3A_17  : i32 {
      %mul3A_39 = arith.constant 128 : i32
      %mul3A_40 = arith.muli %scan3A_38, %mul3A_39 : i32
      %add3A = arith.constant 0 : i32
      %add3A_41 = arith.addi %add3A, %mul3A_40 : i32
      %mul3A_42 = arith.constant 640 : i32
      %mul3A_43 = arith.muli %arg1, %mul3A_42 : i32
      %add3A_44 = arith.addi %mul3A_43, %add3A_41 : i32
      %dma_start3A_45 = arith.constant 0 : i32
      %dma_start3A_46 = tpu.memref_slice %arg9[%add3A_44, %dma_start3A_45] : memref<10240x128xf32, #tpu.memory_space<vmem_shared>> -> memref<128x128xf32, #tpu.memory_space<vmem_shared>>
      %dma_start3A_47 = arith.constant 0 : i32
      %dma_start3A_48 = tpu.memref_slice %arg9[%add3A_44, %dma_start3A_47] : memref<10240x128xf32, #tpu.memory_space<vmem_shared>> -> memref<128x128xf32, #tpu.memory_space<vmem_shared>>
      tpu.enqueue_dma source(%arg12 : memref<128x128xf32, #tpu.memory_space<vmem>>) target(%dma_start3A_48 : memref<128x128xf32, #tpu.memory_space<vmem_shared>>) target_semaphore(%arg22 : memref<!tpu.dma_semaphore, #tpu.memory_space<semaphore_mem>>)
      %dma_wait3A_49 = arith.constant 0 : i32
      %dma_wait3A_50 = tpu.memref_slice %arg9[%add3A_44, %dma_wait3A_49] : memref<10240x128xf32, #tpu.memory_space<vmem_shared>> -> memref<128x128xf32, #tpu.memory_space<vmem_shared>>
      %dma_wait3A_51 = arith.constant 0 : i32
      %dma_wait3A_52 = tpu.memref_slice %arg9[%add3A_44, %dma_wait3A_51] : memref<10240x128xf32, #tpu.memory_space<vmem_shared>> -> memref<128x128xf32, #tpu.memory_space<vmem_shared>>
      tpu.wait_dma2 semaphore(%arg22 : memref<!tpu.dma_semaphore, #tpu.memory_space<semaphore_mem>>) src(%arg12 : memref<128x128xf32, #tpu.memory_space<vmem>>) dst(%dma_wait3A_52 : memref<128x128xf32, #tpu.memory_space<vmem_shared>>)
    }
    %scan3A_18 = arith.constant 5 : i32
    %barrier3A = arith.constant 0 : index
    tpu.barrier barrier_id(%barrier3A)
    %mul3A = arith.constant 80 : i32
    %mul3A_19 = arith.muli %arg1, %mul3A : i32
    %eq3A = arith.constant 0 : i32
    %eq3A_20 = arith.cmpi eq, %arg0, %eq3A : i32
    %convert_element_type3A = arith.extui %eq3A_20 : i1 to i32
    %cond3A = arith.constant 0 : i32
    %cond3A_21 = arith.cmpi ne, %convert_element_type3A, %cond3A : i32
    scf.if %cond3A_21 {
      %dma_start3A_38 = arith.constant 0 : i32
      %dma_start3A_39 = tpu.memref_slice %arg4[%mul3A_19, %dma_start3A_38] : memref<1280x128xi32, #tpu.memory_space<hbm>> -> memref<80x128xi32, #tpu.memory_space<hbm>>
      %dma_start3A_40 = arith.constant 0 : i32
      %dma_start3A_41 = tpu.memref_slice %arg4[%mul3A_19, %dma_start3A_40] : memref<1280x128xi32, #tpu.memory_space<hbm>> -> memref<80x128xi32, #tpu.memory_space<hbm>>
      tpu.enqueue_dma source(%dma_start3A_41 : memref<80x128xi32, #tpu.memory_space<hbm>>) target(%arg10 : memref<80x128xi32, #tpu.memory_space<vmem>>) target_semaphore(%arg21 : memref<!tpu.dma_semaphore, #tpu.memory_space<semaphore_mem>>)
      %dma_wait3A_42 = arith.constant 0 : i32
      %dma_wait3A_43 = tpu.memref_slice %arg4[%mul3A_19, %dma_wait3A_42] : memref<1280x128xi32, #tpu.memory_space<hbm>> -> memref<80x128xi32, #tpu.memory_space<hbm>>
      %dma_wait3A_44 = arith.constant 0 : i32
      %dma_wait3A_45 = tpu.memref_slice %arg4[%mul3A_19, %dma_wait3A_44] : memref<1280x128xi32, #tpu.memory_space<hbm>> -> memref<80x128xi32, #tpu.memory_space<hbm>>
      tpu.wait_dma2 semaphore(%arg21 : memref<!tpu.dma_semaphore, #tpu.memory_space<semaphore_mem>>) src(%dma_wait3A_45 : memref<80x128xi32, #tpu.memory_space<hbm>>) dst(%arg10 : memref<80x128xi32, #tpu.memory_space<vmem>>)
      %add3A = arith.constant 0 : i32
      %add3A_46 = arith.addi %mul3A_19, %add3A : i32
      %dma_start3A_47 = arith.constant 0 : i32
      %dma_start3A_48 = arith.constant 0 : i32
      %dma_start3A_49 = arith.constant 0 : i32
      %dma_start3A_50 = tpu.memref_slice %arg11[%dma_start3A_47, %dma_start3A_48, %dma_start3A_49] : memref<2x16x128xi32, #tpu.memory_space<vmem>> -> memref<1x16x128xi32, #tpu.memory_space<vmem>>
      %dma_start3A_51 = tpu.memref_squeeze %dma_start3A_50 : memref<1x16x128xi32, #tpu.memory_space<vmem>> -> memref<16x128xi32, #tpu.memory_space<vmem>>
      %dma_start3A_52 = arith.constant 0 : i32
      %dma_start3A_53 = tpu.memref_slice %arg5[%add3A_46, %dma_start3A_52] : memref<1280x128xi32, #tpu.memory_space<hbm>> -> memref<16x128xi32, #tpu.memory_space<hbm>>
      %dma_start3A_54 = arith.constant 0 : i32
      %dma_start3A_55 = arith.constant 0 : i32
      %dma_start3A_56 = tpu.memref_slice %arg11[%dma_start3A_47, %dma_start3A_54, %dma_start3A_55] : memref<2x16x128xi32, #tpu.memory_space<vmem>> -> memref<1x16x128xi32, #tpu.memory_space<vmem>>
      %dma_start3A_57 = tpu.memref_squeeze %dma_start3A_56 : memref<1x16x128xi32, #tpu.memory_space<vmem>> -> memref<16x128xi32, #tpu.memory_space<vmem>>
      %dma_start3A_58 = arith.constant 0 : i32
      %dma_start3A_59 = tpu.memref_slice %arg5[%add3A_46, %dma_start3A_58] : memref<1280x128xi32, #tpu.memory_space<hbm>> -> memref<16x128xi32, #tpu.memory_space<hbm>>
      tpu.enqueue_dma source(%dma_start3A_59 : memref<16x128xi32, #tpu.memory_space<hbm>>) target(%dma_start3A_57 : memref<16x128xi32, #tpu.memory_space<vmem>>) target_semaphore(%arg19 : memref<!tpu.dma_semaphore, #tpu.memory_space<semaphore_mem>>)
      %add3A_60 = arith.constant 16 : i32
      %add3A_61 = arith.addi %mul3A_19, %add3A_60 : i32
      %dma_start3A_62 = arith.constant 1 : i32
      %dma_start3A_63 = arith.constant 0 : i32
      %dma_start3A_64 = arith.constant 0 : i32
      %dma_start3A_65 = tpu.memref_slice %arg11[%dma_start3A_62, %dma_start3A_63, %dma_start3A_64] : memref<2x16x128xi32, #tpu.memory_space<vmem>> -> memref<1x16x128xi32, #tpu.memory_space<vmem>>
      %dma_start3A_66 = tpu.memref_squeeze %dma_start3A_65 : memref<1x16x128xi32, #tpu.memory_space<vmem>> -> memref<16x128xi32, #tpu.memory_space<vmem>>
      %dma_start3A_67 = arith.constant 0 : i32
      %dma_start3A_68 = tpu.memref_slice %arg5[%add3A_61, %dma_start3A_67] : memref<1280x128xi32, #tpu.memory_space<hbm>> -> memref<16x128xi32, #tpu.memory_space<hbm>>
      %dma_start3A_69 = arith.constant 0 : i32
      %dma_start3A_70 = arith.constant 0 : i32
      %dma_start3A_71 = tpu.memref_slice %arg11[%dma_start3A_62, %dma_start3A_69, %dma_start3A_70] : memref<2x16x128xi32, #tpu.memory_space<vmem>> -> memref<1x16x128xi32, #tpu.memory_space<vmem>>
      %dma_start3A_72 = tpu.memref_squeeze %dma_start3A_71 : memref<1x16x128xi32, #tpu.memory_space<vmem>> -> memref<16x128xi32, #tpu.memory_space<vmem>>
      %dma_start3A_73 = arith.constant 0 : i32
      %dma_start3A_74 = tpu.memref_slice %arg5[%add3A_61, %dma_start3A_73] : memref<1280x128xi32, #tpu.memory_space<hbm>> -> memref<16x128xi32, #tpu.memory_space<hbm>>
      tpu.enqueue_dma source(%dma_start3A_74 : memref<16x128xi32, #tpu.memory_space<hbm>>) target(%dma_start3A_72 : memref<16x128xi32, #tpu.memory_space<vmem>>) target_semaphore(%arg20 : memref<!tpu.dma_semaphore, #tpu.memory_space<semaphore_mem>>)
      %dma_start3A_75 = arith.constant 0 : i32
      %dma_start3A_76 = arith.constant 0 : i32
      %dma_start3A_77 = tpu.memref_slice %arg10[%dma_start3A_75, %dma_start3A_76] : memref<80x128xi32, #tpu.memory_space<vmem>> -> memref<1x128xi32, #tpu.memory_space<vmem>>
      %dma_start3A_78 = tpu.memref_squeeze %dma_start3A_77 : memref<1x128xi32, #tpu.memory_space<vmem>> -> memref<128xi32, #tpu.memory_space<vmem>>
      %dma_start3A_79 = arith.constant 0 : i32
      %dma_start3A_80 = arith.constant 0 : i32
      %dma_start3A_81 = tpu.memref_slice %arg2[%dma_start3A_79, %dma_start3A_80] : memref<10240x128xf32, #tpu.memory_space<hbm>> -> memref<10240x128xf32, #tpu.memory_space<hbm>>
      tpu.enqueue_indirect_dma source(%dma_start3A_81 : memref<10240x128xf32, #tpu.memory_space<hbm>>) target(%arg12 : memref<128x128xf32, #tpu.memory_space<vmem>>) offsets(%dma_start3A_78 : memref<128xi32, #tpu.memory_space<vmem>>) semaphore(%arg15 : memref<!tpu.dma_semaphore, #tpu.memory_space<semaphore_mem>>)
      %dma_start3A_82 = arith.constant 1 : i32
      %dma_start3A_83 = arith.constant 0 : i32
      %dma_start3A_84 = tpu.memref_slice %arg10[%dma_start3A_82, %dma_start3A_83] : memref<80x128xi32, #tpu.memory_space<vmem>> -> memref<1x128xi32, #tpu.memory_space<vmem>>
      %dma_start3A_85 = tpu.memref_squeeze %dma_start3A_84 : memref<1x128xi32, #tpu.memory_space<vmem>> -> memref<128xi32, #tpu.memory_space<vmem>>
      %dma_start3A_86 = arith.constant 0 : i32
      %dma_start3A_87 = arith.constant 0 : i32
      %dma_start3A_88 = tpu.memref_slice %arg2[%dma_start3A_86, %dma_start3A_87] : memref<10240x128xf32, #tpu.memory_space<hbm>> -> memref<10240x128xf32, #tpu.memory_space<hbm>>
      tpu.enqueue_indirect_dma source(%dma_start3A_88 : memref<10240x128xf32, #tpu.memory_space<hbm>>) target(%arg13 : memref<128x128xf32, #tpu.memory_space<vmem>>) offsets(%dma_start3A_85 : memref<128xi32, #tpu.memory_space<vmem>>) semaphore(%arg16 : memref<!tpu.dma_semaphore, #tpu.memory_space<semaphore_mem>>)
      %add3A_89 = arith.constant 0 : i32
      %add3A_90 = arith.addi %mul3A_19, %add3A_89 : i32
      %dma_wait3A_91 = arith.constant 0 : i32
      %dma_wait3A_92 = arith.constant 0 : i32
      %dma_wait3A_93 = arith.constant 0 : i32
      %dma_wait3A_94 = tpu.memref_slice %arg11[%dma_wait3A_91, %dma_wait3A_92, %dma_wait3A_93] : memref<2x16x128xi32, #tpu.memory_space<vmem>> -> memref<1x16x128xi32, #tpu.memory_space<vmem>>
      %dma_wait3A_95 = tpu.memref_squeeze %dma_wait3A_94 : memref<1x16x128xi32, #tpu.memory_space<vmem>> -> memref<16x128xi32, #tpu.memory_space<vmem>>
      %dma_wait3A_96 = arith.constant 0 : i32
      %dma_wait3A_97 = tpu.memref_slice %arg5[%add3A_90, %dma_wait3A_96] : memref<1280x128xi32, #tpu.memory_space<hbm>> -> memref<16x128xi32, #tpu.memory_space<hbm>>
      %dma_wait3A_98 = arith.constant 0 : i32
      %dma_wait3A_99 = arith.constant 0 : i32
      %dma_wait3A_100 = tpu.memref_slice %arg11[%dma_wait3A_91, %dma_wait3A_98, %dma_wait3A_99] : memref<2x16x128xi32, #tpu.memory_space<vmem>> -> memref<1x16x128xi32, #tpu.memory_space<vmem>>
      %dma_wait3A_101 = tpu.memref_squeeze %dma_wait3A_100 : memref<1x16x128xi32, #tpu.memory_space<vmem>> -> memref<16x128xi32, #tpu.memory_space<vmem>>
      %dma_wait3A_102 = arith.constant 0 : i32
      %dma_wait3A_103 = tpu.memref_slice %arg5[%add3A_90, %dma_wait3A_102] : memref<1280x128xi32, #tpu.memory_space<hbm>> -> memref<16x128xi32, #tpu.memory_space<hbm>>
      tpu.wait_dma2 semaphore(%arg19 : memref<!tpu.dma_semaphore, #tpu.memory_space<semaphore_mem>>) src(%dma_wait3A_103 : memref<16x128xi32, #tpu.memory_space<hbm>>) dst(%dma_wait3A_101 : memref<16x128xi32, #tpu.memory_space<vmem>>)
      %scan3A_104 = arith.constant 0 : i32
      %scan3A_105 = arith.constant 8 : i32
      %scan3A_106 = arith.addi %scan3A_104, %scan3A_105 : i32
      %scan3A_107 = arith.constant 1 : i32
      scf.for %scan3A_250 = %scan3A_104 to %scan3A_106 step %scan3A_107  : i32 {
        %mul3A_251 = arith.constant 2 : i32
        %mul3A_252 = arith.muli %scan3A_250, %mul3A_251 : i32
        %add3A_253 = arith.constant 0 : i32
        %add3A_254 = arith.addi %add3A_253, %mul3A_252 : i32
        %add3A_255 = arith.constant 0 : i32
        %add3A_256 = arith.addi %add3A_254, %add3A_255 : i32
        %add3A_257 = arith.constant 0 : i32
        %add3A_258 = arith.addi %add3A_257, %add3A_256 : i32
        %dma_wait3A_259 = arith.constant 0 : i32
        %dma_wait3A_260 = tpu.memref_slice %arg10[%add3A_258, %dma_wait3A_259] : memref<80x128xi32, #tpu.memory_space<vmem>> -> memref<1x128xi32, #tpu.memory_space<vmem>>
        %dma_wait3A_261 = tpu.memref_squeeze %dma_wait3A_260 : memref<1x128xi32, #tpu.memory_space<vmem>> -> memref<128xi32, #tpu.memory_space<vmem>>
        %dma_wait3A_262 = arith.constant 0 : i32
        %dma_wait3A_263 = arith.constant 0 : i32
        %dma_wait3A_264 = tpu.memref_slice %arg2[%dma_wait3A_262, %dma_wait3A_263] : memref<10240x128xf32, #tpu.memory_space<hbm>> -> memref<10240x128xf32, #tpu.memory_space<hbm>>
        tpu.wait_indirect_dma semaphore(%arg15 : memref<!tpu.dma_semaphore, #tpu.memory_space<semaphore_mem>>) src(%dma_wait3A_264 : memref<10240x128xf32, #tpu.memory_space<hbm>>) dst(%arg12 : memref<128x128xf32, #tpu.memory_space<vmem>>)
        %dma_start3A_265 = arith.constant 0 : i32
        %dma_start3A_266 = arith.constant 0 : i32
        %dma_start3A_267 = tpu.memref_slice %arg11[%dma_start3A_265, %add3A_256, %dma_start3A_266] : memref<2x16x128xi32, #tpu.memory_space<vmem>> -> memref<1x1x128xi32, #tpu.memory_space<vmem>>
        %dma_start3A_268 = tpu.memref_squeeze %dma_start3A_267 : memref<1x1x128xi32, #tpu.memory_space<vmem>> -> memref<128xi32, #tpu.memory_space<vmem>>
        %dma_start3A_269 = arith.constant 0 : i32
        %dma_start3A_270 = arith.constant 0 : i32
        %dma_start3A_271 = tpu.memref_slice %arg9[%dma_start3A_269, %dma_start3A_270] : memref<10240x128xf32, #tpu.memory_space<vmem_shared>> -> memref<10240x128xf32, #tpu.memory_space<vmem_shared>>
        tpu.enqueue_indirect_dma source(%arg12 : memref<128x128xf32, #tpu.memory_space<vmem>>) target(%dma_start3A_271 : memref<10240x128xf32, #tpu.memory_space<vmem_shared>>) offsets(%dma_start3A_268 : memref<128xi32, #tpu.memory_space<vmem>>) semaphore(%arg17 : memref<!tpu.dma_semaphore, #tpu.memory_space<semaphore_mem>>) {add = true}
        %add3A_272 = arith.constant 0 : i32
        %add3A_273 = arith.addi %add3A_272, %add3A_256 : i32
        %add3A_274 = arith.constant 2 : i32
        %add3A_275 = arith.addi %add3A_273, %add3A_274 : i32
        %lt3A = arith.constant 80 : i32
        %lt3A_276 = arith.cmpi slt, %add3A_275, %lt3A : i32
        %convert_element_type3A_277 = arith.extui %lt3A_276 : i1 to i32
        %cond3A_278 = arith.constant 0 : i32
        %cond3A_279 = arith.cmpi ne, %convert_element_type3A_277, %cond3A_278 : i32
        scf.if %cond3A_279 {
          %dma_wait3A_306 = arith.constant 0 : i32
          %dma_wait3A_307 = arith.constant 0 : i32
          %dma_wait3A_308 = tpu.memref_slice %arg11[%dma_wait3A_306, %add3A_256, %dma_wait3A_307] : memref<2x16x128xi32, #tpu.memory_space<vmem>> -> memref<1x1x128xi32, #tpu.memory_space<vmem>>
          %dma_wait3A_309 = tpu.memref_squeeze %dma_wait3A_308 : memref<1x1x128xi32, #tpu.memory_space<vmem>> -> memref<128xi32, #tpu.memory_space<vmem>>
          %dma_wait3A_310 = arith.constant 0 : i32
          %dma_wait3A_311 = arith.constant 0 : i32
          %dma_wait3A_312 = tpu.memref_slice %arg9[%dma_wait3A_310, %dma_wait3A_311] : memref<10240x128xf32, #tpu.memory_space<vmem_shared>> -> memref<10240x128xf32, #tpu.memory_space<vmem_shared>>
          tpu.wait_indirect_dma semaphore(%arg17 : memref<!tpu.dma_semaphore, #tpu.memory_space<semaphore_mem>>) src(%arg12 : memref<128x128xf32, #tpu.memory_space<vmem>>) dst(%dma_wait3A_312 : memref<10240x128xf32, #tpu.memory_space<vmem_shared>>)
          %add3A_313 = arith.constant 0 : i32
          %add3A_314 = arith.addi %add3A_313, %add3A_256 : i32
          %add3A_315 = arith.constant 2 : i32
          %add3A_316 = arith.addi %add3A_314, %add3A_315 : i32
          %dma_start3A_317 = arith.constant 0 : i32
          %dma_start3A_318 = tpu.memref_slice %arg10[%add3A_316, %dma_start3A_317] : memref<80x128xi32, #tpu.memory_space<vmem>> -> memref<1x128xi32, #tpu.memory_space<vmem>>
          %dma_start3A_319 = tpu.memref_squeeze %dma_start3A_318 : memref<1x128xi32, #tpu.memory_space<vmem>> -> memref<128xi32, #tpu.memory_space<vmem>>
          %dma_start3A_320 = arith.constant 0 : i32
          %dma_start3A_321 = arith.constant 0 : i32
          %dma_start3A_322 = tpu.memref_slice %arg2[%dma_start3A_320, %dma_start3A_321] : memref<10240x128xf32, #tpu.memory_space<hbm>> -> memref<10240x128xf32, #tpu.memory_space<hbm>>
          tpu.enqueue_indirect_dma source(%dma_start3A_322 : memref<10240x128xf32, #tpu.memory_space<hbm>>) target(%arg12 : memref<128x128xf32, #tpu.memory_space<vmem>>) offsets(%dma_start3A_319 : memref<128xi32, #tpu.memory_space<vmem>>) semaphore(%arg15 : memref<!tpu.dma_semaphore, #tpu.memory_space<semaphore_mem>>)
        } else {
        }
        %add3A_280 = arith.constant 1 : i32
        %add3A_281 = arith.addi %add3A_254, %add3A_280 : i32
        %add3A_282 = arith.constant 0 : i32
        %add3A_283 = arith.addi %add3A_282, %add3A_281 : i32
        %dma_wait3A_284 = arith.constant 0 : i32
        %dma_wait3A_285 = tpu.memref_slice %arg10[%add3A_283, %dma_wait3A_284] : memref<80x128xi32, #tpu.memory_space<vmem>> -> memref<1x128xi32, #tpu.memory_space<vmem>>
        %dma_wait3A_286 = tpu.memref_squeeze %dma_wait3A_285 : memref<1x128xi32, #tpu.memory_space<vmem>> -> memref<128xi32, #tpu.memory_space<vmem>>
        %dma_wait3A_287 = arith.constant 0 : i32
        %dma_wait3A_288 = arith.constant 0 : i32
        %dma_wait3A_289 = tpu.memref_slice %arg2[%dma_wait3A_287, %dma_wait3A_288] : memref<10240x128xf32, #tpu.memory_space<hbm>> -> memref<10240x128xf32, #tpu.memory_space<hbm>>
        tpu.wait_indirect_dma semaphore(%arg16 : memref<!tpu.dma_semaphore, #tpu.memory_space<semaphore_mem>>) src(%dma_wait3A_289 : memref<10240x128xf32, #tpu.memory_space<hbm>>) dst(%arg13 : memref<128x128xf32, #tpu.memory_space<vmem>>)
        %dma_start3A_290 = arith.constant 0 : i32
        %dma_start3A_291 = arith.constant 0 : i32
        %dma_start3A_292 = tpu.memref_slice %arg11[%dma_start3A_290, %add3A_281, %dma_start3A_291] : memref<2x16x128xi32, #tpu.memory_space<vmem>> -> memref<1x1x128xi32, #tpu.memory_space<vmem>>
        %dma_start3A_293 = tpu.memref_squeeze %dma_start3A_292 : memref<1x1x128xi32, #tpu.memory_space<vmem>> -> memref<128xi32, #tpu.memory_space<vmem>>
        %dma_start3A_294 = arith.constant 0 : i32
        %dma_start3A_295 = arith.constant 0 : i32
        %dma_start3A_296 = tpu.memref_slice %arg9[%dma_start3A_294, %dma_start3A_295] : memref<10240x128xf32, #tpu.memory_space<vmem_shared>> -> memref<10240x128xf32, #tpu.memory_space<vmem_shared>>
        tpu.enqueue_indirect_dma source(%arg13 : memref<128x128xf32, #tpu.memory_space<vmem>>) target(%dma_start3A_296 : memref<10240x128xf32, #tpu.memory_space<vmem_shared>>) offsets(%dma_start3A_293 : memref<128xi32, #tpu.memory_space<vmem>>) semaphore(%arg18 : memref<!tpu.dma_semaphore, #tpu.memory_space<semaphore_mem>>) {add = true}
        %add3A_297 = arith.constant 0 : i32
        %add3A_298 = arith.addi %add3A_297, %add3A_281 : i32
        %add3A_299 = arith.constant 2 : i32
        %add3A_300 = arith.addi %add3A_298, %add3A_299 : i32
        %lt3A_301 = arith.constant 80 : i32
        %lt3A_302 = arith.cmpi slt, %add3A_300, %lt3A_301 : i32
        %convert_element_type3A_303 = arith.extui %lt3A_302 : i1 to i32
        %cond3A_304 = arith.constant 0 : i32
        %cond3A_305 = arith.cmpi ne, %convert_element_type3A_303, %cond3A_304 : i32
        scf.if %cond3A_305 {
          %dma_wait3A_306 = arith.constant 0 : i32
          %dma_wait3A_307 = arith.constant 0 : i32
          %dma_wait3A_308 = tpu.memref_slice %arg11[%dma_wait3A_306, %add3A_281, %dma_wait3A_307] : memref<2x16x128xi32, #tpu.memory_space<vmem>> -> memref<1x1x128xi32, #tpu.memory_space<vmem>>
          %dma_wait3A_309 = tpu.memref_squeeze %dma_wait3A_308 : memref<1x1x128xi32, #tpu.memory_space<vmem>> -> memref<128xi32, #tpu.memory_space<vmem>>
          %dma_wait3A_310 = arith.constant 0 : i32
          %dma_wait3A_311 = arith.constant 0 : i32
          %dma_wait3A_312 = tpu.memref_slice %arg9[%dma_wait3A_310, %dma_wait3A_311] : memref<10240x128xf32, #tpu.memory_space<vmem_shared>> -> memref<10240x128xf32, #tpu.memory_space<vmem_shared>>
          tpu.wait_indirect_dma semaphore(%arg18 : memref<!tpu.dma_semaphore, #tpu.memory_space<semaphore_mem>>) src(%arg13 : memref<128x128xf32, #tpu.memory_space<vmem>>) dst(%dma_wait3A_312 : memref<10240x128xf32, #tpu.memory_space<vmem_shared>>)
          %add3A_313 = arith.constant 0 : i32
          %add3A_314 = arith.addi %add3A_313, %add3A_281 : i32
          %add3A_315 = arith.constant 2 : i32
          %add3A_316 = arith.addi %add3A_314, %add3A_315 : i32
          %dma_start3A_317 = arith.constant 0 : i32
          %dma_start3A_318 = tpu.memref_slice %arg10[%add3A_316, %dma_start3A_317] : memref<80x128xi32, #tpu.memory_space<vmem>> -> memref<1x128xi32, #tpu.memory_space<vmem>>
          %dma_start3A_319 = tpu.memref_squeeze %dma_start3A_318 : memref<1x128xi32, #tpu.memory_space<vmem>> -> memref<128xi32, #tpu.memory_space<vmem>>
          %dma_start3A_320 = arith.constant 0 : i32
          %dma_start3A_321 = arith.constant 0 : i32
          %dma_start3A_322 = tpu.memref_slice %arg2[%dma_start3A_320, %dma_start3A_321] : memref<10240x128xf32, #tpu.memory_space<hbm>> -> memref<10240x128xf32, #tpu.memory_space<hbm>>
          tpu.enqueue_indirect_dma source(%dma_start3A_322 : memref<10240x128xf32, #tpu.memory_space<hbm>>) target(%arg13 : memref<128x128xf32, #tpu.memory_space<vmem>>) offsets(%dma_start3A_319 : memref<128xi32, #tpu.memory_space<vmem>>) semaphore(%arg16 : memref<!tpu.dma_semaphore, #tpu.memory_space<semaphore_mem>>)
        } else {
        }
      }
      %scan3A_108 = arith.constant 8 : i32
      %add3A_109 = arith.constant 32 : i32
      %add3A_110 = arith.addi %mul3A_19, %add3A_109 : i32
      %dma_start3A_111 = arith.constant 0 : i32
      %dma_start3A_112 = arith.constant 0 : i32
      %dma_start3A_113 = arith.constant 0 : i32
      %dma_start3A_114 = tpu.memref_slice %arg11[%dma_start3A_111, %dma_start3A_112, %dma_start3A_113] : memref<2x16x128xi32, #tpu.memory_space<vmem>> -> memref<1x16x128xi32, #tpu.memory_space<vmem>>
      %dma_start3A_115 = tpu.memref_squeeze %dma_start3A_114 : memref<1x16x128xi32, #tpu.memory_space<vmem>> -> memref<16x128xi32, #tpu.memory_space<vmem>>
      %dma_start3A_116 = arith.constant 0 : i32
      %dma_start3A_117 = tpu.memref_slice %arg5[%add3A_110, %dma_start3A_116] : memref<1280x128xi32, #tpu.memory_space<hbm>> -> memref<16x128xi32, #tpu.memory_space<hbm>>
      %dma_start3A_118 = arith.constant 0 : i32
      %dma_start3A_119 = arith.constant 0 : i32
      %dma_start3A_120 = tpu.memref_slice %arg11[%dma_start3A_111, %dma_start3A_118, %dma_start3A_119] : memref<2x16x128xi32, #tpu.memory_space<vmem>> -> memref<1x16x128xi32, #tpu.memory_space<vmem>>
      %dma_start3A_121 = tpu.memref_squeeze %dma_start3A_120 : memref<1x16x128xi32, #tpu.memory_space<vmem>> -> memref<16x128xi32, #tpu.memory_space<vmem>>
      %dma_start3A_122 = arith.constant 0 : i32
      %dma_start3A_123 = tpu.memref_slice %arg5[%add3A_110, %dma_start3A_122] : memref<1280x128xi32, #tpu.memory_space<hbm>> -> memref<16x128xi32, #tpu.memory_space<hbm>>
      tpu.enqueue_dma source(%dma_start3A_123 : memref<16x128xi32, #tpu.memory_space<hbm>>) target(%dma_start3A_121 : memref<16x128xi32, #tpu.memory_space<vmem>>) target_semaphore(%arg19 : memref<!tpu.dma_semaphore, #tpu.memory_space<semaphore_mem>>)
      %add3A_124 = arith.constant 16 : i32
      %add3A_125 = arith.addi %mul3A_19, %add3A_124 : i32
      %dma_wait3A_126 = arith.constant 1 : i32
      %dma_wait3A_127 = arith.constant 0 : i32
      %dma_wait3A_128 = arith.constant 0 : i32
      %dma_wait3A_129 = tpu.memref_slice %arg11[%dma_wait3A_126, %dma_wait3A_127, %dma_wait3A_128] : memref<2x16x128xi32, #tpu.memory_space<vmem>> -> memref<1x16x128xi32, #tpu.memory_space<vmem>>
      %dma_wait3A_130 = tpu.memref_squeeze %dma_wait3A_129 : memref<1x16x128xi32, #tpu.memory_space<vmem>> -> memref<16x128xi32, #tpu.memory_space<vmem>>
      %dma_wait3A_131 = arith.constant 0 : i32
      %dma_wait3A_132 = tpu.memref_slice %arg5[%add3A_125, %dma_wait3A_131] : memref<1280x128xi32, #tpu.memory_space<hbm>> -> memref<16x128xi32, #tpu.memory_space<hbm>>
      %dma_wait3A_133 = arith.constant 0 : i32
      %dma_wait3A_134 = arith.constant 0 : i32
      %dma_wait3A_135 = tpu.memref_slice %arg11[%dma_wait3A_126, %dma_wait3A_133, %dma_wait3A_134] : memref<2x16x128xi32, #tpu.memory_space<vmem>> -> memref<1x16x128xi32, #tpu.memory_space<vmem>>
      %dma_wait3A_136 = tpu.memref_squeeze %dma_wait3A_135 : memref<1x16x128xi32, #tpu.memory_space<vmem>> -> memref<16x128xi32, #tpu.memory_space<vmem>>
      %dma_wait3A_137 = arith.constant 0 : i32
      %dma_wait3A_138 = tpu.memref_slice %arg5[%add3A_125, %dma_wait3A_137] : memref<1280x128xi32, #tpu.memory_space<hbm>> -> memref<16x128xi32, #tpu.memory_space<hbm>>
      tpu.wait_dma2 semaphore(%arg20 : memref<!tpu.dma_semaphore, #tpu.memory_space<semaphore_mem>>) src(%dma_wait3A_138 : memref<16x128xi32, #tpu.memory_space<hbm>>) dst(%dma_wait3A_136 : memref<16x128xi32, #tpu.memory_space<vmem>>)
      %scan3A_139 = arith.constant 0 : i32
      %scan3A_140 = arith.constant 8 : i32
      %scan3A_141 = arith.addi %scan3A_139, %scan3A_140 : i32
      %scan3A_142 = arith.constant 1 : i32
      scf.for %scan3A_250 = %scan3A_139 to %scan3A_141 step %scan3A_142  : i32 {
        %mul3A_251 = arith.constant 2 : i32
        %mul3A_252 = arith.muli %scan3A_250, %mul3A_251 : i32
        %add3A_253 = arith.constant 0 : i32
        %add3A_254 = arith.addi %add3A_253, %mul3A_252 : i32
        %add3A_255 = arith.constant 0 : i32
        %add3A_256 = arith.addi %add3A_254, %add3A_255 : i32
        %add3A_257 = arith.constant 16 : i32
        %add3A_258 = arith.addi %add3A_257, %add3A_256 : i32
        %dma_wait3A_259 = arith.constant 0 : i32
        %dma_wait3A_260 = tpu.memref_slice %arg10[%add3A_258, %dma_wait3A_259] : memref<80x128xi32, #tpu.memory_space<vmem>> -> memref<1x128xi32, #tpu.memory_space<vmem>>
        %dma_wait3A_261 = tpu.memref_squeeze %dma_wait3A_260 : memref<1x128xi32, #tpu.memory_space<vmem>> -> memref<128xi32, #tpu.memory_space<vmem>>
        %dma_wait3A_262 = arith.constant 0 : i32
        %dma_wait3A_263 = arith.constant 0 : i32
        %dma_wait3A_264 = tpu.memref_slice %arg2[%dma_wait3A_262, %dma_wait3A_263] : memref<10240x128xf32, #tpu.memory_space<hbm>> -> memref<10240x128xf32, #tpu.memory_space<hbm>>
        tpu.wait_indirect_dma semaphore(%arg15 : memref<!tpu.dma_semaphore, #tpu.memory_space<semaphore_mem>>) src(%dma_wait3A_264 : memref<10240x128xf32, #tpu.memory_space<hbm>>) dst(%arg12 : memref<128x128xf32, #tpu.memory_space<vmem>>)
        %dma_start3A_265 = arith.constant 1 : i32
        %dma_start3A_266 = arith.constant 0 : i32
        %dma_start3A_267 = tpu.memref_slice %arg11[%dma_start3A_265, %add3A_256, %dma_start3A_266] : memref<2x16x128xi32, #tpu.memory_space<vmem>> -> memref<1x1x128xi32, #tpu.memory_space<vmem>>
        %dma_start3A_268 = tpu.memref_squeeze %dma_start3A_267 : memref<1x1x128xi32, #tpu.memory_space<vmem>> -> memref<128xi32, #tpu.memory_space<vmem>>
        %dma_start3A_269 = arith.constant 0 : i32
        %dma_start3A_270 = arith.constant 0 : i32
        %dma_start3A_271 = tpu.memref_slice %arg9[%dma_start3A_269, %dma_start3A_270] : memref<10240x128xf32, #tpu.memory_space<vmem_shared>> -> memref<10240x128xf32, #tpu.memory_space<vmem_shared>>
        tpu.enqueue_indirect_dma source(%arg12 : memref<128x128xf32, #tpu.memory_space<vmem>>) target(%dma_start3A_271 : memref<10240x128xf32, #tpu.memory_space<vmem_shared>>) offsets(%dma_start3A_268 : memref<128xi32, #tpu.memory_space<vmem>>) semaphore(%arg17 : memref<!tpu.dma_semaphore, #tpu.memory_space<semaphore_mem>>) {add = true}
        %add3A_272 = arith.constant 16 : i32
        %add3A_273 = arith.addi %add3A_272, %add3A_256 : i32
        %add3A_274 = arith.constant 2 : i32
        %add3A_275 = arith.addi %add3A_273, %add3A_274 : i32
        %lt3A = arith.constant 80 : i32
        %lt3A_276 = arith.cmpi slt, %add3A_275, %lt3A : i32
        %convert_element_type3A_277 = arith.extui %lt3A_276 : i1 to i32
        %cond3A_278 = arith.constant 0 : i32
        %cond3A_279 = arith.cmpi ne, %convert_element_type3A_277, %cond3A_278 : i32
        scf.if %cond3A_279 {
          %dma_wait3A_306 = arith.constant 1 : i32
          %dma_wait3A_307 = arith.constant 0 : i32
          %dma_wait3A_308 = tpu.memref_slice %arg11[%dma_wait3A_306, %add3A_256, %dma_wait3A_307] : memref<2x16x128xi32, #tpu.memory_space<vmem>> -> memref<1x1x128xi32, #tpu.memory_space<vmem>>
          %dma_wait3A_309 = tpu.memref_squeeze %dma_wait3A_308 : memref<1x1x128xi32, #tpu.memory_space<vmem>> -> memref<128xi32, #tpu.memory_space<vmem>>
          %dma_wait3A_310 = arith.constant 0 : i32
          %dma_wait3A_311 = arith.constant 0 : i32
          %dma_wait3A_312 = tpu.memref_slice %arg9[%dma_wait3A_310, %dma_wait3A_311] : memref<10240x128xf32, #tpu.memory_space<vmem_shared>> -> memref<10240x128xf32, #tpu.memory_space<vmem_shared>>
          tpu.wait_indirect_dma semaphore(%arg17 : memref<!tpu.dma_semaphore, #tpu.memory_space<semaphore_mem>>) src(%arg12 : memref<128x128xf32, #tpu.memory_space<vmem>>) dst(%dma_wait3A_312 : memref<10240x128xf32, #tpu.memory_space<vmem_shared>>)
          %add3A_313 = arith.constant 16 : i32
          %add3A_314 = arith.addi %add3A_313, %add3A_256 : i32
          %add3A_315 = arith.constant 2 : i32
          %add3A_316 = arith.addi %add3A_314, %add3A_315 : i32
          %dma_start3A_317 = arith.constant 0 : i32
          %dma_start3A_318 = tpu.memref_slice %arg10[%add3A_316, %dma_start3A_317] : memref<80x128xi32, #tpu.memory_space<vmem>> -> memref<1x128xi32, #tpu.memory_space<vmem>>
          %dma_start3A_319 = tpu.memref_squeeze %dma_start3A_318 : memref<1x128xi32, #tpu.memory_space<vmem>> -> memref<128xi32, #tpu.memory_space<vmem>>
          %dma_start3A_320 = arith.constant 0 : i32
          %dma_start3A_321 = arith.constant 0 : i32
          %dma_start3A_322 = tpu.memref_slice %arg2[%dma_start3A_320, %dma_start3A_321] : memref<10240x128xf32, #tpu.memory_space<hbm>> -> memref<10240x128xf32, #tpu.memory_space<hbm>>
          tpu.enqueue_indirect_dma source(%dma_start3A_322 : memref<10240x128xf32, #tpu.memory_space<hbm>>) target(%arg12 : memref<128x128xf32, #tpu.memory_space<vmem>>) offsets(%dma_start3A_319 : memref<128xi32, #tpu.memory_space<vmem>>) semaphore(%arg15 : memref<!tpu.dma_semaphore, #tpu.memory_space<semaphore_mem>>)
        } else {
        }
        %add3A_280 = arith.constant 1 : i32
        %add3A_281 = arith.addi %add3A_254, %add3A_280 : i32
        %add3A_282 = arith.constant 16 : i32
        %add3A_283 = arith.addi %add3A_282, %add3A_281 : i32
        %dma_wait3A_284 = arith.constant 0 : i32
        %dma_wait3A_285 = tpu.memref_slice %arg10[%add3A_283, %dma_wait3A_284] : memref<80x128xi32, #tpu.memory_space<vmem>> -> memref<1x128xi32, #tpu.memory_space<vmem>>
        %dma_wait3A_286 = tpu.memref_squeeze %dma_wait3A_285 : memref<1x128xi32, #tpu.memory_space<vmem>> -> memref<128xi32, #tpu.memory_space<vmem>>
        %dma_wait3A_287 = arith.constant 0 : i32
        %dma_wait3A_288 = arith.constant 0 : i32
        %dma_wait3A_289 = tpu.memref_slice %arg2[%dma_wait3A_287, %dma_wait3A_288] : memref<10240x128xf32, #tpu.memory_space<hbm>> -> memref<10240x128xf32, #tpu.memory_space<hbm>>
        tpu.wait_indirect_dma semaphore(%arg16 : memref<!tpu.dma_semaphore, #tpu.memory_space<semaphore_mem>>) src(%dma_wait3A_289 : memref<10240x128xf32, #tpu.memory_space<hbm>>) dst(%arg13 : memref<128x128xf32, #tpu.memory_space<vmem>>)
        %dma_start3A_290 = arith.constant 1 : i32
        %dma_start3A_291 = arith.constant 0 : i32
        %dma_start3A_292 = tpu.memref_slice %arg11[%dma_start3A_290, %add3A_281, %dma_start3A_291] : memref<2x16x128xi32, #tpu.memory_space<vmem>> -> memref<1x1x128xi32, #tpu.memory_space<vmem>>
        %dma_start3A_293 = tpu.memref_squeeze %dma_start3A_292 : memref<1x1x128xi32, #tpu.memory_space<vmem>> -> memref<128xi32, #tpu.memory_space<vmem>>
        %dma_start3A_294 = arith.constant 0 : i32
        %dma_start3A_295 = arith.constant 0 : i32
        %dma_start3A_296 = tpu.memref_slice %arg9[%dma_start3A_294, %dma_start3A_295] : memref<10240x128xf32, #tpu.memory_space<vmem_shared>> -> memref<10240x128xf32, #tpu.memory_space<vmem_shared>>
        tpu.enqueue_indirect_dma source(%arg13 : memref<128x128xf32, #tpu.memory_space<vmem>>) target(%dma_start3A_296 : memref<10240x128xf32, #tpu.memory_space<vmem_shared>>) offsets(%dma_start3A_293 : memref<128xi32, #tpu.memory_space<vmem>>) semaphore(%arg18 : memref<!tpu.dma_semaphore, #tpu.memory_space<semaphore_mem>>) {add = true}
        %add3A_297 = arith.constant 16 : i32
        %add3A_298 = arith.addi %add3A_297, %add3A_281 : i32
        %add3A_299 = arith.constant 2 : i32
        %add3A_300 = arith.addi %add3A_298, %add3A_299 : i32
        %lt3A_301 = arith.constant 80 : i32
        %lt3A_302 = arith.cmpi slt, %add3A_300, %lt3A_301 : i32
        %convert_element_type3A_303 = arith.extui %lt3A_302 : i1 to i32
        %cond3A_304 = arith.constant 0 : i32
        %cond3A_305 = arith.cmpi ne, %convert_element_type3A_303, %cond3A_304 : i32
        scf.if %cond3A_305 {
          %dma_wait3A_306 = arith.constant 1 : i32
          %dma_wait3A_307 = arith.constant 0 : i32
          %dma_wait3A_308 = tpu.memref_slice %arg11[%dma_wait3A_306, %add3A_281, %dma_wait3A_307] : memref<2x16x128xi32, #tpu.memory_space<vmem>> -> memref<1x1x128xi32, #tpu.memory_space<vmem>>
          %dma_wait3A_309 = tpu.memref_squeeze %dma_wait3A_308 : memref<1x1x128xi32, #tpu.memory_space<vmem>> -> memref<128xi32, #tpu.memory_space<vmem>>
          %dma_wait3A_310 = arith.constant 0 : i32
          %dma_wait3A_311 = arith.constant 0 : i32
          %dma_wait3A_312 = tpu.memref_slice %arg9[%dma_wait3A_310, %dma_wait3A_311] : memref<10240x128xf32, #tpu.memory_space<vmem_shared>> -> memref<10240x128xf32, #tpu.memory_space<vmem_shared>>
          tpu.wait_indirect_dma semaphore(%arg18 : memref<!tpu.dma_semaphore, #tpu.memory_space<semaphore_mem>>) src(%arg13 : memref<128x128xf32, #tpu.memory_space<vmem>>) dst(%dma_wait3A_312 : memref<10240x128xf32, #tpu.memory_space<vmem_shared>>)
          %add3A_313 = arith.constant 16 : i32
          %add3A_314 = arith.addi %add3A_313, %add3A_281 : i32
          %add3A_315 = arith.constant 2 : i32
          %add3A_316 = arith.addi %add3A_314, %add3A_315 : i32
          %dma_start3A_317 = arith.constant 0 : i32
          %dma_start3A_318 = tpu.memref_slice %arg10[%add3A_316, %dma_start3A_317] : memref<80x128xi32, #tpu.memory_space<vmem>> -> memref<1x128xi32, #tpu.memory_space<vmem>>
          %dma_start3A_319 = tpu.memref_squeeze %dma_start3A_318 : memref<1x128xi32, #tpu.memory_space<vmem>> -> memref<128xi32, #tpu.memory_space<vmem>>
          %dma_start3A_320 = arith.constant 0 : i32
          %dma_start3A_321 = arith.constant 0 : i32
          %dma_start3A_322 = tpu.memref_slice %arg2[%dma_start3A_320, %dma_start3A_321] : memref<10240x128xf32, #tpu.memory_space<hbm>> -> memref<10240x128xf32, #tpu.memory_space<hbm>>
          tpu.enqueue_indirect_dma source(%dma_start3A_322 : memref<10240x128xf32, #tpu.memory_space<hbm>>) target(%arg13 : memref<128x128xf32, #tpu.memory_space<vmem>>) offsets(%dma_start3A_319 : memref<128xi32, #tpu.memory_space<vmem>>) semaphore(%arg16 : memref<!tpu.dma_semaphore, #tpu.memory_space<semaphore_mem>>)
        } else {
        }
      }
      %scan3A_143 = arith.constant 8 : i32
      %add3A_144 = arith.constant 48 : i32
      %add3A_145 = arith.addi %mul3A_19, %add3A_144 : i32
      %dma_start3A_146 = arith.constant 1 : i32
      %dma_start3A_147 = arith.constant 0 : i32
      %dma_start3A_148 = arith.constant 0 : i32
      %dma_start3A_149 = tpu.memref_slice %arg11[%dma_start3A_146, %dma_start3A_147, %dma_start3A_148] : memref<2x16x128xi32, #tpu.memory_space<vmem>> -> memref<1x16x128xi32, #tpu.memory_space<vmem>>
      %dma_start3A_150 = tpu.memref_squeeze %dma_start3A_149 : memref<1x16x128xi32, #tpu.memory_space<vmem>> -> memref<16x128xi32, #tpu.memory_space<vmem>>
      %dma_start3A_151 = arith.constant 0 : i32
      %dma_start3A_152 = tpu.memref_slice %arg5[%add3A_145, %dma_start3A_151] : memref<1280x128xi32, #tpu.memory_space<hbm>> -> memref<16x128xi32, #tpu.memory_space<hbm>>
      %dma_start3A_153 = arith.constant 0 : i32
      %dma_start3A_154 = arith.constant 0 : i32
      %dma_start3A_155 = tpu.memref_slice %arg11[%dma_start3A_146, %dma_start3A_153, %dma_start3A_154] : memref<2x16x128xi32, #tpu.memory_space<vmem>> -> memref<1x16x128xi32, #tpu.memory_space<vmem>>
      %dma_start3A_156 = tpu.memref_squeeze %dma_start3A_155 : memref<1x16x128xi32, #tpu.memory_space<vmem>> -> memref<16x128xi32, #tpu.memory_space<vmem>>
      %dma_start3A_157 = arith.constant 0 : i32
      %dma_start3A_158 = tpu.memref_slice %arg5[%add3A_145, %dma_start3A_157] : memref<1280x128xi32, #tpu.memory_space<hbm>> -> memref<16x128xi32, #tpu.memory_space<hbm>>
      tpu.enqueue_dma source(%dma_start3A_158 : memref<16x128xi32, #tpu.memory_space<hbm>>) target(%dma_start3A_156 : memref<16x128xi32, #tpu.memory_space<vmem>>) target_semaphore(%arg20 : memref<!tpu.dma_semaphore, #tpu.memory_space<semaphore_mem>>)
      %add3A_159 = arith.constant 32 : i32
      %add3A_160 = arith.addi %mul3A_19, %add3A_159 : i32
      %dma_wait3A_161 = arith.constant 0 : i32
      %dma_wait3A_162 = arith.constant 0 : i32
      %dma_wait3A_163 = arith.constant 0 : i32
      %dma_wait3A_164 = tpu.memref_slice %arg11[%dma_wait3A_161, %dma_wait3A_162, %dma_wait3A_163] : memref<2x16x128xi32, #tpu.memory_space<vmem>> -> memref<1x16x128xi32, #tpu.memory_space<vmem>>
      %dma_wait3A_165 = tpu.memref_squeeze %dma_wait3A_164 : memref<1x16x128xi32, #tpu.memory_space<vmem>> -> memref<16x128xi32, #tpu.memory_space<vmem>>
      %dma_wait3A_166 = arith.constant 0 : i32
      %dma_wait3A_167 = tpu.memref_slice %arg5[%add3A_160, %dma_wait3A_166] : memref<1280x128xi32, #tpu.memory_space<hbm>> -> memref<16x128xi32, #tpu.memory_space<hbm>>
      %dma_wait3A_168 = arith.constant 0 : i32
      %dma_wait3A_169 = arith.constant 0 : i32
      %dma_wait3A_170 = tpu.memref_slice %arg11[%dma_wait3A_161, %dma_wait3A_168, %dma_wait3A_169] : memref<2x16x128xi32, #tpu.memory_space<vmem>> -> memref<1x16x128xi32, #tpu.memory_space<vmem>>
      %dma_wait3A_171 = tpu.memref_squeeze %dma_wait3A_170 : memref<1x16x128xi32, #tpu.memory_space<vmem>> -> memref<16x128xi32, #tpu.memory_space<vmem>>
      %dma_wait3A_172 = arith.constant 0 : i32
      %dma_wait3A_173 = tpu.memref_slice %arg5[%add3A_160, %dma_wait3A_172] : memref<1280x128xi32, #tpu.memory_space<hbm>> -> memref<16x128xi32, #tpu.memory_space<hbm>>
      tpu.wait_dma2 semaphore(%arg19 : memref<!tpu.dma_semaphore, #tpu.memory_space<semaphore_mem>>) src(%dma_wait3A_173 : memref<16x128xi32, #tpu.memory_space<hbm>>) dst(%dma_wait3A_171 : memref<16x128xi32, #tpu.memory_space<vmem>>)
      %scan3A_174 = arith.constant 0 : i32
      %scan3A_175 = arith.constant 8 : i32
      %scan3A_176 = arith.addi %scan3A_174, %scan3A_175 : i32
      %scan3A_177 = arith.constant 1 : i32
      scf.for %scan3A_250 = %scan3A_174 to %scan3A_176 step %scan3A_177  : i32 {
        %mul3A_251 = arith.constant 2 : i32
        %mul3A_252 = arith.muli %scan3A_250, %mul3A_251 : i32
        %add3A_253 = arith.constant 0 : i32
        %add3A_254 = arith.addi %add3A_253, %mul3A_252 : i32
        %add3A_255 = arith.constant 0 : i32
        %add3A_256 = arith.addi %add3A_254, %add3A_255 : i32
        %add3A_257 = arith.constant 32 : i32
        %add3A_258 = arith.addi %add3A_257, %add3A_256 : i32
        %dma_wait3A_259 = arith.constant 0 : i32
        %dma_wait3A_260 = tpu.memref_slice %arg10[%add3A_258, %dma_wait3A_259] : memref<80x128xi32, #tpu.memory_space<vmem>> -> memref<1x128xi32, #tpu.memory_space<vmem>>
        %dma_wait3A_261 = tpu.memref_squeeze %dma_wait3A_260 : memref<1x128xi32, #tpu.memory_space<vmem>> -> memref<128xi32, #tpu.memory_space<vmem>>
        %dma_wait3A_262 = arith.constant 0 : i32
        %dma_wait3A_263 = arith.constant 0 : i32
        %dma_wait3A_264 = tpu.memref_slice %arg2[%dma_wait3A_262, %dma_wait3A_263] : memref<10240x128xf32, #tpu.memory_space<hbm>> -> memref<10240x128xf32, #tpu.memory_space<hbm>>
        tpu.wait_indirect_dma semaphore(%arg15 : memref<!tpu.dma_semaphore, #tpu.memory_space<semaphore_mem>>) src(%dma_wait3A_264 : memref<10240x128xf32, #tpu.memory_space<hbm>>) dst(%arg12 : memref<128x128xf32, #tpu.memory_space<vmem>>)
        %dma_start3A_265 = arith.constant 0 : i32
        %dma_start3A_266 = arith.constant 0 : i32
        %dma_start3A_267 = tpu.memref_slice %arg11[%dma_start3A_265, %add3A_256, %dma_start3A_266] : memref<2x16x128xi32, #tpu.memory_space<vmem>> -> memref<1x1x128xi32, #tpu.memory_space<vmem>>
        %dma_start3A_268 = tpu.memref_squeeze %dma_start3A_267 : memref<1x1x128xi32, #tpu.memory_space<vmem>> -> memref<128xi32, #tpu.memory_space<vmem>>
        %dma_start3A_269 = arith.constant 0 : i32
        %dma_start3A_270 = arith.constant 0 : i32
        %dma_start3A_271 = tpu.memref_slice %arg9[%dma_start3A_269, %dma_start3A_270] : memref<10240x128xf32, #tpu.memory_space<vmem_shared>> -> memref<10240x128xf32, #tpu.memory_space<vmem_shared>>
        tpu.enqueue_indirect_dma source(%arg12 : memref<128x128xf32, #tpu.memory_space<vmem>>) target(%dma_start3A_271 : memref<10240x128xf32, #tpu.memory_space<vmem_shared>>) offsets(%dma_start3A_268 : memref<128xi32, #tpu.memory_space<vmem>>) semaphore(%arg17 : memref<!tpu.dma_semaphore, #tpu.memory_space<semaphore_mem>>) {add = true}
        %add3A_272 = arith.constant 32 : i32
        %add3A_273 = arith.addi %add3A_272, %add3A_256 : i32
        %add3A_274 = arith.constant 2 : i32
        %add3A_275 = arith.addi %add3A_273, %add3A_274 : i32
        %lt3A = arith.constant 80 : i32
        %lt3A_276 = arith.cmpi slt, %add3A_275, %lt3A : i32
        %convert_element_type3A_277 = arith.extui %lt3A_276 : i1 to i32
        %cond3A_278 = arith.constant 0 : i32
        %cond3A_279 = arith.cmpi ne, %convert_element_type3A_277, %cond3A_278 : i32
        scf.if %cond3A_279 {
          %dma_wait3A_306 = arith.constant 0 : i32
          %dma_wait3A_307 = arith.constant 0 : i32
          %dma_wait3A_308 = tpu.memref_slice %arg11[%dma_wait3A_306, %add3A_256, %dma_wait3A_307] : memref<2x16x128xi32, #tpu.memory_space<vmem>> -> memref<1x1x128xi32, #tpu.memory_space<vmem>>
          %dma_wait3A_309 = tpu.memref_squeeze %dma_wait3A_308 : memref<1x1x128xi32, #tpu.memory_space<vmem>> -> memref<128xi32, #tpu.memory_space<vmem>>
          %dma_wait3A_310 = arith.constant 0 : i32
          %dma_wait3A_311 = arith.constant 0 : i32
          %dma_wait3A_312 = tpu.memref_slice %arg9[%dma_wait3A_310, %dma_wait3A_311] : memref<10240x128xf32, #tpu.memory_space<vmem_shared>> -> memref<10240x128xf32, #tpu.memory_space<vmem_shared>>
          tpu.wait_indirect_dma semaphore(%arg17 : memref<!tpu.dma_semaphore, #tpu.memory_space<semaphore_mem>>) src(%arg12 : memref<128x128xf32, #tpu.memory_space<vmem>>) dst(%dma_wait3A_312 : memref<10240x128xf32, #tpu.memory_space<vmem_shared>>)
          %add3A_313 = arith.constant 32 : i32
          %add3A_314 = arith.addi %add3A_313, %add3A_256 : i32
          %add3A_315 = arith.constant 2 : i32
          %add3A_316 = arith.addi %add3A_314, %add3A_315 : i32
          %dma_start3A_317 = arith.constant 0 : i32
          %dma_start3A_318 = tpu.memref_slice %arg10[%add3A_316, %dma_start3A_317] : memref<80x128xi32, #tpu.memory_space<vmem>> -> memref<1x128xi32, #tpu.memory_space<vmem>>
          %dma_start3A_319 = tpu.memref_squeeze %dma_start3A_318 : memref<1x128xi32, #tpu.memory_space<vmem>> -> memref<128xi32, #tpu.memory_space<vmem>>
          %dma_start3A_320 = arith.constant 0 : i32
          %dma_start3A_321 = arith.constant 0 : i32
          %dma_start3A_322 = tpu.memref_slice %arg2[%dma_start3A_320, %dma_start3A_321] : memref<10240x128xf32, #tpu.memory_space<hbm>> -> memref<10240x128xf32, #tpu.memory_space<hbm>>
          tpu.enqueue_indirect_dma source(%dma_start3A_322 : memref<10240x128xf32, #tpu.memory_space<hbm>>) target(%arg12 : memref<128x128xf32, #tpu.memory_space<vmem>>) offsets(%dma_start3A_319 : memref<128xi32, #tpu.memory_space<vmem>>) semaphore(%arg15 : memref<!tpu.dma_semaphore, #tpu.memory_space<semaphore_mem>>)
        } else {
        }
        %add3A_280 = arith.constant 1 : i32
        %add3A_281 = arith.addi %add3A_254, %add3A_280 : i32
        %add3A_282 = arith.constant 32 : i32
        %add3A_283 = arith.addi %add3A_282, %add3A_281 : i32
        %dma_wait3A_284 = arith.constant 0 : i32
        %dma_wait3A_285 = tpu.memref_slice %arg10[%add3A_283, %dma_wait3A_284] : memref<80x128xi32, #tpu.memory_space<vmem>> -> memref<1x128xi32, #tpu.memory_space<vmem>>
        %dma_wait3A_286 = tpu.memref_squeeze %dma_wait3A_285 : memref<1x128xi32, #tpu.memory_space<vmem>> -> memref<128xi32, #tpu.memory_space<vmem>>
        %dma_wait3A_287 = arith.constant 0 : i32
        %dma_wait3A_288 = arith.constant 0 : i32
        %dma_wait3A_289 = tpu.memref_slice %arg2[%dma_wait3A_287, %dma_wait3A_288] : memref<10240x128xf32, #tpu.memory_space<hbm>> -> memref<10240x128xf32, #tpu.memory_space<hbm>>
        tpu.wait_indirect_dma semaphore(%arg16 : memref<!tpu.dma_semaphore, #tpu.memory_space<semaphore_mem>>) src(%dma_wait3A_289 : memref<10240x128xf32, #tpu.memory_space<hbm>>) dst(%arg13 : memref<128x128xf32, #tpu.memory_space<vmem>>)
        %dma_start3A_290 = arith.constant 0 : i32
        %dma_start3A_291 = arith.constant 0 : i32
        %dma_start3A_292 = tpu.memref_slice %arg11[%dma_start3A_290, %add3A_281, %dma_start3A_291] : memref<2x16x128xi32, #tpu.memory_space<vmem>> -> memref<1x1x128xi32, #tpu.memory_space<vmem>>
        %dma_start3A_293 = tpu.memref_squeeze %dma_start3A_292 : memref<1x1x128xi32, #tpu.memory_space<vmem>> -> memref<128xi32, #tpu.memory_space<vmem>>
        %dma_start3A_294 = arith.constant 0 : i32
        %dma_start3A_295 = arith.constant 0 : i32
        %dma_start3A_296 = tpu.memref_slice %arg9[%dma_start3A_294, %dma_start3A_295] : memref<10240x128xf32, #tpu.memory_space<vmem_shared>> -> memref<10240x128xf32, #tpu.memory_space<vmem_shared>>
        tpu.enqueue_indirect_dma source(%arg13 : memref<128x128xf32, #tpu.memory_space<vmem>>) target(%dma_start3A_296 : memref<10240x128xf32, #tpu.memory_space<vmem_shared>>) offsets(%dma_start3A_293 : memref<128xi32, #tpu.memory_space<vmem>>) semaphore(%arg18 : memref<!tpu.dma_semaphore, #tpu.memory_space<semaphore_mem>>) {add = true}
        %add3A_297 = arith.constant 32 : i32
        %add3A_298 = arith.addi %add3A_297, %add3A_281 : i32
        %add3A_299 = arith.constant 2 : i32
        %add3A_300 = arith.addi %add3A_298, %add3A_299 : i32
        %lt3A_301 = arith.constant 80 : i32
        %lt3A_302 = arith.cmpi slt, %add3A_300, %lt3A_301 : i32
        %convert_element_type3A_303 = arith.extui %lt3A_302 : i1 to i32
        %cond3A_304 = arith.constant 0 : i32
        %cond3A_305 = arith.cmpi ne, %convert_element_type3A_303, %cond3A_304 : i32
        scf.if %cond3A_305 {
          %dma_wait3A_306 = arith.constant 0 : i32
          %dma_wait3A_307 = arith.constant 0 : i32
          %dma_wait3A_308 = tpu.memref_slice %arg11[%dma_wait3A_306, %add3A_281, %dma_wait3A_307] : memref<2x16x128xi32, #tpu.memory_space<vmem>> -> memref<1x1x128xi32, #tpu.memory_space<vmem>>
          %dma_wait3A_309 = tpu.memref_squeeze %dma_wait3A_308 : memref<1x1x128xi32, #tpu.memory_space<vmem>> -> memref<128xi32, #tpu.memory_space<vmem>>
          %dma_wait3A_310 = arith.constant 0 : i32
          %dma_wait3A_311 = arith.constant 0 : i32
          %dma_wait3A_312 = tpu.memref_slice %arg9[%dma_wait3A_310, %dma_wait3A_311] : memref<10240x128xf32, #tpu.memory_space<vmem_shared>> -> memref<10240x128xf32, #tpu.memory_space<vmem_shared>>
          tpu.wait_indirect_dma semaphore(%arg18 : memref<!tpu.dma_semaphore, #tpu.memory_space<semaphore_mem>>) src(%arg13 : memref<128x128xf32, #tpu.memory_space<vmem>>) dst(%dma_wait3A_312 : memref<10240x128xf32, #tpu.memory_space<vmem_shared>>)
          %add3A_313 = arith.constant 32 : i32
          %add3A_314 = arith.addi %add3A_313, %add3A_281 : i32
          %add3A_315 = arith.constant 2 : i32
          %add3A_316 = arith.addi %add3A_314, %add3A_315 : i32
          %dma_start3A_317 = arith.constant 0 : i32
          %dma_start3A_318 = tpu.memref_slice %arg10[%add3A_316, %dma_start3A_317] : memref<80x128xi32, #tpu.memory_space<vmem>> -> memref<1x128xi32, #tpu.memory_space<vmem>>
          %dma_start3A_319 = tpu.memref_squeeze %dma_start3A_318 : memref<1x128xi32, #tpu.memory_space<vmem>> -> memref<128xi32, #tpu.memory_space<vmem>>
          %dma_start3A_320 = arith.constant 0 : i32
          %dma_start3A_321 = arith.constant 0 : i32
          %dma_start3A_322 = tpu.memref_slice %arg2[%dma_start3A_320, %dma_start3A_321] : memref<10240x128xf32, #tpu.memory_space<hbm>> -> memref<10240x128xf32, #tpu.memory_space<hbm>>
          tpu.enqueue_indirect_dma source(%dma_start3A_322 : memref<10240x128xf32, #tpu.memory_space<hbm>>) target(%arg13 : memref<128x128xf32, #tpu.memory_space<vmem>>) offsets(%dma_start3A_319 : memref<128xi32, #tpu.memory_space<vmem>>) semaphore(%arg16 : memref<!tpu.dma_semaphore, #tpu.memory_space<semaphore_mem>>)
        } else {
        }
      }
      %scan3A_178 = arith.constant 8 : i32
      %add3A_179 = arith.constant 64 : i32
      %add3A_180 = arith.addi %mul3A_19, %add3A_179 : i32
      %dma_start3A_181 = arith.constant 0 : i32
      %dma_start3A_182 = arith.constant 0 : i32
      %dma_start3A_183 = arith.constant 0 : i32
      %dma_start3A_184 = tpu.memref_slice %arg11[%dma_start3A_181, %dma_start3A_182, %dma_start3A_183] : memref<2x16x128xi32, #tpu.memory_space<vmem>> -> memref<1x16x128xi32, #tpu.memory_space<vmem>>
      %dma_start3A_185 = tpu.memref_squeeze %dma_start3A_184 : memref<1x16x128xi32, #tpu.memory_space<vmem>> -> memref<16x128xi32, #tpu.memory_space<vmem>>
      %dma_start3A_186 = arith.constant 0 : i32
      %dma_start3A_187 = tpu.memref_slice %arg5[%add3A_180, %dma_start3A_186] : memref<1280x128xi32, #tpu.memory_space<hbm>> -> memref<16x128xi32, #tpu.memory_space<hbm>>
      %dma_start3A_188 = arith.constant 0 : i32
      %dma_start3A_189 = arith.constant 0 : i32
      %dma_start3A_190 = tpu.memref_slice %arg11[%dma_start3A_181, %dma_start3A_188, %dma_start3A_189] : memref<2x16x128xi32, #tpu.memory_space<vmem>> -> memref<1x16x128xi32, #tpu.memory_space<vmem>>
      %dma_start3A_191 = tpu.memref_squeeze %dma_start3A_190 : memref<1x16x128xi32, #tpu.memory_space<vmem>> -> memref<16x128xi32, #tpu.memory_space<vmem>>
      %dma_start3A_192 = arith.constant 0 : i32
      %dma_start3A_193 = tpu.memref_slice %arg5[%add3A_180, %dma_start3A_192] : memref<1280x128xi32, #tpu.memory_space<hbm>> -> memref<16x128xi32, #tpu.memory_space<hbm>>
      tpu.enqueue_dma source(%dma_start3A_193 : memref<16x128xi32, #tpu.memory_space<hbm>>) target(%dma_start3A_191 : memref<16x128xi32, #tpu.memory_space<vmem>>) target_semaphore(%arg19 : memref<!tpu.dma_semaphore, #tpu.memory_space<semaphore_mem>>)
      %add3A_194 = arith.constant 48 : i32
      %add3A_195 = arith.addi %mul3A_19, %add3A_194 : i32
      %dma_wait3A_196 = arith.constant 1 : i32
      %dma_wait3A_197 = arith.constant 0 : i32
      %dma_wait3A_198 = arith.constant 0 : i32
      %dma_wait3A_199 = tpu.memref_slice %arg11[%dma_wait3A_196, %dma_wait3A_197, %dma_wait3A_198] : memref<2x16x128xi32, #tpu.memory_space<vmem>> -> memref<1x16x128xi32, #tpu.memory_space<vmem>>
      %dma_wait3A_200 = tpu.memref_squeeze %dma_wait3A_199 : memref<1x16x128xi32, #tpu.memory_space<vmem>> -> memref<16x128xi32, #tpu.memory_space<vmem>>
      %dma_wait3A_201 = arith.constant 0 : i32
      %dma_wait3A_202 = tpu.memref_slice %arg5[%add3A_195, %dma_wait3A_201] : memref<1280x128xi32, #tpu.memory_space<hbm>> -> memref<16x128xi32, #tpu.memory_space<hbm>>
      %dma_wait3A_203 = arith.constant 0 : i32
      %dma_wait3A_204 = arith.constant 0 : i32
      %dma_wait3A_205 = tpu.memref_slice %arg11[%dma_wait3A_196, %dma_wait3A_203, %dma_wait3A_204] : memref<2x16x128xi32, #tpu.memory_space<vmem>> -> memref<1x16x128xi32, #tpu.memory_space<vmem>>
      %dma_wait3A_206 = tpu.memref_squeeze %dma_wait3A_205 : memref<1x16x128xi32, #tpu.memory_space<vmem>> -> memref<16x128xi32, #tpu.memory_space<vmem>>
      %dma_wait3A_207 = arith.constant 0 : i32
      %dma_wait3A_208 = tpu.memref_slice %arg5[%add3A_195, %dma_wait3A_207] : memref<1280x128xi32, #tpu.memory_space<hbm>> -> memref<16x128xi32, #tpu.memory_space<hbm>>
      tpu.wait_dma2 semaphore(%arg20 : memref<!tpu.dma_semaphore, #tpu.memory_space<semaphore_mem>>) src(%dma_wait3A_208 : memref<16x128xi32, #tpu.memory_space<hbm>>) dst(%dma_wait3A_206 : memref<16x128xi32, #tpu.memory_space<vmem>>)
      %scan3A_209 = arith.constant 0 : i32
      %scan3A_210 = arith.constant 8 : i32
      %scan3A_211 = arith.addi %scan3A_209, %scan3A_210 : i32
      %scan3A_212 = arith.constant 1 : i32
      scf.for %scan3A_250 = %scan3A_209 to %scan3A_211 step %scan3A_212  : i32 {
        %mul3A_251 = arith.constant 2 : i32
        %mul3A_252 = arith.muli %scan3A_250, %mul3A_251 : i32
        %add3A_253 = arith.constant 0 : i32
        %add3A_254 = arith.addi %add3A_253, %mul3A_252 : i32
        %add3A_255 = arith.constant 0 : i32
        %add3A_256 = arith.addi %add3A_254, %add3A_255 : i32
        %add3A_257 = arith.constant 48 : i32
        %add3A_258 = arith.addi %add3A_257, %add3A_256 : i32
        %dma_wait3A_259 = arith.constant 0 : i32
        %dma_wait3A_260 = tpu.memref_slice %arg10[%add3A_258, %dma_wait3A_259] : memref<80x128xi32, #tpu.memory_space<vmem>> -> memref<1x128xi32, #tpu.memory_space<vmem>>
        %dma_wait3A_261 = tpu.memref_squeeze %dma_wait3A_260 : memref<1x128xi32, #tpu.memory_space<vmem>> -> memref<128xi32, #tpu.memory_space<vmem>>
        %dma_wait3A_262 = arith.constant 0 : i32
        %dma_wait3A_263 = arith.constant 0 : i32
        %dma_wait3A_264 = tpu.memref_slice %arg2[%dma_wait3A_262, %dma_wait3A_263] : memref<10240x128xf32, #tpu.memory_space<hbm>> -> memref<10240x128xf32, #tpu.memory_space<hbm>>
        tpu.wait_indirect_dma semaphore(%arg15 : memref<!tpu.dma_semaphore, #tpu.memory_space<semaphore_mem>>) src(%dma_wait3A_264 : memref<10240x128xf32, #tpu.memory_space<hbm>>) dst(%arg12 : memref<128x128xf32, #tpu.memory_space<vmem>>)
        %dma_start3A_265 = arith.constant 1 : i32
        %dma_start3A_266 = arith.constant 0 : i32
        %dma_start3A_267 = tpu.memref_slice %arg11[%dma_start3A_265, %add3A_256, %dma_start3A_266] : memref<2x16x128xi32, #tpu.memory_space<vmem>> -> memref<1x1x128xi32, #tpu.memory_space<vmem>>
        %dma_start3A_268 = tpu.memref_squeeze %dma_start3A_267 : memref<1x1x128xi32, #tpu.memory_space<vmem>> -> memref<128xi32, #tpu.memory_space<vmem>>
        %dma_start3A_269 = arith.constant 0 : i32
        %dma_start3A_270 = arith.constant 0 : i32
        %dma_start3A_271 = tpu.memref_slice %arg9[%dma_start3A_269, %dma_start3A_270] : memref<10240x128xf32, #tpu.memory_space<vmem_shared>> -> memref<10240x128xf32, #tpu.memory_space<vmem_shared>>
        tpu.enqueue_indirect_dma source(%arg12 : memref<128x128xf32, #tpu.memory_space<vmem>>) target(%dma_start3A_271 : memref<10240x128xf32, #tpu.memory_space<vmem_shared>>) offsets(%dma_start3A_268 : memref<128xi32, #tpu.memory_space<vmem>>) semaphore(%arg17 : memref<!tpu.dma_semaphore, #tpu.memory_space<semaphore_mem>>) {add = true}
        %add3A_272 = arith.constant 48 : i32
        %add3A_273 = arith.addi %add3A_272, %add3A_256 : i32
        %add3A_274 = arith.constant 2 : i32
        %add3A_275 = arith.addi %add3A_273, %add3A_274 : i32
        %lt3A = arith.constant 80 : i32
        %lt3A_276 = arith.cmpi slt, %add3A_275, %lt3A : i32
        %convert_element_type3A_277 = arith.extui %lt3A_276 : i1 to i32
        %cond3A_278 = arith.constant 0 : i32
        %cond3A_279 = arith.cmpi ne, %convert_element_type3A_277, %cond3A_278 : i32
        scf.if %cond3A_279 {
          %dma_wait3A_306 = arith.constant 1 : i32
          %dma_wait3A_307 = arith.constant 0 : i32
          %dma_wait3A_308 = tpu.memref_slice %arg11[%dma_wait3A_306, %add3A_256, %dma_wait3A_307] : memref<2x16x128xi32, #tpu.memory_space<vmem>> -> memref<1x1x128xi32, #tpu.memory_space<vmem>>
          %dma_wait3A_309 = tpu.memref_squeeze %dma_wait3A_308 : memref<1x1x128xi32, #tpu.memory_space<vmem>> -> memref<128xi32, #tpu.memory_space<vmem>>
          %dma_wait3A_310 = arith.constant 0 : i32
          %dma_wait3A_311 = arith.constant 0 : i32
          %dma_wait3A_312 = tpu.memref_slice %arg9[%dma_wait3A_310, %dma_wait3A_311] : memref<10240x128xf32, #tpu.memory_space<vmem_shared>> -> memref<10240x128xf32, #tpu.memory_space<vmem_shared>>
          tpu.wait_indirect_dma semaphore(%arg17 : memref<!tpu.dma_semaphore, #tpu.memory_space<semaphore_mem>>) src(%arg12 : memref<128x128xf32, #tpu.memory_space<vmem>>) dst(%dma_wait3A_312 : memref<10240x128xf32, #tpu.memory_space<vmem_shared>>)
          %add3A_313 = arith.constant 48 : i32
          %add3A_314 = arith.addi %add3A_313, %add3A_256 : i32
          %add3A_315 = arith.constant 2 : i32
          %add3A_316 = arith.addi %add3A_314, %add3A_315 : i32
          %dma_start3A_317 = arith.constant 0 : i32
          %dma_start3A_318 = tpu.memref_slice %arg10[%add3A_316, %dma_start3A_317] : memref<80x128xi32, #tpu.memory_space<vmem>> -> memref<1x128xi32, #tpu.memory_space<vmem>>
          %dma_start3A_319 = tpu.memref_squeeze %dma_start3A_318 : memref<1x128xi32, #tpu.memory_space<vmem>> -> memref<128xi32, #tpu.memory_space<vmem>>
          %dma_start3A_320 = arith.constant 0 : i32
          %dma_start3A_321 = arith.constant 0 : i32
          %dma_start3A_322 = tpu.memref_slice %arg2[%dma_start3A_320, %dma_start3A_321] : memref<10240x128xf32, #tpu.memory_space<hbm>> -> memref<10240x128xf32, #tpu.memory_space<hbm>>
          tpu.enqueue_indirect_dma source(%dma_start3A_322 : memref<10240x128xf32, #tpu.memory_space<hbm>>) target(%arg12 : memref<128x128xf32, #tpu.memory_space<vmem>>) offsets(%dma_start3A_319 : memref<128xi32, #tpu.memory_space<vmem>>) semaphore(%arg15 : memref<!tpu.dma_semaphore, #tpu.memory_space<semaphore_mem>>)
        } else {
        }
        %add3A_280 = arith.constant 1 : i32
        %add3A_281 = arith.addi %add3A_254, %add3A_280 : i32
        %add3A_282 = arith.constant 48 : i32
        %add3A_283 = arith.addi %add3A_282, %add3A_281 : i32
        %dma_wait3A_284 = arith.constant 0 : i32
        %dma_wait3A_285 = tpu.memref_slice %arg10[%add3A_283, %dma_wait3A_284] : memref<80x128xi32, #tpu.memory_space<vmem>> -> memref<1x128xi32, #tpu.memory_space<vmem>>
        %dma_wait3A_286 = tpu.memref_squeeze %dma_wait3A_285 : memref<1x128xi32, #tpu.memory_space<vmem>> -> memref<128xi32, #tpu.memory_space<vmem>>
        %dma_wait3A_287 = arith.constant 0 : i32
        %dma_wait3A_288 = arith.constant 0 : i32
        %dma_wait3A_289 = tpu.memref_slice %arg2[%dma_wait3A_287, %dma_wait3A_288] : memref<10240x128xf32, #tpu.memory_space<hbm>> -> memref<10240x128xf32, #tpu.memory_space<hbm>>
        tpu.wait_indirect_dma semaphore(%arg16 : memref<!tpu.dma_semaphore, #tpu.memory_space<semaphore_mem>>) src(%dma_wait3A_289 : memref<10240x128xf32, #tpu.memory_space<hbm>>) dst(%arg13 : memref<128x128xf32, #tpu.memory_space<vmem>>)
        %dma_start3A_290 = arith.constant 1 : i32
        %dma_start3A_291 = arith.constant 0 : i32
        %dma_start3A_292 = tpu.memref_slice %arg11[%dma_start3A_290, %add3A_281, %dma_start3A_291] : memref<2x16x128xi32, #tpu.memory_space<vmem>> -> memref<1x1x128xi32, #tpu.memory_space<vmem>>
        %dma_start3A_293 = tpu.memref_squeeze %dma_start3A_292 : memref<1x1x128xi32, #tpu.memory_space<vmem>> -> memref<128xi32, #tpu.memory_space<vmem>>
        %dma_start3A_294 = arith.constant 0 : i32
        %dma_start3A_295 = arith.constant 0 : i32
        %dma_start3A_296 = tpu.memref_slice %arg9[%dma_start3A_294, %dma_start3A_295] : memref<10240x128xf32, #tpu.memory_space<vmem_shared>> -> memref<10240x128xf32, #tpu.memory_space<vmem_shared>>
        tpu.enqueue_indirect_dma source(%arg13 : memref<128x128xf32, #tpu.memory_space<vmem>>) target(%dma_start3A_296 : memref<10240x128xf32, #tpu.memory_space<vmem_shared>>) offsets(%dma_start3A_293 : memref<128xi32, #tpu.memory_space<vmem>>) semaphore(%arg18 : memref<!tpu.dma_semaphore, #tpu.memory_space<semaphore_mem>>) {add = true}
        %add3A_297 = arith.constant 48 : i32
        %add3A_298 = arith.addi %add3A_297, %add3A_281 : i32
        %add3A_299 = arith.constant 2 : i32
        %add3A_300 = arith.addi %add3A_298, %add3A_299 : i32
        %lt3A_301 = arith.constant 80 : i32
        %lt3A_302 = arith.cmpi slt, %add3A_300, %lt3A_301 : i32
        %convert_element_type3A_303 = arith.extui %lt3A_302 : i1 to i32
        %cond3A_304 = arith.constant 0 : i32
        %cond3A_305 = arith.cmpi ne, %convert_element_type3A_303, %cond3A_304 : i32
        scf.if %cond3A_305 {
          %dma_wait3A_306 = arith.constant 1 : i32
          %dma_wait3A_307 = arith.constant 0 : i32
          %dma_wait3A_308 = tpu.memref_slice %arg11[%dma_wait3A_306, %add3A_281, %dma_wait3A_307] : memref<2x16x128xi32, #tpu.memory_space<vmem>> -> memref<1x1x128xi32, #tpu.memory_space<vmem>>
          %dma_wait3A_309 = tpu.memref_squeeze %dma_wait3A_308 : memref<1x1x128xi32, #tpu.memory_space<vmem>> -> memref<128xi32, #tpu.memory_space<vmem>>
          %dma_wait3A_310 = arith.constant 0 : i32
          %dma_wait3A_311 = arith.constant 0 : i32
          %dma_wait3A_312 = tpu.memref_slice %arg9[%dma_wait3A_310, %dma_wait3A_311] : memref<10240x128xf32, #tpu.memory_space<vmem_shared>> -> memref<10240x128xf32, #tpu.memory_space<vmem_shared>>
          tpu.wait_indirect_dma semaphore(%arg18 : memref<!tpu.dma_semaphore, #tpu.memory_space<semaphore_mem>>) src(%arg13 : memref<128x128xf32, #tpu.memory_space<vmem>>) dst(%dma_wait3A_312 : memref<10240x128xf32, #tpu.memory_space<vmem_shared>>)
          %add3A_313 = arith.constant 48 : i32
          %add3A_314 = arith.addi %add3A_313, %add3A_281 : i32
          %add3A_315 = arith.constant 2 : i32
          %add3A_316 = arith.addi %add3A_314, %add3A_315 : i32
          %dma_start3A_317 = arith.constant 0 : i32
          %dma_start3A_318 = tpu.memref_slice %arg10[%add3A_316, %dma_start3A_317] : memref<80x128xi32, #tpu.memory_space<vmem>> -> memref<1x128xi32, #tpu.memory_space<vmem>>
          %dma_start3A_319 = tpu.memref_squeeze %dma_start3A_318 : memref<1x128xi32, #tpu.memory_space<vmem>> -> memref<128xi32, #tpu.memory_space<vmem>>
          %dma_start3A_320 = arith.constant 0 : i32
          %dma_start3A_321 = arith.constant 0 : i32
          %dma_start3A_322 = tpu.memref_slice %arg2[%dma_start3A_320, %dma_start3A_321] : memref<10240x128xf32, #tpu.memory_space<hbm>> -> memref<10240x128xf32, #tpu.memory_space<hbm>>
          tpu.enqueue_indirect_dma source(%dma_start3A_322 : memref<10240x128xf32, #tpu.memory_space<hbm>>) target(%arg13 : memref<128x128xf32, #tpu.memory_space<vmem>>) offsets(%dma_start3A_319 : memref<128xi32, #tpu.memory_space<vmem>>) semaphore(%arg16 : memref<!tpu.dma_semaphore, #tpu.memory_space<semaphore_mem>>)
        } else {
        }
      }
      %scan3A_213 = arith.constant 8 : i32
      %add3A_214 = arith.constant 64 : i32
      %add3A_215 = arith.addi %mul3A_19, %add3A_214 : i32
      %dma_wait3A_216 = arith.constant 0 : i32
      %dma_wait3A_217 = arith.constant 0 : i32
      %dma_wait3A_218 = arith.constant 0 : i32
      %dma_wait3A_219 = tpu.memref_slice %arg11[%dma_wait3A_216, %dma_wait3A_217, %dma_wait3A_218] : memref<2x16x128xi32, #tpu.memory_space<vmem>> -> memref<1x16x128xi32, #tpu.memory_space<vmem>>
      %dma_wait3A_220 = tpu.memref_squeeze %dma_wait3A_219 : memref<1x16x128xi32, #tpu.memory_space<vmem>> -> memref<16x128xi32, #tpu.memory_space<vmem>>
      %dma_wait3A_221 = arith.constant 0 : i32
      %dma_wait3A_222 = tpu.memref_slice %arg5[%add3A_215, %dma_wait3A_221] : memref<1280x128xi32, #tpu.memory_space<hbm>> -> memref<16x128xi32, #tpu.memory_space<hbm>>
      %dma_wait3A_223 = arith.constant 0 : i32
      %dma_wait3A_224 = arith.constant 0 : i32
      %dma_wait3A_225 = tpu.memref_slice %arg11[%dma_wait3A_216, %dma_wait3A_223, %dma_wait3A_224] : memref<2x16x128xi32, #tpu.memory_space<vmem>> -> memref<1x16x128xi32, #tpu.memory_space<vmem>>
      %dma_wait3A_226 = tpu.memref_squeeze %dma_wait3A_225 : memref<1x16x128xi32, #tpu.memory_space<vmem>> -> memref<16x128xi32, #tpu.memory_space<vmem>>
      %dma_wait3A_227 = arith.constant 0 : i32
      %dma_wait3A_228 = tpu.memref_slice %arg5[%add3A_215, %dma_wait3A_227] : memref<1280x128xi32, #tpu.memory_space<hbm>> -> memref<16x128xi32, #tpu.memory_space<hbm>>
      tpu.wait_dma2 semaphore(%arg19 : memref<!tpu.dma_semaphore, #tpu.memory_space<semaphore_mem>>) src(%dma_wait3A_228 : memref<16x128xi32, #tpu.memory_space<hbm>>) dst(%dma_wait3A_226 : memref<16x128xi32, #tpu.memory_space<vmem>>)
      %scan3A_229 = arith.constant 0 : i32
      %scan3A_230 = arith.constant 8 : i32
      %scan3A_231 = arith.addi %scan3A_229, %scan3A_230 : i32
      %scan3A_232 = arith.constant 1 : i32
      scf.for %scan3A_250 = %scan3A_229 to %scan3A_231 step %scan3A_232  : i32 {
        %mul3A_251 = arith.constant 2 : i32
        %mul3A_252 = arith.muli %scan3A_250, %mul3A_251 : i32
        %add3A_253 = arith.constant 0 : i32
        %add3A_254 = arith.addi %add3A_253, %mul3A_252 : i32
        %add3A_255 = arith.constant 0 : i32
        %add3A_256 = arith.addi %add3A_254, %add3A_255 : i32
        %add3A_257 = arith.constant 64 : i32
        %add3A_258 = arith.addi %add3A_257, %add3A_256 : i32
        %dma_wait3A_259 = arith.constant 0 : i32
        %dma_wait3A_260 = tpu.memref_slice %arg10[%add3A_258, %dma_wait3A_259] : memref<80x128xi32, #tpu.memory_space<vmem>> -> memref<1x128xi32, #tpu.memory_space<vmem>>
        %dma_wait3A_261 = tpu.memref_squeeze %dma_wait3A_260 : memref<1x128xi32, #tpu.memory_space<vmem>> -> memref<128xi32, #tpu.memory_space<vmem>>
        %dma_wait3A_262 = arith.constant 0 : i32
        %dma_wait3A_263 = arith.constant 0 : i32
        %dma_wait3A_264 = tpu.memref_slice %arg2[%dma_wait3A_262, %dma_wait3A_263] : memref<10240x128xf32, #tpu.memory_space<hbm>> -> memref<10240x128xf32, #tpu.memory_space<hbm>>
        tpu.wait_indirect_dma semaphore(%arg15 : memref<!tpu.dma_semaphore, #tpu.memory_space<semaphore_mem>>) src(%dma_wait3A_264 : memref<10240x128xf32, #tpu.memory_space<hbm>>) dst(%arg12 : memref<128x128xf32, #tpu.memory_space<vmem>>)
        %dma_start3A_265 = arith.constant 0 : i32
        %dma_start3A_266 = arith.constant 0 : i32
        %dma_start3A_267 = tpu.memref_slice %arg11[%dma_start3A_265, %add3A_256, %dma_start3A_266] : memref<2x16x128xi32, #tpu.memory_space<vmem>> -> memref<1x1x128xi32, #tpu.memory_space<vmem>>
        %dma_start3A_268 = tpu.memref_squeeze %dma_start3A_267 : memref<1x1x128xi32, #tpu.memory_space<vmem>> -> memref<128xi32, #tpu.memory_space<vmem>>
        %dma_start3A_269 = arith.constant 0 : i32
        %dma_start3A_270 = arith.constant 0 : i32
        %dma_start3A_271 = tpu.memref_slice %arg9[%dma_start3A_269, %dma_start3A_270] : memref<10240x128xf32, #tpu.memory_space<vmem_shared>> -> memref<10240x128xf32, #tpu.memory_space<vmem_shared>>
        tpu.enqueue_indirect_dma source(%arg12 : memref<128x128xf32, #tpu.memory_space<vmem>>) target(%dma_start3A_271 : memref<10240x128xf32, #tpu.memory_space<vmem_shared>>) offsets(%dma_start3A_268 : memref<128xi32, #tpu.memory_space<vmem>>) semaphore(%arg17 : memref<!tpu.dma_semaphore, #tpu.memory_space<semaphore_mem>>) {add = true}
        %add3A_272 = arith.constant 64 : i32
        %add3A_273 = arith.addi %add3A_272, %add3A_256 : i32
        %add3A_274 = arith.constant 2 : i32
        %add3A_275 = arith.addi %add3A_273, %add3A_274 : i32
        %lt3A = arith.constant 80 : i32
        %lt3A_276 = arith.cmpi slt, %add3A_275, %lt3A : i32
        %convert_element_type3A_277 = arith.extui %lt3A_276 : i1 to i32
        %cond3A_278 = arith.constant 0 : i32
        %cond3A_279 = arith.cmpi ne, %convert_element_type3A_277, %cond3A_278 : i32
        scf.if %cond3A_279 {
          %dma_wait3A_306 = arith.constant 0 : i32
          %dma_wait3A_307 = arith.constant 0 : i32
          %dma_wait3A_308 = tpu.memref_slice %arg11[%dma_wait3A_306, %add3A_256, %dma_wait3A_307] : memref<2x16x128xi32, #tpu.memory_space<vmem>> -> memref<1x1x128xi32, #tpu.memory_space<vmem>>
          %dma_wait3A_309 = tpu.memref_squeeze %dma_wait3A_308 : memref<1x1x128xi32, #tpu.memory_space<vmem>> -> memref<128xi32, #tpu.memory_space<vmem>>
          %dma_wait3A_310 = arith.constant 0 : i32
          %dma_wait3A_311 = arith.constant 0 : i32
          %dma_wait3A_312 = tpu.memref_slice %arg9[%dma_wait3A_310, %dma_wait3A_311] : memref<10240x128xf32, #tpu.memory_space<vmem_shared>> -> memref<10240x128xf32, #tpu.memory_space<vmem_shared>>
          tpu.wait_indirect_dma semaphore(%arg17 : memref<!tpu.dma_semaphore, #tpu.memory_space<semaphore_mem>>) src(%arg12 : memref<128x128xf32, #tpu.memory_space<vmem>>) dst(%dma_wait3A_312 : memref<10240x128xf32, #tpu.memory_space<vmem_shared>>)
          %add3A_313 = arith.constant 64 : i32
          %add3A_314 = arith.addi %add3A_313, %add3A_256 : i32
          %add3A_315 = arith.constant 2 : i32
          %add3A_316 = arith.addi %add3A_314, %add3A_315 : i32
          %dma_start3A_317 = arith.constant 0 : i32
          %dma_start3A_318 = tpu.memref_slice %arg10[%add3A_316, %dma_start3A_317] : memref<80x128xi32, #tpu.memory_space<vmem>> -> memref<1x128xi32, #tpu.memory_space<vmem>>
          %dma_start3A_319 = tpu.memref_squeeze %dma_start3A_318 : memref<1x128xi32, #tpu.memory_space<vmem>> -> memref<128xi32, #tpu.memory_space<vmem>>
          %dma_start3A_320 = arith.constant 0 : i32
          %dma_start3A_321 = arith.constant 0 : i32
          %dma_start3A_322 = tpu.memref_slice %arg2[%dma_start3A_320, %dma_start3A_321] : memref<10240x128xf32, #tpu.memory_space<hbm>> -> memref<10240x128xf32, #tpu.memory_space<hbm>>
          tpu.enqueue_indirect_dma source(%dma_start3A_322 : memref<10240x128xf32, #tpu.memory_space<hbm>>) target(%arg12 : memref<128x128xf32, #tpu.memory_space<vmem>>) offsets(%dma_start3A_319 : memref<128xi32, #tpu.memory_space<vmem>>) semaphore(%arg15 : memref<!tpu.dma_semaphore, #tpu.memory_space<semaphore_mem>>)
        } else {
        }
        %add3A_280 = arith.constant 1 : i32
        %add3A_281 = arith.addi %add3A_254, %add3A_280 : i32
        %add3A_282 = arith.constant 64 : i32
        %add3A_283 = arith.addi %add3A_282, %add3A_281 : i32
        %dma_wait3A_284 = arith.constant 0 : i32
        %dma_wait3A_285 = tpu.memref_slice %arg10[%add3A_283, %dma_wait3A_284] : memref<80x128xi32, #tpu.memory_space<vmem>> -> memref<1x128xi32, #tpu.memory_space<vmem>>
        %dma_wait3A_286 = tpu.memref_squeeze %dma_wait3A_285 : memref<1x128xi32, #tpu.memory_space<vmem>> -> memref<128xi32, #tpu.memory_space<vmem>>
        %dma_wait3A_287 = arith.constant 0 : i32
        %dma_wait3A_288 = arith.constant 0 : i32
        %dma_wait3A_289 = tpu.memref_slice %arg2[%dma_wait3A_287, %dma_wait3A_288] : memref<10240x128xf32, #tpu.memory_space<hbm>> -> memref<10240x128xf32, #tpu.memory_space<hbm>>
        tpu.wait_indirect_dma semaphore(%arg16 : memref<!tpu.dma_semaphore, #tpu.memory_space<semaphore_mem>>) src(%dma_wait3A_289 : memref<10240x128xf32, #tpu.memory_space<hbm>>) dst(%arg13 : memref<128x128xf32, #tpu.memory_space<vmem>>)
        %dma_start3A_290 = arith.constant 0 : i32
        %dma_start3A_291 = arith.constant 0 : i32
        %dma_start3A_292 = tpu.memref_slice %arg11[%dma_start3A_290, %add3A_281, %dma_start3A_291] : memref<2x16x128xi32, #tpu.memory_space<vmem>> -> memref<1x1x128xi32, #tpu.memory_space<vmem>>
        %dma_start3A_293 = tpu.memref_squeeze %dma_start3A_292 : memref<1x1x128xi32, #tpu.memory_space<vmem>> -> memref<128xi32, #tpu.memory_space<vmem>>
        %dma_start3A_294 = arith.constant 0 : i32
        %dma_start3A_295 = arith.constant 0 : i32
        %dma_start3A_296 = tpu.memref_slice %arg9[%dma_start3A_294, %dma_start3A_295] : memref<10240x128xf32, #tpu.memory_space<vmem_shared>> -> memref<10240x128xf32, #tpu.memory_space<vmem_shared>>
        tpu.enqueue_indirect_dma source(%arg13 : memref<128x128xf32, #tpu.memory_space<vmem>>) target(%dma_start3A_296 : memref<10240x128xf32, #tpu.memory_space<vmem_shared>>) offsets(%dma_start3A_293 : memref<128xi32, #tpu.memory_space<vmem>>) semaphore(%arg18 : memref<!tpu.dma_semaphore, #tpu.memory_space<semaphore_mem>>) {add = true}
        %add3A_297 = arith.constant 64 : i32
        %add3A_298 = arith.addi %add3A_297, %add3A_281 : i32
        %add3A_299 = arith.constant 2 : i32
        %add3A_300 = arith.addi %add3A_298, %add3A_299 : i32
        %lt3A_301 = arith.constant 80 : i32
        %lt3A_302 = arith.cmpi slt, %add3A_300, %lt3A_301 : i32
        %convert_element_type3A_303 = arith.extui %lt3A_302 : i1 to i32
        %cond3A_304 = arith.constant 0 : i32
        %cond3A_305 = arith.cmpi ne, %convert_element_type3A_303, %cond3A_304 : i32
        scf.if %cond3A_305 {
          %dma_wait3A_306 = arith.constant 0 : i32
          %dma_wait3A_307 = arith.constant 0 : i32
          %dma_wait3A_308 = tpu.memref_slice %arg11[%dma_wait3A_306, %add3A_281, %dma_wait3A_307] : memref<2x16x128xi32, #tpu.memory_space<vmem>> -> memref<1x1x128xi32, #tpu.memory_space<vmem>>
          %dma_wait3A_309 = tpu.memref_squeeze %dma_wait3A_308 : memref<1x1x128xi32, #tpu.memory_space<vmem>> -> memref<128xi32, #tpu.memory_space<vmem>>
          %dma_wait3A_310 = arith.constant 0 : i32
          %dma_wait3A_311 = arith.constant 0 : i32
          %dma_wait3A_312 = tpu.memref_slice %arg9[%dma_wait3A_310, %dma_wait3A_311] : memref<10240x128xf32, #tpu.memory_space<vmem_shared>> -> memref<10240x128xf32, #tpu.memory_space<vmem_shared>>
          tpu.wait_indirect_dma semaphore(%arg18 : memref<!tpu.dma_semaphore, #tpu.memory_space<semaphore_mem>>) src(%arg13 : memref<128x128xf32, #tpu.memory_space<vmem>>) dst(%dma_wait3A_312 : memref<10240x128xf32, #tpu.memory_space<vmem_shared>>)
          %add3A_313 = arith.constant 64 : i32
          %add3A_314 = arith.addi %add3A_313, %add3A_281 : i32
          %add3A_315 = arith.constant 2 : i32
          %add3A_316 = arith.addi %add3A_314, %add3A_315 : i32
          %dma_start3A_317 = arith.constant 0 : i32
          %dma_start3A_318 = tpu.memref_slice %arg10[%add3A_316, %dma_start3A_317] : memref<80x128xi32, #tpu.memory_space<vmem>> -> memref<1x128xi32, #tpu.memory_space<vmem>>
          %dma_start3A_319 = tpu.memref_squeeze %dma_start3A_318 : memref<1x128xi32, #tpu.memory_space<vmem>> -> memref<128xi32, #tpu.memory_space<vmem>>
          %dma_start3A_320 = arith.constant 0 : i32
          %dma_start3A_321 = arith.constant 0 : i32
          %dma_start3A_322 = tpu.memref_slice %arg2[%dma_start3A_320, %dma_start3A_321] : memref<10240x128xf32, #tpu.memory_space<hbm>> -> memref<10240x128xf32, #tpu.memory_space<hbm>>
          tpu.enqueue_indirect_dma source(%dma_start3A_322 : memref<10240x128xf32, #tpu.memory_space<hbm>>) target(%arg13 : memref<128x128xf32, #tpu.memory_space<vmem>>) offsets(%dma_start3A_319 : memref<128xi32, #tpu.memory_space<vmem>>) semaphore(%arg16 : memref<!tpu.dma_semaphore, #tpu.memory_space<semaphore_mem>>)
        } else {
        }
      }
      %scan3A_233 = arith.constant 8 : i32
      %dma_wait3A_234 = arith.constant 0 : i32
      %dma_wait3A_235 = arith.constant 14 : i32
      %dma_wait3A_236 = arith.constant 0 : i32
      %dma_wait3A_237 = tpu.memref_slice %arg11[%dma_wait3A_234, %dma_wait3A_235, %dma_wait3A_236] : memref<2x16x128xi32, #tpu.memory_space<vmem>> -> memref<1x1x128xi32, #tpu.memory_space<vmem>>
      %dma_wait3A_238 = tpu.memref_squeeze %dma_wait3A_237 : memref<1x1x128xi32, #tpu.memory_space<vmem>> -> memref<128xi32, #tpu.memory_space<vmem>>
      %dma_wait3A_239 = arith.constant 0 : i32
      %dma_wait3A_240 = arith.constant 0 : i32
      %dma_wait3A_241 = tpu.memref_slice %arg9[%dma_wait3A_239, %dma_wait3A_240] : memref<10240x128xf32, #tpu.memory_space<vmem_shared>> -> memref<10240x128xf32, #tpu.memory_space<vmem_shared>>
      tpu.wait_indirect_dma semaphore(%arg17 : memref<!tpu.dma_semaphore, #tpu.memory_space<semaphore_mem>>) src(%arg12 : memref<128x128xf32, #tpu.memory_space<vmem>>) dst(%dma_wait3A_241 : memref<10240x128xf32, #tpu.memory_space<vmem_shared>>)
      %dma_wait3A_242 = arith.constant 0 : i32
      %dma_wait3A_243 = arith.constant 15 : i32
      %dma_wait3A_244 = arith.constant 0 : i32
      %dma_wait3A_245 = tpu.memref_slice %arg11[%dma_wait3A_242, %dma_wait3A_243, %dma_wait3A_244] : memref<2x16x128xi32, #tpu.memory_space<vmem>> -> memref<1x1x128xi32, #tpu.memory_space<vmem>>
      %dma_wait3A_246 = tpu.memref_squeeze %dma_wait3A_245 : memref<1x1x128xi32, #tpu.memory_space<vmem>> -> memref<128xi32, #tpu.memory_space<vmem>>
      %dma_wait3A_247 = arith.constant 0 : i32
      %dma_wait3A_248 = arith.constant 0 : i32
      %dma_wait3A_249 = tpu.memref_slice %arg9[%dma_wait3A_247, %dma_wait3A_248] : memref<10240x128xf32, #tpu.memory_space<vmem_shared>> -> memref<10240x128xf32, #tpu.memory_space<vmem_shared>>
      tpu.wait_indirect_dma semaphore(%arg18 : memref<!tpu.dma_semaphore, #tpu.memory_space<semaphore_mem>>) src(%arg13 : memref<128x128xf32, #tpu.memory_space<vmem>>) dst(%dma_wait3A_249 : memref<10240x128xf32, #tpu.memory_space<vmem_shared>>)
    } else {
    }
    %eq3A_22 = arith.constant 1 : i32
    %eq3A_23 = arith.cmpi eq, %arg0, %eq3A_22 : i32
    %convert_element_type3A_24 = arith.extui %eq3A_23 : i1 to i32
    %cond3A_25 = arith.constant 0 : i32
    %cond3A_26 = arith.cmpi ne, %convert_element_type3A_24, %cond3A_25 : i32
    scf.if %cond3A_26 {
      %dma_start3A_38 = arith.constant 0 : i32
      %dma_start3A_39 = tpu.memref_slice %arg4[%mul3A_19, %dma_start3A_38] : memref<1280x128xi32, #tpu.memory_space<hbm>> -> memref<80x128xi32, #tpu.memory_space<hbm>>
      %dma_start3A_40 = arith.constant 0 : i32
      %dma_start3A_41 = tpu.memref_slice %arg4[%mul3A_19, %dma_start3A_40] : memref<1280x128xi32, #tpu.memory_space<hbm>> -> memref<80x128xi32, #tpu.memory_space<hbm>>
      tpu.enqueue_dma source(%dma_start3A_41 : memref<80x128xi32, #tpu.memory_space<hbm>>) target(%arg10 : memref<80x128xi32, #tpu.memory_space<vmem>>) target_semaphore(%arg21 : memref<!tpu.dma_semaphore, #tpu.memory_space<semaphore_mem>>)
      %dma_wait3A_42 = arith.constant 0 : i32
      %dma_wait3A_43 = tpu.memref_slice %arg4[%mul3A_19, %dma_wait3A_42] : memref<1280x128xi32, #tpu.memory_space<hbm>> -> memref<80x128xi32, #tpu.memory_space<hbm>>
      %dma_wait3A_44 = arith.constant 0 : i32
      %dma_wait3A_45 = tpu.memref_slice %arg4[%mul3A_19, %dma_wait3A_44] : memref<1280x128xi32, #tpu.memory_space<hbm>> -> memref<80x128xi32, #tpu.memory_space<hbm>>
      tpu.wait_dma2 semaphore(%arg21 : memref<!tpu.dma_semaphore, #tpu.memory_space<semaphore_mem>>) src(%dma_wait3A_45 : memref<80x128xi32, #tpu.memory_space<hbm>>) dst(%arg10 : memref<80x128xi32, #tpu.memory_space<vmem>>)
      %add3A = arith.constant 0 : i32
      %add3A_46 = arith.addi %mul3A_19, %add3A : i32
      %dma_start3A_47 = arith.constant 0 : i32
      %dma_start3A_48 = arith.constant 0 : i32
      %dma_start3A_49 = arith.constant 0 : i32
      %dma_start3A_50 = tpu.memref_slice %arg11[%dma_start3A_47, %dma_start3A_48, %dma_start3A_49] : memref<2x16x128xi32, #tpu.memory_space<vmem>> -> memref<1x16x128xi32, #tpu.memory_space<vmem>>
      %dma_start3A_51 = tpu.memref_squeeze %dma_start3A_50 : memref<1x16x128xi32, #tpu.memory_space<vmem>> -> memref<16x128xi32, #tpu.memory_space<vmem>>
      %dma_start3A_52 = arith.constant 0 : i32
      %dma_start3A_53 = tpu.memref_slice %arg5[%add3A_46, %dma_start3A_52] : memref<1280x128xi32, #tpu.memory_space<hbm>> -> memref<16x128xi32, #tpu.memory_space<hbm>>
      %dma_start3A_54 = arith.constant 0 : i32
      %dma_start3A_55 = arith.constant 0 : i32
      %dma_start3A_56 = tpu.memref_slice %arg11[%dma_start3A_47, %dma_start3A_54, %dma_start3A_55] : memref<2x16x128xi32, #tpu.memory_space<vmem>> -> memref<1x16x128xi32, #tpu.memory_space<vmem>>
      %dma_start3A_57 = tpu.memref_squeeze %dma_start3A_56 : memref<1x16x128xi32, #tpu.memory_space<vmem>> -> memref<16x128xi32, #tpu.memory_space<vmem>>
      %dma_start3A_58 = arith.constant 0 : i32
      %dma_start3A_59 = tpu.memref_slice %arg5[%add3A_46, %dma_start3A_58] : memref<1280x128xi32, #tpu.memory_space<hbm>> -> memref<16x128xi32, #tpu.memory_space<hbm>>
      tpu.enqueue_dma source(%dma_start3A_59 : memref<16x128xi32, #tpu.memory_space<hbm>>) target(%dma_start3A_57 : memref<16x128xi32, #tpu.memory_space<vmem>>) target_semaphore(%arg19 : memref<!tpu.dma_semaphore, #tpu.memory_space<semaphore_mem>>)
      %add3A_60 = arith.constant 16 : i32
      %add3A_61 = arith.addi %mul3A_19, %add3A_60 : i32
      %dma_start3A_62 = arith.constant 1 : i32
      %dma_start3A_63 = arith.constant 0 : i32
      %dma_start3A_64 = arith.constant 0 : i32
      %dma_start3A_65 = tpu.memref_slice %arg11[%dma_start3A_62, %dma_start3A_63, %dma_start3A_64] : memref<2x16x128xi32, #tpu.memory_space<vmem>> -> memref<1x16x128xi32, #tpu.memory_space<vmem>>
      %dma_start3A_66 = tpu.memref_squeeze %dma_start3A_65 : memref<1x16x128xi32, #tpu.memory_space<vmem>> -> memref<16x128xi32, #tpu.memory_space<vmem>>
      %dma_start3A_67 = arith.constant 0 : i32
      %dma_start3A_68 = tpu.memref_slice %arg5[%add3A_61, %dma_start3A_67] : memref<1280x128xi32, #tpu.memory_space<hbm>> -> memref<16x128xi32, #tpu.memory_space<hbm>>
      %dma_start3A_69 = arith.constant 0 : i32
      %dma_start3A_70 = arith.constant 0 : i32
      %dma_start3A_71 = tpu.memref_slice %arg11[%dma_start3A_62, %dma_start3A_69, %dma_start3A_70] : memref<2x16x128xi32, #tpu.memory_space<vmem>> -> memref<1x16x128xi32, #tpu.memory_space<vmem>>
      %dma_start3A_72 = tpu.memref_squeeze %dma_start3A_71 : memref<1x16x128xi32, #tpu.memory_space<vmem>> -> memref<16x128xi32, #tpu.memory_space<vmem>>
      %dma_start3A_73 = arith.constant 0 : i32
      %dma_start3A_74 = tpu.memref_slice %arg5[%add3A_61, %dma_start3A_73] : memref<1280x128xi32, #tpu.memory_space<hbm>> -> memref<16x128xi32, #tpu.memory_space<hbm>>
      tpu.enqueue_dma source(%dma_start3A_74 : memref<16x128xi32, #tpu.memory_space<hbm>>) target(%dma_start3A_72 : memref<16x128xi32, #tpu.memory_space<vmem>>) target_semaphore(%arg20 : memref<!tpu.dma_semaphore, #tpu.memory_space<semaphore_mem>>)
      %dma_start3A_75 = arith.constant 0 : i32
      %dma_start3A_76 = arith.constant 0 : i32
      %dma_start3A_77 = tpu.memref_slice %arg10[%dma_start3A_75, %dma_start3A_76] : memref<80x128xi32, #tpu.memory_space<vmem>> -> memref<1x128xi32, #tpu.memory_space<vmem>>
      %dma_start3A_78 = tpu.memref_squeeze %dma_start3A_77 : memref<1x128xi32, #tpu.memory_space<vmem>> -> memref<128xi32, #tpu.memory_space<vmem>>
      %dma_start3A_79 = arith.constant 0 : i32
      %dma_start3A_80 = arith.constant 0 : i32
      %dma_start3A_81 = tpu.memref_slice %arg3[%dma_start3A_79, %dma_start3A_80] : memref<10240x128xf32, #tpu.memory_space<hbm>> -> memref<10240x128xf32, #tpu.memory_space<hbm>>
      tpu.enqueue_indirect_dma source(%dma_start3A_81 : memref<10240x128xf32, #tpu.memory_space<hbm>>) target(%arg12 : memref<128x128xf32, #tpu.memory_space<vmem>>) offsets(%dma_start3A_78 : memref<128xi32, #tpu.memory_space<vmem>>) semaphore(%arg15 : memref<!tpu.dma_semaphore, #tpu.memory_space<semaphore_mem>>)
      %dma_start3A_82 = arith.constant 1 : i32
      %dma_start3A_83 = arith.constant 0 : i32
      %dma_start3A_84 = tpu.memref_slice %arg10[%dma_start3A_82, %dma_start3A_83] : memref<80x128xi32, #tpu.memory_space<vmem>> -> memref<1x128xi32, #tpu.memory_space<vmem>>
      %dma_start3A_85 = tpu.memref_squeeze %dma_start3A_84 : memref<1x128xi32, #tpu.memory_space<vmem>> -> memref<128xi32, #tpu.memory_space<vmem>>
      %dma_start3A_86 = arith.constant 0 : i32
      %dma_start3A_87 = arith.constant 0 : i32
      %dma_start3A_88 = tpu.memref_slice %arg3[%dma_start3A_86, %dma_start3A_87] : memref<10240x128xf32, #tpu.memory_space<hbm>> -> memref<10240x128xf32, #tpu.memory_space<hbm>>
      tpu.enqueue_indirect_dma source(%dma_start3A_88 : memref<10240x128xf32, #tpu.memory_space<hbm>>) target(%arg13 : memref<128x128xf32, #tpu.memory_space<vmem>>) offsets(%dma_start3A_85 : memref<128xi32, #tpu.memory_space<vmem>>) semaphore(%arg16 : memref<!tpu.dma_semaphore, #tpu.memory_space<semaphore_mem>>)
      %add3A_89 = arith.constant 0 : i32
      %add3A_90 = arith.addi %mul3A_19, %add3A_89 : i32
      %dma_wait3A_91 = arith.constant 0 : i32
      %dma_wait3A_92 = arith.constant 0 : i32
      %dma_wait3A_93 = arith.constant 0 : i32
      %dma_wait3A_94 = tpu.memref_slice %arg11[%dma_wait3A_91, %dma_wait3A_92, %dma_wait3A_93] : memref<2x16x128xi32, #tpu.memory_space<vmem>> -> memref<1x16x128xi32, #tpu.memory_space<vmem>>
      %dma_wait3A_95 = tpu.memref_squeeze %dma_wait3A_94 : memref<1x16x128xi32, #tpu.memory_space<vmem>> -> memref<16x128xi32, #tpu.memory_space<vmem>>
      %dma_wait3A_96 = arith.constant 0 : i32
      %dma_wait3A_97 = tpu.memref_slice %arg5[%add3A_90, %dma_wait3A_96] : memref<1280x128xi32, #tpu.memory_space<hbm>> -> memref<16x128xi32, #tpu.memory_space<hbm>>
      %dma_wait3A_98 = arith.constant 0 : i32
      %dma_wait3A_99 = arith.constant 0 : i32
      %dma_wait3A_100 = tpu.memref_slice %arg11[%dma_wait3A_91, %dma_wait3A_98, %dma_wait3A_99] : memref<2x16x128xi32, #tpu.memory_space<vmem>> -> memref<1x16x128xi32, #tpu.memory_space<vmem>>
      %dma_wait3A_101 = tpu.memref_squeeze %dma_wait3A_100 : memref<1x16x128xi32, #tpu.memory_space<vmem>> -> memref<16x128xi32, #tpu.memory_space<vmem>>
      %dma_wait3A_102 = arith.constant 0 : i32
      %dma_wait3A_103 = tpu.memref_slice %arg5[%add3A_90, %dma_wait3A_102] : memref<1280x128xi32, #tpu.memory_space<hbm>> -> memref<16x128xi32, #tpu.memory_space<hbm>>
      tpu.wait_dma2 semaphore(%arg19 : memref<!tpu.dma_semaphore, #tpu.memory_space<semaphore_mem>>) src(%dma_wait3A_103 : memref<16x128xi32, #tpu.memory_space<hbm>>) dst(%dma_wait3A_101 : memref<16x128xi32, #tpu.memory_space<vmem>>)
      %scan3A_104 = arith.constant 0 : i32
      %scan3A_105 = arith.constant 8 : i32
      %scan3A_106 = arith.addi %scan3A_104, %scan3A_105 : i32
      %scan3A_107 = arith.constant 1 : i32
      scf.for %scan3A_250 = %scan3A_104 to %scan3A_106 step %scan3A_107  : i32 {
        %mul3A_251 = arith.constant 2 : i32
        %mul3A_252 = arith.muli %scan3A_250, %mul3A_251 : i32
        %add3A_253 = arith.constant 0 : i32
        %add3A_254 = arith.addi %add3A_253, %mul3A_252 : i32
        %add3A_255 = arith.constant 0 : i32
        %add3A_256 = arith.addi %add3A_254, %add3A_255 : i32
        %add3A_257 = arith.constant 0 : i32
        %add3A_258 = arith.addi %add3A_257, %add3A_256 : i32
        %dma_wait3A_259 = arith.constant 0 : i32
        %dma_wait3A_260 = tpu.memref_slice %arg10[%add3A_258, %dma_wait3A_259] : memref<80x128xi32, #tpu.memory_space<vmem>> -> memref<1x128xi32, #tpu.memory_space<vmem>>
        %dma_wait3A_261 = tpu.memref_squeeze %dma_wait3A_260 : memref<1x128xi32, #tpu.memory_space<vmem>> -> memref<128xi32, #tpu.memory_space<vmem>>
        %dma_wait3A_262 = arith.constant 0 : i32
        %dma_wait3A_263 = arith.constant 0 : i32
        %dma_wait3A_264 = tpu.memref_slice %arg3[%dma_wait3A_262, %dma_wait3A_263] : memref<10240x128xf32, #tpu.memory_space<hbm>> -> memref<10240x128xf32, #tpu.memory_space<hbm>>
        tpu.wait_indirect_dma semaphore(%arg15 : memref<!tpu.dma_semaphore, #tpu.memory_space<semaphore_mem>>) src(%dma_wait3A_264 : memref<10240x128xf32, #tpu.memory_space<hbm>>) dst(%arg12 : memref<128x128xf32, #tpu.memory_space<vmem>>)
        %dma_start3A_265 = arith.constant 0 : i32
        %dma_start3A_266 = arith.constant 0 : i32
        %dma_start3A_267 = tpu.memref_slice %arg11[%dma_start3A_265, %add3A_256, %dma_start3A_266] : memref<2x16x128xi32, #tpu.memory_space<vmem>> -> memref<1x1x128xi32, #tpu.memory_space<vmem>>
        %dma_start3A_268 = tpu.memref_squeeze %dma_start3A_267 : memref<1x1x128xi32, #tpu.memory_space<vmem>> -> memref<128xi32, #tpu.memory_space<vmem>>
        %dma_start3A_269 = arith.constant 0 : i32
        %dma_start3A_270 = arith.constant 0 : i32
        %dma_start3A_271 = tpu.memref_slice %arg9[%dma_start3A_269, %dma_start3A_270] : memref<10240x128xf32, #tpu.memory_space<vmem_shared>> -> memref<10240x128xf32, #tpu.memory_space<vmem_shared>>
        tpu.enqueue_indirect_dma source(%arg12 : memref<128x128xf32, #tpu.memory_space<vmem>>) target(%dma_start3A_271 : memref<10240x128xf32, #tpu.memory_space<vmem_shared>>) offsets(%dma_start3A_268 : memref<128xi32, #tpu.memory_space<vmem>>) semaphore(%arg17 : memref<!tpu.dma_semaphore, #tpu.memory_space<semaphore_mem>>) {add = true}
        %add3A_272 = arith.constant 0 : i32
        %add3A_273 = arith.addi %add3A_272, %add3A_256 : i32
        %add3A_274 = arith.constant 2 : i32
        %add3A_275 = arith.addi %add3A_273, %add3A_274 : i32
        %lt3A = arith.constant 80 : i32
        %lt3A_276 = arith.cmpi slt, %add3A_275, %lt3A : i32
        %convert_element_type3A_277 = arith.extui %lt3A_276 : i1 to i32
        %cond3A_278 = arith.constant 0 : i32
        %cond3A_279 = arith.cmpi ne, %convert_element_type3A_277, %cond3A_278 : i32
        scf.if %cond3A_279 {
          %dma_wait3A_306 = arith.constant 0 : i32
          %dma_wait3A_307 = arith.constant 0 : i32
          %dma_wait3A_308 = tpu.memref_slice %arg11[%dma_wait3A_306, %add3A_256, %dma_wait3A_307] : memref<2x16x128xi32, #tpu.memory_space<vmem>> -> memref<1x1x128xi32, #tpu.memory_space<vmem>>
          %dma_wait3A_309 = tpu.memref_squeeze %dma_wait3A_308 : memref<1x1x128xi32, #tpu.memory_space<vmem>> -> memref<128xi32, #tpu.memory_space<vmem>>
          %dma_wait3A_310 = arith.constant 0 : i32
          %dma_wait3A_311 = arith.constant 0 : i32
          %dma_wait3A_312 = tpu.memref_slice %arg9[%dma_wait3A_310, %dma_wait3A_311] : memref<10240x128xf32, #tpu.memory_space<vmem_shared>> -> memref<10240x128xf32, #tpu.memory_space<vmem_shared>>
          tpu.wait_indirect_dma semaphore(%arg17 : memref<!tpu.dma_semaphore, #tpu.memory_space<semaphore_mem>>) src(%arg12 : memref<128x128xf32, #tpu.memory_space<vmem>>) dst(%dma_wait3A_312 : memref<10240x128xf32, #tpu.memory_space<vmem_shared>>)
          %add3A_313 = arith.constant 0 : i32
          %add3A_314 = arith.addi %add3A_313, %add3A_256 : i32
          %add3A_315 = arith.constant 2 : i32
          %add3A_316 = arith.addi %add3A_314, %add3A_315 : i32
          %dma_start3A_317 = arith.constant 0 : i32
          %dma_start3A_318 = tpu.memref_slice %arg10[%add3A_316, %dma_start3A_317] : memref<80x128xi32, #tpu.memory_space<vmem>> -> memref<1x128xi32, #tpu.memory_space<vmem>>
          %dma_start3A_319 = tpu.memref_squeeze %dma_start3A_318 : memref<1x128xi32, #tpu.memory_space<vmem>> -> memref<128xi32, #tpu.memory_space<vmem>>
          %dma_start3A_320 = arith.constant 0 : i32
          %dma_start3A_321 = arith.constant 0 : i32
          %dma_start3A_322 = tpu.memref_slice %arg3[%dma_start3A_320, %dma_start3A_321] : memref<10240x128xf32, #tpu.memory_space<hbm>> -> memref<10240x128xf32, #tpu.memory_space<hbm>>
          tpu.enqueue_indirect_dma source(%dma_start3A_322 : memref<10240x128xf32, #tpu.memory_space<hbm>>) target(%arg12 : memref<128x128xf32, #tpu.memory_space<vmem>>) offsets(%dma_start3A_319 : memref<128xi32, #tpu.memory_space<vmem>>) semaphore(%arg15 : memref<!tpu.dma_semaphore, #tpu.memory_space<semaphore_mem>>)
        } else {
        }
        %add3A_280 = arith.constant 1 : i32
        %add3A_281 = arith.addi %add3A_254, %add3A_280 : i32
        %add3A_282 = arith.constant 0 : i32
        %add3A_283 = arith.addi %add3A_282, %add3A_281 : i32
        %dma_wait3A_284 = arith.constant 0 : i32
        %dma_wait3A_285 = tpu.memref_slice %arg10[%add3A_283, %dma_wait3A_284] : memref<80x128xi32, #tpu.memory_space<vmem>> -> memref<1x128xi32, #tpu.memory_space<vmem>>
        %dma_wait3A_286 = tpu.memref_squeeze %dma_wait3A_285 : memref<1x128xi32, #tpu.memory_space<vmem>> -> memref<128xi32, #tpu.memory_space<vmem>>
        %dma_wait3A_287 = arith.constant 0 : i32
        %dma_wait3A_288 = arith.constant 0 : i32
        %dma_wait3A_289 = tpu.memref_slice %arg3[%dma_wait3A_287, %dma_wait3A_288] : memref<10240x128xf32, #tpu.memory_space<hbm>> -> memref<10240x128xf32, #tpu.memory_space<hbm>>
        tpu.wait_indirect_dma semaphore(%arg16 : memref<!tpu.dma_semaphore, #tpu.memory_space<semaphore_mem>>) src(%dma_wait3A_289 : memref<10240x128xf32, #tpu.memory_space<hbm>>) dst(%arg13 : memref<128x128xf32, #tpu.memory_space<vmem>>)
        %dma_start3A_290 = arith.constant 0 : i32
        %dma_start3A_291 = arith.constant 0 : i32
        %dma_start3A_292 = tpu.memref_slice %arg11[%dma_start3A_290, %add3A_281, %dma_start3A_291] : memref<2x16x128xi32, #tpu.memory_space<vmem>> -> memref<1x1x128xi32, #tpu.memory_space<vmem>>
        %dma_start3A_293 = tpu.memref_squeeze %dma_start3A_292 : memref<1x1x128xi32, #tpu.memory_space<vmem>> -> memref<128xi32, #tpu.memory_space<vmem>>
        %dma_start3A_294 = arith.constant 0 : i32
        %dma_start3A_295 = arith.constant 0 : i32
        %dma_start3A_296 = tpu.memref_slice %arg9[%dma_start3A_294, %dma_start3A_295] : memref<10240x128xf32, #tpu.memory_space<vmem_shared>> -> memref<10240x128xf32, #tpu.memory_space<vmem_shared>>
        tpu.enqueue_indirect_dma source(%arg13 : memref<128x128xf32, #tpu.memory_space<vmem>>) target(%dma_start3A_296 : memref<10240x128xf32, #tpu.memory_space<vmem_shared>>) offsets(%dma_start3A_293 : memref<128xi32, #tpu.memory_space<vmem>>) semaphore(%arg18 : memref<!tpu.dma_semaphore, #tpu.memory_space<semaphore_mem>>) {add = true}
        %add3A_297 = arith.constant 0 : i32
        %add3A_298 = arith.addi %add3A_297, %add3A_281 : i32
        %add3A_299 = arith.constant 2 : i32
        %add3A_300 = arith.addi %add3A_298, %add3A_299 : i32
        %lt3A_301 = arith.constant 80 : i32
        %lt3A_302 = arith.cmpi slt, %add3A_300, %lt3A_301 : i32
        %convert_element_type3A_303 = arith.extui %lt3A_302 : i1 to i32
        %cond3A_304 = arith.constant 0 : i32
        %cond3A_305 = arith.cmpi ne, %convert_element_type3A_303, %cond3A_304 : i32
        scf.if %cond3A_305 {
          %dma_wait3A_306 = arith.constant 0 : i32
          %dma_wait3A_307 = arith.constant 0 : i32
          %dma_wait3A_308 = tpu.memref_slice %arg11[%dma_wait3A_306, %add3A_281, %dma_wait3A_307] : memref<2x16x128xi32, #tpu.memory_space<vmem>> -> memref<1x1x128xi32, #tpu.memory_space<vmem>>
          %dma_wait3A_309 = tpu.memref_squeeze %dma_wait3A_308 : memref<1x1x128xi32, #tpu.memory_space<vmem>> -> memref<128xi32, #tpu.memory_space<vmem>>
          %dma_wait3A_310 = arith.constant 0 : i32
          %dma_wait3A_311 = arith.constant 0 : i32
          %dma_wait3A_312 = tpu.memref_slice %arg9[%dma_wait3A_310, %dma_wait3A_311] : memref<10240x128xf32, #tpu.memory_space<vmem_shared>> -> memref<10240x128xf32, #tpu.memory_space<vmem_shared>>
          tpu.wait_indirect_dma semaphore(%arg18 : memref<!tpu.dma_semaphore, #tpu.memory_space<semaphore_mem>>) src(%arg13 : memref<128x128xf32, #tpu.memory_space<vmem>>) dst(%dma_wait3A_312 : memref<10240x128xf32, #tpu.memory_space<vmem_shared>>)
          %add3A_313 = arith.constant 0 : i32
          %add3A_314 = arith.addi %add3A_313, %add3A_281 : i32
          %add3A_315 = arith.constant 2 : i32
          %add3A_316 = arith.addi %add3A_314, %add3A_315 : i32
          %dma_start3A_317 = arith.constant 0 : i32
          %dma_start3A_318 = tpu.memref_slice %arg10[%add3A_316, %dma_start3A_317] : memref<80x128xi32, #tpu.memory_space<vmem>> -> memref<1x128xi32, #tpu.memory_space<vmem>>
          %dma_start3A_319 = tpu.memref_squeeze %dma_start3A_318 : memref<1x128xi32, #tpu.memory_space<vmem>> -> memref<128xi32, #tpu.memory_space<vmem>>
          %dma_start3A_320 = arith.constant 0 : i32
          %dma_start3A_321 = arith.constant 0 : i32
          %dma_start3A_322 = tpu.memref_slice %arg3[%dma_start3A_320, %dma_start3A_321] : memref<10240x128xf32, #tpu.memory_space<hbm>> -> memref<10240x128xf32, #tpu.memory_space<hbm>>
          tpu.enqueue_indirect_dma source(%dma_start3A_322 : memref<10240x128xf32, #tpu.memory_space<hbm>>) target(%arg13 : memref<128x128xf32, #tpu.memory_space<vmem>>) offsets(%dma_start3A_319 : memref<128xi32, #tpu.memory_space<vmem>>) semaphore(%arg16 : memref<!tpu.dma_semaphore, #tpu.memory_space<semaphore_mem>>)
        } else {
        }
      }
      %scan3A_108 = arith.constant 8 : i32
      %add3A_109 = arith.constant 32 : i32
      %add3A_110 = arith.addi %mul3A_19, %add3A_109 : i32
      %dma_start3A_111 = arith.constant 0 : i32
      %dma_start3A_112 = arith.constant 0 : i32
      %dma_start3A_113 = arith.constant 0 : i32
      %dma_start3A_114 = tpu.memref_slice %arg11[%dma_start3A_111, %dma_start3A_112, %dma_start3A_113] : memref<2x16x128xi32, #tpu.memory_space<vmem>> -> memref<1x16x128xi32, #tpu.memory_space<vmem>>
      %dma_start3A_115 = tpu.memref_squeeze %dma_start3A_114 : memref<1x16x128xi32, #tpu.memory_space<vmem>> -> memref<16x128xi32, #tpu.memory_space<vmem>>
      %dma_start3A_116 = arith.constant 0 : i32
      %dma_start3A_117 = tpu.memref_slice %arg5[%add3A_110, %dma_start3A_116] : memref<1280x128xi32, #tpu.memory_space<hbm>> -> memref<16x128xi32, #tpu.memory_space<hbm>>
      %dma_start3A_118 = arith.constant 0 : i32
      %dma_start3A_119 = arith.constant 0 : i32
      %dma_start3A_120 = tpu.memref_slice %arg11[%dma_start3A_111, %dma_start3A_118, %dma_start3A_119] : memref<2x16x128xi32, #tpu.memory_space<vmem>> -> memref<1x16x128xi32, #tpu.memory_space<vmem>>
      %dma_start3A_121 = tpu.memref_squeeze %dma_start3A_120 : memref<1x16x128xi32, #tpu.memory_space<vmem>> -> memref<16x128xi32, #tpu.memory_space<vmem>>
      %dma_start3A_122 = arith.constant 0 : i32
      %dma_start3A_123 = tpu.memref_slice %arg5[%add3A_110, %dma_start3A_122] : memref<1280x128xi32, #tpu.memory_space<hbm>> -> memref<16x128xi32, #tpu.memory_space<hbm>>
      tpu.enqueue_dma source(%dma_start3A_123 : memref<16x128xi32, #tpu.memory_space<hbm>>) target(%dma_start3A_121 : memref<16x128xi32, #tpu.memory_space<vmem>>) target_semaphore(%arg19 : memref<!tpu.dma_semaphore, #tpu.memory_space<semaphore_mem>>)
      %add3A_124 = arith.constant 16 : i32
      %add3A_125 = arith.addi %mul3A_19, %add3A_124 : i32
      %dma_wait3A_126 = arith.constant 1 : i32
      %dma_wait3A_127 = arith.constant 0 : i32
      %dma_wait3A_128 = arith.constant 0 : i32
      %dma_wait3A_129 = tpu.memref_slice %arg11[%dma_wait3A_126, %dma_wait3A_127, %dma_wait3A_128] : memref<2x16x128xi32, #tpu.memory_space<vmem>> -> memref<1x16x128xi32, #tpu.memory_space<vmem>>
      %dma_wait3A_130 = tpu.memref_squeeze %dma_wait3A_129 : memref<1x16x128xi32, #tpu.memory_space<vmem>> -> memref<16x128xi32, #tpu.memory_space<vmem>>
      %dma_wait3A_131 = arith.constant 0 : i32
      %dma_wait3A_132 = tpu.memref_slice %arg5[%add3A_125, %dma_wait3A_131] : memref<1280x128xi32, #tpu.memory_space<hbm>> -> memref<16x128xi32, #tpu.memory_space<hbm>>
      %dma_wait3A_133 = arith.constant 0 : i32
      %dma_wait3A_134 = arith.constant 0 : i32
      %dma_wait3A_135 = tpu.memref_slice %arg11[%dma_wait3A_126, %dma_wait3A_133, %dma_wait3A_134] : memref<2x16x128xi32, #tpu.memory_space<vmem>> -> memref<1x16x128xi32, #tpu.memory_space<vmem>>
      %dma_wait3A_136 = tpu.memref_squeeze %dma_wait3A_135 : memref<1x16x128xi32, #tpu.memory_space<vmem>> -> memref<16x128xi32, #tpu.memory_space<vmem>>
      %dma_wait3A_137 = arith.constant 0 : i32
      %dma_wait3A_138 = tpu.memref_slice %arg5[%add3A_125, %dma_wait3A_137] : memref<1280x128xi32, #tpu.memory_space<hbm>> -> memref<16x128xi32, #tpu.memory_space<hbm>>
      tpu.wait_dma2 semaphore(%arg20 : memref<!tpu.dma_semaphore, #tpu.memory_space<semaphore_mem>>) src(%dma_wait3A_138 : memref<16x128xi32, #tpu.memory_space<hbm>>) dst(%dma_wait3A_136 : memref<16x128xi32, #tpu.memory_space<vmem>>)
      %scan3A_139 = arith.constant 0 : i32
      %scan3A_140 = arith.constant 8 : i32
      %scan3A_141 = arith.addi %scan3A_139, %scan3A_140 : i32
      %scan3A_142 = arith.constant 1 : i32
      scf.for %scan3A_250 = %scan3A_139 to %scan3A_141 step %scan3A_142  : i32 {
        %mul3A_251 = arith.constant 2 : i32
        %mul3A_252 = arith.muli %scan3A_250, %mul3A_251 : i32
        %add3A_253 = arith.constant 0 : i32
        %add3A_254 = arith.addi %add3A_253, %mul3A_252 : i32
        %add3A_255 = arith.constant 0 : i32
        %add3A_256 = arith.addi %add3A_254, %add3A_255 : i32
        %add3A_257 = arith.constant 16 : i32
        %add3A_258 = arith.addi %add3A_257, %add3A_256 : i32
        %dma_wait3A_259 = arith.constant 0 : i32
        %dma_wait3A_260 = tpu.memref_slice %arg10[%add3A_258, %dma_wait3A_259] : memref<80x128xi32, #tpu.memory_space<vmem>> -> memref<1x128xi32, #tpu.memory_space<vmem>>
        %dma_wait3A_261 = tpu.memref_squeeze %dma_wait3A_260 : memref<1x128xi32, #tpu.memory_space<vmem>> -> memref<128xi32, #tpu.memory_space<vmem>>
        %dma_wait3A_262 = arith.constant 0 : i32
        %dma_wait3A_263 = arith.constant 0 : i32
        %dma_wait3A_264 = tpu.memref_slice %arg3[%dma_wait3A_262, %dma_wait3A_263] : memref<10240x128xf32, #tpu.memory_space<hbm>> -> memref<10240x128xf32, #tpu.memory_space<hbm>>
        tpu.wait_indirect_dma semaphore(%arg15 : memref<!tpu.dma_semaphore, #tpu.memory_space<semaphore_mem>>) src(%dma_wait3A_264 : memref<10240x128xf32, #tpu.memory_space<hbm>>) dst(%arg12 : memref<128x128xf32, #tpu.memory_space<vmem>>)
        %dma_start3A_265 = arith.constant 1 : i32
        %dma_start3A_266 = arith.constant 0 : i32
        %dma_start3A_267 = tpu.memref_slice %arg11[%dma_start3A_265, %add3A_256, %dma_start3A_266] : memref<2x16x128xi32, #tpu.memory_space<vmem>> -> memref<1x1x128xi32, #tpu.memory_space<vmem>>
        %dma_start3A_268 = tpu.memref_squeeze %dma_start3A_267 : memref<1x1x128xi32, #tpu.memory_space<vmem>> -> memref<128xi32, #tpu.memory_space<vmem>>
        %dma_start3A_269 = arith.constant 0 : i32
        %dma_start3A_270 = arith.constant 0 : i32
        %dma_start3A_271 = tpu.memref_slice %arg9[%dma_start3A_269, %dma_start3A_270] : memref<10240x128xf32, #tpu.memory_space<vmem_shared>> -> memref<10240x128xf32, #tpu.memory_space<vmem_shared>>
        tpu.enqueue_indirect_dma source(%arg12 : memref<128x128xf32, #tpu.memory_space<vmem>>) target(%dma_start3A_271 : memref<10240x128xf32, #tpu.memory_space<vmem_shared>>) offsets(%dma_start3A_268 : memref<128xi32, #tpu.memory_space<vmem>>) semaphore(%arg17 : memref<!tpu.dma_semaphore, #tpu.memory_space<semaphore_mem>>) {add = true}
        %add3A_272 = arith.constant 16 : i32
        %add3A_273 = arith.addi %add3A_272, %add3A_256 : i32
        %add3A_274 = arith.constant 2 : i32
        %add3A_275 = arith.addi %add3A_273, %add3A_274 : i32
        %lt3A = arith.constant 80 : i32
        %lt3A_276 = arith.cmpi slt, %add3A_275, %lt3A : i32
        %convert_element_type3A_277 = arith.extui %lt3A_276 : i1 to i32
        %cond3A_278 = arith.constant 0 : i32
        %cond3A_279 = arith.cmpi ne, %convert_element_type3A_277, %cond3A_278 : i32
        scf.if %cond3A_279 {
          %dma_wait3A_306 = arith.constant 1 : i32
          %dma_wait3A_307 = arith.constant 0 : i32
          %dma_wait3A_308 = tpu.memref_slice %arg11[%dma_wait3A_306, %add3A_256, %dma_wait3A_307] : memref<2x16x128xi32, #tpu.memory_space<vmem>> -> memref<1x1x128xi32, #tpu.memory_space<vmem>>
          %dma_wait3A_309 = tpu.memref_squeeze %dma_wait3A_308 : memref<1x1x128xi32, #tpu.memory_space<vmem>> -> memref<128xi32, #tpu.memory_space<vmem>>
          %dma_wait3A_310 = arith.constant 0 : i32
          %dma_wait3A_311 = arith.constant 0 : i32
          %dma_wait3A_312 = tpu.memref_slice %arg9[%dma_wait3A_310, %dma_wait3A_311] : memref<10240x128xf32, #tpu.memory_space<vmem_shared>> -> memref<10240x128xf32, #tpu.memory_space<vmem_shared>>
          tpu.wait_indirect_dma semaphore(%arg17 : memref<!tpu.dma_semaphore, #tpu.memory_space<semaphore_mem>>) src(%arg12 : memref<128x128xf32, #tpu.memory_space<vmem>>) dst(%dma_wait3A_312 : memref<10240x128xf32, #tpu.memory_space<vmem_shared>>)
          %add3A_313 = arith.constant 16 : i32
          %add3A_314 = arith.addi %add3A_313, %add3A_256 : i32
          %add3A_315 = arith.constant 2 : i32
          %add3A_316 = arith.addi %add3A_314, %add3A_315 : i32
          %dma_start3A_317 = arith.constant 0 : i32
          %dma_start3A_318 = tpu.memref_slice %arg10[%add3A_316, %dma_start3A_317] : memref<80x128xi32, #tpu.memory_space<vmem>> -> memref<1x128xi32, #tpu.memory_space<vmem>>
          %dma_start3A_319 = tpu.memref_squeeze %dma_start3A_318 : memref<1x128xi32, #tpu.memory_space<vmem>> -> memref<128xi32, #tpu.memory_space<vmem>>
          %dma_start3A_320 = arith.constant 0 : i32
          %dma_start3A_321 = arith.constant 0 : i32
          %dma_start3A_322 = tpu.memref_slice %arg3[%dma_start3A_320, %dma_start3A_321] : memref<10240x128xf32, #tpu.memory_space<hbm>> -> memref<10240x128xf32, #tpu.memory_space<hbm>>
          tpu.enqueue_indirect_dma source(%dma_start3A_322 : memref<10240x128xf32, #tpu.memory_space<hbm>>) target(%arg12 : memref<128x128xf32, #tpu.memory_space<vmem>>) offsets(%dma_start3A_319 : memref<128xi32, #tpu.memory_space<vmem>>) semaphore(%arg15 : memref<!tpu.dma_semaphore, #tpu.memory_space<semaphore_mem>>)
        } else {
        }
        %add3A_280 = arith.constant 1 : i32
        %add3A_281 = arith.addi %add3A_254, %add3A_280 : i32
        %add3A_282 = arith.constant 16 : i32
        %add3A_283 = arith.addi %add3A_282, %add3A_281 : i32
        %dma_wait3A_284 = arith.constant 0 : i32
        %dma_wait3A_285 = tpu.memref_slice %arg10[%add3A_283, %dma_wait3A_284] : memref<80x128xi32, #tpu.memory_space<vmem>> -> memref<1x128xi32, #tpu.memory_space<vmem>>
        %dma_wait3A_286 = tpu.memref_squeeze %dma_wait3A_285 : memref<1x128xi32, #tpu.memory_space<vmem>> -> memref<128xi32, #tpu.memory_space<vmem>>
        %dma_wait3A_287 = arith.constant 0 : i32
        %dma_wait3A_288 = arith.constant 0 : i32
        %dma_wait3A_289 = tpu.memref_slice %arg3[%dma_wait3A_287, %dma_wait3A_288] : memref<10240x128xf32, #tpu.memory_space<hbm>> -> memref<10240x128xf32, #tpu.memory_space<hbm>>
        tpu.wait_indirect_dma semaphore(%arg16 : memref<!tpu.dma_semaphore, #tpu.memory_space<semaphore_mem>>) src(%dma_wait3A_289 : memref<10240x128xf32, #tpu.memory_space<hbm>>) dst(%arg13 : memref<128x128xf32, #tpu.memory_space<vmem>>)
        %dma_start3A_290 = arith.constant 1 : i32
        %dma_start3A_291 = arith.constant 0 : i32
        %dma_start3A_292 = tpu.memref_slice %arg11[%dma_start3A_290, %add3A_281, %dma_start3A_291] : memref<2x16x128xi32, #tpu.memory_space<vmem>> -> memref<1x1x128xi32, #tpu.memory_space<vmem>>
        %dma_start3A_293 = tpu.memref_squeeze %dma_start3A_292 : memref<1x1x128xi32, #tpu.memory_space<vmem>> -> memref<128xi32, #tpu.memory_space<vmem>>
        %dma_start3A_294 = arith.constant 0 : i32
        %dma_start3A_295 = arith.constant 0 : i32
        %dma_start3A_296 = tpu.memref_slice %arg9[%dma_start3A_294, %dma_start3A_295] : memref<10240x128xf32, #tpu.memory_space<vmem_shared>> -> memref<10240x128xf32, #tpu.memory_space<vmem_shared>>
        tpu.enqueue_indirect_dma source(%arg13 : memref<128x128xf32, #tpu.memory_space<vmem>>) target(%dma_start3A_296 : memref<10240x128xf32, #tpu.memory_space<vmem_shared>>) offsets(%dma_start3A_293 : memref<128xi32, #tpu.memory_space<vmem>>) semaphore(%arg18 : memref<!tpu.dma_semaphore, #tpu.memory_space<semaphore_mem>>) {add = true}
        %add3A_297 = arith.constant 16 : i32
        %add3A_298 = arith.addi %add3A_297, %add3A_281 : i32
        %add3A_299 = arith.constant 2 : i32
        %add3A_300 = arith.addi %add3A_298, %add3A_299 : i32
        %lt3A_301 = arith.constant 80 : i32
        %lt3A_302 = arith.cmpi slt, %add3A_300, %lt3A_301 : i32
        %convert_element_type3A_303 = arith.extui %lt3A_302 : i1 to i32
        %cond3A_304 = arith.constant 0 : i32
        %cond3A_305 = arith.cmpi ne, %convert_element_type3A_303, %cond3A_304 : i32
        scf.if %cond3A_305 {
          %dma_wait3A_306 = arith.constant 1 : i32
          %dma_wait3A_307 = arith.constant 0 : i32
          %dma_wait3A_308 = tpu.memref_slice %arg11[%dma_wait3A_306, %add3A_281, %dma_wait3A_307] : memref<2x16x128xi32, #tpu.memory_space<vmem>> -> memref<1x1x128xi32, #tpu.memory_space<vmem>>
          %dma_wait3A_309 = tpu.memref_squeeze %dma_wait3A_308 : memref<1x1x128xi32, #tpu.memory_space<vmem>> -> memref<128xi32, #tpu.memory_space<vmem>>
          %dma_wait3A_310 = arith.constant 0 : i32
          %dma_wait3A_311 = arith.constant 0 : i32
          %dma_wait3A_312 = tpu.memref_slice %arg9[%dma_wait3A_310, %dma_wait3A_311] : memref<10240x128xf32, #tpu.memory_space<vmem_shared>> -> memref<10240x128xf32, #tpu.memory_space<vmem_shared>>
          tpu.wait_indirect_dma semaphore(%arg18 : memref<!tpu.dma_semaphore, #tpu.memory_space<semaphore_mem>>) src(%arg13 : memref<128x128xf32, #tpu.memory_space<vmem>>) dst(%dma_wait3A_312 : memref<10240x128xf32, #tpu.memory_space<vmem_shared>>)
          %add3A_313 = arith.constant 16 : i32
          %add3A_314 = arith.addi %add3A_313, %add3A_281 : i32
          %add3A_315 = arith.constant 2 : i32
          %add3A_316 = arith.addi %add3A_314, %add3A_315 : i32
          %dma_start3A_317 = arith.constant 0 : i32
          %dma_start3A_318 = tpu.memref_slice %arg10[%add3A_316, %dma_start3A_317] : memref<80x128xi32, #tpu.memory_space<vmem>> -> memref<1x128xi32, #tpu.memory_space<vmem>>
          %dma_start3A_319 = tpu.memref_squeeze %dma_start3A_318 : memref<1x128xi32, #tpu.memory_space<vmem>> -> memref<128xi32, #tpu.memory_space<vmem>>
          %dma_start3A_320 = arith.constant 0 : i32
          %dma_start3A_321 = arith.constant 0 : i32
          %dma_start3A_322 = tpu.memref_slice %arg3[%dma_start3A_320, %dma_start3A_321] : memref<10240x128xf32, #tpu.memory_space<hbm>> -> memref<10240x128xf32, #tpu.memory_space<hbm>>
          tpu.enqueue_indirect_dma source(%dma_start3A_322 : memref<10240x128xf32, #tpu.memory_space<hbm>>) target(%arg13 : memref<128x128xf32, #tpu.memory_space<vmem>>) offsets(%dma_start3A_319 : memref<128xi32, #tpu.memory_space<vmem>>) semaphore(%arg16 : memref<!tpu.dma_semaphore, #tpu.memory_space<semaphore_mem>>)
        } else {
        }
      }
      %scan3A_143 = arith.constant 8 : i32
      %add3A_144 = arith.constant 48 : i32
      %add3A_145 = arith.addi %mul3A_19, %add3A_144 : i32
      %dma_start3A_146 = arith.constant 1 : i32
      %dma_start3A_147 = arith.constant 0 : i32
      %dma_start3A_148 = arith.constant 0 : i32
      %dma_start3A_149 = tpu.memref_slice %arg11[%dma_start3A_146, %dma_start3A_147, %dma_start3A_148] : memref<2x16x128xi32, #tpu.memory_space<vmem>> -> memref<1x16x128xi32, #tpu.memory_space<vmem>>
      %dma_start3A_150 = tpu.memref_squeeze %dma_start3A_149 : memref<1x16x128xi32, #tpu.memory_space<vmem>> -> memref<16x128xi32, #tpu.memory_space<vmem>>
      %dma_start3A_151 = arith.constant 0 : i32
      %dma_start3A_152 = tpu.memref_slice %arg5[%add3A_145, %dma_start3A_151] : memref<1280x128xi32, #tpu.memory_space<hbm>> -> memref<16x128xi32, #tpu.memory_space<hbm>>
      %dma_start3A_153 = arith.constant 0 : i32
      %dma_start3A_154 = arith.constant 0 : i32
      %dma_start3A_155 = tpu.memref_slice %arg11[%dma_start3A_146, %dma_start3A_153, %dma_start3A_154] : memref<2x16x128xi32, #tpu.memory_space<vmem>> -> memref<1x16x128xi32, #tpu.memory_space<vmem>>
      %dma_start3A_156 = tpu.memref_squeeze %dma_start3A_155 : memref<1x16x128xi32, #tpu.memory_space<vmem>> -> memref<16x128xi32, #tpu.memory_space<vmem>>
      %dma_start3A_157 = arith.constant 0 : i32
      %dma_start3A_158 = tpu.memref_slice %arg5[%add3A_145, %dma_start3A_157] : memref<1280x128xi32, #tpu.memory_space<hbm>> -> memref<16x128xi32, #tpu.memory_space<hbm>>
      tpu.enqueue_dma source(%dma_start3A_158 : memref<16x128xi32, #tpu.memory_space<hbm>>) target(%dma_start3A_156 : memref<16x128xi32, #tpu.memory_space<vmem>>) target_semaphore(%arg20 : memref<!tpu.dma_semaphore, #tpu.memory_space<semaphore_mem>>)
      %add3A_159 = arith.constant 32 : i32
      %add3A_160 = arith.addi %mul3A_19, %add3A_159 : i32
      %dma_wait3A_161 = arith.constant 0 : i32
      %dma_wait3A_162 = arith.constant 0 : i32
      %dma_wait3A_163 = arith.constant 0 : i32
      %dma_wait3A_164 = tpu.memref_slice %arg11[%dma_wait3A_161, %dma_wait3A_162, %dma_wait3A_163] : memref<2x16x128xi32, #tpu.memory_space<vmem>> -> memref<1x16x128xi32, #tpu.memory_space<vmem>>
      %dma_wait3A_165 = tpu.memref_squeeze %dma_wait3A_164 : memref<1x16x128xi32, #tpu.memory_space<vmem>> -> memref<16x128xi32, #tpu.memory_space<vmem>>
      %dma_wait3A_166 = arith.constant 0 : i32
      %dma_wait3A_167 = tpu.memref_slice %arg5[%add3A_160, %dma_wait3A_166] : memref<1280x128xi32, #tpu.memory_space<hbm>> -> memref<16x128xi32, #tpu.memory_space<hbm>>
      %dma_wait3A_168 = arith.constant 0 : i32
      %dma_wait3A_169 = arith.constant 0 : i32
      %dma_wait3A_170 = tpu.memref_slice %arg11[%dma_wait3A_161, %dma_wait3A_168, %dma_wait3A_169] : memref<2x16x128xi32, #tpu.memory_space<vmem>> -> memref<1x16x128xi32, #tpu.memory_space<vmem>>
      %dma_wait3A_171 = tpu.memref_squeeze %dma_wait3A_170 : memref<1x16x128xi32, #tpu.memory_space<vmem>> -> memref<16x128xi32, #tpu.memory_space<vmem>>
      %dma_wait3A_172 = arith.constant 0 : i32
      %dma_wait3A_173 = tpu.memref_slice %arg5[%add3A_160, %dma_wait3A_172] : memref<1280x128xi32, #tpu.memory_space<hbm>> -> memref<16x128xi32, #tpu.memory_space<hbm>>
      tpu.wait_dma2 semaphore(%arg19 : memref<!tpu.dma_semaphore, #tpu.memory_space<semaphore_mem>>) src(%dma_wait3A_173 : memref<16x128xi32, #tpu.memory_space<hbm>>) dst(%dma_wait3A_171 : memref<16x128xi32, #tpu.memory_space<vmem>>)
      %scan3A_174 = arith.constant 0 : i32
      %scan3A_175 = arith.constant 8 : i32
      %scan3A_176 = arith.addi %scan3A_174, %scan3A_175 : i32
      %scan3A_177 = arith.constant 1 : i32
      scf.for %scan3A_250 = %scan3A_174 to %scan3A_176 step %scan3A_177  : i32 {
        %mul3A_251 = arith.constant 2 : i32
        %mul3A_252 = arith.muli %scan3A_250, %mul3A_251 : i32
        %add3A_253 = arith.constant 0 : i32
        %add3A_254 = arith.addi %add3A_253, %mul3A_252 : i32
        %add3A_255 = arith.constant 0 : i32
        %add3A_256 = arith.addi %add3A_254, %add3A_255 : i32
        %add3A_257 = arith.constant 32 : i32
        %add3A_258 = arith.addi %add3A_257, %add3A_256 : i32
        %dma_wait3A_259 = arith.constant 0 : i32
        %dma_wait3A_260 = tpu.memref_slice %arg10[%add3A_258, %dma_wait3A_259] : memref<80x128xi32, #tpu.memory_space<vmem>> -> memref<1x128xi32, #tpu.memory_space<vmem>>
        %dma_wait3A_261 = tpu.memref_squeeze %dma_wait3A_260 : memref<1x128xi32, #tpu.memory_space<vmem>> -> memref<128xi32, #tpu.memory_space<vmem>>
        %dma_wait3A_262 = arith.constant 0 : i32
        %dma_wait3A_263 = arith.constant 0 : i32
        %dma_wait3A_264 = tpu.memref_slice %arg3[%dma_wait3A_262, %dma_wait3A_263] : memref<10240x128xf32, #tpu.memory_space<hbm>> -> memref<10240x128xf32, #tpu.memory_space<hbm>>
        tpu.wait_indirect_dma semaphore(%arg15 : memref<!tpu.dma_semaphore, #tpu.memory_space<semaphore_mem>>) src(%dma_wait3A_264 : memref<10240x128xf32, #tpu.memory_space<hbm>>) dst(%arg12 : memref<128x128xf32, #tpu.memory_space<vmem>>)
        %dma_start3A_265 = arith.constant 0 : i32
        %dma_start3A_266 = arith.constant 0 : i32
        %dma_start3A_267 = tpu.memref_slice %arg11[%dma_start3A_265, %add3A_256, %dma_start3A_266] : memref<2x16x128xi32, #tpu.memory_space<vmem>> -> memref<1x1x128xi32, #tpu.memory_space<vmem>>
        %dma_start3A_268 = tpu.memref_squeeze %dma_start3A_267 : memref<1x1x128xi32, #tpu.memory_space<vmem>> -> memref<128xi32, #tpu.memory_space<vmem>>
        %dma_start3A_269 = arith.constant 0 : i32
        %dma_start3A_270 = arith.constant 0 : i32
        %dma_start3A_271 = tpu.memref_slice %arg9[%dma_start3A_269, %dma_start3A_270] : memref<10240x128xf32, #tpu.memory_space<vmem_shared>> -> memref<10240x128xf32, #tpu.memory_space<vmem_shared>>
        tpu.enqueue_indirect_dma source(%arg12 : memref<128x128xf32, #tpu.memory_space<vmem>>) target(%dma_start3A_271 : memref<10240x128xf32, #tpu.memory_space<vmem_shared>>) offsets(%dma_start3A_268 : memref<128xi32, #tpu.memory_space<vmem>>) semaphore(%arg17 : memref<!tpu.dma_semaphore, #tpu.memory_space<semaphore_mem>>) {add = true}
        %add3A_272 = arith.constant 32 : i32
        %add3A_273 = arith.addi %add3A_272, %add3A_256 : i32
        %add3A_274 = arith.constant 2 : i32
        %add3A_275 = arith.addi %add3A_273, %add3A_274 : i32
        %lt3A = arith.constant 80 : i32
        %lt3A_276 = arith.cmpi slt, %add3A_275, %lt3A : i32
        %convert_element_type3A_277 = arith.extui %lt3A_276 : i1 to i32
        %cond3A_278 = arith.constant 0 : i32
        %cond3A_279 = arith.cmpi ne, %convert_element_type3A_277, %cond3A_278 : i32
        scf.if %cond3A_279 {
          %dma_wait3A_306 = arith.constant 0 : i32
          %dma_wait3A_307 = arith.constant 0 : i32
          %dma_wait3A_308 = tpu.memref_slice %arg11[%dma_wait3A_306, %add3A_256, %dma_wait3A_307] : memref<2x16x128xi32, #tpu.memory_space<vmem>> -> memref<1x1x128xi32, #tpu.memory_space<vmem>>
          %dma_wait3A_309 = tpu.memref_squeeze %dma_wait3A_308 : memref<1x1x128xi32, #tpu.memory_space<vmem>> -> memref<128xi32, #tpu.memory_space<vmem>>
          %dma_wait3A_310 = arith.constant 0 : i32
          %dma_wait3A_311 = arith.constant 0 : i32
          %dma_wait3A_312 = tpu.memref_slice %arg9[%dma_wait3A_310, %dma_wait3A_311] : memref<10240x128xf32, #tpu.memory_space<vmem_shared>> -> memref<10240x128xf32, #tpu.memory_space<vmem_shared>>
          tpu.wait_indirect_dma semaphore(%arg17 : memref<!tpu.dma_semaphore, #tpu.memory_space<semaphore_mem>>) src(%arg12 : memref<128x128xf32, #tpu.memory_space<vmem>>) dst(%dma_wait3A_312 : memref<10240x128xf32, #tpu.memory_space<vmem_shared>>)
          %add3A_313 = arith.constant 32 : i32
          %add3A_314 = arith.addi %add3A_313, %add3A_256 : i32
          %add3A_315 = arith.constant 2 : i32
          %add3A_316 = arith.addi %add3A_314, %add3A_315 : i32
          %dma_start3A_317 = arith.constant 0 : i32
          %dma_start3A_318 = tpu.memref_slice %arg10[%add3A_316, %dma_start3A_317] : memref<80x128xi32, #tpu.memory_space<vmem>> -> memref<1x128xi32, #tpu.memory_space<vmem>>
          %dma_start3A_319 = tpu.memref_squeeze %dma_start3A_318 : memref<1x128xi32, #tpu.memory_space<vmem>> -> memref<128xi32, #tpu.memory_space<vmem>>
          %dma_start3A_320 = arith.constant 0 : i32
          %dma_start3A_321 = arith.constant 0 : i32
          %dma_start3A_322 = tpu.memref_slice %arg3[%dma_start3A_320, %dma_start3A_321] : memref<10240x128xf32, #tpu.memory_space<hbm>> -> memref<10240x128xf32, #tpu.memory_space<hbm>>
          tpu.enqueue_indirect_dma source(%dma_start3A_322 : memref<10240x128xf32, #tpu.memory_space<hbm>>) target(%arg12 : memref<128x128xf32, #tpu.memory_space<vmem>>) offsets(%dma_start3A_319 : memref<128xi32, #tpu.memory_space<vmem>>) semaphore(%arg15 : memref<!tpu.dma_semaphore, #tpu.memory_space<semaphore_mem>>)
        } else {
        }
        %add3A_280 = arith.constant 1 : i32
        %add3A_281 = arith.addi %add3A_254, %add3A_280 : i32
        %add3A_282 = arith.constant 32 : i32
        %add3A_283 = arith.addi %add3A_282, %add3A_281 : i32
        %dma_wait3A_284 = arith.constant 0 : i32
        %dma_wait3A_285 = tpu.memref_slice %arg10[%add3A_283, %dma_wait3A_284] : memref<80x128xi32, #tpu.memory_space<vmem>> -> memref<1x128xi32, #tpu.memory_space<vmem>>
        %dma_wait3A_286 = tpu.memref_squeeze %dma_wait3A_285 : memref<1x128xi32, #tpu.memory_space<vmem>> -> memref<128xi32, #tpu.memory_space<vmem>>
        %dma_wait3A_287 = arith.constant 0 : i32
        %dma_wait3A_288 = arith.constant 0 : i32
        %dma_wait3A_289 = tpu.memref_slice %arg3[%dma_wait3A_287, %dma_wait3A_288] : memref<10240x128xf32, #tpu.memory_space<hbm>> -> memref<10240x128xf32, #tpu.memory_space<hbm>>
        tpu.wait_indirect_dma semaphore(%arg16 : memref<!tpu.dma_semaphore, #tpu.memory_space<semaphore_mem>>) src(%dma_wait3A_289 : memref<10240x128xf32, #tpu.memory_space<hbm>>) dst(%arg13 : memref<128x128xf32, #tpu.memory_space<vmem>>)
        %dma_start3A_290 = arith.constant 0 : i32
        %dma_start3A_291 = arith.constant 0 : i32
        %dma_start3A_292 = tpu.memref_slice %arg11[%dma_start3A_290, %add3A_281, %dma_start3A_291] : memref<2x16x128xi32, #tpu.memory_space<vmem>> -> memref<1x1x128xi32, #tpu.memory_space<vmem>>
        %dma_start3A_293 = tpu.memref_squeeze %dma_start3A_292 : memref<1x1x128xi32, #tpu.memory_space<vmem>> -> memref<128xi32, #tpu.memory_space<vmem>>
        %dma_start3A_294 = arith.constant 0 : i32
        %dma_start3A_295 = arith.constant 0 : i32
        %dma_start3A_296 = tpu.memref_slice %arg9[%dma_start3A_294, %dma_start3A_295] : memref<10240x128xf32, #tpu.memory_space<vmem_shared>> -> memref<10240x128xf32, #tpu.memory_space<vmem_shared>>
        tpu.enqueue_indirect_dma source(%arg13 : memref<128x128xf32, #tpu.memory_space<vmem>>) target(%dma_start3A_296 : memref<10240x128xf32, #tpu.memory_space<vmem_shared>>) offsets(%dma_start3A_293 : memref<128xi32, #tpu.memory_space<vmem>>) semaphore(%arg18 : memref<!tpu.dma_semaphore, #tpu.memory_space<semaphore_mem>>) {add = true}
        %add3A_297 = arith.constant 32 : i32
        %add3A_298 = arith.addi %add3A_297, %add3A_281 : i32
        %add3A_299 = arith.constant 2 : i32
        %add3A_300 = arith.addi %add3A_298, %add3A_299 : i32
        %lt3A_301 = arith.constant 80 : i32
        %lt3A_302 = arith.cmpi slt, %add3A_300, %lt3A_301 : i32
        %convert_element_type3A_303 = arith.extui %lt3A_302 : i1 to i32
        %cond3A_304 = arith.constant 0 : i32
        %cond3A_305 = arith.cmpi ne, %convert_element_type3A_303, %cond3A_304 : i32
        scf.if %cond3A_305 {
          %dma_wait3A_306 = arith.constant 0 : i32
          %dma_wait3A_307 = arith.constant 0 : i32
          %dma_wait3A_308 = tpu.memref_slice %arg11[%dma_wait3A_306, %add3A_281, %dma_wait3A_307] : memref<2x16x128xi32, #tpu.memory_space<vmem>> -> memref<1x1x128xi32, #tpu.memory_space<vmem>>
          %dma_wait3A_309 = tpu.memref_squeeze %dma_wait3A_308 : memref<1x1x128xi32, #tpu.memory_space<vmem>> -> memref<128xi32, #tpu.memory_space<vmem>>
          %dma_wait3A_310 = arith.constant 0 : i32
          %dma_wait3A_311 = arith.constant 0 : i32
          %dma_wait3A_312 = tpu.memref_slice %arg9[%dma_wait3A_310, %dma_wait3A_311] : memref<10240x128xf32, #tpu.memory_space<vmem_shared>> -> memref<10240x128xf32, #tpu.memory_space<vmem_shared>>
          tpu.wait_indirect_dma semaphore(%arg18 : memref<!tpu.dma_semaphore, #tpu.memory_space<semaphore_mem>>) src(%arg13 : memref<128x128xf32, #tpu.memory_space<vmem>>) dst(%dma_wait3A_312 : memref<10240x128xf32, #tpu.memory_space<vmem_shared>>)
          %add3A_313 = arith.constant 32 : i32
          %add3A_314 = arith.addi %add3A_313, %add3A_281 : i32
          %add3A_315 = arith.constant 2 : i32
          %add3A_316 = arith.addi %add3A_314, %add3A_315 : i32
          %dma_start3A_317 = arith.constant 0 : i32
          %dma_start3A_318 = tpu.memref_slice %arg10[%add3A_316, %dma_start3A_317] : memref<80x128xi32, #tpu.memory_space<vmem>> -> memref<1x128xi32, #tpu.memory_space<vmem>>
          %dma_start3A_319 = tpu.memref_squeeze %dma_start3A_318 : memref<1x128xi32, #tpu.memory_space<vmem>> -> memref<128xi32, #tpu.memory_space<vmem>>
          %dma_start3A_320 = arith.constant 0 : i32
          %dma_start3A_321 = arith.constant 0 : i32
          %dma_start3A_322 = tpu.memref_slice %arg3[%dma_start3A_320, %dma_start3A_321] : memref<10240x128xf32, #tpu.memory_space<hbm>> -> memref<10240x128xf32, #tpu.memory_space<hbm>>
          tpu.enqueue_indirect_dma source(%dma_start3A_322 : memref<10240x128xf32, #tpu.memory_space<hbm>>) target(%arg13 : memref<128x128xf32, #tpu.memory_space<vmem>>) offsets(%dma_start3A_319 : memref<128xi32, #tpu.memory_space<vmem>>) semaphore(%arg16 : memref<!tpu.dma_semaphore, #tpu.memory_space<semaphore_mem>>)
        } else {
        }
      }
      %scan3A_178 = arith.constant 8 : i32
      %add3A_179 = arith.constant 64 : i32
      %add3A_180 = arith.addi %mul3A_19, %add3A_179 : i32
      %dma_start3A_181 = arith.constant 0 : i32
      %dma_start3A_182 = arith.constant 0 : i32
      %dma_start3A_183 = arith.constant 0 : i32
      %dma_start3A_184 = tpu.memref_slice %arg11[%dma_start3A_181, %dma_start3A_182, %dma_start3A_183] : memref<2x16x128xi32, #tpu.memory_space<vmem>> -> memref<1x16x128xi32, #tpu.memory_space<vmem>>
      %dma_start3A_185 = tpu.memref_squeeze %dma_start3A_184 : memref<1x16x128xi32, #tpu.memory_space<vmem>> -> memref<16x128xi32, #tpu.memory_space<vmem>>
      %dma_start3A_186 = arith.constant 0 : i32
      %dma_start3A_187 = tpu.memref_slice %arg5[%add3A_180, %dma_start3A_186] : memref<1280x128xi32, #tpu.memory_space<hbm>> -> memref<16x128xi32, #tpu.memory_space<hbm>>
      %dma_start3A_188 = arith.constant 0 : i32
      %dma_start3A_189 = arith.constant 0 : i32
      %dma_start3A_190 = tpu.memref_slice %arg11[%dma_start3A_181, %dma_start3A_188, %dma_start3A_189] : memref<2x16x128xi32, #tpu.memory_space<vmem>> -> memref<1x16x128xi32, #tpu.memory_space<vmem>>
      %dma_start3A_191 = tpu.memref_squeeze %dma_start3A_190 : memref<1x16x128xi32, #tpu.memory_space<vmem>> -> memref<16x128xi32, #tpu.memory_space<vmem>>
      %dma_start3A_192 = arith.constant 0 : i32
      %dma_start3A_193 = tpu.memref_slice %arg5[%add3A_180, %dma_start3A_192] : memref<1280x128xi32, #tpu.memory_space<hbm>> -> memref<16x128xi32, #tpu.memory_space<hbm>>
      tpu.enqueue_dma source(%dma_start3A_193 : memref<16x128xi32, #tpu.memory_space<hbm>>) target(%dma_start3A_191 : memref<16x128xi32, #tpu.memory_space<vmem>>) target_semaphore(%arg19 : memref<!tpu.dma_semaphore, #tpu.memory_space<semaphore_mem>>)
      %add3A_194 = arith.constant 48 : i32
      %add3A_195 = arith.addi %mul3A_19, %add3A_194 : i32
      %dma_wait3A_196 = arith.constant 1 : i32
      %dma_wait3A_197 = arith.constant 0 : i32
      %dma_wait3A_198 = arith.constant 0 : i32
      %dma_wait3A_199 = tpu.memref_slice %arg11[%dma_wait3A_196, %dma_wait3A_197, %dma_wait3A_198] : memref<2x16x128xi32, #tpu.memory_space<vmem>> -> memref<1x16x128xi32, #tpu.memory_space<vmem>>
      %dma_wait3A_200 = tpu.memref_squeeze %dma_wait3A_199 : memref<1x16x128xi32, #tpu.memory_space<vmem>> -> memref<16x128xi32, #tpu.memory_space<vmem>>
      %dma_wait3A_201 = arith.constant 0 : i32
      %dma_wait3A_202 = tpu.memref_slice %arg5[%add3A_195, %dma_wait3A_201] : memref<1280x128xi32, #tpu.memory_space<hbm>> -> memref<16x128xi32, #tpu.memory_space<hbm>>
      %dma_wait3A_203 = arith.constant 0 : i32
      %dma_wait3A_204 = arith.constant 0 : i32
      %dma_wait3A_205 = tpu.memref_slice %arg11[%dma_wait3A_196, %dma_wait3A_203, %dma_wait3A_204] : memref<2x16x128xi32, #tpu.memory_space<vmem>> -> memref<1x16x128xi32, #tpu.memory_space<vmem>>
      %dma_wait3A_206 = tpu.memref_squeeze %dma_wait3A_205 : memref<1x16x128xi32, #tpu.memory_space<vmem>> -> memref<16x128xi32, #tpu.memory_space<vmem>>
      %dma_wait3A_207 = arith.constant 0 : i32
      %dma_wait3A_208 = tpu.memref_slice %arg5[%add3A_195, %dma_wait3A_207] : memref<1280x128xi32, #tpu.memory_space<hbm>> -> memref<16x128xi32, #tpu.memory_space<hbm>>
      tpu.wait_dma2 semaphore(%arg20 : memref<!tpu.dma_semaphore, #tpu.memory_space<semaphore_mem>>) src(%dma_wait3A_208 : memref<16x128xi32, #tpu.memory_space<hbm>>) dst(%dma_wait3A_206 : memref<16x128xi32, #tpu.memory_space<vmem>>)
      %scan3A_209 = arith.constant 0 : i32
      %scan3A_210 = arith.constant 8 : i32
      %scan3A_211 = arith.addi %scan3A_209, %scan3A_210 : i32
      %scan3A_212 = arith.constant 1 : i32
      scf.for %scan3A_250 = %scan3A_209 to %scan3A_211 step %scan3A_212  : i32 {
        %mul3A_251 = arith.constant 2 : i32
        %mul3A_252 = arith.muli %scan3A_250, %mul3A_251 : i32
        %add3A_253 = arith.constant 0 : i32
        %add3A_254 = arith.addi %add3A_253, %mul3A_252 : i32
        %add3A_255 = arith.constant 0 : i32
        %add3A_256 = arith.addi %add3A_254, %add3A_255 : i32
        %add3A_257 = arith.constant 48 : i32
        %add3A_258 = arith.addi %add3A_257, %add3A_256 : i32
        %dma_wait3A_259 = arith.constant 0 : i32
        %dma_wait3A_260 = tpu.memref_slice %arg10[%add3A_258, %dma_wait3A_259] : memref<80x128xi32, #tpu.memory_space<vmem>> -> memref<1x128xi32, #tpu.memory_space<vmem>>
        %dma_wait3A_261 = tpu.memref_squeeze %dma_wait3A_260 : memref<1x128xi32, #tpu.memory_space<vmem>> -> memref<128xi32, #tpu.memory_space<vmem>>
        %dma_wait3A_262 = arith.constant 0 : i32
        %dma_wait3A_263 = arith.constant 0 : i32
        %dma_wait3A_264 = tpu.memref_slice %arg3[%dma_wait3A_262, %dma_wait3A_263] : memref<10240x128xf32, #tpu.memory_space<hbm>> -> memref<10240x128xf32, #tpu.memory_space<hbm>>
        tpu.wait_indirect_dma semaphore(%arg15 : memref<!tpu.dma_semaphore, #tpu.memory_space<semaphore_mem>>) src(%dma_wait3A_264 : memref<10240x128xf32, #tpu.memory_space<hbm>>) dst(%arg12 : memref<128x128xf32, #tpu.memory_space<vmem>>)
        %dma_start3A_265 = arith.constant 1 : i32
        %dma_start3A_266 = arith.constant 0 : i32
        %dma_start3A_267 = tpu.memref_slice %arg11[%dma_start3A_265, %add3A_256, %dma_start3A_266] : memref<2x16x128xi32, #tpu.memory_space<vmem>> -> memref<1x1x128xi32, #tpu.memory_space<vmem>>
        %dma_start3A_268 = tpu.memref_squeeze %dma_start3A_267 : memref<1x1x128xi32, #tpu.memory_space<vmem>> -> memref<128xi32, #tpu.memory_space<vmem>>
        %dma_start3A_269 = arith.constant 0 : i32
        %dma_start3A_270 = arith.constant 0 : i32
        %dma_start3A_271 = tpu.memref_slice %arg9[%dma_start3A_269, %dma_start3A_270] : memref<10240x128xf32, #tpu.memory_space<vmem_shared>> -> memref<10240x128xf32, #tpu.memory_space<vmem_shared>>
        tpu.enqueue_indirect_dma source(%arg12 : memref<128x128xf32, #tpu.memory_space<vmem>>) target(%dma_start3A_271 : memref<10240x128xf32, #tpu.memory_space<vmem_shared>>) offsets(%dma_start3A_268 : memref<128xi32, #tpu.memory_space<vmem>>) semaphore(%arg17 : memref<!tpu.dma_semaphore, #tpu.memory_space<semaphore_mem>>) {add = true}
        %add3A_272 = arith.constant 48 : i32
        %add3A_273 = arith.addi %add3A_272, %add3A_256 : i32
        %add3A_274 = arith.constant 2 : i32
        %add3A_275 = arith.addi %add3A_273, %add3A_274 : i32
        %lt3A = arith.constant 80 : i32
        %lt3A_276 = arith.cmpi slt, %add3A_275, %lt3A : i32
        %convert_element_type3A_277 = arith.extui %lt3A_276 : i1 to i32
        %cond3A_278 = arith.constant 0 : i32
        %cond3A_279 = arith.cmpi ne, %convert_element_type3A_277, %cond3A_278 : i32
        scf.if %cond3A_279 {
          %dma_wait3A_306 = arith.constant 1 : i32
          %dma_wait3A_307 = arith.constant 0 : i32
          %dma_wait3A_308 = tpu.memref_slice %arg11[%dma_wait3A_306, %add3A_256, %dma_wait3A_307] : memref<2x16x128xi32, #tpu.memory_space<vmem>> -> memref<1x1x128xi32, #tpu.memory_space<vmem>>
          %dma_wait3A_309 = tpu.memref_squeeze %dma_wait3A_308 : memref<1x1x128xi32, #tpu.memory_space<vmem>> -> memref<128xi32, #tpu.memory_space<vmem>>
          %dma_wait3A_310 = arith.constant 0 : i32
          %dma_wait3A_311 = arith.constant 0 : i32
          %dma_wait3A_312 = tpu.memref_slice %arg9[%dma_wait3A_310, %dma_wait3A_311] : memref<10240x128xf32, #tpu.memory_space<vmem_shared>> -> memref<10240x128xf32, #tpu.memory_space<vmem_shared>>
          tpu.wait_indirect_dma semaphore(%arg17 : memref<!tpu.dma_semaphore, #tpu.memory_space<semaphore_mem>>) src(%arg12 : memref<128x128xf32, #tpu.memory_space<vmem>>) dst(%dma_wait3A_312 : memref<10240x128xf32, #tpu.memory_space<vmem_shared>>)
          %add3A_313 = arith.constant 48 : i32
          %add3A_314 = arith.addi %add3A_313, %add3A_256 : i32
          %add3A_315 = arith.constant 2 : i32
          %add3A_316 = arith.addi %add3A_314, %add3A_315 : i32
          %dma_start3A_317 = arith.constant 0 : i32
          %dma_start3A_318 = tpu.memref_slice %arg10[%add3A_316, %dma_start3A_317] : memref<80x128xi32, #tpu.memory_space<vmem>> -> memref<1x128xi32, #tpu.memory_space<vmem>>
          %dma_start3A_319 = tpu.memref_squeeze %dma_start3A_318 : memref<1x128xi32, #tpu.memory_space<vmem>> -> memref<128xi32, #tpu.memory_space<vmem>>
          %dma_start3A_320 = arith.constant 0 : i32
          %dma_start3A_321 = arith.constant 0 : i32
          %dma_start3A_322 = tpu.memref_slice %arg3[%dma_start3A_320, %dma_start3A_321] : memref<10240x128xf32, #tpu.memory_space<hbm>> -> memref<10240x128xf32, #tpu.memory_space<hbm>>
          tpu.enqueue_indirect_dma source(%dma_start3A_322 : memref<10240x128xf32, #tpu.memory_space<hbm>>) target(%arg12 : memref<128x128xf32, #tpu.memory_space<vmem>>) offsets(%dma_start3A_319 : memref<128xi32, #tpu.memory_space<vmem>>) semaphore(%arg15 : memref<!tpu.dma_semaphore, #tpu.memory_space<semaphore_mem>>)
        } else {
        }
        %add3A_280 = arith.constant 1 : i32
        %add3A_281 = arith.addi %add3A_254, %add3A_280 : i32
        %add3A_282 = arith.constant 48 : i32
        %add3A_283 = arith.addi %add3A_282, %add3A_281 : i32
        %dma_wait3A_284 = arith.constant 0 : i32
        %dma_wait3A_285 = tpu.memref_slice %arg10[%add3A_283, %dma_wait3A_284] : memref<80x128xi32, #tpu.memory_space<vmem>> -> memref<1x128xi32, #tpu.memory_space<vmem>>
        %dma_wait3A_286 = tpu.memref_squeeze %dma_wait3A_285 : memref<1x128xi32, #tpu.memory_space<vmem>> -> memref<128xi32, #tpu.memory_space<vmem>>
        %dma_wait3A_287 = arith.constant 0 : i32
        %dma_wait3A_288 = arith.constant 0 : i32
        %dma_wait3A_289 = tpu.memref_slice %arg3[%dma_wait3A_287, %dma_wait3A_288] : memref<10240x128xf32, #tpu.memory_space<hbm>> -> memref<10240x128xf32, #tpu.memory_space<hbm>>
        tpu.wait_indirect_dma semaphore(%arg16 : memref<!tpu.dma_semaphore, #tpu.memory_space<semaphore_mem>>) src(%dma_wait3A_289 : memref<10240x128xf32, #tpu.memory_space<hbm>>) dst(%arg13 : memref<128x128xf32, #tpu.memory_space<vmem>>)
        %dma_start3A_290 = arith.constant 1 : i32
        %dma_start3A_291 = arith.constant 0 : i32
        %dma_start3A_292 = tpu.memref_slice %arg11[%dma_start3A_290, %add3A_281, %dma_start3A_291] : memref<2x16x128xi32, #tpu.memory_space<vmem>> -> memref<1x1x128xi32, #tpu.memory_space<vmem>>
        %dma_start3A_293 = tpu.memref_squeeze %dma_start3A_292 : memref<1x1x128xi32, #tpu.memory_space<vmem>> -> memref<128xi32, #tpu.memory_space<vmem>>
        %dma_start3A_294 = arith.constant 0 : i32
        %dma_start3A_295 = arith.constant 0 : i32
        %dma_start3A_296 = tpu.memref_slice %arg9[%dma_start3A_294, %dma_start3A_295] : memref<10240x128xf32, #tpu.memory_space<vmem_shared>> -> memref<10240x128xf32, #tpu.memory_space<vmem_shared>>
        tpu.enqueue_indirect_dma source(%arg13 : memref<128x128xf32, #tpu.memory_space<vmem>>) target(%dma_start3A_296 : memref<10240x128xf32, #tpu.memory_space<vmem_shared>>) offsets(%dma_start3A_293 : memref<128xi32, #tpu.memory_space<vmem>>) semaphore(%arg18 : memref<!tpu.dma_semaphore, #tpu.memory_space<semaphore_mem>>) {add = true}
        %add3A_297 = arith.constant 48 : i32
        %add3A_298 = arith.addi %add3A_297, %add3A_281 : i32
        %add3A_299 = arith.constant 2 : i32
        %add3A_300 = arith.addi %add3A_298, %add3A_299 : i32
        %lt3A_301 = arith.constant 80 : i32
        %lt3A_302 = arith.cmpi slt, %add3A_300, %lt3A_301 : i32
        %convert_element_type3A_303 = arith.extui %lt3A_302 : i1 to i32
        %cond3A_304 = arith.constant 0 : i32
        %cond3A_305 = arith.cmpi ne, %convert_element_type3A_303, %cond3A_304 : i32
        scf.if %cond3A_305 {
          %dma_wait3A_306 = arith.constant 1 : i32
          %dma_wait3A_307 = arith.constant 0 : i32
          %dma_wait3A_308 = tpu.memref_slice %arg11[%dma_wait3A_306, %add3A_281, %dma_wait3A_307] : memref<2x16x128xi32, #tpu.memory_space<vmem>> -> memref<1x1x128xi32, #tpu.memory_space<vmem>>
          %dma_wait3A_309 = tpu.memref_squeeze %dma_wait3A_308 : memref<1x1x128xi32, #tpu.memory_space<vmem>> -> memref<128xi32, #tpu.memory_space<vmem>>
          %dma_wait3A_310 = arith.constant 0 : i32
          %dma_wait3A_311 = arith.constant 0 : i32
          %dma_wait3A_312 = tpu.memref_slice %arg9[%dma_wait3A_310, %dma_wait3A_311] : memref<10240x128xf32, #tpu.memory_space<vmem_shared>> -> memref<10240x128xf32, #tpu.memory_space<vmem_shared>>
          tpu.wait_indirect_dma semaphore(%arg18 : memref<!tpu.dma_semaphore, #tpu.memory_space<semaphore_mem>>) src(%arg13 : memref<128x128xf32, #tpu.memory_space<vmem>>) dst(%dma_wait3A_312 : memref<10240x128xf32, #tpu.memory_space<vmem_shared>>)
          %add3A_313 = arith.constant 48 : i32
          %add3A_314 = arith.addi %add3A_313, %add3A_281 : i32
          %add3A_315 = arith.constant 2 : i32
          %add3A_316 = arith.addi %add3A_314, %add3A_315 : i32
          %dma_start3A_317 = arith.constant 0 : i32
          %dma_start3A_318 = tpu.memref_slice %arg10[%add3A_316, %dma_start3A_317] : memref<80x128xi32, #tpu.memory_space<vmem>> -> memref<1x128xi32, #tpu.memory_space<vmem>>
          %dma_start3A_319 = tpu.memref_squeeze %dma_start3A_318 : memref<1x128xi32, #tpu.memory_space<vmem>> -> memref<128xi32, #tpu.memory_space<vmem>>
          %dma_start3A_320 = arith.constant 0 : i32
          %dma_start3A_321 = arith.constant 0 : i32
          %dma_start3A_322 = tpu.memref_slice %arg3[%dma_start3A_320, %dma_start3A_321] : memref<10240x128xf32, #tpu.memory_space<hbm>> -> memref<10240x128xf32, #tpu.memory_space<hbm>>
          tpu.enqueue_indirect_dma source(%dma_start3A_322 : memref<10240x128xf32, #tpu.memory_space<hbm>>) target(%arg13 : memref<128x128xf32, #tpu.memory_space<vmem>>) offsets(%dma_start3A_319 : memref<128xi32, #tpu.memory_space<vmem>>) semaphore(%arg16 : memref<!tpu.dma_semaphore, #tpu.memory_space<semaphore_mem>>)
        } else {
        }
      }
      %scan3A_213 = arith.constant 8 : i32
      %add3A_214 = arith.constant 64 : i32
      %add3A_215 = arith.addi %mul3A_19, %add3A_214 : i32
      %dma_wait3A_216 = arith.constant 0 : i32
      %dma_wait3A_217 = arith.constant 0 : i32
      %dma_wait3A_218 = arith.constant 0 : i32
      %dma_wait3A_219 = tpu.memref_slice %arg11[%dma_wait3A_216, %dma_wait3A_217, %dma_wait3A_218] : memref<2x16x128xi32, #tpu.memory_space<vmem>> -> memref<1x16x128xi32, #tpu.memory_space<vmem>>
      %dma_wait3A_220 = tpu.memref_squeeze %dma_wait3A_219 : memref<1x16x128xi32, #tpu.memory_space<vmem>> -> memref<16x128xi32, #tpu.memory_space<vmem>>
      %dma_wait3A_221 = arith.constant 0 : i32
      %dma_wait3A_222 = tpu.memref_slice %arg5[%add3A_215, %dma_wait3A_221] : memref<1280x128xi32, #tpu.memory_space<hbm>> -> memref<16x128xi32, #tpu.memory_space<hbm>>
      %dma_wait3A_223 = arith.constant 0 : i32
      %dma_wait3A_224 = arith.constant 0 : i32
      %dma_wait3A_225 = tpu.memref_slice %arg11[%dma_wait3A_216, %dma_wait3A_223, %dma_wait3A_224] : memref<2x16x128xi32, #tpu.memory_space<vmem>> -> memref<1x16x128xi32, #tpu.memory_space<vmem>>
      %dma_wait3A_226 = tpu.memref_squeeze %dma_wait3A_225 : memref<1x16x128xi32, #tpu.memory_space<vmem>> -> memref<16x128xi32, #tpu.memory_space<vmem>>
      %dma_wait3A_227 = arith.constant 0 : i32
      %dma_wait3A_228 = tpu.memref_slice %arg5[%add3A_215, %dma_wait3A_227] : memref<1280x128xi32, #tpu.memory_space<hbm>> -> memref<16x128xi32, #tpu.memory_space<hbm>>
      tpu.wait_dma2 semaphore(%arg19 : memref<!tpu.dma_semaphore, #tpu.memory_space<semaphore_mem>>) src(%dma_wait3A_228 : memref<16x128xi32, #tpu.memory_space<hbm>>) dst(%dma_wait3A_226 : memref<16x128xi32, #tpu.memory_space<vmem>>)
      %scan3A_229 = arith.constant 0 : i32
      %scan3A_230 = arith.constant 8 : i32
      %scan3A_231 = arith.addi %scan3A_229, %scan3A_230 : i32
      %scan3A_232 = arith.constant 1 : i32
      scf.for %scan3A_250 = %scan3A_229 to %scan3A_231 step %scan3A_232  : i32 {
        %mul3A_251 = arith.constant 2 : i32
        %mul3A_252 = arith.muli %scan3A_250, %mul3A_251 : i32
        %add3A_253 = arith.constant 0 : i32
        %add3A_254 = arith.addi %add3A_253, %mul3A_252 : i32
        %add3A_255 = arith.constant 0 : i32
        %add3A_256 = arith.addi %add3A_254, %add3A_255 : i32
        %add3A_257 = arith.constant 64 : i32
        %add3A_258 = arith.addi %add3A_257, %add3A_256 : i32
        %dma_wait3A_259 = arith.constant 0 : i32
        %dma_wait3A_260 = tpu.memref_slice %arg10[%add3A_258, %dma_wait3A_259] : memref<80x128xi32, #tpu.memory_space<vmem>> -> memref<1x128xi32, #tpu.memory_space<vmem>>
        %dma_wait3A_261 = tpu.memref_squeeze %dma_wait3A_260 : memref<1x128xi32, #tpu.memory_space<vmem>> -> memref<128xi32, #tpu.memory_space<vmem>>
        %dma_wait3A_262 = arith.constant 0 : i32
        %dma_wait3A_263 = arith.constant 0 : i32
        %dma_wait3A_264 = tpu.memref_slice %arg3[%dma_wait3A_262, %dma_wait3A_263] : memref<10240x128xf32, #tpu.memory_space<hbm>> -> memref<10240x128xf32, #tpu.memory_space<hbm>>
        tpu.wait_indirect_dma semaphore(%arg15 : memref<!tpu.dma_semaphore, #tpu.memory_space<semaphore_mem>>) src(%dma_wait3A_264 : memref<10240x128xf32, #tpu.memory_space<hbm>>) dst(%arg12 : memref<128x128xf32, #tpu.memory_space<vmem>>)
        %dma_start3A_265 = arith.constant 0 : i32
        %dma_start3A_266 = arith.constant 0 : i32
        %dma_start3A_267 = tpu.memref_slice %arg11[%dma_start3A_265, %add3A_256, %dma_start3A_266] : memref<2x16x128xi32, #tpu.memory_space<vmem>> -> memref<1x1x128xi32, #tpu.memory_space<vmem>>
        %dma_start3A_268 = tpu.memref_squeeze %dma_start3A_267 : memref<1x1x128xi32, #tpu.memory_space<vmem>> -> memref<128xi32, #tpu.memory_space<vmem>>
        %dma_start3A_269 = arith.constant 0 : i32
        %dma_start3A_270 = arith.constant 0 : i32
        %dma_start3A_271 = tpu.memref_slice %arg9[%dma_start3A_269, %dma_start3A_270] : memref<10240x128xf32, #tpu.memory_space<vmem_shared>> -> memref<10240x128xf32, #tpu.memory_space<vmem_shared>>
        tpu.enqueue_indirect_dma source(%arg12 : memref<128x128xf32, #tpu.memory_space<vmem>>) target(%dma_start3A_271 : memref<10240x128xf32, #tpu.memory_space<vmem_shared>>) offsets(%dma_start3A_268 : memref<128xi32, #tpu.memory_space<vmem>>) semaphore(%arg17 : memref<!tpu.dma_semaphore, #tpu.memory_space<semaphore_mem>>) {add = true}
        %add3A_272 = arith.constant 64 : i32
        %add3A_273 = arith.addi %add3A_272, %add3A_256 : i32
        %add3A_274 = arith.constant 2 : i32
        %add3A_275 = arith.addi %add3A_273, %add3A_274 : i32
        %lt3A = arith.constant 80 : i32
        %lt3A_276 = arith.cmpi slt, %add3A_275, %lt3A : i32
        %convert_element_type3A_277 = arith.extui %lt3A_276 : i1 to i32
        %cond3A_278 = arith.constant 0 : i32
        %cond3A_279 = arith.cmpi ne, %convert_element_type3A_277, %cond3A_278 : i32
        scf.if %cond3A_279 {
          %dma_wait3A_306 = arith.constant 0 : i32
          %dma_wait3A_307 = arith.constant 0 : i32
          %dma_wait3A_308 = tpu.memref_slice %arg11[%dma_wait3A_306, %add3A_256, %dma_wait3A_307] : memref<2x16x128xi32, #tpu.memory_space<vmem>> -> memref<1x1x128xi32, #tpu.memory_space<vmem>>
          %dma_wait3A_309 = tpu.memref_squeeze %dma_wait3A_308 : memref<1x1x128xi32, #tpu.memory_space<vmem>> -> memref<128xi32, #tpu.memory_space<vmem>>
          %dma_wait3A_310 = arith.constant 0 : i32
          %dma_wait3A_311 = arith.constant 0 : i32
          %dma_wait3A_312 = tpu.memref_slice %arg9[%dma_wait3A_310, %dma_wait3A_311] : memref<10240x128xf32, #tpu.memory_space<vmem_shared>> -> memref<10240x128xf32, #tpu.memory_space<vmem_shared>>
          tpu.wait_indirect_dma semaphore(%arg17 : memref<!tpu.dma_semaphore, #tpu.memory_space<semaphore_mem>>) src(%arg12 : memref<128x128xf32, #tpu.memory_space<vmem>>) dst(%dma_wait3A_312 : memref<10240x128xf32, #tpu.memory_space<vmem_shared>>)
          %add3A_313 = arith.constant 64 : i32
          %add3A_314 = arith.addi %add3A_313, %add3A_256 : i32
          %add3A_315 = arith.constant 2 : i32
          %add3A_316 = arith.addi %add3A_314, %add3A_315 : i32
          %dma_start3A_317 = arith.constant 0 : i32
          %dma_start3A_318 = tpu.memref_slice %arg10[%add3A_316, %dma_start3A_317] : memref<80x128xi32, #tpu.memory_space<vmem>> -> memref<1x128xi32, #tpu.memory_space<vmem>>
          %dma_start3A_319 = tpu.memref_squeeze %dma_start3A_318 : memref<1x128xi32, #tpu.memory_space<vmem>> -> memref<128xi32, #tpu.memory_space<vmem>>
          %dma_start3A_320 = arith.constant 0 : i32
          %dma_start3A_321 = arith.constant 0 : i32
          %dma_start3A_322 = tpu.memref_slice %arg3[%dma_start3A_320, %dma_start3A_321] : memref<10240x128xf32, #tpu.memory_space<hbm>> -> memref<10240x128xf32, #tpu.memory_space<hbm>>
          tpu.enqueue_indirect_dma source(%dma_start3A_322 : memref<10240x128xf32, #tpu.memory_space<hbm>>) target(%arg12 : memref<128x128xf32, #tpu.memory_space<vmem>>) offsets(%dma_start3A_319 : memref<128xi32, #tpu.memory_space<vmem>>) semaphore(%arg15 : memref<!tpu.dma_semaphore, #tpu.memory_space<semaphore_mem>>)
        } else {
        }
        %add3A_280 = arith.constant 1 : i32
        %add3A_281 = arith.addi %add3A_254, %add3A_280 : i32
        %add3A_282 = arith.constant 64 : i32
        %add3A_283 = arith.addi %add3A_282, %add3A_281 : i32
        %dma_wait3A_284 = arith.constant 0 : i32
        %dma_wait3A_285 = tpu.memref_slice %arg10[%add3A_283, %dma_wait3A_284] : memref<80x128xi32, #tpu.memory_space<vmem>> -> memref<1x128xi32, #tpu.memory_space<vmem>>
        %dma_wait3A_286 = tpu.memref_squeeze %dma_wait3A_285 : memref<1x128xi32, #tpu.memory_space<vmem>> -> memref<128xi32, #tpu.memory_space<vmem>>
        %dma_wait3A_287 = arith.constant 0 : i32
        %dma_wait3A_288 = arith.constant 0 : i32
        %dma_wait3A_289 = tpu.memref_slice %arg3[%dma_wait3A_287, %dma_wait3A_288] : memref<10240x128xf32, #tpu.memory_space<hbm>> -> memref<10240x128xf32, #tpu.memory_space<hbm>>
        tpu.wait_indirect_dma semaphore(%arg16 : memref<!tpu.dma_semaphore, #tpu.memory_space<semaphore_mem>>) src(%dma_wait3A_289 : memref<10240x128xf32, #tpu.memory_space<hbm>>) dst(%arg13 : memref<128x128xf32, #tpu.memory_space<vmem>>)
        %dma_start3A_290 = arith.constant 0 : i32
        %dma_start3A_291 = arith.constant 0 : i32
        %dma_start3A_292 = tpu.memref_slice %arg11[%dma_start3A_290, %add3A_281, %dma_start3A_291] : memref<2x16x128xi32, #tpu.memory_space<vmem>> -> memref<1x1x128xi32, #tpu.memory_space<vmem>>
        %dma_start3A_293 = tpu.memref_squeeze %dma_start3A_292 : memref<1x1x128xi32, #tpu.memory_space<vmem>> -> memref<128xi32, #tpu.memory_space<vmem>>
        %dma_start3A_294 = arith.constant 0 : i32
        %dma_start3A_295 = arith.constant 0 : i32
        %dma_start3A_296 = tpu.memref_slice %arg9[%dma_start3A_294, %dma_start3A_295] : memref<10240x128xf32, #tpu.memory_space<vmem_shared>> -> memref<10240x128xf32, #tpu.memory_space<vmem_shared>>
        tpu.enqueue_indirect_dma source(%arg13 : memref<128x128xf32, #tpu.memory_space<vmem>>) target(%dma_start3A_296 : memref<10240x128xf32, #tpu.memory_space<vmem_shared>>) offsets(%dma_start3A_293 : memref<128xi32, #tpu.memory_space<vmem>>) semaphore(%arg18 : memref<!tpu.dma_semaphore, #tpu.memory_space<semaphore_mem>>) {add = true}
        %add3A_297 = arith.constant 64 : i32
        %add3A_298 = arith.addi %add3A_297, %add3A_281 : i32
        %add3A_299 = arith.constant 2 : i32
        %add3A_300 = arith.addi %add3A_298, %add3A_299 : i32
        %lt3A_301 = arith.constant 80 : i32
        %lt3A_302 = arith.cmpi slt, %add3A_300, %lt3A_301 : i32
        %convert_element_type3A_303 = arith.extui %lt3A_302 : i1 to i32
        %cond3A_304 = arith.constant 0 : i32
        %cond3A_305 = arith.cmpi ne, %convert_element_type3A_303, %cond3A_304 : i32
        scf.if %cond3A_305 {
          %dma_wait3A_306 = arith.constant 0 : i32
          %dma_wait3A_307 = arith.constant 0 : i32
          %dma_wait3A_308 = tpu.memref_slice %arg11[%dma_wait3A_306, %add3A_281, %dma_wait3A_307] : memref<2x16x128xi32, #tpu.memory_space<vmem>> -> memref<1x1x128xi32, #tpu.memory_space<vmem>>
          %dma_wait3A_309 = tpu.memref_squeeze %dma_wait3A_308 : memref<1x1x128xi32, #tpu.memory_space<vmem>> -> memref<128xi32, #tpu.memory_space<vmem>>
          %dma_wait3A_310 = arith.constant 0 : i32
          %dma_wait3A_311 = arith.constant 0 : i32
          %dma_wait3A_312 = tpu.memref_slice %arg9[%dma_wait3A_310, %dma_wait3A_311] : memref<10240x128xf32, #tpu.memory_space<vmem_shared>> -> memref<10240x128xf32, #tpu.memory_space<vmem_shared>>
          tpu.wait_indirect_dma semaphore(%arg18 : memref<!tpu.dma_semaphore, #tpu.memory_space<semaphore_mem>>) src(%arg13 : memref<128x128xf32, #tpu.memory_space<vmem>>) dst(%dma_wait3A_312 : memref<10240x128xf32, #tpu.memory_space<vmem_shared>>)
          %add3A_313 = arith.constant 64 : i32
          %add3A_314 = arith.addi %add3A_313, %add3A_281 : i32
          %add3A_315 = arith.constant 2 : i32
          %add3A_316 = arith.addi %add3A_314, %add3A_315 : i32
          %dma_start3A_317 = arith.constant 0 : i32
          %dma_start3A_318 = tpu.memref_slice %arg10[%add3A_316, %dma_start3A_317] : memref<80x128xi32, #tpu.memory_space<vmem>> -> memref<1x128xi32, #tpu.memory_space<vmem>>
          %dma_start3A_319 = tpu.memref_squeeze %dma_start3A_318 : memref<1x128xi32, #tpu.memory_space<vmem>> -> memref<128xi32, #tpu.memory_space<vmem>>
          %dma_start3A_320 = arith.constant 0 : i32
          %dma_start3A_321 = arith.constant 0 : i32
          %dma_start3A_322 = tpu.memref_slice %arg3[%dma_start3A_320, %dma_start3A_321] : memref<10240x128xf32, #tpu.memory_space<hbm>> -> memref<10240x128xf32, #tpu.memory_space<hbm>>
          tpu.enqueue_indirect_dma source(%dma_start3A_322 : memref<10240x128xf32, #tpu.memory_space<hbm>>) target(%arg13 : memref<128x128xf32, #tpu.memory_space<vmem>>) offsets(%dma_start3A_319 : memref<128xi32, #tpu.memory_space<vmem>>) semaphore(%arg16 : memref<!tpu.dma_semaphore, #tpu.memory_space<semaphore_mem>>)
        } else {
        }
      }
      %scan3A_233 = arith.constant 8 : i32
      %dma_wait3A_234 = arith.constant 0 : i32
      %dma_wait3A_235 = arith.constant 14 : i32
      %dma_wait3A_236 = arith.constant 0 : i32
      %dma_wait3A_237 = tpu.memref_slice %arg11[%dma_wait3A_234, %dma_wait3A_235, %dma_wait3A_236] : memref<2x16x128xi32, #tpu.memory_space<vmem>> -> memref<1x1x128xi32, #tpu.memory_space<vmem>>
      %dma_wait3A_238 = tpu.memref_squeeze %dma_wait3A_237 : memref<1x1x128xi32, #tpu.memory_space<vmem>> -> memref<128xi32, #tpu.memory_space<vmem>>
      %dma_wait3A_239 = arith.constant 0 : i32
      %dma_wait3A_240 = arith.constant 0 : i32
      %dma_wait3A_241 = tpu.memref_slice %arg9[%dma_wait3A_239, %dma_wait3A_240] : memref<10240x128xf32, #tpu.memory_space<vmem_shared>> -> memref<10240x128xf32, #tpu.memory_space<vmem_shared>>
      tpu.wait_indirect_dma semaphore(%arg17 : memref<!tpu.dma_semaphore, #tpu.memory_space<semaphore_mem>>) src(%arg12 : memref<128x128xf32, #tpu.memory_space<vmem>>) dst(%dma_wait3A_241 : memref<10240x128xf32, #tpu.memory_space<vmem_shared>>)
      %dma_wait3A_242 = arith.constant 0 : i32
      %dma_wait3A_243 = arith.constant 15 : i32
      %dma_wait3A_244 = arith.constant 0 : i32
      %dma_wait3A_245 = tpu.memref_slice %arg11[%dma_wait3A_242, %dma_wait3A_243, %dma_wait3A_244] : memref<2x16x128xi32, #tpu.memory_space<vmem>> -> memref<1x1x128xi32, #tpu.memory_space<vmem>>
      %dma_wait3A_246 = tpu.memref_squeeze %dma_wait3A_245 : memref<1x1x128xi32, #tpu.memory_space<vmem>> -> memref<128xi32, #tpu.memory_space<vmem>>
      %dma_wait3A_247 = arith.constant 0 : i32
      %dma_wait3A_248 = arith.constant 0 : i32
      %dma_wait3A_249 = tpu.memref_slice %arg9[%dma_wait3A_247, %dma_wait3A_248] : memref<10240x128xf32, #tpu.memory_space<vmem_shared>> -> memref<10240x128xf32, #tpu.memory_space<vmem_shared>>
      tpu.wait_indirect_dma semaphore(%arg18 : memref<!tpu.dma_semaphore, #tpu.memory_space<semaphore_mem>>) src(%arg13 : memref<128x128xf32, #tpu.memory_space<vmem>>) dst(%dma_wait3A_249 : memref<10240x128xf32, #tpu.memory_space<vmem_shared>>)
    } else {
    }
    %barrier3A_27 = arith.constant 0 : index
    tpu.barrier barrier_id(%barrier3A_27)
    %eq3A_28 = arith.constant 0 : i32
    %eq3A_29 = arith.cmpi eq, %arg0, %eq3A_28 : i32
    %convert_element_type3A_30 = arith.extui %eq3A_29 : i1 to i32
    %cond3A_31 = arith.constant 0 : i32
    %cond3A_32 = arith.cmpi ne, %convert_element_type3A_30, %cond3A_31 : i32
    scf.if %cond3A_32 {
      %mul3A_38 = arith.constant 640 : i32
      %mul3A_39 = arith.muli %arg1, %mul3A_38 : i32
      %mul3A_40 = arith.constant 640 : i32
      %mul3A_41 = arith.muli %arg1, %mul3A_40 : i32
      "tpu.region"() ({
        %run_scoped3A = tpu.sem_alloc : memref<!tpu.dma_semaphore, #tpu.memory_space<semaphore_mem>>
        %dma_start3A_42 = arith.constant 0 : i32
        %dma_start3A_43 = tpu.memref_slice %arg7[%mul3A_41, %dma_start3A_42] : memref<10240x128xf32, #tpu.memory_space<hbm>> -> memref<640x128xf32, #tpu.memory_space<hbm>>
        %dma_start3A_44 = arith.constant 0 : i32
        %dma_start3A_45 = tpu.memref_slice %arg9[%mul3A_39, %dma_start3A_44] : memref<10240x128xf32, #tpu.memory_space<vmem_shared>> -> memref<640x128xf32, #tpu.memory_space<vmem_shared>>
        tpu.enqueue_dma source(%dma_start3A_45 : memref<640x128xf32, #tpu.memory_space<vmem_shared>>) target(%dma_start3A_43 : memref<640x128xf32, #tpu.memory_space<hbm>>) target_semaphore(%run_scoped3A : memref<!tpu.dma_semaphore, #tpu.memory_space<semaphore_mem>>)
        %dma_wait3A_46 = arith.constant 0 : i32
        %dma_wait3A_47 = tpu.memref_slice %arg7[%mul3A_41, %dma_wait3A_46] : memref<10240x128xf32, #tpu.memory_space<hbm>> -> memref<640x128xf32, #tpu.memory_space<hbm>>
        %dma_wait3A_48 = arith.constant 0 : i32
        %dma_wait3A_49 = tpu.memref_slice %arg9[%mul3A_39, %dma_wait3A_48] : memref<10240x128xf32, #tpu.memory_space<vmem_shared>> -> memref<640x128xf32, #tpu.memory_space<vmem_shared>>
        tpu.wait_dma2 semaphore(%run_scoped3A : memref<!tpu.dma_semaphore, #tpu.memory_space<semaphore_mem>>) src(%dma_wait3A_49 : memref<640x128xf32, #tpu.memory_space<vmem_shared>>) dst(%dma_wait3A_47 : memref<640x128xf32, #tpu.memory_space<hbm>>)
        tpu.yield
      }) : () -> ()
    } else {
    }
    %eq3A_33 = arith.constant 1 : i32
    %eq3A_34 = arith.cmpi eq, %arg0, %eq3A_33 : i32
    %convert_element_type3A_35 = arith.extui %eq3A_34 : i1 to i32
    %cond3A_36 = arith.constant 0 : i32
    %cond3A_37 = arith.cmpi ne, %convert_element_type3A_35, %cond3A_36 : i32
    scf.if %cond3A_37 {
      %mul3A_38 = arith.constant 640 : i32
      %mul3A_39 = arith.muli %arg1, %mul3A_38 : i32
      %mul3A_40 = arith.constant 640 : i32
      %mul3A_41 = arith.muli %arg1, %mul3A_40 : i32
      "tpu.region"() ({
        %run_scoped3A = tpu.sem_alloc : memref<!tpu.dma_semaphore, #tpu.memory_space<semaphore_mem>>
        %dma_start3A_42 = arith.constant 0 : i32
        %dma_start3A_43 = tpu.memref_slice %arg8[%mul3A_41, %dma_start3A_42] : memref<10240x128xf32, #tpu.memory_space<hbm>> -> memref<640x128xf32, #tpu.memory_space<hbm>>
        %dma_start3A_44 = arith.constant 0 : i32
        %dma_start3A_45 = tpu.memref_slice %arg9[%mul3A_39, %dma_start3A_44] : memref<10240x128xf32, #tpu.memory_space<vmem_shared>> -> memref<640x128xf32, #tpu.memory_space<vmem_shared>>
        tpu.enqueue_dma source(%dma_start3A_45 : memref<640x128xf32, #tpu.memory_space<vmem_shared>>) target(%dma_start3A_43 : memref<640x128xf32, #tpu.memory_space<hbm>>) target_semaphore(%run_scoped3A : memref<!tpu.dma_semaphore, #tpu.memory_space<semaphore_mem>>)
        %dma_wait3A_46 = arith.constant 0 : i32
        %dma_wait3A_47 = tpu.memref_slice %arg8[%mul3A_41, %dma_wait3A_46] : memref<10240x128xf32, #tpu.memory_space<hbm>> -> memref<640x128xf32, #tpu.memory_space<hbm>>
        %dma_wait3A_48 = arith.constant 0 : i32
        %dma_wait3A_49 = tpu.memref_slice %arg9[%mul3A_39, %dma_wait3A_48] : memref<10240x128xf32, #tpu.memory_space<vmem_shared>> -> memref<640x128xf32, #tpu.memory_space<vmem_shared>>
        tpu.wait_dma2 semaphore(%run_scoped3A : memref<!tpu.dma_semaphore, #tpu.memory_space<semaphore_mem>>) src(%dma_wait3A_49 : memref<640x128xf32, #tpu.memory_space<vmem_shared>>) dst(%dma_wait3A_47 : memref<640x128xf32, #tpu.memory_space<hbm>>)
        tpu.yield
      }) : () -> ()
    } else {
    }
    return
  }
}

module attributes {stable_mosaic.version = 14 : i64} {
  func.func @body(%arg0: i32, %arg1: memref<1024x256xf32, #tpu.memory_space<vmem>>, %arg2: memref<256x256xf32, #tpu.memory_space<vmem>>, %arg3: memref<32x1024xf32, #tpu.memory_space<vmem>>, %arg4: memref<1024x128xf32, #tpu.memory_space<vmem>>, %arg5: memref<1024x128xf32, #tpu.memory_space<vmem>>) attributes {dimension_semantics = [#tpu.dimension_semantics<arbitrary>], iteration_bounds = array<i64: 10>, scalar_prefetch = 0 : i64, scratch_operands = 0 : i64, tpu.core_type = #tpu.core_type<tc>, window_params = [{transform_indices = @transform_0, window_bounds = array<i64: 1024, 256>}, {pipeline_mode = #tpu.pipeline_mode<synchronous>, transform_indices = @transform_1, window_bounds = array<i64: 256, 256>}, {transform_indices = @transform_2, window_bounds = array<i64: 32, 1024>}, {transform_indices = @transform_3, window_bounds = array<i64: 1024, 128>}, {transform_indices = @transform_4, window_bounds = array<i64: 1024, 128>}]} {
    %get3A = arith.constant 0 : index
    %get3A_0 = arith.constant 0 : index
    %get3A_1 = vector.load %arg3[%get3A, %get3A_0] : memref<32x1024xf32, #tpu.memory_space<vmem>>, vector<32x1024xf32>
    %reduce_sum3A = arith.constant dense<0.000000e+00> : vector<1024xf32>
    %reduce_sum3A_2 = vector.multi_reduction <add>, %get3A_1, %reduce_sum3A [0] : vector<32x1024xf32> to vector<1024xf32>
    %add3A = arith.constant 1.000000e+00 : f32
    %add3A_3 = vector.broadcast %add3A : f32 to vector<1024xf32>
    %add3A_4 = arith.addf %reduce_sum3A_2, %add3A_3 : vector<1024xf32>
    %rsqrt3A = math.rsqrt %add3A_4 : vector<1024xf32>
    %get3A_5 = arith.constant 0 : index
    %get3A_6 = arith.constant 0 : index
    %get3A_7 = vector.load %arg1[%get3A_5, %get3A_6] : memref<1024x256xf32, #tpu.memory_space<vmem>>, vector<1024x256xf32>
    %get3A_8 = arith.constant 0 : index
    %get3A_9 = arith.constant 0 : index
    %get3A_10 = vector.load %arg2[%get3A_8, %get3A_9] : memref<256x256xf32, #tpu.memory_space<vmem>>, vector<256x256xf32>
    %dot_general3A = arith.constant dense<0.000000e+00> : vector<1024x256xf32>
    %dot_general3A_11 = tpu.matmul %get3A_7, %get3A_10, %dot_general3A {dimension_numbers = #tpu.dot_dimension_numbers<[1], [0], [0], [1], [0, 0, 1, 1], [], []>, precision = #tpu.contract_precision<fp32>, transpose_lhs_hint = false} : vector<1024x256xf32>, vector<256x256xf32>, vector<1024x256xf32> -> vector<1024x256xf32>
    %broadcast_in_dim3A = vector.shape_cast %rsqrt3A : vector<1024xf32> to vector<1024x1xf32>
    %mul3A = vector.broadcast %broadcast_in_dim3A : vector<1024x1xf32> to vector<1024x256xf32>
    %mul3A_12 = arith.mulf %dot_general3A_11, %mul3A : vector<1024x256xf32>
    %slice3A = vector.extract_strided_slice %mul3A_12 {offsets = [0, 0], sizes = [1024, 128], strides = [1, 1]} : vector<1024x256xf32> to vector<1024x128xf32>
    %swap3A = arith.constant 0 : index
    %swap3A_13 = arith.constant 0 : index
    %swap3A_14 = vector.load %arg4[%swap3A, %swap3A_13] : memref<1024x128xf32, #tpu.memory_space<vmem>>, vector<1024x128xf32>
    tpu.vector_store %arg4[%swap3A, %swap3A_13], %slice3A {strides = array<i32>} : memref<1024x128xf32, #tpu.memory_space<vmem>>, vector<1024x128xf32>,
    %slice3A_15 = vector.extract_strided_slice %mul3A_12 {offsets = [0, 128], sizes = [1024, 128], strides = [1, 1]} : vector<1024x256xf32> to vector<1024x128xf32>
    %swap3A_16 = arith.constant 0 : index
    %swap3A_17 = arith.constant 0 : index
    %swap3A_18 = vector.load %arg5[%swap3A_16, %swap3A_17] : memref<1024x128xf32, #tpu.memory_space<vmem>>, vector<1024x128xf32>
    tpu.vector_store %arg5[%swap3A_16, %swap3A_17], %slice3A_15 {strides = array<i32>} : memref<1024x128xf32, #tpu.memory_space<vmem>>, vector<1024x128xf32>,
    return
  }
  func.func @transform_0(%arg0: i32) -> (i32, i32) {
    %c0_i32 = arith.constant 0 : i32
    %c0_i32_0 = arith.constant 0 : i32
    return %arg0, %c0_i32 : i32, i32
  }
  func.func @transform_1(%arg0: i32) -> (i32, i32) {
    %c0_i32 = arith.constant 0 : i32
    %c0_i32_0 = arith.constant 0 : i32
    %c0_i32_1 = arith.constant 0 : i32
    return %c0_i32, %c0_i32_0 : i32, i32
  }
  func.func @transform_2(%arg0: i32) -> (i32, i32) {
    %c0_i32 = arith.constant 0 : i32
    %c0_i32_0 = arith.constant 0 : i32
    return %c0_i32, %arg0 : i32, i32
  }
  func.func @transform_3(%arg0: i32) -> (i32, i32) {
    %c0_i32 = arith.constant 0 : i32
    %c0_i32_0 = arith.constant 0 : i32
    return %arg0, %c0_i32 : i32, i32
  }
  func.func @transform_4(%arg0: i32) -> (i32, i32) {
    %c0_i32 = arith.constant 0 : i32
    %c0_i32_0 = arith.constant 0 : i32
    return %arg0, %c0_i32 : i32, i32
  }
}

</mosaic_0001>

<sc_bundles>
// kernel: kernel.5.cloned.1.call-start
scs
__scs_entry_jumppad:
0x0: {  	(pc) =	sbr.rel $0x88, $3  }
0x1: {  	(tag) =	ssettag $0x0;
	lr =	simm.s32 $0x1  }
0x2: {  	[smem:$0x3F9D] =	sst lr;
	_ =	strace $0xD0000000  }
0x3: {  	_ = 	snop  }
0x4: {  	_ = 	snop  }
0x5: {  	_ = 	snop  }
0x6: {  	_ = 	snop  }
0x7: {  	_ = 	snop  }
__scs_overlays_trampoline_lowered:
0x8: {  	[smem:$0x3FAC] =	sst s0  }
0x9: {  	[smem:$0x3FAD] =	sst s1  }
0xa: {  	[smem:$0x3FAE] =	sst s2  }
0xb: {  	[smem:$0x3FAF] =	sst s3  }
0xc: {  	[smem:$0x3FB0] =	sst s4  }
0xd: {  	[smem:$0x3FB1] =	sst s5  }
0xe: {  	[smem:$0x3FB2] =	sst s6  }
0xf: {  	[smem:$0x3FB3] =	sst s7  }
0x10: {  	[smem:$0x3FB4] =	sst s8  }
0x11: {  	[smem:$0x3FB5] =	sst s9;
	s0 =	simm.s32 @!p0 $0x0  }
0x12: {  	s1 =	sld [smem:$0x3F9B];
	s0 =	simm.s32 @p0 $0x1  }
0x13: {  	[smem:$0x3FB6] =	sst s0;
	s0 =	simm.s32 @!p1 $0x0  }
0x14: {  	s2 =	sld [smem:$0x3F9A];
	s0 =	simm.s32 @p1 $0x1  }
0x15: {  	[smem:$0x3FB7] =	sst s0;
	s0 =	simm.s32 @!p2 $0x0  }
0x16: {  	s3 =	sld [smem:$0x3FDB];
	s0 =	simm.s32 @p2 $0x1  }
0x17: {  	s4 =	simm.s32 $0x1BF5;
	[smem:$0x3FB9] =	sst s0  }
0x18: {  	s0 =	sld [smem:$0x3F9C];
	_ =	swait.ge [sflag:s4], $0x0  }
0x19: {  	s7 =	sld [smem:$0x3F9D]  }
0x1a: {  	s8 =	sadd.s32 $0xFFFFE003, lr  }
0x1b: {  	s9 =	sadd.s32 $0xFFFFFEF7, lr;
	s5 =	simm.s32 $0xFFFFFFFF;
	p2 =	slt.u32 s8, $0xFFFFF086  }
0x1c: {  	p1 =	slt.u32 s9, $0xF7A;
	s5 =	simm.s32 @!p2 $0x0  }
0x1d: {  	s5 =	simm.s32 @p1 $0x1;
	p0 =	seq.s32 s7, s2  }
0x1e: {  	s7 =	smul.u32 @!p0 $0xF7A, s2;
	p2 =	seq.s32 @!p0 s5, $0x0  }
0x1f: {  	s9 =	smul.u32 $0xF7A, s1;
	s8 =	simm.s32 @!p0 $0x1BF5;
	p2 =	por !p2, p0  }
0x20: {  	[sflag:s8] =	ssyncset.s32 @!p0 $0xFFFFF086;
	s6 =	sadd.s32 @!p0 s3, s7;
	s7 =	simm.s32 @!p0 $0x108  }
0x21: {  	s3 =	sadd.s32 s3, s9;
	s6 =	sadd.s32 @!p0 $0x88, s6;
	s7 =	simm.s32 @p2 $0x1082  }
0x22: {  	[simem:s7], [sflag:s8] =	dma.local @!p0 [hbm:s6], $0xF7A  }
0x23: {  	s9 =	sor.u32 $0xD0000000, s2;
	s6 =	simm.s32 $0x108;
	_ =	swait.ge @!p0 [sflag:s8], $0x0  }
0x24: {  	s3 =	sadd.s32 $0x88, s3;
	s6 =	simm.s32 @!p1 $0x1082;
	[sflag:s4] =	ssyncset.s32 $0xFFFFF086  }
0x25: {  	[simem:s6], [sflag:s4] =	dma.local [hbm:s3], $0xF7A  }
0x26: {  	[smem:$0x3F9D] =	sst s1;
	(tag) =	ssettag s2;
	_ =	strace s9  }
0x27: {  	s1 =	sld [smem:$0x3FAD]  }
0x28: {  	s2 =	sld [smem:$0x3FAE]  }
0x29: {  	s4 =	sld [smem:$0x3FB0]  }
0x2a: {  	p0 =	seq.s32 s5, $0x0;
	s5 =	sld [smem:$0x3FB1]  }
0x2b: {  	s6 =	sld [smem:$0x3FB2]  }
0x2c: {  	s7 =	sld [smem:$0x3FB3]  }
0x2d: {  	s3 =	simm.s32 $0x108;
	s8 =	sld [smem:$0x3FB4]  }
0x2e: {  	s3 =	simm.s32 @!p0 $0x1082;
	s9 =	sld [smem:$0x3FB5]  }
0x2f: {  	lr =	sadd.s32 s0, s3;
	s0 =	sld [smem:$0x3FAC]  }
0x30: {  	s3 =	sld [smem:$0x3FAF]  }
0x31: {  	[smem:$0x3FB8] =	sst s10  }
0x32: {  	s10 =	sld [smem:$0x3FB6];
	_ =	sdelay $0x3  }
0x33: {  	p0 =	seq.s32 s10, $0x1;
	s10 =	sld [smem:$0x3FB8];
	_ =	sdelay $0x3  }
0x34: {  	[smem:$0x3FB8] =	sst s10  }
0x35: {  	s10 =	sld [smem:$0x3FB7];
	_ =	sdelay $0x3  }
0x36: {  	p1 =	seq.s32 s10, $0x1;
	s10 =	sld [smem:$0x3FB8];
	_ =	sdelay $0x3  }
0x37: {  	[smem:$0x3FB8] =	sst s10  }
0x38: {  	s10 =	sld [smem:$0x3FB9]  }
0x39: {  	_ = 	snop;
	(pc) =	sbr.ind lr, $3  }
0x3a: {  	_ = 	snop  }
0x3b: {  	_ = 	snop  }
0x3c: {  	p2 =	seq.s32 s10, $0x1;
	s10 =	sld [smem:$0x3FB8]  }
0x3d: {  	_ =	shalt  }
0x3e: {  	_ =	shalt  }
0x3f: {  	_ =	shalt  }
0x40: {  	_ =	shalt  }
0x41: {  	_ =	shalt  }
0x42: {  	_ =	shalt  }
0x43: {  	_ =	shalt  }
0x44: {  	_ =	shalt  }
0x45: {  	_ =	shalt  }
0x46: {  	_ =	shalt  }
0x47: {  	_ =	shalt  }
0x48: {  	_ =	shalt  }
0x49: {  	_ =	shalt  }
0x4a: {  	_ =	shalt  }
0x4b: {  	_ =	shalt  }
0x4c: {  	_ =	shalt  }
0x4d: {  	_ =	shalt  }
0x4e: {  	_ =	shalt  }
0x4f: {  	_ =	shalt  }
0x50: {  	_ =	shalt  }
0x51: {  	_ =	shalt  }
0x52: {  	_ =	shalt  }
0x53: {  	_ =	shalt  }
0x54: {  	_ =	shalt  }
0x55: {  	_ =	shalt  }
0x56: {  	_ =	shalt  }
0x57: {  	_ =	shalt  }
0x58: {  	_ =	shalt  }
0x59: {  	_ =	shalt  }
0x5a: {  	_ =	shalt  }
0x5b: {  	_ =	shalt  }
0x5c: {  	_ =	shalt  }
0x5d: {  	_ =	shalt  }
0x5e: {  	_ =	shalt  }
0x5f: {  	_ =	shalt  }
0x60: {  	_ =	shalt  }
0x61: {  	_ =	shalt  }
0x62: {  	_ =	shalt  }
0x63: {  	_ =	shalt  }
0x64: {  	_ =	shalt  }
0x65: {  	_ =	shalt  }
0x66: {  	_ =	shalt  }
0x67: {  	_ =	shalt  }
0x68: {  	_ =	shalt  }
0x69: {  	_ =	shalt  }
0x6a: {  	_ =	shalt  }
0x6b: {  	_ =	shalt  }
0x6c: {  	_ =	shalt  }
0x6d: {  	_ =	shalt  }
0x6e: {  	_ =	shalt  }
0x6f: {  	_ =	shalt  }
0x70: {  	_ =	shalt  }
0x71: {  	_ =	shalt  }
0x72: {  	_ =	shalt  }
0x73: {  	_ =	shalt  }
0x74: {  	_ =	shalt  }
0x75: {  	_ =	shalt  }
0x76: {  	_ =	shalt  }
0x77: {  	_ =	shalt  }
0x78: {  	_ =	shalt  }
0x79: {  	_ =	shalt  }
0x7a: {  	_ =	shalt  }
0x7b: {  	_ =	shalt  }
0x7c: {  	_ =	shalt  }
0x7d: {  	_ =	shalt  }
0x7e: {  	_ =	shalt  }
0x7f: {  	_ =	shalt  }
0x80: {  	_ =	shalt  }
0x81: {  	_ =	shalt  }
0x82: {  	_ =	shalt  }
0x83: {  	_ =	shalt  }
0x84: {  	_ =	shalt  }
0x85: {  	_ =	shalt  }
0x86: {  	_ =	shalt  }
0x87: {  	_ =	shalt  }
.Lfunc_end0:
.L_simem_size_0:
called_computation_lowered:
.L_overlay_start_0:
0x88: {  	s2 =	sld [smem:$0x3FD9]  }
0x89: {  	s3 =	sld [smem:$0x3FFE];
	_ =	sdelay $0x1  }
0x8a: {  	s1 =	srdreg.scid  }
0x8b: {  	s0 =	sand.u32 $0x1, s1  }
0x8c: {  	s17 =	sshll.u32 s0, $0xA;
	s2 =	sadd.s32 s3, s2  }
0x8d: {  	s2 =	sadd.s32 s2, s17  }
0x8e: {  	[smem:$0x3FC4] =	sst s2  }
0x8f: {  	_ = 	snop  }
0x90: {  	s2 =	sld [smem:$0x3FD0];
	(tm) =	ssettm $0x1  }
0x91: {  	s18 =	sld [smem:$0x3FFB];
	_ =	sdelay $0x3  }
0x92: {  	_ =	strace s18  }
0x93: {  	s3 =	sld [smem:$0x3FFC];
	_ =	sdelay $0x3  }
0x94: {  	_ =	strace s3  }
0x95: {  	s3 =	sld [smem:$0x3FFD];
	_ =	sdelay $0x3  }
0x96: {  	_ =	strace s3  }
0x97: {  	_ =	strace $0x8FFFFFFF  }
0x98: {  	s19 =	sld [smem:$0x3FDB];
	_ =	sdelay $0x1  }
0x99: {  	s4 =	simm.s32 $_scs_section_size  }
0x9a: {  	s5 =	simm.s32 $_size__tile_overlayer_lowered;
	s6 =	simm.s32 $_tile_overlayer_lowered  }
0x9b: {  	s22 =	simm.s32 $0x1BFF;
	s21 =	sshll.u32 s6, $0x1;
	s3 =	sadd.s32 s4, s19  }
0x9c: {  	s7 =	simm.s32 $0x0;
	s20 =	sshll.u32 s5, $0x1;
	s5 =	sadd.s32 s21, s3  }
0x9d: {  	[timem:s7], [sflag:s22] =	dma.local [hbm:s5], s20  }
0x9e: {  	_ =	swait.ge [sflag:s22], s20  }
0x9f: {  	s4 =	ssub.s32 $0x0, s20;
	[sflag:s22] =	ssyncset.done $0x0  }
0xa0: {  	[sflag:s22] =	ssyncadd.s32 s4;
	_ =	sdelay $0x1  }
0xa1: {  	s23 =	simm.s32 $0x1B8B  }
0xa2: {  	_ =	swait.ge [sflag:s23], $0x1  }
0xa3: {  	[sflag:s23] =	ssyncset.done $0x0  }
0xa4: {  	s25 =	simm.s32 $0x1B8E;
	s24 =	sld [smem:$0x3FFE];
	[sflag:s23] =	ssyncadd.s32 $0xFFFFFFFF  }
0xa5: {  	s26 =	simm.s32 $execute0_lowered;
	[smem:$0x3FD2] =	sst s25  }
0xa6: {  	s5 =	sshll.u32 s26, $0x1;
	_ =	strace $0x80000046;
	[dreg:$0x1] =	wrdreg $0xFFFFFFFF  }
0xa7: {  	s28 =	simm.s32 $_size_execute0_lowered;
	s3 =	sadd.s32 s3, s5;
	[dreg:$0x0] =	wrdreg $0x0  }
0xa8: {  	s5 =	sshll.u32 s28, $0x1;
	[dreg:$0x2] =	wrdreg s3  }
0xa9: {  	[dreg:$0x3] =	wrdreg s5  }
0xaa: {  	[dreg:$0x4] =	wrdreg $0xC0  }
0xab: {  	_ =	task [dreg:s7], $0x5FFFF  }
0xac: {  	[dreg:$0x1] =	wrdreg $0xFFFFFFFF  }
0xad: {  	[dreg:$0x0] =	wrdreg $0x60  }
0xae: {  	[dreg:$0x2] =	wrdreg s24  }
0xaf: {  	[dreg:$0x3] =	wrdreg s2  }
0xb0: {  	[dreg:$0x4] =	wrdreg $0x9  }
0xb1: {  	_ =	task.clear_ibuf [dreg:s7], $0x5FFFF;
	_ =	strace $0x90000046  }
0xb2: {  	s29 =	simm.s32 $0x9;
	_ =	strace $0x80000048  }
0xb3: {  	_ =	swait.ge [sflag:s29], $0x1  }
0xb4: {  	[sflag:s29] =	ssyncadd.s32 $0xFFFFFFFF  }
0xb5: {  	_ =	strace $0x90000048  }
0xb6: {  	_ =	sfence  }
0xb7: {  	s30 =	sld [smem:$0x0];
	_ =	sdelay $0x2  }
0xb8: {  	s31 =	sshll.u32 s1, $0xD;
	s1 =	sshrl.u32 s1, $0x2  }
0xb9: {  	s3 =	sand.u32 $0x4000, s31;
	s1 =	sadd.s32 s1, s30  }
0xba: {  	s0 =	sor.u32 s3, s0;
	s1 =	sshll.u32 s1, $0x11  }
0xbb: {  	s0 =	sor.u32 s1, s0  }
0xbc: {  	s0 =	sadd.s32 $0x8F2B, s0  }
0xbd: {  	[sflag:s0] =	ssyncadd.remote.s32 $0x1  }
0xbe: {  	_ =	sfence.sel $0xFFFF  }
0xbf: {  	[dreg:$0x0] =	wrdreg $0xFFFFFFFF;
	(pc) =	sbr.abs _section_cstart, $3  }
0xc0: {  	[dreg:$0x1] =	wrdreg $0xFFFFFFFF  }
0xc1: {  	_ =	task.clear_ibuf [dreg:s7], $0x2FFFF;
	_ =	strace $0x9FFFFFFF  }
0xc2: {  	(tm) =	ssettm $0x7FFFFFFF  }
0xc3: {  	_ =	shalt  }
tec
execute0_lowered:
.L_overlay_start_1:
0x0: {  	(tag) =	ssettag $0x1  }
0x1: {  	s0 =	srdreg.scid;
	s3 =	rddreg [dreg:$0x0]  }
0x2: {  	s5 =	rddreg [dreg:$0x1];
	s1 =	stileid.u32;
	s4 =	sand.u32 $0x1, s0  }
0x3: {  	s9 =	simm.s32 $0x400;
	s0 =	rddreg [dreg:$0x2];
	s2 =	sshll.u32 s4, $0x4  }
0x4: {  	s8 =	sshll.u32 s1, $0x7;
	s4 =	ssub.s32 $0x2, s4;
	s6 =	sor.u32 s1, s2  }
0x5: {  	s2 =	simm.s32 $0x0;
	s7 =	smul.u32 $0x280, s6;
	s6 =	sshrl.u32 s6, $0x3  }
0x6: {  	s8 =	sand.u32 $0x380, s8;
	[smem:$0x7FF] =	sst s2;
	s6 =	smul.u32 $0x14000, s6  }
0x7: {  	s30 =	sshrl.u32 s4, $0x1;
	_ =	strace $0x80000047;
	s3 =	sadd.s32 s7, s3  }
0x8: {  	s7 =	ssub.s32 s4, s30;
	s6 =	sor.u32 s8, s6;
	s3 =	sadd.s32 $0x1A00, s3  }
0x9: {  	s8 =	simm.s32 $0x80;
	s31 =	sshrl.u32 s6, $0x3;
	s6 =	simm.s32 $0x1  }
0xa: {  	v0 =	vimm.f32 $0.0e+00;
	v1 =	vimm.f32 $1.000000000e+00;
	s4 =	sadd.s32 s5, s31;
	s5 =	smax.u32 s7, $0x1;
	s7 =	simm.s32 $0x1400  }
.LBB2_1:
0xb: {  	s10 =	simm.s32 $0x40;
	s11 =	simm.s32 $0x0  }
.LBB2_2:
0xc: {  	p0 =	sne.s32 s10, $0x9FC0;
	[tilespmem:s11+$0x1400] =	vst v0;
	s11 =	smov.u32 s10;
	s10 =	sadd.s32 $0x40, s10  }
.Ltmp0:
0xd: {  	(pc) =	sbr.rel @p0 .LBB2_2-.Ltmp0, $2  }
0xe: {  	_ =	sdelay $0x2  }
0xf: {  	s11 =	sshra.s32 s11, $0x2  }
0x10: {  	[tilespmem:s11+$0x1400] =	vst v0;
	s10 =	simm.s32 $0x0  }
0x11: {  	[tilespmem:s10], [sflag:$0x1] =	stream.linear.gather [hbm4b:s3+s10], $0x1400, $0x38;
	[tilespmem:$0x3C00] =	vst v63  }
0x12: {  	_ =	swait.ge [sflag:s6], $0x1400  }
0x13: {  	[sflag:s6] =	ssyncset.done $0x0  }
0x14: {  	s11 =	simm.s32 $0x0;
	s10 =	simm.s32 $0x40;
	[sflag:s6] =	ssyncadd.s32 $0xFFFFEC00  }
.LBB2_4:
0x15: {  	p0 =	sne.s32 s10, $0x4FC0;
	v2 =	vld [tilespmem:s11+$0x0];
	_ =	sdelay $0x3  }
.Ltmp1:
0x16: {  	(pc) =	sbr.rel @p0 .LBB2_4-.Ltmp1, $2  }
0x17: {  	_ =	sdelay $0x2  }
0x18: {  	s11 =	sshra.s32 s10, $0x2;
	s10 =	sadd.s32 $0x40, s10;
	[tilespmem:v2+s7+$0x0] =	vst.idx.add.f32.msk $0xffff, v1  }
0x19: {  	v2 =	vld [tilespmem:s11+$0x0];
	_ =	sdelay $0x5  }
0x1a: {  	s2 =	sadd.s32 $0x1, s2  }
0x1b: {  	p0 =	sne.s32 s2, s5  }
.Ltmp2:
0x1c: {  	[tilespmem:v2+s7+$0x0] =	vst.idx.add.f32.msk $0xffff, v1;
	(pc) =	sbr.rel @p0 .LBB2_1-.Ltmp2, $4  }
0x1d: {  	[hbm4b:s4+s8] =	stream.strided.scatter [tilespmem:s7], [sflag:$0x1], $0x2800, s9, s8, $0x38;
	[tilespmem:$0x3C00] =	vst v63  }
0x1e: {  	_ =	swait.ge [sflag:s6], $0x2800  }
0x1f: {  	[sflag:s6] =	ssyncset.done $0x0  }
0x20: {  	[sflag:s6] =	ssyncadd.s32 $0xFFFFD800  }
0x21: {  	_ =	sfence.sel $0x180000  }
0x22: {  	[bflag:$0x0] =	sbarrier.arrive $0xFFFF  }
0x23: {  	p0 =	sne.s32 s1, $0x0;
	_ =	strace $0x90000047  }
0x24: {  	s0 =	sadd.s32 @!p0 $0x100000, s0;
	[bflag:$0x2] =	sbarrier.arrive $0xFFFF  }
0x25: {  	[sflag:s0] =	ssyncadd.tile.s32 @!p0 $0x1;
	_ =	shalt  }
.Lfunc_end2:
_tile_overlayer_lowered:
.L_overlay_start_2:
0x26: {  	(tag) =	ssettag $0x2  }
0x27: {  	s0 =	rddreg [dreg:$0x0];
	s2 =	stileid.u32  }
0x28: {  	s1 =	rddreg [dreg:$0x1];
	p0 =	sne.s32 s2, $0x0  }
0x29: {  	s3 =	rddreg [dreg:$0x2];
	[bflag:$0x3] =	sbarrier.arrive $0xFFFF;
	s2 =	simm.s32 @!p0 $0x1C02  }
0x2a: {  	[timem:s3], [sflag:s2] =	dma.local @!p0 [hbm:s0], s1  }
0x2b: {  	s0 =	simm.s32 @!p0 $0x2  }
0x2c: {  	_ =	swait.ge @!p0 [sflag:s0], s1  }
0x2d: {  	s1 =	ssub.s32 @!p0 $0x0, s1;
	[sflag:s0] =	ssyncset.done @!p0 $0x0  }
0x2e: {  	[sflag:s0] =	ssyncadd.s32 @!p0 s1  }
0x2f: {  	[bflag:$0x3] =	sbarrier.arrive $0xFFFF  }
0x30: {  	_ =	shalt  }

// kernel: kernel.8.cloned.1.call-start
scs
__scs_entry_jumppad:
0x0: {  	(pc) =	sbr.rel $0x88, $3  }
0x1: {  	(tag) =	ssettag $0x0;
	lr =	simm.s32 $0x1  }
0x2: {  	[smem:$0x3F9D] =	sst lr;
	_ =	strace $0xD0000000  }
0x3: {  	_ = 	snop  }
0x4: {  	_ = 	snop  }
0x5: {  	_ = 	snop  }
0x6: {  	_ = 	snop  }
0x7: {  	_ = 	snop  }
__scs_overlays_trampoline_lowered:
0x8: {  	[smem:$0x3FAC] =	sst s0  }
0x9: {  	[smem:$0x3FAD] =	sst s1  }
0xa: {  	[smem:$0x3FAE] =	sst s2  }
0xb: {  	[smem:$0x3FAF] =	sst s3  }
0xc: {  	[smem:$0x3FB0] =	sst s4  }
0xd: {  	[smem:$0x3FB1] =	sst s5  }
0xe: {  	[smem:$0x3FB2] =	sst s6  }
0xf: {  	[smem:$0x3FB3] =	sst s7  }
0x10: {  	[smem:$0x3FB4] =	sst s8  }
0x11: {  	[smem:$0x3FB5] =	sst s9;
	s0 =	simm.s32 @!p0 $0x0  }
0x12: {  	s1 =	sld [smem:$0x3F9B];
	s0 =	simm.s32 @p0 $0x1  }
0x13: {  	[smem:$0x3FB6] =	sst s0;
	s0 =	simm.s32 @!p1 $0x0  }
0x14: {  	s2 =	sld [smem:$0x3F9A];
	s0 =	simm.s32 @p1 $0x1  }
0x15: {  	[smem:$0x3FB7] =	sst s0;
	s0 =	simm.s32 @!p2 $0x0  }
0x16: {  	s3 =	sld [smem:$0x3FDB];
	s0 =	simm.s32 @p2 $0x1  }
0x17: {  	s4 =	simm.s32 $0x1BF5;
	[smem:$0x3FB9] =	sst s0  }
0x18: {  	s0 =	sld [smem:$0x3F9C];
	_ =	swait.ge [sflag:s4], $0x0  }
0x19: {  	s7 =	sld [smem:$0x3F9D]  }
0x1a: {  	s8 =	sadd.s32 $0xFFFFE003, lr  }
0x1b: {  	s9 =	sadd.s32 $0xFFFFFEF7, lr;
	s5 =	simm.s32 $0xFFFFFFFF;
	p2 =	slt.u32 s8, $0xFFFFF086  }
0x1c: {  	p1 =	slt.u32 s9, $0xF7A;
	s5 =	simm.s32 @!p2 $0x0  }
0x1d: {  	s5 =	simm.s32 @p1 $0x1;
	p0 =	seq.s32 s7, s2  }
0x1e: {  	s7 =	smul.u32 @!p0 $0xF7A, s2;
	p2 =	seq.s32 @!p0 s5, $0x0  }
0x1f: {  	s9 =	smul.u32 $0xF7A, s1;
	s8 =	simm.s32 @!p0 $0x1BF5;
	p2 =	por !p2, p0  }
0x20: {  	[sflag:s8] =	ssyncset.s32 @!p0 $0xFFFFF086;
	s6 =	sadd.s32 @!p0 s3, s7;
	s7 =	simm.s32 @!p0 $0x108  }
0x21: {  	s3 =	sadd.s32 s3, s9;
	s6 =	sadd.s32 @!p0 $0x88, s6;
	s7 =	simm.s32 @p2 $0x1082  }
0x22: {  	[simem:s7], [sflag:s8] =	dma.local @!p0 [hbm:s6], $0xF7A  }
0x23: {  	s9 =	sor.u32 $0xD0000000, s2;
	s6 =	simm.s32 $0x108;
	_ =	swait.ge @!p0 [sflag:s8], $0x0  }
0x24: {  	s3 =	sadd.s32 $0x88, s3;
	s6 =	simm.s32 @!p1 $0x1082;
	[sflag:s4] =	ssyncset.s32 $0xFFFFF086  }
0x25: {  	[simem:s6], [sflag:s4] =	dma.local [hbm:s3], $0xF7A  }
0x26: {  	[smem:$0x3F9D] =	sst s1;
	(tag) =	ssettag s2;
	_ =	strace s9  }
0x27: {  	s1 =	sld [smem:$0x3FAD]  }
0x28: {  	s2 =	sld [smem:$0x3FAE]  }
0x29: {  	s4 =	sld [smem:$0x3FB0]  }
0x2a: {  	p0 =	seq.s32 s5, $0x0;
	s5 =	sld [smem:$0x3FB1]  }
0x2b: {  	s6 =	sld [smem:$0x3FB2]  }
0x2c: {  	s7 =	sld [smem:$0x3FB3]  }
0x2d: {  	s3 =	simm.s32 $0x108;
	s8 =	sld [smem:$0x3FB4]  }
0x2e: {  	s3 =	simm.s32 @!p0 $0x1082;
	s9 =	sld [smem:$0x3FB5]  }
0x2f: {  	lr =	sadd.s32 s0, s3;
	s0 =	sld [smem:$0x3FAC]  }
0x30: {  	s3 =	sld [smem:$0x3FAF]  }
0x31: {  	[smem:$0x3FB8] =	sst s10  }
0x32: {  	s10 =	sld [smem:$0x3FB6];
	_ =	sdelay $0x3  }
0x33: {  	p0 =	seq.s32 s10, $0x1;
	s10 =	sld [smem:$0x3FB8];
	_ =	sdelay $0x3  }
0x34: {  	[smem:$0x3FB8] =	sst s10  }
0x35: {  	s10 =	sld [smem:$0x3FB7];
	_ =	sdelay $0x3  }
0x36: {  	p1 =	seq.s32 s10, $0x1;
	s10 =	sld [smem:$0x3FB8];
	_ =	sdelay $0x3  }
0x37: {  	[smem:$0x3FB8] =	sst s10  }
0x38: {  	s10 =	sld [smem:$0x3FB9]  }
0x39: {  	_ = 	snop;
	(pc) =	sbr.ind lr, $3  }
0x3a: {  	_ = 	snop  }
0x3b: {  	_ = 	snop  }
0x3c: {  	p2 =	seq.s32 s10, $0x1;
	s10 =	sld [smem:$0x3FB8]  }
0x3d: {  	_ =	shalt  }
0x3e: {  	_ =	shalt  }
0x3f: {  	_ =	shalt  }
0x40: {  	_ =	shalt  }
0x41: {  	_ =	shalt  }
0x42: {  	_ =	shalt  }
0x43: {  	_ =	shalt  }
0x44: {  	_ =	shalt  }
0x45: {  	_ =	shalt  }
0x46: {  	_ =	shalt  }
0x47: {  	_ =	shalt  }
0x48: {  	_ =	shalt  }
0x49: {  	_ =	shalt  }
0x4a: {  	_ =	shalt  }
0x4b: {  	_ =	shalt  }
0x4c: {  	_ =	shalt  }
0x4d: {  	_ =	shalt  }
0x4e: {  	_ =	shalt  }
0x4f: {  	_ =	shalt  }
0x50: {  	_ =	shalt  }
0x51: {  	_ =	shalt  }
0x52: {  	_ =	shalt  }
0x53: {  	_ =	shalt  }
0x54: {  	_ =	shalt  }
0x55: {  	_ =	shalt  }
0x56: {  	_ =	shalt  }
0x57: {  	_ =	shalt  }
0x58: {  	_ =	shalt  }
0x59: {  	_ =	shalt  }
0x5a: {  	_ =	shalt  }
0x5b: {  	_ =	shalt  }
0x5c: {  	_ =	shalt  }
0x5d: {  	_ =	shalt  }
0x5e: {  	_ =	shalt  }
0x5f: {  	_ =	shalt  }
0x60: {  	_ =	shalt  }
0x61: {  	_ =	shalt  }
0x62: {  	_ =	shalt  }
0x63: {  	_ =	shalt  }
0x64: {  	_ =	shalt  }
0x65: {  	_ =	shalt  }
0x66: {  	_ =	shalt  }
0x67: {  	_ =	shalt  }
0x68: {  	_ =	shalt  }
0x69: {  	_ =	shalt  }
0x6a: {  	_ =	shalt  }
0x6b: {  	_ =	shalt  }
0x6c: {  	_ =	shalt  }
0x6d: {  	_ =	shalt  }
0x6e: {  	_ =	shalt  }
0x6f: {  	_ =	shalt  }
0x70: {  	_ =	shalt  }
0x71: {  	_ =	shalt  }
0x72: {  	_ =	shalt  }
0x73: {  	_ =	shalt  }
0x74: {  	_ =	shalt  }
0x75: {  	_ =	shalt  }
0x76: {  	_ =	shalt  }
0x77: {  	_ =	shalt  }
0x78: {  	_ =	shalt  }
0x79: {  	_ =	shalt  }
0x7a: {  	_ =	shalt  }
0x7b: {  	_ =	shalt  }
0x7c: {  	_ =	shalt  }
0x7d: {  	_ =	shalt  }
0x7e: {  	_ =	shalt  }
0x7f: {  	_ =	shalt  }
0x80: {  	_ =	shalt  }
0x81: {  	_ =	shalt  }
0x82: {  	_ =	shalt  }
0x83: {  	_ =	shalt  }
0x84: {  	_ =	shalt  }
0x85: {  	_ =	shalt  }
0x86: {  	_ =	shalt  }
0x87: {  	_ =	shalt  }
.Lfunc_end0:
.L_simem_size_0:
called_computation.1_lowered:
.L_overlay_start_0:
0x88: {  	s2 =	sld [smem:$0x3FD9]  }
0x89: {  	s3 =	sld [smem:$0x3FFE];
	_ =	sdelay $0x1  }
0x8a: {  	s1 =	srdreg.scid  }
0x8b: {  	s0 =	sand.u32 $0x1, s1  }
0x8c: {  	s17 =	sshll.u32 s0, $0xA;
	s2 =	sadd.s32 s3, s2  }
0x8d: {  	s2 =	sadd.s32 s2, s17  }
0x8e: {  	[smem:$0x3FC4] =	sst s2  }
0x8f: {  	_ = 	snop  }
0x90: {  	s2 =	sld [smem:$0x3FC6]  }
0x91: {  	s18 =	sld [smem:$0x3FD0];
	(tm) =	ssettm $0x1  }
0x92: {  	s4 =	sld [smem:$0x3FFB];
	_ =	sdelay $0x3  }
0x93: {  	_ =	strace s4  }
0x94: {  	s4 =	sld [smem:$0x3FFC];
	_ =	sdelay $0x3  }
0x95: {  	_ =	strace s4  }
0x96: {  	s4 =	sld [smem:$0x3FFD];
	_ =	sdelay $0x3  }
0x97: {  	_ =	strace s4  }
0x98: {  	_ =	strace $0x8FFFFFFF  }
0x99: {  	s19 =	sld [smem:$0x3FDB];
	_ =	sdelay $0x1  }
0x9a: {  	s5 =	simm.s32 $_scs_section_size  }
0x9b: {  	s6 =	simm.s32 $_size__tile_overlayer_lowered;
	s7 =	simm.s32 $_tile_overlayer_lowered  }
0x9c: {  	s22 =	simm.s32 $0x1BFF;
	s21 =	sshll.u32 s7, $0x1;
	s4 =	sadd.s32 s5, s19  }
0x9d: {  	s8 =	simm.s32 $0x0;
	s20 =	sshll.u32 s6, $0x1;
	s6 =	sadd.s32 s21, s4  }
0x9e: {  	[timem:s8], [sflag:s22] =	dma.local [hbm:s6], s20  }
0x9f: {  	_ =	swait.ge [sflag:s22], s20  }
0xa0: {  	s5 =	ssub.s32 $0x0, s20;
	[sflag:s22] =	ssyncset.done $0x0  }
0xa1: {  	[sflag:s22] =	ssyncadd.s32 s5;
	_ =	sdelay $0x1  }
0xa2: {  	s23 =	simm.s32 $0x1B8B  }
0xa3: {  	_ =	swait.ge [sflag:s23], $0x1  }
0xa4: {  	[sflag:s23] =	ssyncset.done $0x0  }
0xa5: {  	s25 =	simm.s32 $0x1B8E;
	s24 =	sld [smem:$0x3FFE];
	[sflag:s23] =	ssyncadd.s32 $0xFFFFFFFF  }
0xa6: {  	s26 =	simm.s32 $execute0_lowered;
	[smem:$0x3FD2] =	sst s25  }
0xa7: {  	s6 =	sshll.u32 s26, $0x1;
	_ =	strace $0x80000049;
	[dreg:$0x1] =	wrdreg $0xFFFFFFFF  }
0xa8: {  	s28 =	simm.s32 $_size_execute0_lowered;
	s4 =	sadd.s32 s4, s6;
	[dreg:$0x0] =	wrdreg $0x0  }
0xa9: {  	s6 =	sshll.u32 s28, $0x1;
	[dreg:$0x2] =	wrdreg s4  }
0xaa: {  	[dreg:$0x3] =	wrdreg s6  }
0xab: {  	[dreg:$0x4] =	wrdreg $0xC0  }
0xac: {  	_ =	task [dreg:s8], $0x5FFFF  }
0xad: {  	[dreg:$0x1] =	wrdreg $0xFFFFFFFF  }
0xae: {  	[dreg:$0x0] =	wrdreg $0x60  }
0xaf: {  	[dreg:$0x2] =	wrdreg s18  }
0xb0: {  	[dreg:$0x3] =	wrdreg s24  }
0xb1: {  	[dreg:$0x4] =	wrdreg s2  }
0xb2: {  	[dreg:$0x5] =	wrdreg $0x0  }
0xb3: {  	[dreg:$0x6] =	wrdreg $0x9  }
0xb4: {  	_ =	task.clear_ibuf [dreg:s8], $0x7FFFF;
	_ =	strace $0x90000049  }
0xb5: {  	s29 =	simm.s32 $0x9;
	_ =	strace $0x8000004B  }
0xb6: {  	_ =	swait.ge [sflag:s29], $0x1  }
0xb7: {  	[sflag:s29] =	ssyncadd.s32 $0xFFFFFFFF  }
0xb8: {  	_ =	strace $0x9000004B  }
0xb9: {  	_ =	sfence  }
0xba: {  	s30 =	sld [smem:$0x0];
	_ =	sdelay $0x2  }
0xbb: {  	s31 =	sshll.u32 s1, $0xD;
	s1 =	sshrl.u32 s1, $0x2  }
0xbc: {  	s3 =	sand.u32 $0x4000, s31;
	s1 =	sadd.s32 s1, s30  }
0xbd: {  	s0 =	sor.u32 s3, s0;
	s1 =	sshll.u32 s1, $0x11  }
0xbe: {  	s0 =	sor.u32 s1, s0  }
0xbf: {  	s0 =	sadd.s32 $0x8F2B, s0  }
0xc0: {  	[sflag:s0] =	ssyncadd.remote.s32 $0x1  }
0xc1: {  	_ =	sfence.sel $0xFFFF  }
0xc2: {  	[dreg:$0x0] =	wrdreg $0xFFFFFFFF;
	(pc) =	sbr.abs _section_cstart, $3  }
0xc3: {  	[dreg:$0x1] =	wrdreg $0xFFFFFFFF  }
0xc4: {  	_ =	task.clear_ibuf [dreg:s8], $0x2FFFF;
	_ =	strace $0x9FFFFFFF  }
0xc5: {  	(tm) =	ssettm $0x7FFFFFFF  }
tec
execute0_lowered:
.L_overlay_start_1:
0x0: {  	(tag) =	ssettag $0x1  }
0x1: {  	s1 =	rddreg [dreg:$0x0]  }
0x2: {  	s0 =	rddreg [dreg:$0x1]  }
0x3: {  	s2 =	rddreg [dreg:$0x2]  }
0x4: {  	s3 =	rddreg [dreg:$0x3];
	s13 =	stileid.u32  }
0x5: {  	s4 =	simm.s32 $0x0;
	s7 =	srdreg.scid;
	s6 =	smul.u32 $0x500, s13  }
0x6: {  	[smem:$0x7FF] =	sst s4;
	s5 =	sadd.s32 $0x10A00, s0;
	s10 =	smul.u32 $0x50000, s13  }
0x7: {  	s7 =	sand.u32 $0x1, s7;
	s11 =	sadd.s32 $0xBA00, s0;
	s13 =	smul.u32 $0x2800, s13  }
0x8: {  	s14 =	sadd.s32 $0x38A00, s0;
	_ =	strace $0x8000004A;
	s9 =	ssub.s32 $0x2, s7  }
0x9: {  	[dreg:$0x6] =	wrdreg s14;
	s18 =	sshll.u32 s7, $0x4;
	s8 =	sadd.s32 s6, s0  }
0xa: {  	s12 =	sshrl.u32 s9, $0x1;
	s0 =	sadd.s32 $0x60A00, s0;
	[dreg:$0x5] =	wrdreg s13  }
0xb: {  	s10 =	sshrl.u32 s10, $0x2;
	s2 =	sadd.s32 s2, s18;
	[dreg:$0x7] =	wrdreg s0  }
0xc: {  	s19 =	sshrl.u32 s13, $0x3;
	s6 =	sadd.s32 s11, s6;
	[dreg:$0x8] =	wrdreg s2  }
0xd: {  	s17 =	ssub.s32 s9, s12;
	s8 =	sadd.s32 $0x6A00, s8;
	[dreg:$0xa] =	wrdreg s6  }
0xe: {  	s9 =	sadd.s32 s10, s3;
	s20 =	sadd.s32 s11, s19;
	[dreg:$0x9] =	wrdreg s8  }
0xf: {  	s21 =	sadd.s32 $0x100, s20;
	[dreg:$0x14] =	wrdreg s9  }
0x10: {  	s22 =	sadd.s32 $0x200, s20;
	[dreg:$0xb] =	wrdreg s21  }
0x11: {  	s29 =	simm.s32 $0x16800;
	s23 =	sadd.s32 $0x300, s20;
	[dreg:$0xc] =	wrdreg s22  }
0x12: {  	s30 =	simm.s32 $0x80;
	s2 =	sadd.s32 $0x400, s20;
	[dreg:$0xd] =	wrdreg s23  }
0x13: {  	s31 =	simm.s32 $0x1;
	s0 =	smax.u32 s17, $0x1;
	[dreg:$0xe] =	wrdreg s2  }
0x14: {  	p0 =	sne.s32 s7, $0x0;
	s24 =	sadd.s32 $0x4000, s9;
	[dreg:$0xf] =	wrdreg s0  }
0x15: {  	s7 =	simm.s32 $0x3;
	s25 =	sadd.s32 $0x8000, s9;
	[dreg:$0x10] =	wrdreg s24  }
.Ltmp0:
0x16: {  	s26 =	sadd.s32 $0xC000, s9;
	[dreg:$0x11] =	wrdreg s25;
	(pc) =	sbr.rel .LBB2_1-.Ltmp0, $4  }
0x17: {  	s6 =	simm.s32 $0x17000;
	s28 =	sadd.s32 $0x10000, s9;
	[dreg:$0x12] =	wrdreg s26  }
0x18: {  	s11 =	simm.s32 $0x0;
	s8 =	simm.s32 $0x2;
	[dreg:$0x13] =	wrdreg s28  }
0x19: {  	s23 =	simm.s32 $0x8;
	s24 =	simm.s32 $0x17800;
	s0 =	simm.s32 $0x1B800  }
0x1a: {  	s22 =	simm.s32 $0x5;
	s25 =	simm.s32 $0x4;
	s2 =	simm.s32 $0x6  }
.LBB2_5:
0x1b: {  	[tilespmem:s24], [sflag:$0x1] =	stream.indirect.gather [hbm4b:s5+s30], $0x80, s13, s30, $0xb8;
	[tilespmem:$0x1F880] =	vst v63  }
0x1c: {  	s12 =	simm.s32 $0x14080  }
0x1d: {  	[tilespmem:s0], [sflag:$0x2] =	stream.indirect.gather [hbm4b:s5+s30], $0x80, s12, s30, $0xb8;
	[tilespmem:$0x1F880] =	vst v63  }
0x1e: {  	_ =	swait.ge [sflag:s22], $0x800  }
0x1f: {  	[sflag:s22] =	ssyncset.done $0x0  }
0x20: {  	[sflag:s22] =	ssyncadd.s32 $0xFFFFF800  }
0x21: {  	_ =	swait.ge [sflag:s31], $0x4000  }
0x22: {  	[sflag:s31] =	ssyncset.done $0x0  }
0x23: {  	[sflag:s31] =	ssyncadd.s32 $0xFFFFC000  }
0x24: {  	[spmem:s3] =	stream.indirect.scatter.add.f32 [tilespmem:s24], [sflag:$0x3], $0x80, s29, s30, $0xb8;
	[tilespmem:$0x1F880] =	vst v63  }
0x25: {  	_ =	swait.ge [sflag:s7], $0x4000  }
0x26: {  	[sflag:s7] =	ssyncset.done $0x0  }
0x27: {  	s19 =	simm.s32 $0x14100;
	[sflag:s7] =	ssyncadd.s32 $0xFFFFC000  }
0x28: {  	[tilespmem:s24], [sflag:$0x1] =	stream.indirect.gather [hbm4b:s5+s30], $0x80, s19, s30, $0xb8;
	[tilespmem:$0x1F880] =	vst v63  }
0x29: {  	_ =	swait.ge [sflag:s8], $0x4000  }
0x2a: {  	[sflag:s8] =	ssyncset.done $0x0  }
0x2b: {  	s6 =	simm.s32 $0x16880;
	[sflag:s8] =	ssyncadd.s32 $0xFFFFC000  }
0x2c: {  	[spmem:s3] =	stream.indirect.scatter.add.f32 [tilespmem:s0], [sflag:$0x4], $0x80, s6, s30, $0xb8;
	[tilespmem:$0x1F880] =	vst v63  }
0x2d: {  	_ =	swait.ge [sflag:s25], $0x4000  }
0x2e: {  	[sflag:s25] =	ssyncset.done $0x0  }
0x2f: {  	s20 =	simm.s32 $0x14180;
	[sflag:s25] =	ssyncadd.s32 $0xFFFFC000  }
0x30: {  	[tilespmem:s0], [sflag:$0x2] =	stream.indirect.gather [hbm4b:s5+s30], $0x80, s20, s30, $0xb8;
	[tilespmem:$0x1F880] =	vst v63  }
0x31: {  	_ =	swait.ge [sflag:s31], $0x4000  }
0x32: {  	[sflag:s31] =	ssyncset.done $0x0  }
0x33: {  	s21 =	simm.s32 $0x16900;
	[sflag:s31] =	ssyncadd.s32 $0xFFFFC000  }
0x34: {  	[spmem:s3] =	stream.indirect.scatter.add.f32 [tilespmem:s24], [sflag:$0x3], $0x80, s21, s30, $0xb8;
	[tilespmem:$0x1F880] =	vst v63  }
0x35: {  	_ =	swait.ge [sflag:s7], $0x4000  }
0x36: {  	[sflag:s7] =	ssyncset.done $0x0  }
0x37: {  	s26 =	simm.s32 $0x14200;
	[sflag:s7] =	ssyncadd.s32 $0xFFFFC000  }
0x38: {  	[tilespmem:s24], [sflag:$0x1] =	stream.indirect.gather [hbm4b:s5+s30], $0x80, s26, s30, $0xb8;
	[tilespmem:$0x1F880] =	vst v63  }
0x39: {  	_ =	swait.ge [sflag:s8], $0x4000  }
0x3a: {  	[sflag:s8] =	ssyncset.done $0x0  }
0x3b: {  	s28 =	simm.s32 $0x16980;
	[sflag:s8] =	ssyncadd.s32 $0xFFFFC000  }
0x3c: {  	[spmem:s3] =	stream.indirect.scatter.add.f32 [tilespmem:s0], [sflag:$0x4], $0x80, s28, s30, $0xb8;
	[tilespmem:$0x1F880] =	vst v63  }
0x3d: {  	_ =	swait.ge [sflag:s25], $0x4000  }
0x3e: {  	[sflag:s25] =	ssyncset.done $0x0  }
0x3f: {  	s9 =	simm.s32 $0x14280;
	[sflag:s25] =	ssyncadd.s32 $0xFFFFC000  }
0x40: {  	[tilespmem:s0], [sflag:$0x2] =	stream.indirect.gather [hbm4b:s5+s30], $0x80, s9, s30, $0xb8;
	[tilespmem:$0x1F880] =	vst v63  }
0x41: {  	_ =	swait.ge [sflag:s31], $0x4000  }
0x42: {  	[sflag:s31] =	ssyncset.done $0x0  }
0x43: {  	s13 =	simm.s32 $0x16A00;
	[sflag:s31] =	ssyncadd.s32 $0xFFFFC000  }
0x44: {  	[spmem:s3] =	stream.indirect.scatter.add.f32 [tilespmem:s24], [sflag:$0x3], $0x80, s13, s30, $0xb8;
	[tilespmem:$0x1F880] =	vst v63  }
0x45: {  	_ =	swait.ge [sflag:s7], $0x4000  }
0x46: {  	[sflag:s7] =	ssyncset.done $0x0  }
0x47: {  	s14 =	simm.s32 $0x14300;
	[sflag:s7] =	ssyncadd.s32 $0xFFFFC000  }
0x48: {  	[tilespmem:s24], [sflag:$0x1] =	stream.indirect.gather [hbm4b:s5+s30], $0x80, s14, s30, $0xb8;
	[tilespmem:$0x1F880] =	vst v63  }
0x49: {  	_ =	swait.ge [sflag:s8], $0x4000  }
0x4a: {  	[sflag:s8] =	ssyncset.done $0x0  }
0x4b: {  	s15 =	simm.s32 $0x16A80;
	[sflag:s8] =	ssyncadd.s32 $0xFFFFC000  }
0x4c: {  	[spmem:s3] =	stream.indirect.scatter.add.f32 [tilespmem:s0], [sflag:$0x4], $0x80, s15, s30, $0xb8;
	[tilespmem:$0x1F880] =	vst v63  }
0x4d: {  	_ =	swait.ge [sflag:s25], $0x4000  }
0x4e: {  	[sflag:s25] =	ssyncset.done $0x0  }
0x4f: {  	s16 =	simm.s32 $0x14380;
	[sflag:s25] =	ssyncadd.s32 $0xFFFFC000  }
0x50: {  	[tilespmem:s0], [sflag:$0x2] =	stream.indirect.gather [hbm4b:s5+s30], $0x80, s16, s30, $0xb8;
	[tilespmem:$0x1F880] =	vst v63  }
0x51: {  	_ =	swait.ge [sflag:s31], $0x4000  }
0x52: {  	[sflag:s31] =	ssyncset.done $0x0  }
0x53: {  	s17 =	simm.s32 $0x16B00;
	[sflag:s31] =	ssyncadd.s32 $0xFFFFC000  }
0x54: {  	[spmem:s3] =	stream.indirect.scatter.add.f32 [tilespmem:s24], [sflag:$0x3], $0x80, s17, s30, $0xb8;
	[tilespmem:$0x1F880] =	vst v63  }
0x55: {  	_ =	swait.ge [sflag:s7], $0x4000  }
0x56: {  	[sflag:s7] =	ssyncset.done $0x0  }
0x57: {  	s18 =	simm.s32 $0x14400;
	[sflag:s7] =	ssyncadd.s32 $0xFFFFC000  }
0x58: {  	[tilespmem:s24], [sflag:$0x1] =	stream.indirect.gather [hbm4b:s5+s30], $0x80, s18, s30, $0xb8;
	[tilespmem:$0x1F880] =	vst v63  }
0x59: {  	_ =	swait.ge [sflag:s8], $0x4000  }
0x5a: {  	[sflag:s8] =	ssyncset.done $0x0  }
0x5b: {  	s19 =	simm.s32 $0x16B80;
	[sflag:s8] =	ssyncadd.s32 $0xFFFFC000  }
0x5c: {  	[spmem:s3] =	stream.indirect.scatter.add.f32 [tilespmem:s0], [sflag:$0x4], $0x80, s19, s30, $0xb8;
	[tilespmem:$0x1F880] =	vst v63  }
0x5d: {  	_ =	swait.ge [sflag:s25], $0x4000  }
0x5e: {  	[sflag:s25] =	ssyncset.done $0x0  }
0x5f: {  	s20 =	simm.s32 $0x14480;
	[sflag:s25] =	ssyncadd.s32 $0xFFFFC000  }
0x60: {  	[tilespmem:s0], [sflag:$0x2] =	stream.indirect.gather [hbm4b:s5+s30], $0x80, s20, s30, $0xb8;
	[tilespmem:$0x1F880] =	vst v63  }
0x61: {  	_ =	swait.ge [sflag:s31], $0x4000  }
0x62: {  	[sflag:s31] =	ssyncset.done $0x0  }
0x63: {  	s21 =	simm.s32 $0x16C00;
	[sflag:s31] =	ssyncadd.s32 $0xFFFFC000  }
0x64: {  	[spmem:s3] =	stream.indirect.scatter.add.f32 [tilespmem:s24], [sflag:$0x3], $0x80, s21, s30, $0xb8;
	[tilespmem:$0x1F880] =	vst v63  }
0x65: {  	_ =	swait.ge [sflag:s7], $0x4000  }
0x66: {  	[sflag:s7] =	ssyncset.done $0x0  }
0x67: {  	s26 =	simm.s32 $0x14500;
	[sflag:s7] =	ssyncadd.s32 $0xFFFFC000  }
0x68: {  	[tilespmem:s24], [sflag:$0x1] =	stream.indirect.gather [hbm4b:s5+s30], $0x80, s26, s30, $0xb8;
	[tilespmem:$0x1F880] =	vst v63  }
0x69: {  	_ =	swait.ge [sflag:s8], $0x4000  }
0x6a: {  	[sflag:s8] =	ssyncset.done $0x0  }
0x6b: {  	s28 =	simm.s32 $0x16C80;
	[sflag:s8] =	ssyncadd.s32 $0xFFFFC000  }
0x6c: {  	[spmem:s3] =	stream.indirect.scatter.add.f32 [tilespmem:s0], [sflag:$0x4], $0x80, s28, s30, $0xb8;
	[tilespmem:$0x1F880] =	vst v63  }
0x6d: {  	_ =	swait.ge [sflag:s25], $0x4000  }
0x6e: {  	[sflag:s25] =	ssyncset.done $0x0  }
0x6f: {  	s9 =	simm.s32 $0x14580;
	[sflag:s25] =	ssyncadd.s32 $0xFFFFC000  }
0x70: {  	[tilespmem:s0], [sflag:$0x2] =	stream.indirect.gather [hbm4b:s5+s30], $0x80, s9, s30, $0xb8;
	[tilespmem:$0x1F880] =	vst v63  }
0x71: {  	_ =	swait.ge [sflag:s31], $0x4000  }
0x72: {  	[sflag:s31] =	ssyncset.done $0x0  }
0x73: {  	s13 =	simm.s32 $0x16D00;
	[sflag:s31] =	ssyncadd.s32 $0xFFFFC000  }
0x74: {  	[spmem:s3] =	stream.indirect.scatter.add.f32 [tilespmem:s24], [sflag:$0x3], $0x80, s13, s30, $0xb8;
	[tilespmem:$0x1F880] =	vst v63  }
0x75: {  	_ =	swait.ge [sflag:s7], $0x4000  }
0x76: {  	[sflag:s7] =	ssyncset.done $0x0  }
0x77: {  	s14 =	simm.s32 $0x14600;
	[sflag:s7] =	ssyncadd.s32 $0xFFFFC000  }
0x78: {  	[tilespmem:s24], [sflag:$0x1] =	stream.indirect.gather [hbm4b:s5+s30], $0x80, s14, s30, $0xb8;
	[tilespmem:$0x1F880] =	vst v63  }
0x79: {  	_ =	swait.ge [sflag:s8], $0x4000  }
0x7a: {  	[sflag:s8] =	ssyncset.done $0x0  }
0x7b: {  	s15 =	simm.s32 $0x16D80;
	[sflag:s8] =	ssyncadd.s32 $0xFFFFC000  }
0x7c: {  	[spmem:s3] =	stream.indirect.scatter.add.f32 [tilespmem:s0], [sflag:$0x4], $0x80, s15, s30, $0xb8;
	[tilespmem:$0x1F880] =	vst v63  }
0x7d: {  	_ =	swait.ge [sflag:s25], $0x4000  }
0x7e: {  	[sflag:s25] =	ssyncset.done $0x0  }
0x7f: {  	s16 =	simm.s32 $0x14680;
	[sflag:s25] =	ssyncadd.s32 $0xFFFFC000  }
0x80: {  	[tilespmem:s0], [sflag:$0x2] =	stream.indirect.gather [hbm4b:s5+s30], $0x80, s16, s30, $0xb8;
	[tilespmem:$0x1F880] =	vst v63  }
0x81: {  	_ =	swait.ge [sflag:s31], $0x4000  }
0x82: {  	[sflag:s31] =	ssyncset.done $0x0  }
0x83: {  	s17 =	simm.s32 $0x16E00;
	[sflag:s31] =	ssyncadd.s32 $0xFFFFC000  }
0x84: {  	[spmem:s3] =	stream.indirect.scatter.add.f32 [tilespmem:s24], [sflag:$0x3], $0x80, s17, s30, $0xb8;
	[tilespmem:$0x1F880] =	vst v63  }
0x85: {  	_ =	swait.ge [sflag:s7], $0x4000  }
0x86: {  	[sflag:s7] =	ssyncset.done $0x0  }
0x87: {  	s18 =	simm.s32 $0x14700;
	[sflag:s7] =	ssyncadd.s32 $0xFFFFC000  }
0x88: {  	[tilespmem:s24], [sflag:$0x1] =	stream.indirect.gather [hbm4b:s5+s30], $0x80, s18, s30, $0xb8;
	[tilespmem:$0x1F880] =	vst v63  }
0x89: {  	_ =	swait.ge [sflag:s8], $0x4000  }
0x8a: {  	[sflag:s8] =	ssyncset.done $0x0  }
0x8b: {  	s19 =	simm.s32 $0x16E80;
	[sflag:s8] =	ssyncadd.s32 $0xFFFFC000  }
0x8c: {  	[spmem:s3] =	stream.indirect.scatter.add.f32 [tilespmem:s0], [sflag:$0x4], $0x80, s19, s30, $0xb8;
	[tilespmem:$0x1F880] =	vst v63  }
0x8d: {  	_ =	swait.ge [sflag:s25], $0x4000  }
0x8e: {  	[sflag:s25] =	ssyncset.done $0x0  }
0x8f: {  	s20 =	simm.s32 $0x14780;
	[sflag:s25] =	ssyncadd.s32 $0xFFFFC000  }
0x90: {  	[tilespmem:s0], [sflag:$0x2] =	stream.indirect.gather [hbm4b:s5+s30], $0x80, s20, s30, $0xb8;
	[tilespmem:$0x1F880] =	vst v63  }
0x91: {  	_ =	swait.ge [sflag:s31], $0x4000  }
0x92: {  	[sflag:s31] =	ssyncset.done $0x0  }
0x93: {  	s6 =	simm.s32 $0x16F00;
	[sflag:s31] =	ssyncadd.s32 $0xFFFFC000  }
0x94: {  	[spmem:s3] =	stream.indirect.scatter.add.f32 [tilespmem:s24], [sflag:$0x3], $0x80, s6, s30, $0xb8;
	[tilespmem:$0x1F880] =	vst v63  }
0x95: {  	_ =	swait.ge [sflag:s7], $0x4000  }
0x96: {  	[sflag:s7] =	ssyncset.done $0x0  }
0x97: {  	s21 =	simm.s32 $0x14800;
	[sflag:s7] =	ssyncadd.s32 $0xFFFFC000  }
0x98: {  	[tilespmem:s24], [sflag:$0x1] =	stream.indirect.gather [hbm4b:s5+s30], $0x80, s21, s30, $0xb8;
	[tilespmem:$0x1F880] =	vst v63  }
0x99: {  	_ =	swait.ge [sflag:s8], $0x4000  }
0x9a: {  	[sflag:s8] =	ssyncset.done $0x0  }
0x9b: {  	s9 =	simm.s32 $0x16F80;
	[sflag:s8] =	ssyncadd.s32 $0xFFFFC000  }
0x9c: {  	[spmem:s3] =	stream.indirect.scatter.add.f32 [tilespmem:s0], [sflag:$0x4], $0x80, s9, s30, $0xb8;
	[tilespmem:$0x1F880] =	vst v63  }
0x9d: {  	_ =	swait.ge [sflag:s25], $0x4000  }
0x9e: {  	[sflag:s25] =	ssyncset.done $0x0  }
0x9f: {  	s26 =	simm.s32 $0x14880;
	[sflag:s25] =	ssyncadd.s32 $0xFFFFC000  }
0xa0: {  	[tilespmem:s0], [sflag:$0x2] =	stream.indirect.gather [hbm4b:s5+s30], $0x80, s26, s30, $0xb8;
	[tilespmem:$0x1F880] =	vst v63  }
0xa1: {  	s28 =	rddreg [dreg:$0xc]  }
0xa2: {  	[tilespmem:s29], [sflag:$0x5] =	stream.linear.gather [hbm4b:s28+s4], $0x800, $0x38;
	[tilespmem:$0x1F880] =	vst v63  }
0xa3: {  	_ =	swait.ge [sflag:s2], $0x800  }
0xa4: {  	[sflag:s2] =	ssyncset.done $0x0  }
0xa5: {  	[sflag:s2] =	ssyncadd.s32 $0xFFFFF800  }
0xa6: {  	_ =	swait.ge [sflag:s31], $0x4000  }
0xa7: {  	[sflag:s31] =	ssyncset.done $0x0  }
0xa8: {  	[sflag:s31] =	ssyncadd.s32 $0xFFFFC000  }
0xa9: {  	[spmem:s3] =	stream.indirect.scatter.add.f32 [tilespmem:s24], [sflag:$0x3], $0x80, s10, s30, $0xb8;
	[tilespmem:$0x1F880] =	vst v63  }
0xaa: {  	_ =	swait.ge [sflag:s7], $0x4000  }
0xab: {  	[sflag:s7] =	ssyncset.done $0x0  }
0xac: {  	s13 =	simm.s32 $0x14900;
	[sflag:s7] =	ssyncadd.s32 $0xFFFFC000  }
0xad: {  	[tilespmem:s24], [sflag:$0x1] =	stream.indirect.gather [hbm4b:s5+s30], $0x80, s13, s30, $0xb8;
	[tilespmem:$0x1F880] =	vst v63  }
0xae: {  	_ =	swait.ge [sflag:s8], $0x4000  }
0xaf: {  	[sflag:s8] =	ssyncset.done $0x0  }
0xb0: {  	s15 =	simm.s32 $0x17080;
	[sflag:s8] =	ssyncadd.s32 $0xFFFFC000  }
0xb1: {  	[spmem:s3] =	stream.indirect.scatter.add.f32 [tilespmem:s0], [sflag:$0x4], $0x80, s15, s30, $0xb8;
	[tilespmem:$0x1F880] =	vst v63  }
0xb2: {  	_ =	swait.ge [sflag:s25], $0x4000  }
0xb3: {  	[sflag:s25] =	ssyncset.done $0x0  }
0xb4: {  	s14 =	simm.s32 $0x14980;
	[sflag:s25] =	ssyncadd.s32 $0xFFFFC000  }
0xb5: {  	[tilespmem:s0], [sflag:$0x2] =	stream.indirect.gather [hbm4b:s5+s30], $0x80, s14, s30, $0xb8;
	[tilespmem:$0x1F880] =	vst v63  }
0xb6: {  	_ =	swait.ge [sflag:s31], $0x4000  }
0xb7: {  	[sflag:s31] =	ssyncset.done $0x0  }
0xb8: {  	s17 =	simm.s32 $0x17100;
	[sflag:s31] =	ssyncadd.s32 $0xFFFFC000  }
0xb9: {  	[spmem:s3] =	stream.indirect.scatter.add.f32 [tilespmem:s24], [sflag:$0x3], $0x80, s17, s30, $0xb8;
	[tilespmem:$0x1F880] =	vst v63  }
0xba: {  	_ =	swait.ge [sflag:s7], $0x4000  }
0xbb: {  	[sflag:s7] =	ssyncset.done $0x0  }
0xbc: {  	s16 =	simm.s32 $0x14A00;
	[sflag:s7] =	ssyncadd.s32 $0xFFFFC000  }
0xbd: {  	[tilespmem:s24], [sflag:$0x1] =	stream.indirect.gather [hbm4b:s5+s30], $0x80, s16, s30, $0xb8;
	[tilespmem:$0x1F880] =	vst v63  }
0xbe: {  	_ =	swait.ge [sflag:s8], $0x4000  }
0xbf: {  	[sflag:s8] =	ssyncset.done $0x0  }
0xc0: {  	s19 =	simm.s32 $0x17180;
	[sflag:s8] =	ssyncadd.s32 $0xFFFFC000  }
0xc1: {  	[spmem:s3] =	stream.indirect.scatter.add.f32 [tilespmem:s0], [sflag:$0x4], $0x80, s19, s30, $0xb8;
	[tilespmem:$0x1F880] =	vst v63  }
0xc2: {  	_ =	swait.ge [sflag:s25], $0x4000  }
0xc3: {  	[sflag:s25] =	ssyncset.done $0x0  }
0xc4: {  	s18 =	simm.s32 $0x14A80;
	[sflag:s25] =	ssyncadd.s32 $0xFFFFC000  }
0xc5: {  	[tilespmem:s0], [sflag:$0x2] =	stream.indirect.gather [hbm4b:s5+s30], $0x80, s18, s30, $0xb8;
	[tilespmem:$0x1F880] =	vst v63  }
0xc6: {  	_ =	swait.ge [sflag:s31], $0x4000  }
0xc7: {  	[sflag:s31] =	ssyncset.done $0x0  }
0xc8: {  	s21 =	simm.s32 $0x17200;
	[sflag:s31] =	ssyncadd.s32 $0xFFFFC000  }
0xc9: {  	[spmem:s3] =	stream.indirect.scatter.add.f32 [tilespmem:s24], [sflag:$0x3], $0x80, s21, s30, $0xb8;
	[tilespmem:$0x1F880] =	vst v63  }
0xca: {  	_ =	swait.ge [sflag:s7], $0x4000  }
0xcb: {  	[sflag:s7] =	ssyncset.done $0x0  }
0xcc: {  	s20 =	simm.s32 $0x14B00;
	[sflag:s7] =	ssyncadd.s32 $0xFFFFC000  }
0xcd: {  	[tilespmem:s24], [sflag:$0x1] =	stream.indirect.gather [hbm4b:s5+s30], $0x80, s20, s30, $0xb8;
	[tilespmem:$0x1F880] =	vst v63  }
0xce: {  	_ =	swait.ge [sflag:s8], $0x4000  }
0xcf: {  	[sflag:s8] =	ssyncset.done $0x0  }
0xd0: {  	s29 =	simm.s32 $0x17280;
	[sflag:s8] =	ssyncadd.s32 $0xFFFFC000  }
0xd1: {  	[spmem:s3] =	stream.indirect.scatter.add.f32 [tilespmem:s0], [sflag:$0x4], $0x80, s29, s30, $0xb8;
	[tilespmem:$0x1F880] =	vst v63  }
0xd2: {  	_ =	swait.ge [sflag:s25], $0x4000  }
0xd3: {  	[sflag:s25] =	ssyncset.done $0x0  }
0xd4: {  	s26 =	simm.s32 $0x14B80;
	[sflag:s25] =	ssyncadd.s32 $0xFFFFC000  }
0xd5: {  	[tilespmem:s0], [sflag:$0x2] =	stream.indirect.gather [hbm4b:s5+s30], $0x80, s26, s30, $0xb8;
	[tilespmem:$0x1F880] =	vst v63  }
0xd6: {  	_ =	swait.ge [sflag:s31], $0x4000  }
0xd7: {  	[sflag:s31] =	ssyncset.done $0x0  }
0xd8: {  	s28 =	simm.s32 $0x17300;
	[sflag:s31] =	ssyncadd.s32 $0xFFFFC000  }
0xd9: {  	[spmem:s3] =	stream.indirect.scatter.add.f32 [tilespmem:s24], [sflag:$0x3], $0x80, s28, s30, $0xb8;
	[tilespmem:$0x1F880] =	vst v63  }
0xda: {  	_ =	swait.ge [sflag:s7], $0x4000  }
0xdb: {  	[sflag:s7] =	ssyncset.done $0x0  }
0xdc: {  	s10 =	simm.s32 $0x14C00;
	[sflag:s7] =	ssyncadd.s32 $0xFFFFC000  }
0xdd: {  	[tilespmem:s24], [sflag:$0x1] =	stream.indirect.gather [hbm4b:s5+s30], $0x80, s10, s30, $0xb8;
	[tilespmem:$0x1F880] =	vst v63  }
0xde: {  	_ =	swait.ge [sflag:s8], $0x4000  }
0xdf: {  	[sflag:s8] =	ssyncset.done $0x0  }
0xe0: {  	s10 =	simm.s32 $0x17380;
	[sflag:s8] =	ssyncadd.s32 $0xFFFFC000  }
0xe1: {  	[spmem:s3] =	stream.indirect.scatter.add.f32 [tilespmem:s0], [sflag:$0x4], $0x80, s10, s30, $0xb8;
	[tilespmem:$0x1F880] =	vst v63  }
0xe2: {  	_ =	swait.ge [sflag:s25], $0x4000  }
0xe3: {  	[sflag:s25] =	ssyncset.done $0x0  }
0xe4: {  	s13 =	simm.s32 $0x14C80;
	[sflag:s25] =	ssyncadd.s32 $0xFFFFC000  }
0xe5: {  	[tilespmem:s0], [sflag:$0x2] =	stream.indirect.gather [hbm4b:s5+s30], $0x80, s13, s30, $0xb8;
	[tilespmem:$0x1F880] =	vst v63  }
0xe6: {  	_ =	swait.ge [sflag:s31], $0x4000  }
0xe7: {  	[sflag:s31] =	ssyncset.done $0x0  }
0xe8: {  	s13 =	simm.s32 $0x17400;
	[sflag:s31] =	ssyncadd.s32 $0xFFFFC000  }
0xe9: {  	[spmem:s3] =	stream.indirect.scatter.add.f32 [tilespmem:s24], [sflag:$0x3], $0x80, s13, s30, $0xb8;
	[tilespmem:$0x1F880] =	vst v63  }
0xea: {  	_ =	swait.ge [sflag:s7], $0x4000  }
0xeb: {  	[sflag:s7] =	ssyncset.done $0x0  }
0xec: {  	s16 =	simm.s32 $0x14D00;
	[sflag:s7] =	ssyncadd.s32 $0xFFFFC000  }
0xed: {  	[tilespmem:s24], [sflag:$0x1] =	stream.indirect.gather [hbm4b:s5+s30], $0x80, s16, s30, $0xb8;
	[tilespmem:$0x1F880] =	vst v63  }
0xee: {  	_ =	swait.ge [sflag:s8], $0x4000  }
0xef: {  	[sflag:s8] =	ssyncset.done $0x0  }
0xf0: {  	s16 =	simm.s32 $0x17480;
	[sflag:s8] =	ssyncadd.s32 $0xFFFFC000  }
0xf1: {  	[spmem:s3] =	stream.indirect.scatter.add.f32 [tilespmem:s0], [sflag:$0x4], $0x80, s16, s30, $0xb8;
	[tilespmem:$0x1F880] =	vst v63  }
0xf2: {  	_ =	swait.ge [sflag:s25], $0x4000  }
0xf3: {  	[sflag:s25] =	ssyncset.done $0x0  }
0xf4: {  	s18 =	simm.s32 $0x14D80;
	[sflag:s25] =	ssyncadd.s32 $0xFFFFC000  }
0xf5: {  	[tilespmem:s0], [sflag:$0x2] =	stream.indirect.gather [hbm4b:s5+s30], $0x80, s18, s30, $0xb8;
	[tilespmem:$0x1F880] =	vst v63  }
0xf6: {  	_ =	swait.ge [sflag:s31], $0x4000  }
0xf7: {  	[sflag:s31] =	ssyncset.done $0x0  }
0xf8: {  	s18 =	simm.s32 $0x17500;
	[sflag:s31] =	ssyncadd.s32 $0xFFFFC000  }
0xf9: {  	[spmem:s3] =	stream.indirect.scatter.add.f32 [tilespmem:s24], [sflag:$0x3], $0x80, s18, s30, $0xb8;
	[tilespmem:$0x1F880] =	vst v63  }
0xfa: {  	_ =	swait.ge [sflag:s7], $0x4000  }
0xfb: {  	[sflag:s7] =	ssyncset.done $0x0  }
0xfc: {  	s20 =	simm.s32 $0x14E00;
	[sflag:s7] =	ssyncadd.s32 $0xFFFFC000  }
0xfd: {  	[tilespmem:s24], [sflag:$0x1] =	stream.indirect.gather [hbm4b:s5+s30], $0x80, s20, s30, $0xb8;
	[tilespmem:$0x1F880] =	vst v63  }
0xfe: {  	_ =	swait.ge [sflag:s8], $0x4000  }
0xff: {  	[sflag:s8] =	ssyncset.done $0x0  }
0x100: {  	s20 =	simm.s32 $0x17580;
	[sflag:s8] =	ssyncadd.s32 $0xFFFFC000  }
0x101: {  	[spmem:s3] =	stream.indirect.scatter.add.f32 [tilespmem:s0], [sflag:$0x4], $0x80, s20, s30, $0xb8;
	[tilespmem:$0x1F880] =	vst v63  }
0x102: {  	_ =	swait.ge [sflag:s25], $0x4000  }
0x103: {  	[sflag:s25] =	ssyncset.done $0x0  }
0x104: {  	s26 =	simm.s32 $0x14E80;
	[sflag:s25] =	ssyncadd.s32 $0xFFFFC000  }
0x105: {  	[tilespmem:s0], [sflag:$0x2] =	stream.indirect.gather [hbm4b:s5+s30], $0x80, s26, s30, $0xb8;
	[tilespmem:$0x1F880] =	vst v63  }
0x106: {  	_ =	swait.ge [sflag:s31], $0x4000  }
0x107: {  	[sflag:s31] =	ssyncset.done $0x0  }
0x108: {  	s26 =	simm.s32 $0x17600;
	[sflag:s31] =	ssyncadd.s32 $0xFFFFC000  }
0x109: {  	[spmem:s3] =	stream.indirect.scatter.add.f32 [tilespmem:s24], [sflag:$0x3], $0x80, s26, s30, $0xb8;
	[tilespmem:$0x1F880] =	vst v63  }
0x10a: {  	_ =	swait.ge [sflag:s7], $0x4000  }
0x10b: {  	[sflag:s7] =	ssyncset.done $0x0  }
0x10c: {  	s28 =	simm.s32 $0x14F00;
	[sflag:s7] =	ssyncadd.s32 $0xFFFFC000  }
0x10d: {  	[tilespmem:s24], [sflag:$0x1] =	stream.indirect.gather [hbm4b:s5+s30], $0x80, s28, s30, $0xb8;
	[tilespmem:$0x1F880] =	vst v63  }
0x10e: {  	_ =	swait.ge [sflag:s8], $0x4000  }
0x10f: {  	[sflag:s8] =	ssyncset.done $0x0  }
0x110: {  	s28 =	simm.s32 $0x17680;
	[sflag:s8] =	ssyncadd.s32 $0xFFFFC000  }
0x111: {  	[spmem:s3] =	stream.indirect.scatter.add.f32 [tilespmem:s0], [sflag:$0x4], $0x80, s28, s30, $0xb8;
	[tilespmem:$0x1F880] =	vst v63  }
0x112: {  	_ =	swait.ge [sflag:s25], $0x4000  }
0x113: {  	[sflag:s25] =	ssyncset.done $0x0  }
0x114: {  	s12 =	simm.s32 $0x14F80;
	[sflag:s25] =	ssyncadd.s32 $0xFFFFC000  }
0x115: {  	[tilespmem:s0], [sflag:$0x2] =	stream.indirect.gather [hbm4b:s5+s30], $0x80, s12, s30, $0xb8;
	[tilespmem:$0x1F880] =	vst v63  }
0x116: {  	_ =	swait.ge [sflag:s31], $0x4000  }
0x117: {  	[sflag:s31] =	ssyncset.done $0x0  }
0x118: {  	s12 =	simm.s32 $0x17700;
	[sflag:s31] =	ssyncadd.s32 $0xFFFFC000  }
0x119: {  	[spmem:s3] =	stream.indirect.scatter.add.f32 [tilespmem:s24], [sflag:$0x3], $0x80, s12, s30, $0xb8;
	[tilespmem:$0x1F880] =	vst v63  }
0x11a: {  	_ =	swait.ge [sflag:s7], $0x4000  }
0x11b: {  	[sflag:s7] =	ssyncset.done $0x0  }
0x11c: {  	s12 =	simm.s32 $0x15000;
	[sflag:s7] =	ssyncadd.s32 $0xFFFFC000  }
0x11d: {  	[tilespmem:s24], [sflag:$0x1] =	stream.indirect.gather [hbm4b:s5+s30], $0x80, s12, s30, $0xb8;
	[tilespmem:$0x1F880] =	vst v63  }
0x11e: {  	_ =	swait.ge [sflag:s8], $0x4000  }
0x11f: {  	[sflag:s8] =	ssyncset.done $0x0  }
0x120: {  	s12 =	simm.s32 $0x17780;
	[sflag:s8] =	ssyncadd.s32 $0xFFFFC000  }
0x121: {  	[spmem:s3] =	stream.indirect.scatter.add.f32 [tilespmem:s0], [sflag:$0x4], $0x80, s12, s30, $0xb8;
	[tilespmem:$0x1F880] =	vst v63  }
0x122: {  	_ =	swait.ge [sflag:s25], $0x4000  }
0x123: {  	[sflag:s25] =	ssyncset.done $0x0  }
0x124: {  	s12 =	simm.s32 $0x15080;
	[sflag:s25] =	ssyncadd.s32 $0xFFFFC000  }
0x125: {  	[tilespmem:s0], [sflag:$0x2] =	stream.indirect.gather [hbm4b:s5+s30], $0x80, s12, s30, $0xb8;
	[tilespmem:$0x1F880] =	vst v63  }
0x126: {  	s4 =	simm.s32 $0x17000;
	s14 =	simm.s32 $0x0;
	s12 =	rddreg [dreg:$0xd]  }
0x127: {  	[tilespmem:s4], [sflag:$0x6] =	stream.linear.gather [hbm4b:s12+s14], $0x800, $0x38;
	[tilespmem:$0x1F880] =	vst v63  }
0x128: {  	_ =	swait.ge [sflag:s22], $0x800  }
0x129: {  	[sflag:s22] =	ssyncset.done $0x0  }
0x12a: {  	[sflag:s22] =	ssyncadd.s32 $0xFFFFF800  }
0x12b: {  	_ =	swait.ge [sflag:s31], $0x4000  }
0x12c: {  	[sflag:s31] =	ssyncset.done $0x0  }
0x12d: {  	s2 =	simm.s32 $0x16800;
	[sflag:s31] =	ssyncadd.s32 $0xFFFFC000  }
0x12e: {  	[spmem:s3] =	stream.indirect.scatter.add.f32 [tilespmem:s24], [sflag:$0x3], $0x80, s2, s30, $0xb8;
	[tilespmem:$0x1F880] =	vst v63  }
0x12f: {  	_ =	swait.ge [sflag:s7], $0x4000  }
0x130: {  	[sflag:s7] =	ssyncset.done $0x0  }
0x131: {  	s12 =	simm.s32 $0x15100;
	[sflag:s7] =	ssyncadd.s32 $0xFFFFC000  }
0x132: {  	[tilespmem:s24], [sflag:$0x1] =	stream.indirect.gather [hbm4b:s5+s30], $0x80, s12, s30, $0xb8;
	[tilespmem:$0x1F880] =	vst v63  }
0x133: {  	_ =	swait.ge [sflag:s8], $0x4000  }
0x134: {  	[sflag:s8] =	ssyncset.done $0x0  }
0x135: {  	s12 =	simm.s32 $0x16880;
	[sflag:s8] =	ssyncadd.s32 $0xFFFFC000  }
0x136: {  	[spmem:s3] =	stream.indirect.scatter.add.f32 [tilespmem:s0], [sflag:$0x4], $0x80, s12, s30, $0xb8;
	[tilespmem:$0x1F880] =	vst v63  }
0x137: {  	_ =	swait.ge [sflag:s25], $0x4000  }
0x138: {  	[sflag:s25] =	ssyncset.done $0x0  }
0x139: {  	s12 =	simm.s32 $0x15180;
	[sflag:s25] =	ssyncadd.s32 $0xFFFFC000  }
0x13a: {  	[tilespmem:s0], [sflag:$0x2] =	stream.indirect.gather [hbm4b:s5+s30], $0x80, s12, s30, $0xb8;
	[tilespmem:$0x1F880] =	vst v63  }
0x13b: {  	_ =	swait.ge [sflag:s31], $0x4000  }
0x13c: {  	[sflag:s31] =	ssyncset.done $0x0  }
0x13d: {  	s12 =	simm.s32 $0x16900;
	[sflag:s31] =	ssyncadd.s32 $0xFFFFC000  }
0x13e: {  	[spmem:s3] =	stream.indirect.scatter.add.f32 [tilespmem:s24], [sflag:$0x3], $0x80, s12, s30, $0xb8;
	[tilespmem:$0x1F880] =	vst v63  }
0x13f: {  	_ =	swait.ge [sflag:s7], $0x4000  }
0x140: {  	[sflag:s7] =	ssyncset.done $0x0  }
0x141: {  	s12 =	simm.s32 $0x15200;
	[sflag:s7] =	ssyncadd.s32 $0xFFFFC000  }
0x142: {  	[tilespmem:s24], [sflag:$0x1] =	stream.indirect.gather [hbm4b:s5+s30], $0x80, s12, s30, $0xb8;
	[tilespmem:$0x1F880] =	vst v63  }
0x143: {  	_ =	swait.ge [sflag:s8], $0x4000  }
0x144: {  	[sflag:s8] =	ssyncset.done $0x0  }
0x145: {  	s12 =	simm.s32 $0x16980;
	[sflag:s8] =	ssyncadd.s32 $0xFFFFC000  }
0x146: {  	[spmem:s3] =	stream.indirect.scatter.add.f32 [tilespmem:s0], [sflag:$0x4], $0x80, s12, s30, $0xb8;
	[tilespmem:$0x1F880] =	vst v63  }
0x147: {  	_ =	swait.ge [sflag:s25], $0x4000  }
0x148: {  	[sflag:s25] =	ssyncset.done $0x0  }
0x149: {  	s12 =	simm.s32 $0x15280;
	[sflag:s25] =	ssyncadd.s32 $0xFFFFC000  }
0x14a: {  	[tilespmem:s0], [sflag:$0x2] =	stream.indirect.gather [hbm4b:s5+s30], $0x80, s12, s30, $0xb8;
	[tilespmem:$0x1F880] =	vst v63  }
0x14b: {  	_ =	swait.ge [sflag:s31], $0x4000  }
0x14c: {  	[sflag:s31] =	ssyncset.done $0x0  }
0x14d: {  	s12 =	simm.s32 $0x16A00;
	[sflag:s31] =	ssyncadd.s32 $0xFFFFC000  }
0x14e: {  	[spmem:s3] =	stream.indirect.scatter.add.f32 [tilespmem:s24], [sflag:$0x3], $0x80, s12, s30, $0xb8;
	[tilespmem:$0x1F880] =	vst v63  }
0x14f: {  	_ =	swait.ge [sflag:s7], $0x4000  }
0x150: {  	[sflag:s7] =	ssyncset.done $0x0  }
0x151: {  	s12 =	simm.s32 $0x15300;
	[sflag:s7] =	ssyncadd.s32 $0xFFFFC000  }
0x152: {  	[tilespmem:s24], [sflag:$0x1] =	stream.indirect.gather [hbm4b:s5+s30], $0x80, s12, s30, $0xb8;
	[tilespmem:$0x1F880] =	vst v63  }
0x153: {  	_ =	swait.ge [sflag:s8], $0x4000  }
0x154: {  	[sflag:s8] =	ssyncset.done $0x0  }
0x155: {  	s12 =	simm.s32 $0x16A80;
	[sflag:s8] =	ssyncadd.s32 $0xFFFFC000  }
0x156: {  	[spmem:s3] =	stream.indirect.scatter.add.f32 [tilespmem:s0], [sflag:$0x4], $0x80, s12, s30, $0xb8;
	[tilespmem:$0x1F880] =	vst v63  }
0x157: {  	_ =	swait.ge [sflag:s25], $0x4000  }
0x158: {  	[sflag:s25] =	ssyncset.done $0x0  }
0x159: {  	s12 =	simm.s32 $0x15380;
	[sflag:s25] =	ssyncadd.s32 $0xFFFFC000  }
0x15a: {  	[tilespmem:s0], [sflag:$0x2] =	stream.indirect.gather [hbm4b:s5+s30], $0x80, s12, s30, $0xb8;
	[tilespmem:$0x1F880] =	vst v63  }
0x15b: {  	_ =	swait.ge [sflag:s31], $0x4000  }
0x15c: {  	[sflag:s31] =	ssyncset.done $0x0  }
0x15d: {  	s12 =	simm.s32 $0x16B00;
	[sflag:s31] =	ssyncadd.s32 $0xFFFFC000  }
0x15e: {  	[spmem:s3] =	stream.indirect.scatter.add.f32 [tilespmem:s24], [sflag:$0x3], $0x80, s12, s30, $0xb8;
	[tilespmem:$0x1F880] =	vst v63  }
0x15f: {  	_ =	swait.ge [sflag:s7], $0x4000  }
0x160: {  	[sflag:s7] =	ssyncset.done $0x0  }
0x161: {  	s12 =	simm.s32 $0x15400;
	[sflag:s7] =	ssyncadd.s32 $0xFFFFC000  }
0x162: {  	[tilespmem:s24], [sflag:$0x1] =	stream.indirect.gather [hbm4b:s5+s30], $0x80, s12, s30, $0xb8;
	[tilespmem:$0x1F880] =	vst v63  }
0x163: {  	_ =	swait.ge [sflag:s8], $0x4000  }
0x164: {  	[sflag:s8] =	ssyncset.done $0x0  }
0x165: {  	s12 =	simm.s32 $0x16B80;
	[sflag:s8] =	ssyncadd.s32 $0xFFFFC000  }
0x166: {  	[spmem:s3] =	stream.indirect.scatter.add.f32 [tilespmem:s0], [sflag:$0x4], $0x80, s12, s30, $0xb8;
	[tilespmem:$0x1F880] =	vst v63  }
0x167: {  	_ =	swait.ge [sflag:s25], $0x4000  }
0x168: {  	[sflag:s25] =	ssyncset.done $0x0  }
0x169: {  	s12 =	simm.s32 $0x15480;
	[sflag:s25] =	ssyncadd.s32 $0xFFFFC000  }
0x16a: {  	[tilespmem:s0], [sflag:$0x2] =	stream.indirect.gather [hbm4b:s5+s30], $0x80, s12, s30, $0xb8;
	[tilespmem:$0x1F880] =	vst v63  }
0x16b: {  	_ =	swait.ge [sflag:s31], $0x4000  }
0x16c: {  	[sflag:s31] =	ssyncset.done $0x0  }
0x16d: {  	s12 =	simm.s32 $0x16C00;
	[sflag:s31] =	ssyncadd.s32 $0xFFFFC000  }
0x16e: {  	[spmem:s3] =	stream.indirect.scatter.add.f32 [tilespmem:s24], [sflag:$0x3], $0x80, s12, s30, $0xb8;
	[tilespmem:$0x1F880] =	vst v63  }
0x16f: {  	_ =	swait.ge [sflag:s7], $0x4000  }
0x170: {  	[sflag:s7] =	ssyncset.done $0x0  }
0x171: {  	s12 =	simm.s32 $0x15500;
	[sflag:s7] =	ssyncadd.s32 $0xFFFFC000  }
0x172: {  	[tilespmem:s24], [sflag:$0x1] =	stream.indirect.gather [hbm4b:s5+s30], $0x80, s12, s30, $0xb8;
	[tilespmem:$0x1F880] =	vst v63  }
0x173: {  	_ =	swait.ge [sflag:s8], $0x4000  }
0x174: {  	[sflag:s8] =	ssyncset.done $0x0  }
0x175: {  	s12 =	simm.s32 $0x16C80;
	[sflag:s8] =	ssyncadd.s32 $0xFFFFC000  }
0x176: {  	[spmem:s3] =	stream.indirect.scatter.add.f32 [tilespmem:s0], [sflag:$0x4], $0x80, s12, s30, $0xb8;
	[tilespmem:$0x1F880] =	vst v63  }
0x177: {  	_ =	swait.ge [sflag:s25], $0x4000  }
0x178: {  	[sflag:s25] =	ssyncset.done $0x0  }
0x179: {  	s12 =	simm.s32 $0x15580;
	[sflag:s25] =	ssyncadd.s32 $0xFFFFC000  }
0x17a: {  	[tilespmem:s0], [sflag:$0x2] =	stream.indirect.gather [hbm4b:s5+s30], $0x80, s12, s30, $0xb8;
	[tilespmem:$0x1F880] =	vst v63  }
0x17b: {  	_ =	swait.ge [sflag:s31], $0x4000  }
0x17c: {  	[sflag:s31] =	ssyncset.done $0x0  }
0x17d: {  	s12 =	simm.s32 $0x16D00;
	[sflag:s31] =	ssyncadd.s32 $0xFFFFC000  }
0x17e: {  	[spmem:s3] =	stream.indirect.scatter.add.f32 [tilespmem:s24], [sflag:$0x3], $0x80, s12, s30, $0xb8;
	[tilespmem:$0x1F880] =	vst v63  }
0x17f: {  	_ =	swait.ge [sflag:s7], $0x4000  }
0x180: {  	[sflag:s7] =	ssyncset.done $0x0  }
0x181: {  	s12 =	simm.s32 $0x15600;
	[sflag:s7] =	ssyncadd.s32 $0xFFFFC000  }
0x182: {  	[tilespmem:s24], [sflag:$0x1] =	stream.indirect.gather [hbm4b:s5+s30], $0x80, s12, s30, $0xb8;
	[tilespmem:$0x1F880] =	vst v63  }
0x183: {  	_ =	swait.ge [sflag:s8], $0x4000  }
0x184: {  	[sflag:s8] =	ssyncset.done $0x0  }
0x185: {  	s12 =	simm.s32 $0x16D80;
	[sflag:s8] =	ssyncadd.s32 $0xFFFFC000  }
0x186: {  	[spmem:s3] =	stream.indirect.scatter.add.f32 [tilespmem:s0], [sflag:$0x4], $0x80, s12, s30, $0xb8;
	[tilespmem:$0x1F880] =	vst v63  }
0x187: {  	_ =	swait.ge [sflag:s25], $0x4000  }
0x188: {  	[sflag:s25] =	ssyncset.done $0x0  }
0x189: {  	s12 =	simm.s32 $0x15680;
	[sflag:s25] =	ssyncadd.s32 $0xFFFFC000  }
0x18a: {  	[tilespmem:s0], [sflag:$0x2] =	stream.indirect.gather [hbm4b:s5+s30], $0x80, s12, s30, $0xb8;
	[tilespmem:$0x1F880] =	vst v63  }
0x18b: {  	_ =	swait.ge [sflag:s31], $0x4000  }
0x18c: {  	[sflag:s31] =	ssyncset.done $0x0  }
0x18d: {  	s12 =	simm.s32 $0x16E00;
	[sflag:s31] =	ssyncadd.s32 $0xFFFFC000  }
0x18e: {  	[spmem:s3] =	stream.indirect.scatter.add.f32 [tilespmem:s24], [sflag:$0x3], $0x80, s12, s30, $0xb8;
	[tilespmem:$0x1F880] =	vst v63  }
0x18f: {  	_ =	swait.ge [sflag:s7], $0x4000  }
0x190: {  	[sflag:s7] =	ssyncset.done $0x0  }
0x191: {  	s12 =	simm.s32 $0x15700;
	[sflag:s7] =	ssyncadd.s32 $0xFFFFC000  }
0x192: {  	[tilespmem:s24], [sflag:$0x1] =	stream.indirect.gather [hbm4b:s5+s30], $0x80, s12, s30, $0xb8;
	[tilespmem:$0x1F880] =	vst v63  }
0x193: {  	_ =	swait.ge [sflag:s8], $0x4000  }
0x194: {  	[sflag:s8] =	ssyncset.done $0x0  }
0x195: {  	s12 =	simm.s32 $0x16E80;
	[sflag:s8] =	ssyncadd.s32 $0xFFFFC000  }
0x196: {  	[spmem:s3] =	stream.indirect.scatter.add.f32 [tilespmem:s0], [sflag:$0x4], $0x80, s12, s30, $0xb8;
	[tilespmem:$0x1F880] =	vst v63  }
0x197: {  	_ =	swait.ge [sflag:s25], $0x4000  }
0x198: {  	[sflag:s25] =	ssyncset.done $0x0  }
0x199: {  	s12 =	simm.s32 $0x15780;
	[sflag:s25] =	ssyncadd.s32 $0xFFFFC000  }
0x19a: {  	[tilespmem:s0], [sflag:$0x2] =	stream.indirect.gather [hbm4b:s5+s30], $0x80, s12, s30, $0xb8;
	[tilespmem:$0x1F880] =	vst v63  }
0x19b: {  	_ =	swait.ge [sflag:s31], $0x4000  }
0x19c: {  	[sflag:s31] =	ssyncset.done $0x0  }
0x19d: {  	[sflag:s31] =	ssyncadd.s32 $0xFFFFC000  }
0x19e: {  	[spmem:s3] =	stream.indirect.scatter.add.f32 [tilespmem:s24], [sflag:$0x3], $0x80, s6, s30, $0xb8;
	[tilespmem:$0x1F880] =	vst v63  }
0x19f: {  	_ =	swait.ge [sflag:s7], $0x4000  }
0x1a0: {  	[sflag:s7] =	ssyncset.done $0x0  }
0x1a1: {  	s12 =	simm.s32 $0x15800;
	[sflag:s7] =	ssyncadd.s32 $0xFFFFC000  }
0x1a2: {  	[tilespmem:s24], [sflag:$0x1] =	stream.indirect.gather [hbm4b:s5+s30], $0x80, s12, s30, $0xb8;
	[tilespmem:$0x1F880] =	vst v63  }
0x1a3: {  	_ =	swait.ge [sflag:s8], $0x4000  }
0x1a4: {  	[sflag:s8] =	ssyncset.done $0x0  }
0x1a5: {  	[sflag:s8] =	ssyncadd.s32 $0xFFFFC000  }
0x1a6: {  	[spmem:s3] =	stream.indirect.scatter.add.f32 [tilespmem:s0], [sflag:$0x4], $0x80, s9, s30, $0xb8;
	[tilespmem:$0x1F880] =	vst v63  }
0x1a7: {  	_ =	swait.ge [sflag:s25], $0x4000  }
0x1a8: {  	[sflag:s25] =	ssyncset.done $0x0  }
0x1a9: {  	s12 =	simm.s32 $0x15880;
	[sflag:s25] =	ssyncadd.s32 $0xFFFFC000  }
0x1aa: {  	[tilespmem:s0], [sflag:$0x2] =	stream.indirect.gather [hbm4b:s5+s30], $0x80, s12, s30, $0xb8;
	[tilespmem:$0x1F880] =	vst v63  }
0x1ab: {  	s12 =	rddreg [dreg:$0xe]  }
0x1ac: {  	[tilespmem:s2], [sflag:$0x5] =	stream.linear.gather [hbm4b:s12+s14], $0x800, $0x38;
	[tilespmem:$0x1F880] =	vst v63  }
0x1ad: {  	s2 =	simm.s32 $0x6  }
0x1ae: {  	_ =	swait.ge [sflag:s2], $0x800  }
0x1af: {  	[sflag:s2] =	ssyncset.done $0x0  }
0x1b0: {  	[sflag:s2] =	ssyncadd.s32 $0xFFFFF800  }
0x1b1: {  	_ =	swait.ge [sflag:s31], $0x4000  }
0x1b2: {  	[sflag:s31] =	ssyncset.done $0x0  }
0x1b3: {  	[sflag:s31] =	ssyncadd.s32 $0xFFFFC000  }
0x1b4: {  	[spmem:s3] =	stream.indirect.scatter.add.f32 [tilespmem:s24], [sflag:$0x3], $0x80, s4, s30, $0xb8;
	[tilespmem:$0x1F880] =	vst v63  }
0x1b5: {  	_ =	swait.ge [sflag:s7], $0x4000  }
0x1b6: {  	[sflag:s7] =	ssyncset.done $0x0  }
0x1b7: {  	s14 =	simm.s32 $0x15900;
	[sflag:s7] =	ssyncadd.s32 $0xFFFFC000  }
0x1b8: {  	[tilespmem:s24], [sflag:$0x1] =	stream.indirect.gather [hbm4b:s5+s30], $0x80, s14, s30, $0xb8;
	[tilespmem:$0x1F880] =	vst v63  }
0x1b9: {  	_ =	swait.ge [sflag:s8], $0x4000  }
0x1ba: {  	[sflag:s8] =	ssyncset.done $0x0  }
0x1bb: {  	[sflag:s8] =	ssyncadd.s32 $0xFFFFC000  }
0x1bc: {  	[spmem:s3] =	stream.indirect.scatter.add.f32 [tilespmem:s0], [sflag:$0x4], $0x80, s15, s30, $0xb8;
	[tilespmem:$0x1F880] =	vst v63  }
0x1bd: {  	_ =	swait.ge [sflag:s25], $0x4000  }
0x1be: {  	[sflag:s25] =	ssyncset.done $0x0  }
0x1bf: {  	s15 =	simm.s32 $0x15980;
	[sflag:s25] =	ssyncadd.s32 $0xFFFFC000  }
0x1c0: {  	[tilespmem:s0], [sflag:$0x2] =	stream.indirect.gather [hbm4b:s5+s30], $0x80, s15, s30, $0xb8;
	[tilespmem:$0x1F880] =	vst v63  }
0x1c1: {  	_ =	swait.ge [sflag:s31], $0x4000  }
0x1c2: {  	[sflag:s31] =	ssyncset.done $0x0  }
0x1c3: {  	[sflag:s31] =	ssyncadd.s32 $0xFFFFC000  }
0x1c4: {  	[spmem:s3] =	stream.indirect.scatter.add.f32 [tilespmem:s24], [sflag:$0x3], $0x80, s17, s30, $0xb8;
	[tilespmem:$0x1F880] =	vst v63  }
0x1c5: {  	_ =	swait.ge [sflag:s7], $0x4000  }
0x1c6: {  	[sflag:s7] =	ssyncset.done $0x0  }
0x1c7: {  	s4 =	simm.s32 $0x15A00;
	[sflag:s7] =	ssyncadd.s32 $0xFFFFC000  }
0x1c8: {  	[tilespmem:s24], [sflag:$0x1] =	stream.indirect.gather [hbm4b:s5+s30], $0x80, s4, s30, $0xb8;
	[tilespmem:$0x1F880] =	vst v63  }
0x1c9: {  	_ =	swait.ge [sflag:s8], $0x4000  }
0x1ca: {  	[sflag:s8] =	ssyncset.done $0x0  }
0x1cb: {  	[sflag:s8] =	ssyncadd.s32 $0xFFFFC000  }
0x1cc: {  	[spmem:s3] =	stream.indirect.scatter.add.f32 [tilespmem:s0], [sflag:$0x4], $0x80, s19, s30, $0xb8;
	[tilespmem:$0x1F880] =	vst v63  }
0x1cd: {  	_ =	swait.ge [sflag:s25], $0x4000  }
0x1ce: {  	[sflag:s25] =	ssyncset.done $0x0  }
0x1cf: {  	s14 =	simm.s32 $0x15A80;
	[sflag:s25] =	ssyncadd.s32 $0xFFFFC000  }
0x1d0: {  	[tilespmem:s0], [sflag:$0x2] =	stream.indirect.gather [hbm4b:s5+s30], $0x80, s14, s30, $0xb8;
	[tilespmem:$0x1F880] =	vst v63  }
0x1d1: {  	_ =	swait.ge [sflag:s31], $0x4000  }
0x1d2: {  	[sflag:s31] =	ssyncset.done $0x0  }
0x1d3: {  	[sflag:s31] =	ssyncadd.s32 $0xFFFFC000  }
0x1d4: {  	[spmem:s3] =	stream.indirect.scatter.add.f32 [tilespmem:s24], [sflag:$0x3], $0x80, s21, s30, $0xb8;
	[tilespmem:$0x1F880] =	vst v63  }
0x1d5: {  	_ =	swait.ge [sflag:s7], $0x4000  }
0x1d6: {  	[sflag:s7] =	ssyncset.done $0x0  }
0x1d7: {  	s15 =	simm.s32 $0x15B00;
	[sflag:s7] =	ssyncadd.s32 $0xFFFFC000  }
0x1d8: {  	[tilespmem:s24], [sflag:$0x1] =	stream.indirect.gather [hbm4b:s5+s30], $0x80, s15, s30, $0xb8;
	[tilespmem:$0x1F880] =	vst v63  }
0x1d9: {  	_ =	swait.ge [sflag:s8], $0x4000  }
0x1da: {  	[sflag:s8] =	ssyncset.done $0x0  }
0x1db: {  	[sflag:s8] =	ssyncadd.s32 $0xFFFFC000  }
0x1dc: {  	[spmem:s3] =	stream.indirect.scatter.add.f32 [tilespmem:s0], [sflag:$0x4], $0x80, s29, s30, $0xb8;
	[tilespmem:$0x1F880] =	vst v63  }
0x1dd: {  	_ =	swait.ge [sflag:s25], $0x4000  }
0x1de: {  	[sflag:s25] =	ssyncset.done $0x0  }
0x1df: {  	s17 =	simm.s32 $0x15B80;
	[sflag:s25] =	ssyncadd.s32 $0xFFFFC000  }
0x1e0: {  	[tilespmem:s0], [sflag:$0x2] =	stream.indirect.gather [hbm4b:s5+s30], $0x80, s17, s30, $0xb8;
	[tilespmem:$0x1F880] =	vst v63  }
0x1e1: {  	_ =	swait.ge [sflag:s31], $0x4000  }
0x1e2: {  	[sflag:s31] =	ssyncset.done $0x0  }
0x1e3: {  	s19 =	simm.s32 $0x17300;
	[sflag:s31] =	ssyncadd.s32 $0xFFFFC000  }
0x1e4: {  	[spmem:s3] =	stream.indirect.scatter.add.f32 [tilespmem:s24], [sflag:$0x3], $0x80, s19, s30, $0xb8;
	[tilespmem:$0x1F880] =	vst v63  }
0x1e5: {  	_ =	swait.ge [sflag:s7], $0x4000  }
0x1e6: {  	[sflag:s7] =	ssyncset.done $0x0  }
0x1e7: {  	s21 =	simm.s32 $0x15C00;
	[sflag:s7] =	ssyncadd.s32 $0xFFFFC000  }
0x1e8: {  	[tilespmem:s24], [sflag:$0x1] =	stream.indirect.gather [hbm4b:s5+s30], $0x80, s21, s30, $0xb8;
	[tilespmem:$0x1F880] =	vst v63  }
0x1e9: {  	_ =	swait.ge [sflag:s8], $0x4000  }
0x1ea: {  	[sflag:s8] =	ssyncset.done $0x0  }
0x1eb: {  	[sflag:s8] =	ssyncadd.s32 $0xFFFFC000  }
0x1ec: {  	[spmem:s3] =	stream.indirect.scatter.add.f32 [tilespmem:s0], [sflag:$0x4], $0x80, s10, s30, $0xb8;
	[tilespmem:$0x1F880] =	vst v63  }
0x1ed: {  	_ =	swait.ge [sflag:s25], $0x4000  }
0x1ee: {  	[sflag:s25] =	ssyncset.done $0x0  }
0x1ef: {  	s12 =	simm.s32 $0x15C80;
	[sflag:s25] =	ssyncadd.s32 $0xFFFFC000  }
0x1f0: {  	[tilespmem:s0], [sflag:$0x2] =	stream.indirect.gather [hbm4b:s5+s30], $0x80, s12, s30, $0xb8;
	[tilespmem:$0x1F880] =	vst v63  }
0x1f1: {  	_ =	swait.ge [sflag:s31], $0x4000  }
0x1f2: {  	[sflag:s31] =	ssyncset.done $0x0  }
0x1f3: {  	[sflag:s31] =	ssyncadd.s32 $0xFFFFC000  }
0x1f4: {  	[spmem:s3] =	stream.indirect.scatter.add.f32 [tilespmem:s24], [sflag:$0x3], $0x80, s13, s30, $0xb8;
	[tilespmem:$0x1F880] =	vst v63  }
0x1f5: {  	_ =	swait.ge [sflag:s7], $0x4000  }
0x1f6: {  	[sflag:s7] =	ssyncset.done $0x0  }
0x1f7: {  	s13 =	simm.s32 $0x15D00;
	[sflag:s7] =	ssyncadd.s32 $0xFFFFC000  }
0x1f8: {  	[tilespmem:s24], [sflag:$0x1] =	stream.indirect.gather [hbm4b:s5+s30], $0x80, s13, s30, $0xb8;
	[tilespmem:$0x1F880] =	vst v63  }
0x1f9: {  	_ =	swait.ge [sflag:s8], $0x4000  }
0x1fa: {  	[sflag:s8] =	ssyncset.done $0x0  }
0x1fb: {  	[sflag:s8] =	ssyncadd.s32 $0xFFFFC000  }
0x1fc: {  	[spmem:s3] =	stream.indirect.scatter.add.f32 [tilespmem:s0], [sflag:$0x4], $0x80, s16, s30, $0xb8;
	[tilespmem:$0x1F880] =	vst v63  }
0x1fd: {  	_ =	swait.ge [sflag:s25], $0x4000  }
0x1fe: {  	[sflag:s25] =	ssyncset.done $0x0  }
0x1ff: {  	s14 =	simm.s32 $0x15D80;
	[sflag:s25] =	ssyncadd.s32 $0xFFFFC000  }
0x200: {  	[tilespmem:s0], [sflag:$0x2] =	stream.indirect.gather [hbm4b:s5+s30], $0x80, s14, s30, $0xb8;
	[tilespmem:$0x1F880] =	vst v63  }
0x201: {  	_ =	swait.ge [sflag:s31], $0x4000  }
0x202: {  	[sflag:s31] =	ssyncset.done $0x0  }
0x203: {  	[sflag:s31] =	ssyncadd.s32 $0xFFFFC000  }
0x204: {  	[spmem:s3] =	stream.indirect.scatter.add.f32 [tilespmem:s24], [sflag:$0x3], $0x80, s18, s30, $0xb8;
	[tilespmem:$0x1F880] =	vst v63  }
0x205: {  	_ =	swait.ge [sflag:s7], $0x4000  }
0x206: {  	[sflag:s7] =	ssyncset.done $0x0  }
0x207: {  	s15 =	simm.s32 $0x15E00;
	[sflag:s7] =	ssyncadd.s32 $0xFFFFC000  }
0x208: {  	[tilespmem:s24], [sflag:$0x1] =	stream.indirect.gather [hbm4b:s5+s30], $0x80, s15, s30, $0xb8;
	[tilespmem:$0x1F880] =	vst v63  }
0x209: {  	_ =	swait.ge [sflag:s8], $0x4000  }
0x20a: {  	[sflag:s8] =	ssyncset.done $0x0  }
0x20b: {  	[sflag:s8] =	ssyncadd.s32 $0xFFFFC000  }
0x20c: {  	[spmem:s3] =	stream.indirect.scatter.add.f32 [tilespmem:s0], [sflag:$0x4], $0x80, s20, s30, $0xb8;
	[tilespmem:$0x1F880] =	vst v63  }
0x20d: {  	_ =	swait.ge [sflag:s25], $0x4000  }
0x20e: {  	[sflag:s25] =	ssyncset.done $0x0  }
0x20f: {  	s16 =	simm.s32 $0x15E80;
	[sflag:s25] =	ssyncadd.s32 $0xFFFFC000  }
0x210: {  	[tilespmem:s0], [sflag:$0x2] =	stream.indirect.gather [hbm4b:s5+s30], $0x80, s16, s30, $0xb8;
	[tilespmem:$0x1F880] =	vst v63  }
0x211: {  	_ =	swait.ge [sflag:s31], $0x4000  }
0x212: {  	[sflag:s31] =	ssyncset.done $0x0  }
0x213: {  	[sflag:s31] =	ssyncadd.s32 $0xFFFFC000  }
0x214: {  	[spmem:s3] =	stream.indirect.scatter.add.f32 [tilespmem:s24], [sflag:$0x3], $0x80, s26, s30, $0xb8;
	[tilespmem:$0x1F880] =	vst v63  }
0x215: {  	_ =	swait.ge [sflag:s7], $0x4000  }
0x216: {  	[sflag:s7] =	ssyncset.done $0x0  }
0x217: {  	s17 =	simm.s32 $0x15F00;
	[sflag:s7] =	ssyncadd.s32 $0xFFFFC000  }
0x218: {  	[tilespmem:s24], [sflag:$0x1] =	stream.indirect.gather [hbm4b:s5+s30], $0x80, s17, s30, $0xb8;
	[tilespmem:$0x1F880] =	vst v63  }
0x219: {  	_ =	swait.ge [sflag:s8], $0x4000  }
0x21a: {  	[sflag:s8] =	ssyncset.done $0x0  }
0x21b: {  	[sflag:s8] =	ssyncadd.s32 $0xFFFFC000  }
0x21c: {  	[spmem:s3] =	stream.indirect.scatter.add.f32 [tilespmem:s0], [sflag:$0x4], $0x80, s28, s30, $0xb8;
	[tilespmem:$0x1F880] =	vst v63  }
0x21d: {  	_ =	swait.ge [sflag:s25], $0x4000  }
0x21e: {  	[sflag:s25] =	ssyncset.done $0x0  }
0x21f: {  	s18 =	simm.s32 $0x15F80;
	[sflag:s25] =	ssyncadd.s32 $0xFFFFC000  }
0x220: {  	[tilespmem:s0], [sflag:$0x2] =	stream.indirect.gather [hbm4b:s5+s30], $0x80, s18, s30, $0xb8;
	[tilespmem:$0x1F880] =	vst v63  }
0x221: {  	_ =	swait.ge [sflag:s31], $0x4000  }
0x222: {  	[sflag:s31] =	ssyncset.done $0x0  }
0x223: {  	s19 =	simm.s32 $0x17700;
	[sflag:s31] =	ssyncadd.s32 $0xFFFFC000  }
0x224: {  	[spmem:s3] =	stream.indirect.scatter.add.f32 [tilespmem:s24], [sflag:$0x3], $0x80, s19, s30, $0xb8;
	[tilespmem:$0x1F880] =	vst v63  }
0x225: {  	_ =	swait.ge [sflag:s7], $0x4000  }
0x226: {  	[sflag:s7] =	ssyncset.done $0x0  }
0x227: {  	s20 =	simm.s32 $0x16000;
	[sflag:s7] =	ssyncadd.s32 $0xFFFFC000  }
0x228: {  	[tilespmem:s24], [sflag:$0x1] =	stream.indirect.gather [hbm4b:s5+s30], $0x80, s20, s30, $0xb8;
	[tilespmem:$0x1F880] =	vst v63  }
0x229: {  	_ =	swait.ge [sflag:s8], $0x4000  }
0x22a: {  	[sflag:s8] =	ssyncset.done $0x0  }
0x22b: {  	s21 =	simm.s32 $0x17780;
	[sflag:s8] =	ssyncadd.s32 $0xFFFFC000  }
0x22c: {  	[spmem:s3] =	stream.indirect.scatter.add.f32 [tilespmem:s0], [sflag:$0x4], $0x80, s21, s30, $0xb8;
	[tilespmem:$0x1F880] =	vst v63  }
0x22d: {  	_ =	swait.ge [sflag:s25], $0x4000  }
0x22e: {  	[sflag:s25] =	ssyncset.done $0x0  }
0x22f: {  	s26 =	simm.s32 $0x16080;
	[sflag:s25] =	ssyncadd.s32 $0xFFFFC000  }
0x230: {  	[tilespmem:s0], [sflag:$0x2] =	stream.indirect.gather [hbm4b:s5+s30], $0x80, s26, s30, $0xb8;
	[tilespmem:$0x1F880] =	vst v63  }
0x231: {  	_ =	swait.ge [sflag:s22], $0x800  }
0x232: {  	[sflag:s22] =	ssyncset.done $0x0  }
0x233: {  	[sflag:s22] =	ssyncadd.s32 $0xFFFFF800  }
0x234: {  	_ =	swait.ge [sflag:s31], $0x4000  }
0x235: {  	[sflag:s31] =	ssyncset.done $0x0  }
0x236: {  	s29 =	simm.s32 $0x16800;
	[sflag:s31] =	ssyncadd.s32 $0xFFFFC000  }
0x237: {  	[spmem:s3] =	stream.indirect.scatter.add.f32 [tilespmem:s24], [sflag:$0x3], $0x80, s29, s30, $0xb8;
	[tilespmem:$0x1F880] =	vst v63  }
0x238: {  	_ =	swait.ge [sflag:s7], $0x4000  }
0x239: {  	[sflag:s7] =	ssyncset.done $0x0  }
0x23a: {  	s28 =	simm.s32 $0x16100;
	[sflag:s7] =	ssyncadd.s32 $0xFFFFC000  }
0x23b: {  	[tilespmem:s24], [sflag:$0x1] =	stream.indirect.gather [hbm4b:s5+s30], $0x80, s28, s30, $0xb8;
	[tilespmem:$0x1F880] =	vst v63  }
0x23c: {  	_ =	swait.ge [sflag:s8], $0x4000  }
0x23d: {  	[sflag:s8] =	ssyncset.done $0x0  }
0x23e: {  	s10 =	simm.s32 $0x16880;
	[sflag:s8] =	ssyncadd.s32 $0xFFFFC000  }
0x23f: {  	[spmem:s3] =	stream.indirect.scatter.add.f32 [tilespmem:s0], [sflag:$0x4], $0x80, s10, s30, $0xb8;
	[tilespmem:$0x1F880] =	vst v63  }
0x240: {  	_ =	swait.ge [sflag:s25], $0x4000  }
0x241: {  	[sflag:s25] =	ssyncset.done $0x0  }
0x242: {  	s12 =	simm.s32 $0x16180;
	[sflag:s25] =	ssyncadd.s32 $0xFFFFC000  }
0x243: {  	[tilespmem:s0], [sflag:$0x2] =	stream.indirect.gather [hbm4b:s5+s30], $0x80, s12, s30, $0xb8;
	[tilespmem:$0x1F880] =	vst v63  }
0x244: {  	_ =	swait.ge [sflag:s31], $0x4000  }
0x245: {  	[sflag:s31] =	ssyncset.done $0x0  }
0x246: {  	s13 =	simm.s32 $0x16900;
	[sflag:s31] =	ssyncadd.s32 $0xFFFFC000  }
0x247: {  	[spmem:s3] =	stream.indirect.scatter.add.f32 [tilespmem:s24], [sflag:$0x3], $0x80, s13, s30, $0xb8;
	[tilespmem:$0x1F880] =	vst v63  }
0x248: {  	_ =	swait.ge [sflag:s7], $0x4000  }
0x249: {  	[sflag:s7] =	ssyncset.done $0x0  }
0x24a: {  	s14 =	simm.s32 $0x16200;
	[sflag:s7] =	ssyncadd.s32 $0xFFFFC000  }
0x24b: {  	[tilespmem:s24], [sflag:$0x1] =	stream.indirect.gather [hbm4b:s5+s30], $0x80, s14, s30, $0xb8;
	[tilespmem:$0x1F880] =	vst v63  }
0x24c: {  	_ =	swait.ge [sflag:s8], $0x4000  }
0x24d: {  	[sflag:s8] =	ssyncset.done $0x0  }
0x24e: {  	s15 =	simm.s32 $0x16980;
	[sflag:s8] =	ssyncadd.s32 $0xFFFFC000  }
0x24f: {  	[spmem:s3] =	stream.indirect.scatter.add.f32 [tilespmem:s0], [sflag:$0x4], $0x80, s15, s30, $0xb8;
	[tilespmem:$0x1F880] =	vst v63  }
0x250: {  	_ =	swait.ge [sflag:s25], $0x4000  }
0x251: {  	[sflag:s25] =	ssyncset.done $0x0  }
0x252: {  	s16 =	simm.s32 $0x16280;
	[sflag:s25] =	ssyncadd.s32 $0xFFFFC000  }
0x253: {  	[tilespmem:s0], [sflag:$0x2] =	stream.indirect.gather [hbm4b:s5+s30], $0x80, s16, s30, $0xb8;
	[tilespmem:$0x1F880] =	vst v63  }
0x254: {  	_ =	swait.ge [sflag:s31], $0x4000  }
0x255: {  	[sflag:s31] =	ssyncset.done $0x0  }
0x256: {  	s17 =	simm.s32 $0x16A00;
	[sflag:s31] =	ssyncadd.s32 $0xFFFFC000  }
0x257: {  	[spmem:s3] =	stream.indirect.scatter.add.f32 [tilespmem:s24], [sflag:$0x3], $0x80, s17, s30, $0xb8;
	[tilespmem:$0x1F880] =	vst v63  }
0x258: {  	_ =	swait.ge [sflag:s7], $0x4000  }
0x259: {  	[sflag:s7] =	ssyncset.done $0x0  }
0x25a: {  	s18 =	simm.s32 $0x16300;
	[sflag:s7] =	ssyncadd.s32 $0xFFFFC000  }
0x25b: {  	[tilespmem:s24], [sflag:$0x1] =	stream.indirect.gather [hbm4b:s5+s30], $0x80, s18, s30, $0xb8;
	[tilespmem:$0x1F880] =	vst v63  }
0x25c: {  	_ =	swait.ge [sflag:s8], $0x4000  }
0x25d: {  	[sflag:s8] =	ssyncset.done $0x0  }
0x25e: {  	s19 =	simm.s32 $0x16A80;
	[sflag:s8] =	ssyncadd.s32 $0xFFFFC000  }
0x25f: {  	[spmem:s3] =	stream.indirect.scatter.add.f32 [tilespmem:s0], [sflag:$0x4], $0x80, s19, s30, $0xb8;
	[tilespmem:$0x1F880] =	vst v63  }
0x260: {  	_ =	swait.ge [sflag:s25], $0x4000  }
0x261: {  	[sflag:s25] =	ssyncset.done $0x0  }
0x262: {  	s20 =	simm.s32 $0x16380;
	[sflag:s25] =	ssyncadd.s32 $0xFFFFC000  }
0x263: {  	[tilespmem:s0], [sflag:$0x2] =	stream.indirect.gather [hbm4b:s5+s30], $0x80, s20, s30, $0xb8;
	[tilespmem:$0x1F880] =	vst v63  }
0x264: {  	_ =	swait.ge [sflag:s31], $0x4000  }
0x265: {  	[sflag:s31] =	ssyncset.done $0x0  }
0x266: {  	s21 =	simm.s32 $0x16B00;
	[sflag:s31] =	ssyncadd.s32 $0xFFFFC000  }
0x267: {  	[spmem:s3] =	stream.indirect.scatter.add.f32 [tilespmem:s24], [sflag:$0x3], $0x80, s21, s30, $0xb8;
	[tilespmem:$0x1F880] =	vst v63  }
0x268: {  	_ =	swait.ge [sflag:s7], $0x4000  }
0x269: {  	[sflag:s7] =	ssyncset.done $0x0  }
0x26a: {  	s26 =	simm.s32 $0x16400;
	[sflag:s7] =	ssyncadd.s32 $0xFFFFC000  }
0x26b: {  	[tilespmem:s24], [sflag:$0x1] =	stream.indirect.gather [hbm4b:s5+s30], $0x80, s26, s30, $0xb8;
	[tilespmem:$0x1F880] =	vst v63  }
0x26c: {  	_ =	swait.ge [sflag:s8], $0x4000  }
0x26d: {  	[sflag:s8] =	ssyncset.done $0x0  }
0x26e: {  	s28 =	simm.s32 $0x16B80;
	[sflag:s8] =	ssyncadd.s32 $0xFFFFC000  }
0x26f: {  	[spmem:s3] =	stream.indirect.scatter.add.f32 [tilespmem:s0], [sflag:$0x4], $0x80, s28, s30, $0xb8;
	[tilespmem:$0x1F880] =	vst v63  }
0x270: {  	_ =	swait.ge [sflag:s25], $0x4000  }
0x271: {  	[sflag:s25] =	ssyncset.done $0x0  }
0x272: {  	s10 =	simm.s32 $0x16480;
	[sflag:s25] =	ssyncadd.s32 $0xFFFFC000  }
0x273: {  	[tilespmem:s0], [sflag:$0x2] =	stream.indirect.gather [hbm4b:s5+s30], $0x80, s10, s30, $0xb8;
	[tilespmem:$0x1F880] =	vst v63  }
0x274: {  	_ =	swait.ge [sflag:s31], $0x4000  }
0x275: {  	[sflag:s31] =	ssyncset.done $0x0  }
0x276: {  	s12 =	simm.s32 $0x16C00;
	[sflag:s31] =	ssyncadd.s32 $0xFFFFC000  }
0x277: {  	[spmem:s3] =	stream.indirect.scatter.add.f32 [tilespmem:s24], [sflag:$0x3], $0x80, s12, s30, $0xb8;
	[tilespmem:$0x1F880] =	vst v63  }
0x278: {  	_ =	swait.ge [sflag:s7], $0x4000  }
0x279: {  	[sflag:s7] =	ssyncset.done $0x0  }
0x27a: {  	s13 =	simm.s32 $0x16500;
	[sflag:s7] =	ssyncadd.s32 $0xFFFFC000  }
0x27b: {  	[tilespmem:s24], [sflag:$0x1] =	stream.indirect.gather [hbm4b:s5+s30], $0x80, s13, s30, $0xb8;
	[tilespmem:$0x1F880] =	vst v63  }
0x27c: {  	_ =	swait.ge [sflag:s8], $0x4000  }
0x27d: {  	[sflag:s8] =	ssyncset.done $0x0  }
0x27e: {  	s14 =	simm.s32 $0x16C80;
	[sflag:s8] =	ssyncadd.s32 $0xFFFFC000  }
0x27f: {  	[spmem:s3] =	stream.indirect.scatter.add.f32 [tilespmem:s0], [sflag:$0x4], $0x80, s14, s30, $0xb8;
	[tilespmem:$0x1F880] =	vst v63  }
0x280: {  	_ =	swait.ge [sflag:s25], $0x4000  }
0x281: {  	[sflag:s25] =	ssyncset.done $0x0  }
0x282: {  	s15 =	simm.s32 $0x16580;
	[sflag:s25] =	ssyncadd.s32 $0xFFFFC000  }
0x283: {  	[tilespmem:s0], [sflag:$0x2] =	stream.indirect.gather [hbm4b:s5+s30], $0x80, s15, s30, $0xb8;
	[tilespmem:$0x1F880] =	vst v63  }
0x284: {  	_ =	swait.ge [sflag:s31], $0x4000  }
0x285: {  	[sflag:s31] =	ssyncset.done $0x0  }
0x286: {  	s16 =	simm.s32 $0x16D00;
	[sflag:s31] =	ssyncadd.s32 $0xFFFFC000  }
0x287: {  	[spmem:s3] =	stream.indirect.scatter.add.f32 [tilespmem:s24], [sflag:$0x3], $0x80, s16, s30, $0xb8;
	[tilespmem:$0x1F880] =	vst v63  }
0x288: {  	_ =	swait.ge [sflag:s7], $0x4000  }
0x289: {  	[sflag:s7] =	ssyncset.done $0x0  }
0x28a: {  	s17 =	simm.s32 $0x16600;
	[sflag:s7] =	ssyncadd.s32 $0xFFFFC000  }
0x28b: {  	[tilespmem:s24], [sflag:$0x1] =	stream.indirect.gather [hbm4b:s5+s30], $0x80, s17, s30, $0xb8;
	[tilespmem:$0x1F880] =	vst v63  }
0x28c: {  	_ =	swait.ge [sflag:s8], $0x4000  }
0x28d: {  	[sflag:s8] =	ssyncset.done $0x0  }
0x28e: {  	s18 =	simm.s32 $0x16D80;
	[sflag:s8] =	ssyncadd.s32 $0xFFFFC000  }
0x28f: {  	[spmem:s3] =	stream.indirect.scatter.add.f32 [tilespmem:s0], [sflag:$0x4], $0x80, s18, s30, $0xb8;
	[tilespmem:$0x1F880] =	vst v63  }
0x290: {  	_ =	swait.ge [sflag:s25], $0x4000  }
0x291: {  	[sflag:s25] =	ssyncset.done $0x0  }
0x292: {  	s19 =	simm.s32 $0x16680;
	[sflag:s25] =	ssyncadd.s32 $0xFFFFC000  }
0x293: {  	[tilespmem:s0], [sflag:$0x2] =	stream.indirect.gather [hbm4b:s5+s30], $0x80, s19, s30, $0xb8;
	[tilespmem:$0x1F880] =	vst v63  }
0x294: {  	_ =	swait.ge [sflag:s31], $0x4000  }
0x295: {  	[sflag:s31] =	ssyncset.done $0x0  }
0x296: {  	s20 =	simm.s32 $0x16E00;
	[sflag:s31] =	ssyncadd.s32 $0xFFFFC000  }
0x297: {  	[spmem:s3] =	stream.indirect.scatter.add.f32 [tilespmem:s24], [sflag:$0x3], $0x80, s20, s30, $0xb8;
	[tilespmem:$0x1F880] =	vst v63  }
0x298: {  	_ =	swait.ge [sflag:s7], $0x4000  }
0x299: {  	[sflag:s7] =	ssyncset.done $0x0  }
0x29a: {  	s21 =	simm.s32 $0x16700;
	[sflag:s7] =	ssyncadd.s32 $0xFFFFC000  }
0x29b: {  	[tilespmem:s24], [sflag:$0x1] =	stream.indirect.gather [hbm4b:s5+s30], $0x80, s21, s30, $0xb8;
	[tilespmem:$0x1F880] =	vst v63  }
0x29c: {  	_ =	swait.ge [sflag:s8], $0x4000  }
0x29d: {  	[sflag:s8] =	ssyncset.done $0x0  }
0x29e: {  	s26 =	simm.s32 $0x16E80;
	[sflag:s8] =	ssyncadd.s32 $0xFFFFC000  }
0x29f: {  	[spmem:s3] =	stream.indirect.scatter.add.f32 [tilespmem:s0], [sflag:$0x4], $0x80, s26, s30, $0xb8;
	[tilespmem:$0x1F880] =	vst v63  }
0x2a0: {  	_ =	swait.ge [sflag:s25], $0x4000  }
0x2a1: {  	[sflag:s25] =	ssyncset.done $0x0  }
0x2a2: {  	s28 =	simm.s32 $0x16780;
	s12 =	rddreg [dreg:$0x7];
	[sflag:s25] =	ssyncadd.s32 $0xFFFFC000  }
0x2a3: {  	[tilespmem:s0], [sflag:$0x2] =	stream.indirect.gather [hbm4b:s5+s30], $0x80, s28, s30, $0xb8;
	[tilespmem:$0x1F880] =	vst v63  }
.LBB2_6:
0x2a4: {  	_ =	swait.ge [sflag:s31], $0x4000  }
0x2a5: {  	[sflag:s31] =	ssyncset.done $0x0  }
0x2a6: {  	[sflag:s31] =	ssyncadd.s32 $0xFFFFC000  }
0x2a7: {  	[spmem:s3] =	stream.indirect.scatter.add.f32 [tilespmem:s24], [sflag:$0x3], $0x80, s6, s30, $0xb8;
	[tilespmem:$0x1F880] =	vst v63  }
0x2a8: {  	_ =	swait.ge [sflag:s8], $0x4000  }
0x2a9: {  	[sflag:s8] =	ssyncset.done $0x0  }
0x2aa: {  	[sflag:s8] =	ssyncadd.s32 $0xFFFFC000  }
0x2ab: {  	[spmem:s3] =	stream.indirect.scatter.add.f32 [tilespmem:s0], [sflag:$0x4], $0x80, s9, s30, $0xb8;
	[tilespmem:$0x1F880] =	vst v63  }
0x2ac: {  	_ =	swait.ge [sflag:s7], $0x4000  }
0x2ad: {  	[sflag:s7] =	ssyncset.done $0x0  }
0x2ae: {  	[sflag:s7] =	ssyncadd.s32 $0xFFFFC000  }
0x2af: {  	_ =	swait.ge [sflag:s25], $0x4000  }
0x2b0: {  	[sflag:s25] =	ssyncset.done $0x0  }
0x2b1: {  	[sflag:s25] =	ssyncadd.s32 $0xFFFFC000  }
0x2b2: {  	s26 =	stileid.u32;
	s13 =	rddreg [dreg:$0x5];
	[bflag:$0x0] =	sbarrier.arrive $0xFFFF  }
0x2b3: {  	s12 =	sadd.s32 s12, s13;
	s13 =	sshll.u32 s26, $0x6;
	s9 =	rddreg [dreg:$0x14]  }
0x2b4: {  	s4 =	simm.s32 $0x9;
	s13 =	sor.u32 $0x1C09, s13;
	s14 =	sshrl.u32 s9, $0x3  }
0x2b5: {  	[hbm:s12], [sflag:s13] =	dma.local [spmem:s14], $0x2800  }
0x2b6: {  	_ =	swait.ge [sflag:s4], $0x2800  }
0x2b7: {  	s11 =	sadd.s32 $0x1, s11;
	s28 =	rddreg [dreg:$0xf]  }
0x2b8: {  	p1 =	sne.s32 s11, s28  }
.Ltmp1:
0x2b9: {  	_ = 	snop;
	(pc) =	sbr.rel @!p1 .LBB2_7-.Ltmp1, $3  }
0x2ba: {  	_ =	sdelay $0x1  }
0x2bb: {  	[sflag:s4] =	ssyncset.done $0x0  }
0x2bc: {  	s6 =	simm.s32 $0x17000;
	[sflag:s4] =	ssyncadd.s32 $0xFFFFD800;
	s4 =	simm.s32 $0x0  }
.LBB2_1:
0x2bd: {  	s12 =	rddreg [dreg:$0x8];
	s13 =	simm.s32 $0x1F800  }
0x2be: {  	[tilespmem:s13], [sflag:$0x8] =	stream.linear.gather [hbm4b:s12+s4], $0x80, $0x38;
	[tilespmem:$0x1F880] =	vst v63  }
0x2bf: {  	_ =	swait.ge [sflag:s23], $0x80  }
0x2c0: {  	[sflag:s23] =	ssyncset.done $0x0  }
0x2c1: {  	[sflag:s23] =	ssyncadd.s32 $0xFFFFFF80  }
0x2c2: {  	s12 =	simm.s32 $0x200;
	s13 =	simm.s32 $0x0;
	v0 =	vld [tilespmem:$0x1F800]  }
.LBB2_2:
0x2c3: {  	p1 =	sne.s32 s12, $0xFE00;
	_ =	sdelay $0x2  }
0x2c4: {  	s14 =	sshra.s32 s13, $0x2;
	s13 =	smov.u32 s12  }
0x2c5: {  	[tilespmem:s14+$0x17800] =	vst v0  }
0x2c6: {  	v0 =	vld [tilespmem:$0x1F810];
	_ =	sdelay $0x4  }
0x2c7: {  	[tilespmem:s14+$0x17810] =	vst v0  }
0x2c8: {  	v0 =	vld [tilespmem:$0x1F820];
	_ =	sdelay $0x4  }
0x2c9: {  	[tilespmem:s14+$0x17820] =	vst v0  }
0x2ca: {  	v0 =	vld [tilespmem:$0x1F830];
	_ =	sdelay $0x4  }
0x2cb: {  	[tilespmem:s14+$0x17830] =	vst v0  }
0x2cc: {  	v0 =	vld [tilespmem:$0x1F840];
	_ =	sdelay $0x4  }
0x2cd: {  	[tilespmem:s14+$0x17840] =	vst v0  }
0x2ce: {  	v0 =	vld [tilespmem:$0x1F850];
	_ =	sdelay $0x4  }
0x2cf: {  	[tilespmem:s14+$0x17850] =	vst v0  }
0x2d0: {  	v0 =	vld [tilespmem:$0x1F860];
	_ =	sdelay $0x4  }
0x2d1: {  	[tilespmem:s14+$0x17860] =	vst v0  }
0x2d2: {  	v0 =	vld [tilespmem:$0x1F870];
	_ =	sdelay $0x1  }
.Ltmp2:
0x2d3: {  	(pc) =	sbr.rel @p1 .LBB2_2-.Ltmp2, $3  }
0x2d4: {  	_ =	sdelay $0x1  }
0x2d5: {  	[tilespmem:s14+$0x17870] =	vst v0  }
0x2d6: {  	s12 =	sadd.s32 $0x200, s12;
	v0 =	vld [tilespmem:$0x1F800]  }
0x2d7: {  	_ =	sdelay $0x2  }
0x2d8: {  	s12 =	sshra.s32 s13, $0x2  }
0x2d9: {  	[tilespmem:s12+$0x17800] =	vst v0  }
0x2da: {  	v0 =	vld [tilespmem:$0x1F810];
	_ =	sdelay $0x4  }
0x2db: {  	[tilespmem:s12+$0x17810] =	vst v0  }
0x2dc: {  	v0 =	vld [tilespmem:$0x1F820];
	_ =	sdelay $0x4  }
0x2dd: {  	[tilespmem:s12+$0x17820] =	vst v0  }
0x2de: {  	v0 =	vld [tilespmem:$0x1F830];
	_ =	sdelay $0x4  }
0x2df: {  	[tilespmem:s12+$0x17830] =	vst v0  }
0x2e0: {  	v0 =	vld [tilespmem:$0x1F840];
	_ =	sdelay $0x4  }
0x2e1: {  	[tilespmem:s12+$0x17840] =	vst v0  }
0x2e2: {  	v0 =	vld [tilespmem:$0x1F850];
	_ =	sdelay $0x4  }
0x2e3: {  	[tilespmem:s12+$0x17850] =	vst v0  }
0x2e4: {  	v0 =	vld [tilespmem:$0x1F860];
	_ =	sdelay $0x4  }
0x2e5: {  	[tilespmem:s12+$0x17860] =	vst v0  }
0x2e6: {  	v0 =	vld [tilespmem:$0x1F870];
	_ =	sdelay $0x4  }
0x2e7: {  	[tilespmem:s12+$0x17870] =	vst v0  }
0x2e8: {  	[spmem:s9] =	stream.linear.scatter [tilespmem:s24], [sflag:$0x8], $0x4000, $0x38;
	[tilespmem:$0x1F880] =	vst v63  }
0x2e9: {  	_ =	swait.ge [sflag:s23], $0x4000  }
0x2ea: {  	[sflag:s23] =	ssyncset.done $0x0  }
0x2eb: {  	s16 =	rddreg [dreg:$0x10];
	[sflag:s23] =	ssyncadd.s32 $0xFFFFC000  }
0x2ec: {  	[spmem:s16] =	stream.linear.scatter [tilespmem:s24], [sflag:$0x8], $0x4000, $0x38;
	[tilespmem:$0x1F880] =	vst v63  }
0x2ed: {  	_ =	swait.ge [sflag:s23], $0x4000  }
0x2ee: {  	[sflag:s23] =	ssyncset.done $0x0  }
0x2ef: {  	s17 =	rddreg [dreg:$0x11];
	[sflag:s23] =	ssyncadd.s32 $0xFFFFC000  }
0x2f0: {  	[spmem:s17] =	stream.linear.scatter [tilespmem:s24], [sflag:$0x8], $0x4000, $0x38;
	[tilespmem:$0x1F880] =	vst v63  }
0x2f1: {  	_ =	swait.ge [sflag:s23], $0x4000  }
0x2f2: {  	[sflag:s23] =	ssyncset.done $0x0  }
0x2f3: {  	s18 =	rddreg [dreg:$0x12];
	[sflag:s23] =	ssyncadd.s32 $0xFFFFC000  }
0x2f4: {  	[spmem:s18] =	stream.linear.scatter [tilespmem:s24], [sflag:$0x8], $0x4000, $0x38;
	[tilespmem:$0x1F880] =	vst v63  }
0x2f5: {  	_ =	swait.ge [sflag:s23], $0x4000  }
0x2f6: {  	[sflag:s23] =	ssyncset.done $0x0  }
0x2f7: {  	s19 =	rddreg [dreg:$0x13];
	[sflag:s23] =	ssyncadd.s32 $0xFFFFC000  }
0x2f8: {  	[spmem:s19] =	stream.linear.scatter [tilespmem:s24], [sflag:$0x8], $0x4000, $0x38;
	[tilespmem:$0x1F880] =	vst v63  }
0x2f9: {  	_ =	swait.ge [sflag:s23], $0x4000  }
0x2fa: {  	[sflag:s23] =	ssyncset.done $0x0  }
0x2fb: {  	[sflag:s23] =	ssyncadd.s32 $0xFFFFC000  }
0x2fc: {  	[bflag:$0x0] =	sbarrier.arrive $0xFFFF  }
0x2fd: {  	s13 =	simm.s32 $0x14000;
	s21 =	simm.s32 $0x7;
	s20 =	rddreg [dreg:$0x9]  }
0x2fe: {  	[tilespmem:s13], [sflag:$0x7] =	stream.linear.gather [hbm4b:s20+s4], $0x2800, $0x38;
	[tilespmem:$0x1F880] =	vst v63  }
0x2ff: {  	_ =	swait.ge [sflag:s21], $0x2800  }
.Ltmp3:
0x300: {  	[sflag:s21] =	ssyncset.done $0x0;
	(pc) =	sbr.rel @p0 .LBB2_5-.Ltmp3, $4  }
0x301: {  	s26 =	rddreg [dreg:$0xa];
	[sflag:s21] =	ssyncadd.s32 $0xFFFFD800  }
0x302: {  	[tilespmem:s29], [sflag:$0x5] =	stream.linear.gather [hbm4b:s26+s4], $0x800, $0x38;
	[tilespmem:$0x1F880] =	vst v63  }
0x303: {  	s10 =	simm.s32 $0x17000;
	s28 =	rddreg [dreg:$0xb]  }
0x304: {  	[tilespmem:s6], [sflag:$0x6] =	stream.linear.gather [hbm4b:s28+s4], $0x800, $0x38;
	[tilespmem:$0x1F880] =	vst v63  }
0x305: {  	[tilespmem:s24], [sflag:$0x1] =	stream.indirect.gather [hbm4b:s1+s30], $0x80, s13, s30, $0xb8;
	[tilespmem:$0x1F880] =	vst v63  }
0x306: {  	s12 =	simm.s32 $0x14080  }
0x307: {  	[tilespmem:s0], [sflag:$0x2] =	stream.indirect.gather [hbm4b:s1+s30], $0x80, s12, s30, $0xb8;
	[tilespmem:$0x1F880] =	vst v63  }
0x308: {  	_ =	swait.ge [sflag:s22], $0x800  }
0x309: {  	[sflag:s22] =	ssyncset.done $0x0  }
0x30a: {  	[sflag:s22] =	ssyncadd.s32 $0xFFFFF800  }
0x30b: {  	_ =	swait.ge [sflag:s31], $0x4000  }
0x30c: {  	[sflag:s31] =	ssyncset.done $0x0  }
0x30d: {  	[sflag:s31] =	ssyncadd.s32 $0xFFFFC000  }
0x30e: {  	[spmem:s3] =	stream.indirect.scatter.add.f32 [tilespmem:s24], [sflag:$0x3], $0x80, s29, s30, $0xb8;
	[tilespmem:$0x1F880] =	vst v63  }
0x30f: {  	_ =	swait.ge [sflag:s7], $0x4000  }
0x310: {  	[sflag:s7] =	ssyncset.done $0x0  }
0x311: {  	s19 =	simm.s32 $0x14100;
	[sflag:s7] =	ssyncadd.s32 $0xFFFFC000  }
0x312: {  	[tilespmem:s24], [sflag:$0x1] =	stream.indirect.gather [hbm4b:s1+s30], $0x80, s19, s30, $0xb8;
	[tilespmem:$0x1F880] =	vst v63  }
0x313: {  	_ =	swait.ge [sflag:s8], $0x4000  }
0x314: {  	[sflag:s8] =	ssyncset.done $0x0  }
0x315: {  	s6 =	simm.s32 $0x16880;
	[sflag:s8] =	ssyncadd.s32 $0xFFFFC000  }
0x316: {  	[spmem:s3] =	stream.indirect.scatter.add.f32 [tilespmem:s0], [sflag:$0x4], $0x80, s6, s30, $0xb8;
	[tilespmem:$0x1F880] =	vst v63  }
0x317: {  	_ =	swait.ge [sflag:s25], $0x4000  }
0x318: {  	[sflag:s25] =	ssyncset.done $0x0  }
0x319: {  	s20 =	simm.s32 $0x14180;
	[sflag:s25] =	ssyncadd.s32 $0xFFFFC000  }
0x31a: {  	[tilespmem:s0], [sflag:$0x2] =	stream.indirect.gather [hbm4b:s1+s30], $0x80, s20, s30, $0xb8;
	[tilespmem:$0x1F880] =	vst v63  }
0x31b: {  	_ =	swait.ge [sflag:s31], $0x4000  }
0x31c: {  	[sflag:s31] =	ssyncset.done $0x0  }
0x31d: {  	s21 =	simm.s32 $0x16900;
	[sflag:s31] =	ssyncadd.s32 $0xFFFFC000  }
0x31e: {  	[spmem:s3] =	stream.indirect.scatter.add.f32 [tilespmem:s24], [sflag:$0x3], $0x80, s21, s30, $0xb8;
	[tilespmem:$0x1F880] =	vst v63  }
0x31f: {  	_ =	swait.ge [sflag:s7], $0x4000  }
0x320: {  	[sflag:s7] =	ssyncset.done $0x0  }
0x321: {  	s26 =	simm.s32 $0x14200;
	[sflag:s7] =	ssyncadd.s32 $0xFFFFC000  }
0x322: {  	[tilespmem:s24], [sflag:$0x1] =	stream.indirect.gather [hbm4b:s1+s30], $0x80, s26, s30, $0xb8;
	[tilespmem:$0x1F880] =	vst v63  }
0x323: {  	_ =	swait.ge [sflag:s8], $0x4000  }
0x324: {  	[sflag:s8] =	ssyncset.done $0x0  }
0x325: {  	s28 =	simm.s32 $0x16980;
	[sflag:s8] =	ssyncadd.s32 $0xFFFFC000  }
0x326: {  	[spmem:s3] =	stream.indirect.scatter.add.f32 [tilespmem:s0], [sflag:$0x4], $0x80, s28, s30, $0xb8;
	[tilespmem:$0x1F880] =	vst v63  }
0x327: {  	_ =	swait.ge [sflag:s25], $0x4000  }
0x328: {  	[sflag:s25] =	ssyncset.done $0x0  }
0x329: {  	s9 =	simm.s32 $0x14280;
	[sflag:s25] =	ssyncadd.s32 $0xFFFFC000  }
0x32a: {  	[tilespmem:s0], [sflag:$0x2] =	stream.indirect.gather [hbm4b:s1+s30], $0x80, s9, s30, $0xb8;
	[tilespmem:$0x1F880] =	vst v63  }
0x32b: {  	_ =	swait.ge [sflag:s31], $0x4000  }
0x32c: {  	[sflag:s31] =	ssyncset.done $0x0  }
0x32d: {  	s13 =	simm.s32 $0x16A00;
	[sflag:s31] =	ssyncadd.s32 $0xFFFFC000  }
0x32e: {  	[spmem:s3] =	stream.indirect.scatter.add.f32 [tilespmem:s24], [sflag:$0x3], $0x80, s13, s30, $0xb8;
	[tilespmem:$0x1F880] =	vst v63  }
0x32f: {  	_ =	swait.ge [sflag:s7], $0x4000  }
0x330: {  	[sflag:s7] =	ssyncset.done $0x0  }
0x331: {  	s14 =	simm.s32 $0x14300;
	[sflag:s7] =	ssyncadd.s32 $0xFFFFC000  }
0x332: {  	[tilespmem:s24], [sflag:$0x1] =	stream.indirect.gather [hbm4b:s1+s30], $0x80, s14, s30, $0xb8;
	[tilespmem:$0x1F880] =	vst v63  }
0x333: {  	_ =	swait.ge [sflag:s8], $0x4000  }
0x334: {  	[sflag:s8] =	ssyncset.done $0x0  }
0x335: {  	s15 =	simm.s32 $0x16A80;
	[sflag:s8] =	ssyncadd.s32 $0xFFFFC000  }
0x336: {  	[spmem:s3] =	stream.indirect.scatter.add.f32 [tilespmem:s0], [sflag:$0x4], $0x80, s15, s30, $0xb8;
	[tilespmem:$0x1F880] =	vst v63  }
0x337: {  	_ =	swait.ge [sflag:s25], $0x4000  }
0x338: {  	[sflag:s25] =	ssyncset.done $0x0  }
0x339: {  	s16 =	simm.s32 $0x14380;
	[sflag:s25] =	ssyncadd.s32 $0xFFFFC000  }
0x33a: {  	[tilespmem:s0], [sflag:$0x2] =	stream.indirect.gather [hbm4b:s1+s30], $0x80, s16, s30, $0xb8;
	[tilespmem:$0x1F880] =	vst v63  }
0x33b: {  	_ =	swait.ge [sflag:s31], $0x4000  }
0x33c: {  	[sflag:s31] =	ssyncset.done $0x0  }
0x33d: {  	s17 =	simm.s32 $0x16B00;
	[sflag:s31] =	ssyncadd.s32 $0xFFFFC000  }
0x33e: {  	[spmem:s3] =	stream.indirect.scatter.add.f32 [tilespmem:s24], [sflag:$0x3], $0x80, s17, s30, $0xb8;
	[tilespmem:$0x1F880] =	vst v63  }
0x33f: {  	_ =	swait.ge [sflag:s7], $0x4000  }
0x340: {  	[sflag:s7] =	ssyncset.done $0x0  }
0x341: {  	s18 =	simm.s32 $0x14400;
	[sflag:s7] =	ssyncadd.s32 $0xFFFFC000  }
0x342: {  	[tilespmem:s24], [sflag:$0x1] =	stream.indirect.gather [hbm4b:s1+s30], $0x80, s18, s30, $0xb8;
	[tilespmem:$0x1F880] =	vst v63  }
0x343: {  	_ =	swait.ge [sflag:s8], $0x4000  }
0x344: {  	[sflag:s8] =	ssyncset.done $0x0  }
0x345: {  	s19 =	simm.s32 $0x16B80;
	[sflag:s8] =	ssyncadd.s32 $0xFFFFC000  }
0x346: {  	[spmem:s3] =	stream.indirect.scatter.add.f32 [tilespmem:s0], [sflag:$0x4], $0x80, s19, s30, $0xb8;
	[tilespmem:$0x1F880] =	vst v63  }
0x347: {  	_ =	swait.ge [sflag:s25], $0x4000  }
0x348: {  	[sflag:s25] =	ssyncset.done $0x0  }
0x349: {  	s20 =	simm.s32 $0x14480;
	[sflag:s25] =	ssyncadd.s32 $0xFFFFC000  }
0x34a: {  	[tilespmem:s0], [sflag:$0x2] =	stream.indirect.gather [hbm4b:s1+s30], $0x80, s20, s30, $0xb8;
	[tilespmem:$0x1F880] =	vst v63  }
0x34b: {  	_ =	swait.ge [sflag:s31], $0x4000  }
0x34c: {  	[sflag:s31] =	ssyncset.done $0x0  }
0x34d: {  	s21 =	simm.s32 $0x16C00;
	[sflag:s31] =	ssyncadd.s32 $0xFFFFC000  }
0x34e: {  	[spmem:s3] =	stream.indirect.scatter.add.f32 [tilespmem:s24], [sflag:$0x3], $0x80, s21, s30, $0xb8;
	[tilespmem:$0x1F880] =	vst v63  }
0x34f: {  	_ =	swait.ge [sflag:s7], $0x4000  }
0x350: {  	[sflag:s7] =	ssyncset.done $0x0  }
0x351: {  	s26 =	simm.s32 $0x14500;
	[sflag:s7] =	ssyncadd.s32 $0xFFFFC000  }
0x352: {  	[tilespmem:s24], [sflag:$0x1] =	stream.indirect.gather [hbm4b:s1+s30], $0x80, s26, s30, $0xb8;
	[tilespmem:$0x1F880] =	vst v63  }
0x353: {  	_ =	swait.ge [sflag:s8], $0x4000  }
0x354: {  	[sflag:s8] =	ssyncset.done $0x0  }
0x355: {  	s28 =	simm.s32 $0x16C80;
	[sflag:s8] =	ssyncadd.s32 $0xFFFFC000  }
0x356: {  	[spmem:s3] =	stream.indirect.scatter.add.f32 [tilespmem:s0], [sflag:$0x4], $0x80, s28, s30, $0xb8;
	[tilespmem:$0x1F880] =	vst v63  }
0x357: {  	_ =	swait.ge [sflag:s25], $0x4000  }
0x358: {  	[sflag:s25] =	ssyncset.done $0x0  }
0x359: {  	s9 =	simm.s32 $0x14580;
	[sflag:s25] =	ssyncadd.s32 $0xFFFFC000  }
0x35a: {  	[tilespmem:s0], [sflag:$0x2] =	stream.indirect.gather [hbm4b:s1+s30], $0x80, s9, s30, $0xb8;
	[tilespmem:$0x1F880] =	vst v63  }
0x35b: {  	_ =	swait.ge [sflag:s31], $0x4000  }
0x35c: {  	[sflag:s31] =	ssyncset.done $0x0  }
0x35d: {  	s13 =	simm.s32 $0x16D00;
	[sflag:s31] =	ssyncadd.s32 $0xFFFFC000  }
0x35e: {  	[spmem:s3] =	stream.indirect.scatter.add.f32 [tilespmem:s24], [sflag:$0x3], $0x80, s13, s30, $0xb8;
	[tilespmem:$0x1F880] =	vst v63  }
0x35f: {  	_ =	swait.ge [sflag:s7], $0x4000  }
0x360: {  	[sflag:s7] =	ssyncset.done $0x0  }
0x361: {  	s14 =	simm.s32 $0x14600;
	[sflag:s7] =	ssyncadd.s32 $0xFFFFC000  }
0x362: {  	[tilespmem:s24], [sflag:$0x1] =	stream.indirect.gather [hbm4b:s1+s30], $0x80, s14, s30, $0xb8;
	[tilespmem:$0x1F880] =	vst v63  }
0x363: {  	_ =	swait.ge [sflag:s8], $0x4000  }
0x364: {  	[sflag:s8] =	ssyncset.done $0x0  }
0x365: {  	s15 =	simm.s32 $0x16D80;
	[sflag:s8] =	ssyncadd.s32 $0xFFFFC000  }
0x366: {  	[spmem:s3] =	stream.indirect.scatter.add.f32 [tilespmem:s0], [sflag:$0x4], $0x80, s15, s30, $0xb8;
	[tilespmem:$0x1F880] =	vst v63  }
0x367: {  	_ =	swait.ge [sflag:s25], $0x4000  }
0x368: {  	[sflag:s25] =	ssyncset.done $0x0  }
0x369: {  	s16 =	simm.s32 $0x14680;
	[sflag:s25] =	ssyncadd.s32 $0xFFFFC000  }
0x36a: {  	[tilespmem:s0], [sflag:$0x2] =	stream.indirect.gather [hbm4b:s1+s30], $0x80, s16, s30, $0xb8;
	[tilespmem:$0x1F880] =	vst v63  }
0x36b: {  	_ =	swait.ge [sflag:s31], $0x4000  }
0x36c: {  	[sflag:s31] =	ssyncset.done $0x0  }
0x36d: {  	s17 =	simm.s32 $0x16E00;
	[sflag:s31] =	ssyncadd.s32 $0xFFFFC000  }
0x36e: {  	[spmem:s3] =	stream.indirect.scatter.add.f32 [tilespmem:s24], [sflag:$0x3], $0x80, s17, s30, $0xb8;
	[tilespmem:$0x1F880] =	vst v63  }
0x36f: {  	_ =	swait.ge [sflag:s7], $0x4000  }
0x370: {  	[sflag:s7] =	ssyncset.done $0x0  }
0x371: {  	s18 =	simm.s32 $0x14700;
	[sflag:s7] =	ssyncadd.s32 $0xFFFFC000  }
0x372: {  	[tilespmem:s24], [sflag:$0x1] =	stream.indirect.gather [hbm4b:s1+s30], $0x80, s18, s30, $0xb8;
	[tilespmem:$0x1F880] =	vst v63  }
0x373: {  	_ =	swait.ge [sflag:s8], $0x4000  }
0x374: {  	[sflag:s8] =	ssyncset.done $0x0  }
0x375: {  	s19 =	simm.s32 $0x16E80;
	[sflag:s8] =	ssyncadd.s32 $0xFFFFC000  }
0x376: {  	[spmem:s3] =	stream.indirect.scatter.add.f32 [tilespmem:s0], [sflag:$0x4], $0x80, s19, s30, $0xb8;
	[tilespmem:$0x1F880] =	vst v63  }
0x377: {  	_ =	swait.ge [sflag:s25], $0x4000  }
0x378: {  	[sflag:s25] =	ssyncset.done $0x0  }
0x379: {  	s20 =	simm.s32 $0x14780;
	[sflag:s25] =	ssyncadd.s32 $0xFFFFC000  }
0x37a: {  	[tilespmem:s0], [sflag:$0x2] =	stream.indirect.gather [hbm4b:s1+s30], $0x80, s20, s30, $0xb8;
	[tilespmem:$0x1F880] =	vst v63  }
0x37b: {  	_ =	swait.ge [sflag:s31], $0x4000  }
0x37c: {  	[sflag:s31] =	ssyncset.done $0x0  }
0x37d: {  	s6 =	simm.s32 $0x16F00;
	[sflag:s31] =	ssyncadd.s32 $0xFFFFC000  }
0x37e: {  	[spmem:s3] =	stream.indirect.scatter.add.f32 [tilespmem:s24], [sflag:$0x3], $0x80, s6, s30, $0xb8;
	[tilespmem:$0x1F880] =	vst v63  }
0x37f: {  	_ =	swait.ge [sflag:s7], $0x4000  }
0x380: {  	[sflag:s7] =	ssyncset.done $0x0  }
0x381: {  	s21 =	simm.s32 $0x14800;
	[sflag:s7] =	ssyncadd.s32 $0xFFFFC000  }
0x382: {  	[tilespmem:s24], [sflag:$0x1] =	stream.indirect.gather [hbm4b:s1+s30], $0x80, s21, s30, $0xb8;
	[tilespmem:$0x1F880] =	vst v63  }
0x383: {  	_ =	swait.ge [sflag:s8], $0x4000  }
0x384: {  	[sflag:s8] =	ssyncset.done $0x0  }
0x385: {  	s9 =	simm.s32 $0x16F80;
	[sflag:s8] =	ssyncadd.s32 $0xFFFFC000  }
0x386: {  	[spmem:s3] =	stream.indirect.scatter.add.f32 [tilespmem:s0], [sflag:$0x4], $0x80, s9, s30, $0xb8;
	[tilespmem:$0x1F880] =	vst v63  }
0x387: {  	_ =	swait.ge [sflag:s25], $0x4000  }
0x388: {  	[sflag:s25] =	ssyncset.done $0x0  }
0x389: {  	s26 =	simm.s32 $0x14880;
	[sflag:s25] =	ssyncadd.s32 $0xFFFFC000  }
0x38a: {  	[tilespmem:s0], [sflag:$0x2] =	stream.indirect.gather [hbm4b:s1+s30], $0x80, s26, s30, $0xb8;
	[tilespmem:$0x1F880] =	vst v63  }
0x38b: {  	s28 =	rddreg [dreg:$0xc]  }
0x38c: {  	[tilespmem:s29], [sflag:$0x5] =	stream.linear.gather [hbm4b:s28+s4], $0x800, $0x38;
	[tilespmem:$0x1F880] =	vst v63  }
0x38d: {  	_ =	swait.ge [sflag:s2], $0x800  }
0x38e: {  	[sflag:s2] =	ssyncset.done $0x0  }
0x38f: {  	[sflag:s2] =	ssyncadd.s32 $0xFFFFF800  }
0x390: {  	_ =	swait.ge [sflag:s31], $0x4000  }
0x391: {  	[sflag:s31] =	ssyncset.done $0x0  }
0x392: {  	[sflag:s31] =	ssyncadd.s32 $0xFFFFC000  }
0x393: {  	[spmem:s3] =	stream.indirect.scatter.add.f32 [tilespmem:s24], [sflag:$0x3], $0x80, s10, s30, $0xb8;
	[tilespmem:$0x1F880] =	vst v63  }
0x394: {  	_ =	swait.ge [sflag:s7], $0x4000  }
0x395: {  	[sflag:s7] =	ssyncset.done $0x0  }
0x396: {  	s4 =	simm.s32 $0x14900;
	[sflag:s7] =	ssyncadd.s32 $0xFFFFC000  }
0x397: {  	[tilespmem:s24], [sflag:$0x1] =	stream.indirect.gather [hbm4b:s1+s30], $0x80, s4, s30, $0xb8;
	[tilespmem:$0x1F880] =	vst v63  }
0x398: {  	_ =	swait.ge [sflag:s8], $0x4000  }
0x399: {  	[sflag:s8] =	ssyncset.done $0x0  }
0x39a: {  	s28 =	simm.s32 $0x17080;
	[sflag:s8] =	ssyncadd.s32 $0xFFFFC000  }
0x39b: {  	[spmem:s3] =	stream.indirect.scatter.add.f32 [tilespmem:s0], [sflag:$0x4], $0x80, s28, s30, $0xb8;
	[tilespmem:$0x1F880] =	vst v63  }
0x39c: {  	_ =	swait.ge [sflag:s25], $0x4000  }
0x39d: {  	[sflag:s25] =	ssyncset.done $0x0  }
0x39e: {  	s10 =	simm.s32 $0x14980;
	[sflag:s25] =	ssyncadd.s32 $0xFFFFC000  }
0x39f: {  	[tilespmem:s0], [sflag:$0x2] =	stream.indirect.gather [hbm4b:s1+s30], $0x80, s10, s30, $0xb8;
	[tilespmem:$0x1F880] =	vst v63  }
0x3a0: {  	_ =	swait.ge [sflag:s31], $0x4000  }
0x3a1: {  	[sflag:s31] =	ssyncset.done $0x0  }
0x3a2: {  	s16 =	simm.s32 $0x17100;
	[sflag:s31] =	ssyncadd.s32 $0xFFFFC000  }
0x3a3: {  	[spmem:s3] =	stream.indirect.scatter.add.f32 [tilespmem:s24], [sflag:$0x3], $0x80, s16, s30, $0xb8;
	[tilespmem:$0x1F880] =	vst v63  }
0x3a4: {  	_ =	swait.ge [sflag:s7], $0x4000  }
0x3a5: {  	[sflag:s7] =	ssyncset.done $0x0  }
0x3a6: {  	s13 =	simm.s32 $0x14A00;
	[sflag:s7] =	ssyncadd.s32 $0xFFFFC000  }
0x3a7: {  	[tilespmem:s24], [sflag:$0x1] =	stream.indirect.gather [hbm4b:s1+s30], $0x80, s13, s30, $0xb8;
	[tilespmem:$0x1F880] =	vst v63  }
0x3a8: {  	_ =	swait.ge [sflag:s8], $0x4000  }
0x3a9: {  	[sflag:s8] =	ssyncset.done $0x0  }
0x3aa: {  	s18 =	simm.s32 $0x17180;
	[sflag:s8] =	ssyncadd.s32 $0xFFFFC000  }
0x3ab: {  	[spmem:s3] =	stream.indirect.scatter.add.f32 [tilespmem:s0], [sflag:$0x4], $0x80, s18, s30, $0xb8;
	[tilespmem:$0x1F880] =	vst v63  }
0x3ac: {  	_ =	swait.ge [sflag:s25], $0x4000  }
0x3ad: {  	[sflag:s25] =	ssyncset.done $0x0  }
0x3ae: {  	s14 =	simm.s32 $0x14A80;
	[sflag:s25] =	ssyncadd.s32 $0xFFFFC000  }
0x3af: {  	[tilespmem:s0], [sflag:$0x2] =	stream.indirect.gather [hbm4b:s1+s30], $0x80, s14, s30, $0xb8;
	[tilespmem:$0x1F880] =	vst v63  }
0x3b0: {  	_ =	swait.ge [sflag:s31], $0x4000  }
0x3b1: {  	[sflag:s31] =	ssyncset.done $0x0  }
0x3b2: {  	s20 =	simm.s32 $0x17200;
	[sflag:s31] =	ssyncadd.s32 $0xFFFFC000  }
0x3b3: {  	[spmem:s3] =	stream.indirect.scatter.add.f32 [tilespmem:s24], [sflag:$0x3], $0x80, s20, s30, $0xb8;
	[tilespmem:$0x1F880] =	vst v63  }
0x3b4: {  	_ =	swait.ge [sflag:s7], $0x4000  }
0x3b5: {  	[sflag:s7] =	ssyncset.done $0x0  }
0x3b6: {  	s15 =	simm.s32 $0x14B00;
	[sflag:s7] =	ssyncadd.s32 $0xFFFFC000  }
0x3b7: {  	[tilespmem:s24], [sflag:$0x1] =	stream.indirect.gather [hbm4b:s1+s30], $0x80, s15, s30, $0xb8;
	[tilespmem:$0x1F880] =	vst v63  }
0x3b8: {  	_ =	swait.ge [sflag:s8], $0x4000  }
0x3b9: {  	[sflag:s8] =	ssyncset.done $0x0  }
0x3ba: {  	s26 =	simm.s32 $0x17280;
	[sflag:s8] =	ssyncadd.s32 $0xFFFFC000  }
0x3bb: {  	[spmem:s3] =	stream.indirect.scatter.add.f32 [tilespmem:s0], [sflag:$0x4], $0x80, s26, s30, $0xb8;
	[tilespmem:$0x1F880] =	vst v63  }
0x3bc: {  	_ =	swait.ge [sflag:s25], $0x4000  }
0x3bd: {  	[sflag:s25] =	ssyncset.done $0x0  }
0x3be: {  	s17 =	simm.s32 $0x14B80;
	[sflag:s25] =	ssyncadd.s32 $0xFFFFC000  }
0x3bf: {  	[tilespmem:s0], [sflag:$0x2] =	stream.indirect.gather [hbm4b:s1+s30], $0x80, s17, s30, $0xb8;
	[tilespmem:$0x1F880] =	vst v63  }
0x3c0: {  	_ =	swait.ge [sflag:s31], $0x4000  }
0x3c1: {  	[sflag:s31] =	ssyncset.done $0x0  }
0x3c2: {  	s19 =	simm.s32 $0x17300;
	[sflag:s31] =	ssyncadd.s32 $0xFFFFC000  }
0x3c3: {  	[spmem:s3] =	stream.indirect.scatter.add.f32 [tilespmem:s24], [sflag:$0x3], $0x80, s19, s30, $0xb8;
	[tilespmem:$0x1F880] =	vst v63  }
0x3c4: {  	_ =	swait.ge [sflag:s7], $0x4000  }
0x3c5: {  	[sflag:s7] =	ssyncset.done $0x0  }
0x3c6: {  	s21 =	simm.s32 $0x14C00;
	[sflag:s7] =	ssyncadd.s32 $0xFFFFC000  }
0x3c7: {  	[tilespmem:s24], [sflag:$0x1] =	stream.indirect.gather [hbm4b:s1+s30], $0x80, s21, s30, $0xb8;
	[tilespmem:$0x1F880] =	vst v63  }
0x3c8: {  	_ =	swait.ge [sflag:s8], $0x4000  }
0x3c9: {  	[sflag:s8] =	ssyncset.done $0x0  }
0x3ca: {  	s14 =	simm.s32 $0x17380;
	[sflag:s8] =	ssyncadd.s32 $0xFFFFC000  }
0x3cb: {  	[spmem:s3] =	stream.indirect.scatter.add.f32 [tilespmem:s0], [sflag:$0x4], $0x80, s14, s30, $0xb8;
	[tilespmem:$0x1F880] =	vst v63  }
0x3cc: {  	_ =	swait.ge [sflag:s25], $0x4000  }
0x3cd: {  	[sflag:s25] =	ssyncset.done $0x0  }
0x3ce: {  	s13 =	simm.s32 $0x14C80;
	[sflag:s25] =	ssyncadd.s32 $0xFFFFC000  }
0x3cf: {  	[tilespmem:s0], [sflag:$0x2] =	stream.indirect.gather [hbm4b:s1+s30], $0x80, s13, s30, $0xb8;
	[tilespmem:$0x1F880] =	vst v63  }
0x3d0: {  	_ =	swait.ge [sflag:s31], $0x4000  }
0x3d1: {  	[sflag:s31] =	ssyncset.done $0x0  }
0x3d2: {  	s13 =	simm.s32 $0x17400;
	[sflag:s31] =	ssyncadd.s32 $0xFFFFC000  }
0x3d3: {  	[spmem:s3] =	stream.indirect.scatter.add.f32 [tilespmem:s24], [sflag:$0x3], $0x80, s13, s30, $0xb8;
	[tilespmem:$0x1F880] =	vst v63  }
0x3d4: {  	_ =	swait.ge [sflag:s7], $0x4000  }
0x3d5: {  	[sflag:s7] =	ssyncset.done $0x0  }
0x3d6: {  	s15 =	simm.s32 $0x14D00;
	[sflag:s7] =	ssyncadd.s32 $0xFFFFC000  }
0x3d7: {  	[tilespmem:s24], [sflag:$0x1] =	stream.indirect.gather [hbm4b:s1+s30], $0x80, s15, s30, $0xb8;
	[tilespmem:$0x1F880] =	vst v63  }
0x3d8: {  	_ =	swait.ge [sflag:s8], $0x4000  }
0x3d9: {  	[sflag:s8] =	ssyncset.done $0x0  }
0x3da: {  	s15 =	simm.s32 $0x17480;
	[sflag:s8] =	ssyncadd.s32 $0xFFFFC000  }
0x3db: {  	[spmem:s3] =	stream.indirect.scatter.add.f32 [tilespmem:s0], [sflag:$0x4], $0x80, s15, s30, $0xb8;
	[tilespmem:$0x1F880] =	vst v63  }
0x3dc: {  	_ =	swait.ge [sflag:s25], $0x4000  }
0x3dd: {  	[sflag:s25] =	ssyncset.done $0x0  }
0x3de: {  	s17 =	simm.s32 $0x14D80;
	[sflag:s25] =	ssyncadd.s32 $0xFFFFC000  }
0x3df: {  	[tilespmem:s0], [sflag:$0x2] =	stream.indirect.gather [hbm4b:s1+s30], $0x80, s17, s30, $0xb8;
	[tilespmem:$0x1F880] =	vst v63  }
0x3e0: {  	_ =	swait.ge [sflag:s31], $0x4000  }
0x3e1: {  	[sflag:s31] =	ssyncset.done $0x0  }
0x3e2: {  	s17 =	simm.s32 $0x17500;
	[sflag:s31] =	ssyncadd.s32 $0xFFFFC000  }
0x3e3: {  	[spmem:s3] =	stream.indirect.scatter.add.f32 [tilespmem:s24], [sflag:$0x3], $0x80, s17, s30, $0xb8;
	[tilespmem:$0x1F880] =	vst v63  }
0x3e4: {  	_ =	swait.ge [sflag:s7], $0x4000  }
0x3e5: {  	[sflag:s7] =	ssyncset.done $0x0  }
0x3e6: {  	s19 =	simm.s32 $0x14E00;
	[sflag:s7] =	ssyncadd.s32 $0xFFFFC000  }
0x3e7: {  	[tilespmem:s24], [sflag:$0x1] =	stream.indirect.gather [hbm4b:s1+s30], $0x80, s19, s30, $0xb8;
	[tilespmem:$0x1F880] =	vst v63  }
0x3e8: {  	_ =	swait.ge [sflag:s8], $0x4000  }
0x3e9: {  	[sflag:s8] =	ssyncset.done $0x0  }
0x3ea: {  	s19 =	simm.s32 $0x17580;
	[sflag:s8] =	ssyncadd.s32 $0xFFFFC000  }
0x3eb: {  	[spmem:s3] =	stream.indirect.scatter.add.f32 [tilespmem:s0], [sflag:$0x4], $0x80, s19, s30, $0xb8;
	[tilespmem:$0x1F880] =	vst v63  }
0x3ec: {  	_ =	swait.ge [sflag:s25], $0x4000  }
0x3ed: {  	[sflag:s25] =	ssyncset.done $0x0  }
0x3ee: {  	s21 =	simm.s32 $0x14E80;
	[sflag:s25] =	ssyncadd.s32 $0xFFFFC000  }
0x3ef: {  	[tilespmem:s0], [sflag:$0x2] =	stream.indirect.gather [hbm4b:s1+s30], $0x80, s21, s30, $0xb8;
	[tilespmem:$0x1F880] =	vst v63  }
0x3f0: {  	_ =	swait.ge [sflag:s31], $0x4000  }
0x3f1: {  	[sflag:s31] =	ssyncset.done $0x0  }
0x3f2: {  	s21 =	simm.s32 $0x17600;
	[sflag:s31] =	ssyncadd.s32 $0xFFFFC000  }
0x3f3: {  	[spmem:s3] =	stream.indirect.scatter.add.f32 [tilespmem:s24], [sflag:$0x3], $0x80, s21, s30, $0xb8;
	[tilespmem:$0x1F880] =	vst v63  }
0x3f4: {  	_ =	swait.ge [sflag:s7], $0x4000  }
0x3f5: {  	[sflag:s7] =	ssyncset.done $0x0  }
0x3f6: {  	s12 =	simm.s32 $0x14F00;
	[sflag:s7] =	ssyncadd.s32 $0xFFFFC000  }
0x3f7: {  	[tilespmem:s24], [sflag:$0x1] =	stream.indirect.gather [hbm4b:s1+s30], $0x80, s12, s30, $0xb8;
	[tilespmem:$0x1F880] =	vst v63  }
0x3f8: {  	_ =	swait.ge [sflag:s8], $0x4000  }
0x3f9: {  	[sflag:s8] =	ssyncset.done $0x0  }
0x3fa: {  	s12 =	simm.s32 $0x17680;
	[sflag:s8] =	ssyncadd.s32 $0xFFFFC000  }
0x3fb: {  	[spmem:s3] =	stream.indirect.scatter.add.f32 [tilespmem:s0], [sflag:$0x4], $0x80, s12, s30, $0xb8;
	[tilespmem:$0x1F880] =	vst v63  }
0x3fc: {  	_ =	swait.ge [sflag:s25], $0x4000  }
0x3fd: {  	[sflag:s25] =	ssyncset.done $0x0  }
0x3fe: {  	s12 =	simm.s32 $0x14F80;
	[sflag:s25] =	ssyncadd.s32 $0xFFFFC000  }
0x3ff: {  	[tilespmem:s0], [sflag:$0x2] =	stream.indirect.gather [hbm4b:s1+s30], $0x80, s12, s30, $0xb8;
	[tilespmem:$0x1F880] =	vst v63  }
0x400: {  	_ =	swait.ge [sflag:s31], $0x4000  }
0x401: {  	[sflag:s31] =	ssyncset.done $0x0  }
0x402: {  	s12 =	simm.s32 $0x17700;
	[sflag:s31] =	ssyncadd.s32 $0xFFFFC000  }
0x403: {  	[spmem:s3] =	stream.indirect.scatter.add.f32 [tilespmem:s24], [sflag:$0x3], $0x80, s12, s30, $0xb8;
	[tilespmem:$0x1F880] =	vst v63  }
0x404: {  	_ =	swait.ge [sflag:s7], $0x4000  }
0x405: {  	[sflag:s7] =	ssyncset.done $0x0  }
0x406: {  	s12 =	simm.s32 $0x15000;
	[sflag:s7] =	ssyncadd.s32 $0xFFFFC000  }
0x407: {  	[tilespmem:s24], [sflag:$0x1] =	stream.indirect.gather [hbm4b:s1+s30], $0x80, s12, s30, $0xb8;
	[tilespmem:$0x1F880] =	vst v63  }
0x408: {  	_ =	swait.ge [sflag:s8], $0x4000  }
0x409: {  	[sflag:s8] =	ssyncset.done $0x0  }
0x40a: {  	s12 =	simm.s32 $0x17780;
	[sflag:s8] =	ssyncadd.s32 $0xFFFFC000  }
0x40b: {  	[spmem:s3] =	stream.indirect.scatter.add.f32 [tilespmem:s0], [sflag:$0x4], $0x80, s12, s30, $0xb8;
	[tilespmem:$0x1F880] =	vst v63  }
0x40c: {  	_ =	swait.ge [sflag:s25], $0x4000  }
0x40d: {  	[sflag:s25] =	ssyncset.done $0x0  }
0x40e: {  	s12 =	simm.s32 $0x15080;
	[sflag:s25] =	ssyncadd.s32 $0xFFFFC000  }
0x40f: {  	[tilespmem:s0], [sflag:$0x2] =	stream.indirect.gather [hbm4b:s1+s30], $0x80, s12, s30, $0xb8;
	[tilespmem:$0x1F880] =	vst v63  }
0x410: {  	s4 =	simm.s32 $0x17000;
	s10 =	simm.s32 $0x0;
	s12 =	rddreg [dreg:$0xd]  }
0x411: {  	[tilespmem:s4], [sflag:$0x6] =	stream.linear.gather [hbm4b:s12+s10], $0x800, $0x38;
	[tilespmem:$0x1F880] =	vst v63  }
0x412: {  	_ =	swait.ge [sflag:s22], $0x800  }
0x413: {  	[sflag:s22] =	ssyncset.done $0x0  }
0x414: {  	[sflag:s22] =	ssyncadd.s32 $0xFFFFF800  }
0x415: {  	_ =	swait.ge [sflag:s31], $0x4000  }
0x416: {  	[sflag:s31] =	ssyncset.done $0x0  }
0x417: {  	[sflag:s31] =	ssyncadd.s32 $0xFFFFC000  }
0x418: {  	[spmem:s3] =	stream.indirect.scatter.add.f32 [tilespmem:s24], [sflag:$0x3], $0x80, s29, s30, $0xb8;
	[tilespmem:$0x1F880] =	vst v63  }
0x419: {  	_ =	swait.ge [sflag:s7], $0x4000  }
0x41a: {  	[sflag:s7] =	ssyncset.done $0x0  }
0x41b: {  	s12 =	simm.s32 $0x15100;
	[sflag:s7] =	ssyncadd.s32 $0xFFFFC000  }
0x41c: {  	[tilespmem:s24], [sflag:$0x1] =	stream.indirect.gather [hbm4b:s1+s30], $0x80, s12, s30, $0xb8;
	[tilespmem:$0x1F880] =	vst v63  }
0x41d: {  	_ =	swait.ge [sflag:s8], $0x4000  }
0x41e: {  	[sflag:s8] =	ssyncset.done $0x0  }
0x41f: {  	s12 =	simm.s32 $0x16880;
	[sflag:s8] =	ssyncadd.s32 $0xFFFFC000  }
0x420: {  	[spmem:s3] =	stream.indirect.scatter.add.f32 [tilespmem:s0], [sflag:$0x4], $0x80, s12, s30, $0xb8;
	[tilespmem:$0x1F880] =	vst v63  }
0x421: {  	_ =	swait.ge [sflag:s25], $0x4000  }
0x422: {  	[sflag:s25] =	ssyncset.done $0x0  }
0x423: {  	s12 =	simm.s32 $0x15180;
	[sflag:s25] =	ssyncadd.s32 $0xFFFFC000  }
0x424: {  	[tilespmem:s0], [sflag:$0x2] =	stream.indirect.gather [hbm4b:s1+s30], $0x80, s12, s30, $0xb8;
	[tilespmem:$0x1F880] =	vst v63  }
0x425: {  	_ =	swait.ge [sflag:s31], $0x4000  }
0x426: {  	[sflag:s31] =	ssyncset.done $0x0  }
0x427: {  	s12 =	simm.s32 $0x16900;
	[sflag:s31] =	ssyncadd.s32 $0xFFFFC000  }
0x428: {  	[spmem:s3] =	stream.indirect.scatter.add.f32 [tilespmem:s24], [sflag:$0x3], $0x80, s12, s30, $0xb8;
	[tilespmem:$0x1F880] =	vst v63  }
0x429: {  	_ =	swait.ge [sflag:s7], $0x4000  }
0x42a: {  	[sflag:s7] =	ssyncset.done $0x0  }
0x42b: {  	s12 =	simm.s32 $0x15200;
	[sflag:s7] =	ssyncadd.s32 $0xFFFFC000  }
0x42c: {  	[tilespmem:s24], [sflag:$0x1] =	stream.indirect.gather [hbm4b:s1+s30], $0x80, s12, s30, $0xb8;
	[tilespmem:$0x1F880] =	vst v63  }
0x42d: {  	_ =	swait.ge [sflag:s8], $0x4000  }
0x42e: {  	[sflag:s8] =	ssyncset.done $0x0  }
0x42f: {  	s12 =	simm.s32 $0x16980;
	[sflag:s8] =	ssyncadd.s32 $0xFFFFC000  }
0x430: {  	[spmem:s3] =	stream.indirect.scatter.add.f32 [tilespmem:s0], [sflag:$0x4], $0x80, s12, s30, $0xb8;
	[tilespmem:$0x1F880] =	vst v63  }
0x431: {  	_ =	swait.ge [sflag:s25], $0x4000  }
0x432: {  	[sflag:s25] =	ssyncset.done $0x0  }
0x433: {  	s12 =	simm.s32 $0x15280;
	[sflag:s25] =	ssyncadd.s32 $0xFFFFC000  }
0x434: {  	[tilespmem:s0], [sflag:$0x2] =	stream.indirect.gather [hbm4b:s1+s30], $0x80, s12, s30, $0xb8;
	[tilespmem:$0x1F880] =	vst v63  }
0x435: {  	_ =	swait.ge [sflag:s31], $0x4000  }
0x436: {  	[sflag:s31] =	ssyncset.done $0x0  }
0x437: {  	s12 =	simm.s32 $0x16A00;
	[sflag:s31] =	ssyncadd.s32 $0xFFFFC000  }
0x438: {  	[spmem:s3] =	stream.indirect.scatter.add.f32 [tilespmem:s24], [sflag:$0x3], $0x80, s12, s30, $0xb8;
	[tilespmem:$0x1F880] =	vst v63  }
0x439: {  	_ =	swait.ge [sflag:s7], $0x4000  }
0x43a: {  	[sflag:s7] =	ssyncset.done $0x0  }
0x43b: {  	s12 =	simm.s32 $0x15300;
	[sflag:s7] =	ssyncadd.s32 $0xFFFFC000  }
0x43c: {  	[tilespmem:s24], [sflag:$0x1] =	stream.indirect.gather [hbm4b:s1+s30], $0x80, s12, s30, $0xb8;
	[tilespmem:$0x1F880] =	vst v63  }
0x43d: {  	_ =	swait.ge [sflag:s8], $0x4000  }
0x43e: {  	[sflag:s8] =	ssyncset.done $0x0  }
0x43f: {  	s12 =	simm.s32 $0x16A80;
	[sflag:s8] =	ssyncadd.s32 $0xFFFFC000  }
0x440: {  	[spmem:s3] =	stream.indirect.scatter.add.f32 [tilespmem:s0], [sflag:$0x4], $0x80, s12, s30, $0xb8;
	[tilespmem:$0x1F880] =	vst v63  }
0x441: {  	_ =	swait.ge [sflag:s25], $0x4000  }
0x442: {  	[sflag:s25] =	ssyncset.done $0x0  }
0x443: {  	s12 =	simm.s32 $0x15380;
	[sflag:s25] =	ssyncadd.s32 $0xFFFFC000  }
0x444: {  	[tilespmem:s0], [sflag:$0x2] =	stream.indirect.gather [hbm4b:s1+s30], $0x80, s12, s30, $0xb8;
	[tilespmem:$0x1F880] =	vst v63  }
0x445: {  	_ =	swait.ge [sflag:s31], $0x4000  }
0x446: {  	[sflag:s31] =	ssyncset.done $0x0  }
0x447: {  	s12 =	simm.s32 $0x16B00;
	[sflag:s31] =	ssyncadd.s32 $0xFFFFC000  }
0x448: {  	[spmem:s3] =	stream.indirect.scatter.add.f32 [tilespmem:s24], [sflag:$0x3], $0x80, s12, s30, $0xb8;
	[tilespmem:$0x1F880] =	vst v63  }
0x449: {  	_ =	swait.ge [sflag:s7], $0x4000  }
0x44a: {  	[sflag:s7] =	ssyncset.done $0x0  }
0x44b: {  	s12 =	simm.s32 $0x15400;
	[sflag:s7] =	ssyncadd.s32 $0xFFFFC000  }
0x44c: {  	[tilespmem:s24], [sflag:$0x1] =	stream.indirect.gather [hbm4b:s1+s30], $0x80, s12, s30, $0xb8;
	[tilespmem:$0x1F880] =	vst v63  }
0x44d: {  	_ =	swait.ge [sflag:s8], $0x4000  }
0x44e: {  	[sflag:s8] =	ssyncset.done $0x0  }
0x44f: {  	s12 =	simm.s32 $0x16B80;
	[sflag:s8] =	ssyncadd.s32 $0xFFFFC000  }
0x450: {  	[spmem:s3] =	stream.indirect.scatter.add.f32 [tilespmem:s0], [sflag:$0x4], $0x80, s12, s30, $0xb8;
	[tilespmem:$0x1F880] =	vst v63  }
0x451: {  	_ =	swait.ge [sflag:s25], $0x4000  }
0x452: {  	[sflag:s25] =	ssyncset.done $0x0  }
0x453: {  	s12 =	simm.s32 $0x15480;
	[sflag:s25] =	ssyncadd.s32 $0xFFFFC000  }
0x454: {  	[tilespmem:s0], [sflag:$0x2] =	stream.indirect.gather [hbm4b:s1+s30], $0x80, s12, s30, $0xb8;
	[tilespmem:$0x1F880] =	vst v63  }
0x455: {  	_ =	swait.ge [sflag:s31], $0x4000  }
0x456: {  	[sflag:s31] =	ssyncset.done $0x0  }
0x457: {  	s12 =	simm.s32 $0x16C00;
	[sflag:s31] =	ssyncadd.s32 $0xFFFFC000  }
0x458: {  	[spmem:s3] =	stream.indirect.scatter.add.f32 [tilespmem:s24], [sflag:$0x3], $0x80, s12, s30, $0xb8;
	[tilespmem:$0x1F880] =	vst v63  }
0x459: {  	_ =	swait.ge [sflag:s7], $0x4000  }
0x45a: {  	[sflag:s7] =	ssyncset.done $0x0  }
0x45b: {  	s12 =	simm.s32 $0x15500;
	[sflag:s7] =	ssyncadd.s32 $0xFFFFC000  }
0x45c: {  	[tilespmem:s24], [sflag:$0x1] =	stream.indirect.gather [hbm4b:s1+s30], $0x80, s12, s30, $0xb8;
	[tilespmem:$0x1F880] =	vst v63  }
0x45d: {  	_ =	swait.ge [sflag:s8], $0x4000  }
0x45e: {  	[sflag:s8] =	ssyncset.done $0x0  }
0x45f: {  	s12 =	simm.s32 $0x16C80;
	[sflag:s8] =	ssyncadd.s32 $0xFFFFC000  }
0x460: {  	[spmem:s3] =	stream.indirect.scatter.add.f32 [tilespmem:s0], [sflag:$0x4], $0x80, s12, s30, $0xb8;
	[tilespmem:$0x1F880] =	vst v63  }
0x461: {  	_ =	swait.ge [sflag:s25], $0x4000  }
0x462: {  	[sflag:s25] =	ssyncset.done $0x0  }
0x463: {  	s12 =	simm.s32 $0x15580;
	[sflag:s25] =	ssyncadd.s32 $0xFFFFC000  }
0x464: {  	[tilespmem:s0], [sflag:$0x2] =	stream.indirect.gather [hbm4b:s1+s30], $0x80, s12, s30, $0xb8;
	[tilespmem:$0x1F880] =	vst v63  }
0x465: {  	_ =	swait.ge [sflag:s31], $0x4000  }
0x466: {  	[sflag:s31] =	ssyncset.done $0x0  }
0x467: {  	s12 =	simm.s32 $0x16D00;
	[sflag:s31] =	ssyncadd.s32 $0xFFFFC000  }
0x468: {  	[spmem:s3] =	stream.indirect.scatter.add.f32 [tilespmem:s24], [sflag:$0x3], $0x80, s12, s30, $0xb8;
	[tilespmem:$0x1F880] =	vst v63  }
0x469: {  	_ =	swait.ge [sflag:s7], $0x4000  }
0x46a: {  	[sflag:s7] =	ssyncset.done $0x0  }
0x46b: {  	s12 =	simm.s32 $0x15600;
	[sflag:s7] =	ssyncadd.s32 $0xFFFFC000  }
0x46c: {  	[tilespmem:s24], [sflag:$0x1] =	stream.indirect.gather [hbm4b:s1+s30], $0x80, s12, s30, $0xb8;
	[tilespmem:$0x1F880] =	vst v63  }
0x46d: {  	_ =	swait.ge [sflag:s8], $0x4000  }
0x46e: {  	[sflag:s8] =	ssyncset.done $0x0  }
0x46f: {  	s12 =	simm.s32 $0x16D80;
	[sflag:s8] =	ssyncadd.s32 $0xFFFFC000  }
0x470: {  	[spmem:s3] =	stream.indirect.scatter.add.f32 [tilespmem:s0], [sflag:$0x4], $0x80, s12, s30, $0xb8;
	[tilespmem:$0x1F880] =	vst v63  }
0x471: {  	_ =	swait.ge [sflag:s25], $0x4000  }
0x472: {  	[sflag:s25] =	ssyncset.done $0x0  }
0x473: {  	s12 =	simm.s32 $0x15680;
	[sflag:s25] =	ssyncadd.s32 $0xFFFFC000  }
0x474: {  	[tilespmem:s0], [sflag:$0x2] =	stream.indirect.gather [hbm4b:s1+s30], $0x80, s12, s30, $0xb8;
	[tilespmem:$0x1F880] =	vst v63  }
0x475: {  	_ =	swait.ge [sflag:s31], $0x4000  }
0x476: {  	[sflag:s31] =	ssyncset.done $0x0  }
0x477: {  	s12 =	simm.s32 $0x16E00;
	[sflag:s31] =	ssyncadd.s32 $0xFFFFC000  }
0x478: {  	[spmem:s3] =	stream.indirect.scatter.add.f32 [tilespmem:s24], [sflag:$0x3], $0x80, s12, s30, $0xb8;
	[tilespmem:$0x1F880] =	vst v63  }
0x479: {  	_ =	swait.ge [sflag:s7], $0x4000  }
0x47a: {  	[sflag:s7] =	ssyncset.done $0x0  }
0x47b: {  	s12 =	simm.s32 $0x15700;
	[sflag:s7] =	ssyncadd.s32 $0xFFFFC000  }
0x47c: {  	[tilespmem:s24], [sflag:$0x1] =	stream.indirect.gather [hbm4b:s1+s30], $0x80, s12, s30, $0xb8;
	[tilespmem:$0x1F880] =	vst v63  }
0x47d: {  	_ =	swait.ge [sflag:s8], $0x4000  }
0x47e: {  	[sflag:s8] =	ssyncset.done $0x0  }
0x47f: {  	s12 =	simm.s32 $0x16E80;
	[sflag:s8] =	ssyncadd.s32 $0xFFFFC000  }
0x480: {  	[spmem:s3] =	stream.indirect.scatter.add.f32 [tilespmem:s0], [sflag:$0x4], $0x80, s12, s30, $0xb8;
	[tilespmem:$0x1F880] =	vst v63  }
0x481: {  	_ =	swait.ge [sflag:s25], $0x4000  }
0x482: {  	[sflag:s25] =	ssyncset.done $0x0  }
0x483: {  	s12 =	simm.s32 $0x15780;
	[sflag:s25] =	ssyncadd.s32 $0xFFFFC000  }
0x484: {  	[tilespmem:s0], [sflag:$0x2] =	stream.indirect.gather [hbm4b:s1+s30], $0x80, s12, s30, $0xb8;
	[tilespmem:$0x1F880] =	vst v63  }
0x485: {  	_ =	swait.ge [sflag:s31], $0x4000  }
0x486: {  	[sflag:s31] =	ssyncset.done $0x0  }
0x487: {  	[sflag:s31] =	ssyncadd.s32 $0xFFFFC000  }
0x488: {  	[spmem:s3] =	stream.indirect.scatter.add.f32 [tilespmem:s24], [sflag:$0x3], $0x80, s6, s30, $0xb8;
	[tilespmem:$0x1F880] =	vst v63  }
0x489: {  	_ =	swait.ge [sflag:s7], $0x4000  }
0x48a: {  	[sflag:s7] =	ssyncset.done $0x0  }
0x48b: {  	s12 =	simm.s32 $0x15800;
	[sflag:s7] =	ssyncadd.s32 $0xFFFFC000  }
0x48c: {  	[tilespmem:s24], [sflag:$0x1] =	stream.indirect.gather [hbm4b:s1+s30], $0x80, s12, s30, $0xb8;
	[tilespmem:$0x1F880] =	vst v63  }
0x48d: {  	_ =	swait.ge [sflag:s8], $0x4000  }
0x48e: {  	[sflag:s8] =	ssyncset.done $0x0  }
0x48f: {  	[sflag:s8] =	ssyncadd.s32 $0xFFFFC000  }
0x490: {  	[spmem:s3] =	stream.indirect.scatter.add.f32 [tilespmem:s0], [sflag:$0x4], $0x80, s9, s30, $0xb8;
	[tilespmem:$0x1F880] =	vst v63  }
0x491: {  	_ =	swait.ge [sflag:s25], $0x4000  }
0x492: {  	[sflag:s25] =	ssyncset.done $0x0  }
0x493: {  	s12 =	simm.s32 $0x15880;
	[sflag:s25] =	ssyncadd.s32 $0xFFFFC000  }
0x494: {  	[tilespmem:s0], [sflag:$0x2] =	stream.indirect.gather [hbm4b:s1+s30], $0x80, s12, s30, $0xb8;
	[tilespmem:$0x1F880] =	vst v63  }
0x495: {  	s12 =	rddreg [dreg:$0xe]  }
0x496: {  	[tilespmem:s29], [sflag:$0x5] =	stream.linear.gather [hbm4b:s12+s10], $0x800, $0x38;
	[tilespmem:$0x1F880] =	vst v63  }
0x497: {  	_ =	swait.ge [sflag:s2], $0x800  }
0x498: {  	[sflag:s2] =	ssyncset.done $0x0  }
0x499: {  	[sflag:s2] =	ssyncadd.s32 $0xFFFFF800  }
0x49a: {  	_ =	swait.ge [sflag:s31], $0x4000  }
0x49b: {  	[sflag:s31] =	ssyncset.done $0x0  }
0x49c: {  	[sflag:s31] =	ssyncadd.s32 $0xFFFFC000  }
0x49d: {  	[spmem:s3] =	stream.indirect.scatter.add.f32 [tilespmem:s24], [sflag:$0x3], $0x80, s4, s30, $0xb8;
	[tilespmem:$0x1F880] =	vst v63  }
0x49e: {  	_ =	swait.ge [sflag:s7], $0x4000  }
0x49f: {  	[sflag:s7] =	ssyncset.done $0x0  }
0x4a0: {  	s12 =	simm.s32 $0x15900;
	[sflag:s7] =	ssyncadd.s32 $0xFFFFC000  }
0x4a1: {  	[tilespmem:s24], [sflag:$0x1] =	stream.indirect.gather [hbm4b:s1+s30], $0x80, s12, s30, $0xb8;
	[tilespmem:$0x1F880] =	vst v63  }
0x4a2: {  	_ =	swait.ge [sflag:s8], $0x4000  }
0x4a3: {  	[sflag:s8] =	ssyncset.done $0x0  }
0x4a4: {  	[sflag:s8] =	ssyncadd.s32 $0xFFFFC000  }
0x4a5: {  	[spmem:s3] =	stream.indirect.scatter.add.f32 [tilespmem:s0], [sflag:$0x4], $0x80, s28, s30, $0xb8;
	[tilespmem:$0x1F880] =	vst v63  }
0x4a6: {  	_ =	swait.ge [sflag:s25], $0x4000  }
0x4a7: {  	[sflag:s25] =	ssyncset.done $0x0  }
0x4a8: {  	s4 =	simm.s32 $0x15980;
	[sflag:s25] =	ssyncadd.s32 $0xFFFFC000  }
0x4a9: {  	[tilespmem:s0], [sflag:$0x2] =	stream.indirect.gather [hbm4b:s1+s30], $0x80, s4, s30, $0xb8;
	[tilespmem:$0x1F880] =	vst v63  }
0x4aa: {  	_ =	swait.ge [sflag:s31], $0x4000  }
0x4ab: {  	[sflag:s31] =	ssyncset.done $0x0  }
0x4ac: {  	[sflag:s31] =	ssyncadd.s32 $0xFFFFC000  }
0x4ad: {  	[spmem:s3] =	stream.indirect.scatter.add.f32 [tilespmem:s24], [sflag:$0x3], $0x80, s16, s30, $0xb8;
	[tilespmem:$0x1F880] =	vst v63  }
0x4ae: {  	_ =	swait.ge [sflag:s7], $0x4000  }
0x4af: {  	[sflag:s7] =	ssyncset.done $0x0  }
0x4b0: {  	s12 =	simm.s32 $0x15A00;
	[sflag:s7] =	ssyncadd.s32 $0xFFFFC000  }
0x4b1: {  	[tilespmem:s24], [sflag:$0x1] =	stream.indirect.gather [hbm4b:s1+s30], $0x80, s12, s30, $0xb8;
	[tilespmem:$0x1F880] =	vst v63  }
0x4b2: {  	_ =	swait.ge [sflag:s8], $0x4000  }
0x4b3: {  	[sflag:s8] =	ssyncset.done $0x0  }
0x4b4: {  	[sflag:s8] =	ssyncadd.s32 $0xFFFFC000  }
0x4b5: {  	[spmem:s3] =	stream.indirect.scatter.add.f32 [tilespmem:s0], [sflag:$0x4], $0x80, s18, s30, $0xb8;
	[tilespmem:$0x1F880] =	vst v63  }
0x4b6: {  	_ =	swait.ge [sflag:s25], $0x4000  }
0x4b7: {  	[sflag:s25] =	ssyncset.done $0x0  }
0x4b8: {  	s16 =	simm.s32 $0x15A80;
	[sflag:s25] =	ssyncadd.s32 $0xFFFFC000  }
0x4b9: {  	[tilespmem:s0], [sflag:$0x2] =	stream.indirect.gather [hbm4b:s1+s30], $0x80, s16, s30, $0xb8;
	[tilespmem:$0x1F880] =	vst v63  }
0x4ba: {  	_ =	swait.ge [sflag:s31], $0x4000  }
0x4bb: {  	[sflag:s31] =	ssyncset.done $0x0  }
0x4bc: {  	[sflag:s31] =	ssyncadd.s32 $0xFFFFC000  }
0x4bd: {  	[spmem:s3] =	stream.indirect.scatter.add.f32 [tilespmem:s24], [sflag:$0x3], $0x80, s20, s30, $0xb8;
	[tilespmem:$0x1F880] =	vst v63  }
0x4be: {  	_ =	swait.ge [sflag:s7], $0x4000  }
0x4bf: {  	[sflag:s7] =	ssyncset.done $0x0  }
0x4c0: {  	s18 =	simm.s32 $0x15B00;
	[sflag:s7] =	ssyncadd.s32 $0xFFFFC000  }
0x4c1: {  	[tilespmem:s24], [sflag:$0x1] =	stream.indirect.gather [hbm4b:s1+s30], $0x80, s18, s30, $0xb8;
	[tilespmem:$0x1F880] =	vst v63  }
0x4c2: {  	_ =	swait.ge [sflag:s8], $0x4000  }
0x4c3: {  	[sflag:s8] =	ssyncset.done $0x0  }
0x4c4: {  	[sflag:s8] =	ssyncadd.s32 $0xFFFFC000  }
0x4c5: {  	[spmem:s3] =	stream.indirect.scatter.add.f32 [tilespmem:s0], [sflag:$0x4], $0x80, s26, s30, $0xb8;
	[tilespmem:$0x1F880] =	vst v63  }
0x4c6: {  	_ =	swait.ge [sflag:s25], $0x4000  }
0x4c7: {  	[sflag:s25] =	ssyncset.done $0x0  }
0x4c8: {  	s20 =	simm.s32 $0x15B80;
	[sflag:s25] =	ssyncadd.s32 $0xFFFFC000  }
0x4c9: {  	[tilespmem:s0], [sflag:$0x2] =	stream.indirect.gather [hbm4b:s1+s30], $0x80, s20, s30, $0xb8;
	[tilespmem:$0x1F880] =	vst v63  }
0x4ca: {  	_ =	swait.ge [sflag:s31], $0x4000  }
0x4cb: {  	[sflag:s31] =	ssyncset.done $0x0  }
0x4cc: {  	s26 =	simm.s32 $0x17300;
	[sflag:s31] =	ssyncadd.s32 $0xFFFFC000  }
0x4cd: {  	[spmem:s3] =	stream.indirect.scatter.add.f32 [tilespmem:s24], [sflag:$0x3], $0x80, s26, s30, $0xb8;
	[tilespmem:$0x1F880] =	vst v63  }
0x4ce: {  	_ =	swait.ge [sflag:s7], $0x4000  }
0x4cf: {  	[sflag:s7] =	ssyncset.done $0x0  }
0x4d0: {  	s28 =	simm.s32 $0x15C00;
	[sflag:s7] =	ssyncadd.s32 $0xFFFFC000  }
0x4d1: {  	[tilespmem:s24], [sflag:$0x1] =	stream.indirect.gather [hbm4b:s1+s30], $0x80, s28, s30, $0xb8;
	[tilespmem:$0x1F880] =	vst v63  }
0x4d2: {  	_ =	swait.ge [sflag:s8], $0x4000  }
0x4d3: {  	[sflag:s8] =	ssyncset.done $0x0  }
0x4d4: {  	[sflag:s8] =	ssyncadd.s32 $0xFFFFC000  }
0x4d5: {  	[spmem:s3] =	stream.indirect.scatter.add.f32 [tilespmem:s0], [sflag:$0x4], $0x80, s14, s30, $0xb8;
	[tilespmem:$0x1F880] =	vst v63  }
0x4d6: {  	_ =	swait.ge [sflag:s25], $0x4000  }
0x4d7: {  	[sflag:s25] =	ssyncset.done $0x0  }
0x4d8: {  	s10 =	simm.s32 $0x15C80;
	[sflag:s25] =	ssyncadd.s32 $0xFFFFC000  }
0x4d9: {  	[tilespmem:s0], [sflag:$0x2] =	stream.indirect.gather [hbm4b:s1+s30], $0x80, s10, s30, $0xb8;
	[tilespmem:$0x1F880] =	vst v63  }
0x4da: {  	_ =	swait.ge [sflag:s31], $0x4000  }
0x4db: {  	[sflag:s31] =	ssyncset.done $0x0  }
0x4dc: {  	[sflag:s31] =	ssyncadd.s32 $0xFFFFC000  }
0x4dd: {  	[spmem:s3] =	stream.indirect.scatter.add.f32 [tilespmem:s24], [sflag:$0x3], $0x80, s13, s30, $0xb8;
	[tilespmem:$0x1F880] =	vst v63  }
0x4de: {  	_ =	swait.ge [sflag:s7], $0x4000  }
0x4df: {  	[sflag:s7] =	ssyncset.done $0x0  }
0x4e0: {  	s12 =	simm.s32 $0x15D00;
	[sflag:s7] =	ssyncadd.s32 $0xFFFFC000  }
0x4e1: {  	[tilespmem:s24], [sflag:$0x1] =	stream.indirect.gather [hbm4b:s1+s30], $0x80, s12, s30, $0xb8;
	[tilespmem:$0x1F880] =	vst v63  }
0x4e2: {  	_ =	swait.ge [sflag:s8], $0x4000  }
0x4e3: {  	[sflag:s8] =	ssyncset.done $0x0  }
0x4e4: {  	[sflag:s8] =	ssyncadd.s32 $0xFFFFC000  }
0x4e5: {  	[spmem:s3] =	stream.indirect.scatter.add.f32 [tilespmem:s0], [sflag:$0x4], $0x80, s15, s30, $0xb8;
	[tilespmem:$0x1F880] =	vst v63  }
0x4e6: {  	_ =	swait.ge [sflag:s25], $0x4000  }
0x4e7: {  	[sflag:s25] =	ssyncset.done $0x0  }
0x4e8: {  	s13 =	simm.s32 $0x15D80;
	[sflag:s25] =	ssyncadd.s32 $0xFFFFC000  }
0x4e9: {  	[tilespmem:s0], [sflag:$0x2] =	stream.indirect.gather [hbm4b:s1+s30], $0x80, s13, s30, $0xb8;
	[tilespmem:$0x1F880] =	vst v63  }
0x4ea: {  	_ =	swait.ge [sflag:s31], $0x4000  }
0x4eb: {  	[sflag:s31] =	ssyncset.done $0x0  }
0x4ec: {  	[sflag:s31] =	ssyncadd.s32 $0xFFFFC000  }
0x4ed: {  	[spmem:s3] =	stream.indirect.scatter.add.f32 [tilespmem:s24], [sflag:$0x3], $0x80, s17, s30, $0xb8;
	[tilespmem:$0x1F880] =	vst v63  }
0x4ee: {  	_ =	swait.ge [sflag:s7], $0x4000  }
0x4ef: {  	[sflag:s7] =	ssyncset.done $0x0  }
0x4f0: {  	s14 =	simm.s32 $0x15E00;
	[sflag:s7] =	ssyncadd.s32 $0xFFFFC000  }
0x4f1: {  	[tilespmem:s24], [sflag:$0x1] =	stream.indirect.gather [hbm4b:s1+s30], $0x80, s14, s30, $0xb8;
	[tilespmem:$0x1F880] =	vst v63  }
0x4f2: {  	_ =	swait.ge [sflag:s8], $0x4000  }
0x4f3: {  	[sflag:s8] =	ssyncset.done $0x0  }
0x4f4: {  	[sflag:s8] =	ssyncadd.s32 $0xFFFFC000  }
0x4f5: {  	[spmem:s3] =	stream.indirect.scatter.add.f32 [tilespmem:s0], [sflag:$0x4], $0x80, s19, s30, $0xb8;
	[tilespmem:$0x1F880] =	vst v63  }
0x4f6: {  	_ =	swait.ge [sflag:s25], $0x4000  }
0x4f7: {  	[sflag:s25] =	ssyncset.done $0x0  }
0x4f8: {  	s15 =	simm.s32 $0x15E80;
	[sflag:s25] =	ssyncadd.s32 $0xFFFFC000  }
0x4f9: {  	[tilespmem:s0], [sflag:$0x2] =	stream.indirect.gather [hbm4b:s1+s30], $0x80, s15, s30, $0xb8;
	[tilespmem:$0x1F880] =	vst v63  }
0x4fa: {  	_ =	swait.ge [sflag:s31], $0x4000  }
0x4fb: {  	[sflag:s31] =	ssyncset.done $0x0  }
0x4fc: {  	[sflag:s31] =	ssyncadd.s32 $0xFFFFC000  }
0x4fd: {  	[spmem:s3] =	stream.indirect.scatter.add.f32 [tilespmem:s24], [sflag:$0x3], $0x80, s21, s30, $0xb8;
	[tilespmem:$0x1F880] =	vst v63  }
0x4fe: {  	_ =	swait.ge [sflag:s7], $0x4000  }
0x4ff: {  	[sflag:s7] =	ssyncset.done $0x0  }
0x500: {  	s16 =	simm.s32 $0x15F00;
	[sflag:s7] =	ssyncadd.s32 $0xFFFFC000  }
0x501: {  	[tilespmem:s24], [sflag:$0x1] =	stream.indirect.gather [hbm4b:s1+s30], $0x80, s16, s30, $0xb8;
	[tilespmem:$0x1F880] =	vst v63  }
0x502: {  	_ =	swait.ge [sflag:s8], $0x4000  }
0x503: {  	[sflag:s8] =	ssyncset.done $0x0  }
0x504: {  	s17 =	simm.s32 $0x17680;
	[sflag:s8] =	ssyncadd.s32 $0xFFFFC000  }
0x505: {  	[spmem:s3] =	stream.indirect.scatter.add.f32 [tilespmem:s0], [sflag:$0x4], $0x80, s17, s30, $0xb8;
	[tilespmem:$0x1F880] =	vst v63  }
0x506: {  	_ =	swait.ge [sflag:s25], $0x4000  }
0x507: {  	[sflag:s25] =	ssyncset.done $0x0  }
0x508: {  	s18 =	simm.s32 $0x15F80;
	[sflag:s25] =	ssyncadd.s32 $0xFFFFC000  }
0x509: {  	[tilespmem:s0], [sflag:$0x2] =	stream.indirect.gather [hbm4b:s1+s30], $0x80, s18, s30, $0xb8;
	[tilespmem:$0x1F880] =	vst v63  }
0x50a: {  	_ =	swait.ge [sflag:s31], $0x4000  }
0x50b: {  	[sflag:s31] =	ssyncset.done $0x0  }
0x50c: {  	s19 =	simm.s32 $0x17700;
	[sflag:s31] =	ssyncadd.s32 $0xFFFFC000  }
0x50d: {  	[spmem:s3] =	stream.indirect.scatter.add.f32 [tilespmem:s24], [sflag:$0x3], $0x80, s19, s30, $0xb8;
	[tilespmem:$0x1F880] =	vst v63  }
0x50e: {  	_ =	swait.ge [sflag:s7], $0x4000  }
0x50f: {  	[sflag:s7] =	ssyncset.done $0x0  }
0x510: {  	s20 =	simm.s32 $0x16000;
	[sflag:s7] =	ssyncadd.s32 $0xFFFFC000  }
0x511: {  	[tilespmem:s24], [sflag:$0x1] =	stream.indirect.gather [hbm4b:s1+s30], $0x80, s20, s30, $0xb8;
	[tilespmem:$0x1F880] =	vst v63  }
0x512: {  	_ =	swait.ge [sflag:s8], $0x4000  }
0x513: {  	[sflag:s8] =	ssyncset.done $0x0  }
0x514: {  	s21 =	simm.s32 $0x17780;
	[sflag:s8] =	ssyncadd.s32 $0xFFFFC000  }
0x515: {  	[spmem:s3] =	stream.indirect.scatter.add.f32 [tilespmem:s0], [sflag:$0x4], $0x80, s21, s30, $0xb8;
	[tilespmem:$0x1F880] =	vst v63  }
0x516: {  	_ =	swait.ge [sflag:s25], $0x4000  }
0x517: {  	[sflag:s25] =	ssyncset.done $0x0  }
0x518: {  	s26 =	simm.s32 $0x16080;
	[sflag:s25] =	ssyncadd.s32 $0xFFFFC000  }
0x519: {  	[tilespmem:s0], [sflag:$0x2] =	stream.indirect.gather [hbm4b:s1+s30], $0x80, s26, s30, $0xb8;
	[tilespmem:$0x1F880] =	vst v63  }
0x51a: {  	_ =	swait.ge [sflag:s22], $0x800  }
0x51b: {  	[sflag:s22] =	ssyncset.done $0x0  }
0x51c: {  	[sflag:s22] =	ssyncadd.s32 $0xFFFFF800  }
0x51d: {  	_ =	swait.ge [sflag:s31], $0x4000  }
0x51e: {  	[sflag:s31] =	ssyncset.done $0x0  }
0x51f: {  	[sflag:s31] =	ssyncadd.s32 $0xFFFFC000  }
0x520: {  	[spmem:s3] =	stream.indirect.scatter.add.f32 [tilespmem:s24], [sflag:$0x3], $0x80, s29, s30, $0xb8;
	[tilespmem:$0x1F880] =	vst v63  }
0x521: {  	_ =	swait.ge [sflag:s7], $0x4000  }
0x522: {  	[sflag:s7] =	ssyncset.done $0x0  }
0x523: {  	s28 =	simm.s32 $0x16100;
	[sflag:s7] =	ssyncadd.s32 $0xFFFFC000  }
0x524: {  	[tilespmem:s24], [sflag:$0x1] =	stream.indirect.gather [hbm4b:s1+s30], $0x80, s28, s30, $0xb8;
	[tilespmem:$0x1F880] =	vst v63  }
0x525: {  	_ =	swait.ge [sflag:s8], $0x4000  }
0x526: {  	[sflag:s8] =	ssyncset.done $0x0  }
0x527: {  	s10 =	simm.s32 $0x16880;
	[sflag:s8] =	ssyncadd.s32 $0xFFFFC000  }
0x528: {  	[spmem:s3] =	stream.indirect.scatter.add.f32 [tilespmem:s0], [sflag:$0x4], $0x80, s10, s30, $0xb8;
	[tilespmem:$0x1F880] =	vst v63  }
0x529: {  	_ =	swait.ge [sflag:s25], $0x4000  }
0x52a: {  	[sflag:s25] =	ssyncset.done $0x0  }
0x52b: {  	s12 =	simm.s32 $0x16180;
	[sflag:s25] =	ssyncadd.s32 $0xFFFFC000  }
0x52c: {  	[tilespmem:s0], [sflag:$0x2] =	stream.indirect.gather [hbm4b:s1+s30], $0x80, s12, s30, $0xb8;
	[tilespmem:$0x1F880] =	vst v63  }
0x52d: {  	_ =	swait.ge [sflag:s31], $0x4000  }
0x52e: {  	[sflag:s31] =	ssyncset.done $0x0  }
0x52f: {  	s13 =	simm.s32 $0x16900;
	[sflag:s31] =	ssyncadd.s32 $0xFFFFC000  }
0x530: {  	[spmem:s3] =	stream.indirect.scatter.add.f32 [tilespmem:s24], [sflag:$0x3], $0x80, s13, s30, $0xb8;
	[tilespmem:$0x1F880] =	vst v63  }
0x531: {  	_ =	swait.ge [sflag:s7], $0x4000  }
0x532: {  	[sflag:s7] =	ssyncset.done $0x0  }
0x533: {  	s14 =	simm.s32 $0x16200;
	[sflag:s7] =	ssyncadd.s32 $0xFFFFC000  }
0x534: {  	[tilespmem:s24], [sflag:$0x1] =	stream.indirect.gather [hbm4b:s1+s30], $0x80, s14, s30, $0xb8;
	[tilespmem:$0x1F880] =	vst v63  }
0x535: {  	_ =	swait.ge [sflag:s8], $0x4000  }
0x536: {  	[sflag:s8] =	ssyncset.done $0x0  }
0x537: {  	s15 =	simm.s32 $0x16980;
	[sflag:s8] =	ssyncadd.s32 $0xFFFFC000  }
0x538: {  	[spmem:s3] =	stream.indirect.scatter.add.f32 [tilespmem:s0], [sflag:$0x4], $0x80, s15, s30, $0xb8;
	[tilespmem:$0x1F880] =	vst v63  }
0x539: {  	_ =	swait.ge [sflag:s25], $0x4000  }
0x53a: {  	[sflag:s25] =	ssyncset.done $0x0  }
0x53b: {  	s16 =	simm.s32 $0x16280;
	[sflag:s25] =	ssyncadd.s32 $0xFFFFC000  }
0x53c: {  	[tilespmem:s0], [sflag:$0x2] =	stream.indirect.gather [hbm4b:s1+s30], $0x80, s16, s30, $0xb8;
	[tilespmem:$0x1F880] =	vst v63  }
0x53d: {  	_ =	swait.ge [sflag:s31], $0x4000  }
0x53e: {  	[sflag:s31] =	ssyncset.done $0x0  }
0x53f: {  	s17 =	simm.s32 $0x16A00;
	[sflag:s31] =	ssyncadd.s32 $0xFFFFC000  }
0x540: {  	[spmem:s3] =	stream.indirect.scatter.add.f32 [tilespmem:s24], [sflag:$0x3], $0x80, s17, s30, $0xb8;
	[tilespmem:$0x1F880] =	vst v63  }
0x541: {  	_ =	swait.ge [sflag:s7], $0x4000  }
0x542: {  	[sflag:s7] =	ssyncset.done $0x0  }
0x543: {  	s18 =	simm.s32 $0x16300;
	[sflag:s7] =	ssyncadd.s32 $0xFFFFC000  }
0x544: {  	[tilespmem:s24], [sflag:$0x1] =	stream.indirect.gather [hbm4b:s1+s30], $0x80, s18, s30, $0xb8;
	[tilespmem:$0x1F880] =	vst v63  }
0x545: {  	_ =	swait.ge [sflag:s8], $0x4000  }
0x546: {  	[sflag:s8] =	ssyncset.done $0x0  }
0x547: {  	s19 =	simm.s32 $0x16A80;
	[sflag:s8] =	ssyncadd.s32 $0xFFFFC000  }
0x548: {  	[spmem:s3] =	stream.indirect.scatter.add.f32 [tilespmem:s0], [sflag:$0x4], $0x80, s19, s30, $0xb8;
	[tilespmem:$0x1F880] =	vst v63  }
0x549: {  	_ =	swait.ge [sflag:s25], $0x4000  }
0x54a: {  	[sflag:s25] =	ssyncset.done $0x0  }
0x54b: {  	s20 =	simm.s32 $0x16380;
	[sflag:s25] =	ssyncadd.s32 $0xFFFFC000  }
0x54c: {  	[tilespmem:s0], [sflag:$0x2] =	stream.indirect.gather [hbm4b:s1+s30], $0x80, s20, s30, $0xb8;
	[tilespmem:$0x1F880] =	vst v63  }
0x54d: {  	_ =	swait.ge [sflag:s31], $0x4000  }
0x54e: {  	[sflag:s31] =	ssyncset.done $0x0  }
0x54f: {  	s21 =	simm.s32 $0x16B00;
	[sflag:s31] =	ssyncadd.s32 $0xFFFFC000  }
0x550: {  	[spmem:s3] =	stream.indirect.scatter.add.f32 [tilespmem:s24], [sflag:$0x3], $0x80, s21, s30, $0xb8;
	[tilespmem:$0x1F880] =	vst v63  }
0x551: {  	_ =	swait.ge [sflag:s7], $0x4000  }
0x552: {  	[sflag:s7] =	ssyncset.done $0x0  }
0x553: {  	s26 =	simm.s32 $0x16400;
	[sflag:s7] =	ssyncadd.s32 $0xFFFFC000  }
0x554: {  	[tilespmem:s24], [sflag:$0x1] =	stream.indirect.gather [hbm4b:s1+s30], $0x80, s26, s30, $0xb8;
	[tilespmem:$0x1F880] =	vst v63  }
0x555: {  	_ =	swait.ge [sflag:s8], $0x4000  }
0x556: {  	[sflag:s8] =	ssyncset.done $0x0  }
0x557: {  	s28 =	simm.s32 $0x16B80;
	[sflag:s8] =	ssyncadd.s32 $0xFFFFC000  }
0x558: {  	[spmem:s3] =	stream.indirect.scatter.add.f32 [tilespmem:s0], [sflag:$0x4], $0x80, s28, s30, $0xb8;
	[tilespmem:$0x1F880] =	vst v63  }
0x559: {  	_ =	swait.ge [sflag:s25], $0x4000  }
0x55a: {  	[sflag:s25] =	ssyncset.done $0x0  }
0x55b: {  	s10 =	simm.s32 $0x16480;
	[sflag:s25] =	ssyncadd.s32 $0xFFFFC000  }
0x55c: {  	[tilespmem:s0], [sflag:$0x2] =	stream.indirect.gather [hbm4b:s1+s30], $0x80, s10, s30, $0xb8;
	[tilespmem:$0x1F880] =	vst v63  }
0x55d: {  	_ =	swait.ge [sflag:s31], $0x4000  }
0x55e: {  	[sflag:s31] =	ssyncset.done $0x0  }
0x55f: {  	s12 =	simm.s32 $0x16C00;
	[sflag:s31] =	ssyncadd.s32 $0xFFFFC000  }
0x560: {  	[spmem:s3] =	stream.indirect.scatter.add.f32 [tilespmem:s24], [sflag:$0x3], $0x80, s12, s30, $0xb8;
	[tilespmem:$0x1F880] =	vst v63  }
0x561: {  	_ =	swait.ge [sflag:s7], $0x4000  }
0x562: {  	[sflag:s7] =	ssyncset.done $0x0  }
0x563: {  	s13 =	simm.s32 $0x16500;
	[sflag:s7] =	ssyncadd.s32 $0xFFFFC000  }
0x564: {  	[tilespmem:s24], [sflag:$0x1] =	stream.indirect.gather [hbm4b:s1+s30], $0x80, s13, s30, $0xb8;
	[tilespmem:$0x1F880] =	vst v63  }
0x565: {  	_ =	swait.ge [sflag:s8], $0x4000  }
0x566: {  	[sflag:s8] =	ssyncset.done $0x0  }
0x567: {  	s14 =	simm.s32 $0x16C80;
	[sflag:s8] =	ssyncadd.s32 $0xFFFFC000  }
0x568: {  	[spmem:s3] =	stream.indirect.scatter.add.f32 [tilespmem:s0], [sflag:$0x4], $0x80, s14, s30, $0xb8;
	[tilespmem:$0x1F880] =	vst v63  }
0x569: {  	_ =	swait.ge [sflag:s25], $0x4000  }
0x56a: {  	[sflag:s25] =	ssyncset.done $0x0  }
0x56b: {  	s15 =	simm.s32 $0x16580;
	[sflag:s25] =	ssyncadd.s32 $0xFFFFC000  }
0x56c: {  	[tilespmem:s0], [sflag:$0x2] =	stream.indirect.gather [hbm4b:s1+s30], $0x80, s15, s30, $0xb8;
	[tilespmem:$0x1F880] =	vst v63  }
0x56d: {  	_ =	swait.ge [sflag:s31], $0x4000  }
0x56e: {  	[sflag:s31] =	ssyncset.done $0x0  }
0x56f: {  	s16 =	simm.s32 $0x16D00;
	[sflag:s31] =	ssyncadd.s32 $0xFFFFC000  }
0x570: {  	[spmem:s3] =	stream.indirect.scatter.add.f32 [tilespmem:s24], [sflag:$0x3], $0x80, s16, s30, $0xb8;
	[tilespmem:$0x1F880] =	vst v63  }
0x571: {  	_ =	swait.ge [sflag:s7], $0x4000  }
0x572: {  	[sflag:s7] =	ssyncset.done $0x0  }
0x573: {  	s17 =	simm.s32 $0x16600;
	[sflag:s7] =	ssyncadd.s32 $0xFFFFC000  }
0x574: {  	[tilespmem:s24], [sflag:$0x1] =	stream.indirect.gather [hbm4b:s1+s30], $0x80, s17, s30, $0xb8;
	[tilespmem:$0x1F880] =	vst v63  }
0x575: {  	_ =	swait.ge [sflag:s8], $0x4000  }
0x576: {  	[sflag:s8] =	ssyncset.done $0x0  }
0x577: {  	s18 =	simm.s32 $0x16D80;
	[sflag:s8] =	ssyncadd.s32 $0xFFFFC000  }
0x578: {  	[spmem:s3] =	stream.indirect.scatter.add.f32 [tilespmem:s0], [sflag:$0x4], $0x80, s18, s30, $0xb8;
	[tilespmem:$0x1F880] =	vst v63  }
0x579: {  	_ =	swait.ge [sflag:s25], $0x4000  }
0x57a: {  	[sflag:s25] =	ssyncset.done $0x0  }
0x57b: {  	s19 =	simm.s32 $0x16680;
	[sflag:s25] =	ssyncadd.s32 $0xFFFFC000  }
0x57c: {  	[tilespmem:s0], [sflag:$0x2] =	stream.indirect.gather [hbm4b:s1+s30], $0x80, s19, s30, $0xb8;
	[tilespmem:$0x1F880] =	vst v63  }
0x57d: {  	_ =	swait.ge [sflag:s31], $0x4000  }
0x57e: {  	[sflag:s31] =	ssyncset.done $0x0  }
0x57f: {  	s20 =	simm.s32 $0x16E00;
	[sflag:s31] =	ssyncadd.s32 $0xFFFFC000  }
0x580: {  	[spmem:s3] =	stream.indirect.scatter.add.f32 [tilespmem:s24], [sflag:$0x3], $0x80, s20, s30, $0xb8;
	[tilespmem:$0x1F880] =	vst v63  }
0x581: {  	_ =	swait.ge [sflag:s7], $0x4000  }
0x582: {  	[sflag:s7] =	ssyncset.done $0x0  }
0x583: {  	s21 =	simm.s32 $0x16700;
	[sflag:s7] =	ssyncadd.s32 $0xFFFFC000  }
0x584: {  	[tilespmem:s24], [sflag:$0x1] =	stream.indirect.gather [hbm4b:s1+s30], $0x80, s21, s30, $0xb8;
	[tilespmem:$0x1F880] =	vst v63  }
0x585: {  	_ =	swait.ge [sflag:s8], $0x4000  }
0x586: {  	[sflag:s8] =	ssyncset.done $0x0  }
0x587: {  	s26 =	simm.s32 $0x16E80;
	[sflag:s8] =	ssyncadd.s32 $0xFFFFC000  }
0x588: {  	[spmem:s3] =	stream.indirect.scatter.add.f32 [tilespmem:s0], [sflag:$0x4], $0x80, s26, s30, $0xb8;
	[tilespmem:$0x1F880] =	vst v63  }
.Ltmp4:
0x589: {  	_ = 	snop;
	(pc) =	sbr.rel .LBB2_6-.Ltmp4, $4  }
0x58a: {  	_ =	swait.ge [sflag:s25], $0x4000  }
0x58b: {  	[sflag:s25] =	ssyncset.done $0x0  }
0x58c: {  	s28 =	simm.s32 $0x16780;
	s12 =	rddreg [dreg:$0x6];
	[sflag:s25] =	ssyncadd.s32 $0xFFFFC000  }
0x58d: {  	[tilespmem:s0], [sflag:$0x2] =	stream.indirect.gather [hbm4b:s1+s30], $0x80, s28, s30, $0xb8;
	[tilespmem:$0x1F880] =	vst v63  }
.LBB2_7:
0x58e: {  	_ =	sfence.sel $0x180000  }
0x58f: {  	[bflag:$0x0] =	sbarrier.arrive $0xFFFF  }
0x590: {  	_ =	strace $0x9000004A  }
0x591: {  	s0 =	stileid.u32;
	[bflag:$0x2] =	sbarrier.arrive $0xFFFF  }
0x592: {  	p0 =	sne.s32 s0, $0x0;
	s0 =	rddreg [dreg:$0x4]  }
0x593: {  	s0 =	sadd.s32 @!p0 $0x100000, s0  }
0x594: {  	[sflag:s0] =	ssyncadd.tile.s32 @!p0 $0x1;
	_ =	shalt  }
.Lfunc_end2:
_tile_overlayer_lowered:
.L_overlay_start_2:
0x595: {  	(tag) =	ssettag $0x2  }
0x596: {  	s0 =	rddreg [dreg:$0x0];
	s2 =	stileid.u32  }
0x597: {  	s1 =	rddreg [dreg:$0x1];
	p0 =	sne.s32 s2, $0x0  }
0x598: {  	s3 =	rddreg [dreg:$0x2];
	[bflag:$0x3] =	sbarrier.arrive $0xFFFF;
	s2 =	simm.s32 @!p0 $0x1C09  }
0x599: {  	[timem:s3], [sflag:s2] =	dma.local @!p0 [hbm:s0], s1  }
0x59a: {  	s0 =	simm.s32 @!p0 $0x9  }
0x59b: {  	_ =	swait.ge @!p0 [sflag:s0], s1  }
0x59c: {  	s1 =	ssub.s32 @!p0 $0x0, s1;
	[sflag:s0] =	ssyncset.done @!p0 $0x0  }
0x59d: {  	[sflag:s0] =	ssyncadd.s32 @!p0 s1  }
0x59e: {  	[bflag:$0x3] =	sbarrier.arrive $0xFFFF  }
0x59f: {  	_ =	shalt  }

</sc_bundles>
